<compile_context>
chip_gen: v7x
topology: tpu7x:2x2x1
jax: 0.10.2.dev20260603
libtpu: 0.0.44.dev20260713+nightly
codegen_flags: <defaults>
</compile_context>

<pallas_src>
import functools

import jax
import jax.numpy as jnp
from jax import lax
from jax.experimental import pallas as pl
from jax.experimental.pallas import tpu as pltpu
from jax.experimental.pallas import tpu_sc as plsc

N = 10000
NPAD = 10240
D = 128
NC, NS = 2, 16
NW = NC * NS
EB = 64
DB = 128
RPS = NPAD // NS

_MESH = plsc.VectorSubcoreMesh(core_axis_name="c", subcore_axis_name="s")


def _make_deg_kernel(e_pad):
  nb = e_pad // (NW * DB)

  @functools.partial(
      pl.kernel,
      out_type=jax.ShapeDtypeStruct((NC, NPAD), jnp.float32),
      mesh=_MESH,
      scratch_types=[
          pltpu.VMEM((DB,), jnp.int32),
          pltpu.VMEM((DB,), jnp.float32),
          pltpu.VMEM((RPS,), jnp.float32),
          pltpu.VMEM_SHARED((NPAD,), jnp.float32),
      ],
  )
  def deg_kernel(dst_hbm, out_hbm, idx_v, ones_v, zbuf_v, acc):
    c = lax.axis_index("c")
    s = lax.axis_index("s")
    wid = s * NC + c

    def fill_ones(i, _):
      ones_v[pl.ds(i * 16, 16)] = jnp.ones((16,), jnp.float32)
      return 0

    lax.fori_loop(0, DB // 16, fill_ones, 0)

    def fill_zero(i, _):
      zbuf_v[pl.ds(i * 16, 16)] = jnp.zeros((16,), jnp.float32)
      return 0

    lax.fori_loop(0, RPS // 16, fill_zero, 0)
    pltpu.sync_copy(zbuf_v, acc.at[pl.ds(s * RPS, RPS)])
    plsc.subcore_barrier()

    base = wid * (nb * DB)

    def body(j, _):
      pltpu.sync_copy(dst_hbm.at[pl.ds(base + j * DB, DB)], idx_v)
      pltpu.sync_copy(ones_v, acc.at[idx_v], add=True)
      return 0

    lax.fori_loop(0, nb, body, 0)
    plsc.subcore_barrier()
    pltpu.sync_copy(acc.at[pl.ds(s * RPS, RPS)],
                    out_hbm.at[c, pl.ds(s * RPS, RPS)])

  return deg_kernel


CH = 16


def _make_scatter_kernel(e_pad):
  nb = e_pad // (NW * EB)
  assert nb % CH == 0

  @functools.partial(
      pl.kernel,
      out_type=jax.ShapeDtypeStruct((NC, NPAD, D), jnp.float32),
      mesh=_MESH,
      scratch_types=[
          pltpu.VMEM((CH, EB), jnp.int32),
          pltpu.VMEM((EB,), jnp.int32),
          pltpu.VMEM((EB,), jnp.int32),
          pltpu.VMEM((EB, D), jnp.float32),
          pltpu.VMEM((EB, D), jnp.float32),
          pltpu.VMEM((EB, D), jnp.float32),
          pltpu.VMEM((EB, D), jnp.float32),
          pltpu.VMEM_SHARED((NPAD, D), jnp.float32),
          [pltpu.SemaphoreType.DMA] * 4,
          [pltpu.SemaphoreType.DMA] * 4,
      ],
  )
  def scat_kernel(y_hbm, src_hbm, dst_hbm, out_hbm,
                  sidx_v, didx0_v, didx1_v, r0, r1, r2, r3, acc, gsem, ssem):
    c = lax.axis_index("c")
    s = lax.axis_index("s")
    wid = s * NC + c
    rows = (r0, r1, r2, r3)
    didx = (didx0_v, didx1_v)

    def zero_rows(i, _):
      r0[i // (D // 16), pl.ds((i % (D // 16)) * 16, 16)] = (
          jnp.zeros((16,), jnp.float32))
      return 0

    lax.fori_loop(0, EB * (D // 16), zero_rows, 0)

    def zero_acc(j, _):
      pltpu.sync_copy(r0, acc.at[pl.ds(s * RPS + j * EB, EB)])
      return 0

    lax.fori_loop(0, RPS // EB, zero_acc, 0)
    plsc.subcore_barrier()

    base = wid * (nb * EB)

    def chunk_body(ci, _):
      pltpu.sync_copy(src_hbm.at[wid, pl.ds(ci * CH, CH)], sidx_v)
      pltpu.async_copy(y_hbm.at[sidx_v.at[0]], rows[0], gsem[0])
      pltpu.async_copy(y_hbm.at[sidx_v.at[1]], rows[1], gsem[1])
      for k in range(CH):
        b = k % 4
        if k >= 2:
          pltpu.make_async_copy(rows[(k + 2) % 4], acc.at[didx[k % 2]],
                                ssem[(k + 2) % 4]).wait()
        if k + 2 < CH:
          pltpu.async_copy(y_hbm.at[sidx_v.at[k + 2]], rows[(k + 2) % 4],
                           gsem[(k + 2) % 4])
        pltpu.sync_copy(
            dst_hbm.at[pl.ds(base + (ci * CH + k) * EB, EB)], didx[k % 2])
        pltpu.make_async_copy(y_hbm.at[sidx_v.at[k]], rows[b], gsem[b]).wait()
        pltpu.async_copy(rows[b], acc.at[didx[k % 2]], ssem[b], add=True)
      for t in range(CH - 2, CH):
        pltpu.make_async_copy(rows[t % 4], acc.at[didx[t % 2]],
                              ssem[t % 4]).wait()
      return 0

    lax.fori_loop(0, nb // CH, chunk_body, 0)
    plsc.subcore_barrier()

    def writeback(j, _):
      pltpu.sync_copy(acc.at[pl.ds(s * RPS + j * EB, EB)],
                      out_hbm.at[c, pl.ds(s * RPS + j * EB, EB)])
      return 0

    lax.fori_loop(0, RPS // EB, writeback, 0)

  return scat_kernel


RB = 1024
_TC_GRID = NPAD // RB


def _lin1_body(x_ref, w_ref, d0_ref, d1_ref, y_ref, dinv_ref):
  deg = d0_ref[...] + d1_ref[...] + 1.0
  dinv = lax.rsqrt(deg)
  dinv_ref[...] = dinv
  xw = jnp.dot(x_ref[...], w_ref[...], preferred_element_type=jnp.float32)
  y_ref[...] = xw * dinv


def _lin2_body(z0_ref, z1_ref, y1_ref, dinv_ref, b1_ref, w_ref, y2_ref):
  dinv = dinv_ref[...]
  z = z0_ref[...] + z1_ref[...] + y1_ref[...]
  h = jnp.maximum(z * dinv + b1_ref[...], 0.0)
  hw = jnp.dot(h, w_ref[...], preferred_element_type=jnp.float32)
  y2_ref[...] = hw * dinv


def _out_body(z0_ref, z1_ref, y2_ref, dinv_ref, b2_ref, o_ref):
  z = z0_ref[...] + z1_ref[...] + y2_ref[...]
  o_ref[...] = z * dinv_ref[...] + b2_ref[...]


def _rows_spec():
  return pl.BlockSpec((RB, D), lambda i: (i, 0))


def _col_spec():
  return pl.BlockSpec((RB, 1), lambda i: (i, 0))


def _full_spec(r):
  return pl.BlockSpec((r, D), lambda i: (0, 0))


def kernel(x, edge_index, W1, b1, W2, b2):
  src = edge_index[0].astype(jnp.int32)
  dst = edge_index[1].astype(jnp.int32)
  e = src.shape[0]
  chunk = CH * EB * NW
  e_pad = chunk * (-(-e // chunk))
  nb = e_pad // (NW * EB)
  pad = N + (jnp.arange(e_pad - e, dtype=jnp.int32) % (NPAD - N))
  src_p = jnp.concatenate([src, pad])
  dst_p = jnp.concatenate([dst, pad])
  src3 = src_p.reshape(NW, nb, EB)
  x_p = jnp.pad(x, ((0, NPAD - N), (0, 0)))

  deg_fn = _make_deg_kernel(e_pad)
  scat_fn = _make_scatter_kernel(e_pad)

  degp = deg_fn(dst_p)
  d0 = degp[0][:, None]
  d1 = degp[1][:, None]

  y1, dinv = pl.pallas_call(
      _lin1_body,
      grid=(_TC_GRID,),
      in_specs=[_rows_spec(), _full_spec(D), _col_spec(), _col_spec()],
      out_specs=[_rows_spec(), _col_spec()],
      out_shape=[
          jax.ShapeDtypeStruct((NPAD, D), jnp.float32),
          jax.ShapeDtypeStruct((NPAD, 1), jnp.float32),
      ],
  )(x_p, W1, d0, d1)

  zp1 = scat_fn(y1, src3, dst_p)

  y2 = pl.pallas_call(
      _lin2_body,
      grid=(_TC_GRID,),
      in_specs=[_rows_spec(), _rows_spec(), _rows_spec(), _col_spec(),
                _full_spec(1), _full_spec(D)],
      out_specs=_rows_spec(),
      out_shape=jax.ShapeDtypeStruct((NPAD, D), jnp.float32),
  )(zp1[0], zp1[1], y1, dinv, b1.reshape(1, D), W2)

  zp2 = scat_fn(y2, src3, dst_p)

  out = pl.pallas_call(
      _out_body,
      grid=(_TC_GRID,),
      in_specs=[_rows_spec(), _rows_spec(), _rows_spec(), _col_spec(),
                _full_spec(1)],
      out_specs=_rows_spec(),
      out_shape=jax.ShapeDtypeStruct((NPAD, D), jnp.float32),
  )(zp2[0], zp2[1], y2, dinv, b2.reshape(1, D))

  return out[:N]

# --- scband reference (transcript-rebuilt; emitter-appended) ---
"""Pipeline reference for scband-traffic-gnn-17875653885965 (READ-ONLY COPY).

The authoritative reference and input builder live on the scoring server;
editing this copy changes nothing except your own understanding.
"""

import jax, jax.numpy as jnp
import numpy as np

N_NODES = 10000
N_EDGES = 320000
D_IN = 128
D_HID = 128
D_OUT = 128


def setup_inputs(seed: int = 0) -> dict:
    key = jax.random.key(seed)
    k_x, k_e, k_w1, k_b1, k_w2, k_b2 = jax.random.split(key, 6)
    x = jax.random.normal(k_x, (N_NODES, D_IN), dtype=jnp.float32)
    edge_index = jax.random.randint(k_e, (2, N_EDGES), 0, N_NODES, dtype=jnp.int64)
    # GCNConv weights (glorot-like init) and biases
    W1 = jax.random.normal(k_w1, (D_IN, D_HID), dtype=jnp.float32) * (1.0 / np.sqrt(D_IN))
    b1 = jnp.zeros((D_HID,), dtype=jnp.float32)
    W2 = jax.random.normal(k_w2, (D_HID, D_OUT), dtype=jnp.float32) * (1.0 / np.sqrt(D_HID))
    b2 = jnp.zeros((D_OUT,), dtype=jnp.float32)
    return {"x": x, "edge_index": edge_index, "W1": W1, "b1": b1, "W2": W2, "b2": b2}


def _gcn_conv(x, edge_index, W, b):
    # Faithful GCNConv: x' = D^{-1/2} (A + I) D^{-1/2} X W + b
    n = x.shape[0]
    loop = jnp.arange(n, dtype=edge_index.dtype)
    src = jnp.concatenate([edge_index[0], loop])
    dst = jnp.concatenate([edge_index[1], loop])
    # degree of A + I counted on destination nodes
    deg = jnp.zeros((n,), dtype=jnp.float32).at[dst].add(1.0)
    deg_inv_sqrt = jnp.where(deg > 0, 1.0 / jnp.sqrt(deg), 0.0)
    norm = deg_inv_sqrt[src] * deg_inv_sqrt[dst]
    xw = x @ W
    msgs = jnp.take(xw, src, axis=0) * norm[:, None]
    out = jnp.zeros((n, W.shape[1]), dtype=x.dtype).at[dst].add(msgs)
    return out + b


def reference(x, edge_index, W1, b1, W2, b2):
    h = _gcn_conv(x, edge_index, W1, b1)
    h = jax.nn.relu(h)
    out = _gcn_conv(h, edge_index, W2, b2)
    return out

if __name__ == "__main__":
    import jax
    _d = setup_inputs()
    print(jax.jit(kernel)(*tuple(_d.values())))

</pallas_src>

<mosaic_0001>
#map = affine_map<(d0, d1) -> (0, 0)>
#map1 = affine_map<(d0, d1) -> (0, 0, 0)>
#map2 = affine_map<(d0, d1) -> (0)>
module attributes {stable_mosaic.version = 14 : i64} {
  func.func @scat_kernel(%arg0: i32, %arg1: i32, %arg2: memref<10240x128xf32, #tpu.memory_space<hbm>>, %arg3: memref<32x160x64xi32, #tpu.memory_space<hbm>>, %arg4: memref<327680xi32, #tpu.memory_space<hbm>>, %arg5: memref<2x10240x128xf32, #tpu.memory_space<hbm>>, %arg6: memref<16x64xi32, #tpu.memory_space<vmem>>, %arg7: memref<64xi32, #tpu.memory_space<vmem>>, %arg8: memref<64xi32, #tpu.memory_space<vmem>>, %arg9: memref<64x128xf32, #tpu.memory_space<vmem>>, %arg10: memref<64x128xf32, #tpu.memory_space<vmem>>, %arg11: memref<64x128xf32, #tpu.memory_space<vmem>>, %arg12: memref<64x128xf32, #tpu.memory_space<vmem>>, %arg13: memref<10240x128xf32, #tpu.memory_space<vmem_shared>>, %arg14: memref<!tpu.dma_semaphore, #tpu.memory_space<semaphore_mem>>, %arg15: memref<!tpu.dma_semaphore, #tpu.memory_space<semaphore_mem>>, %arg16: memref<!tpu.dma_semaphore, #tpu.memory_space<semaphore_mem>>, %arg17: memref<!tpu.dma_semaphore, #tpu.memory_space<semaphore_mem>>, %arg18: memref<!tpu.dma_semaphore, #tpu.memory_space<semaphore_mem>>, %arg19: memref<!tpu.dma_semaphore, #tpu.memory_space<semaphore_mem>>, %arg20: memref<!tpu.dma_semaphore, #tpu.memory_space<semaphore_mem>>, %arg21: memref<!tpu.dma_semaphore, #tpu.memory_space<semaphore_mem>>) attributes {dimension_semantics = [#tpu.dimension_semantics<core_parallel>, #tpu.dimension_semantics<subcore_parallel>], iteration_bounds = array<i64: 2, 16>, scalar_prefetch = 0 : i64, scratch_operands = 16 : i64, tpu.core_type = #tpu.core_type<sc_vector_subcore>, window_params = [{transform_indices = #map}, {transform_indices = #map1}, {transform_indices = #map2}, {transform_indices = #map1}]} {
    %mul3A = arith.constant 2 : i32
    %mul3A_0 = arith.muli %arg1, %mul3A : i32
    %add3A = arith.addi %mul3A_0, %arg0 : i32
    %scan3A = arith.constant 0 : i32
    %scan3A_1 = arith.constant 0 : i32
    %scan3A_2 = arith.constant 512 : i32
    %scan3A_3 = arith.addi %scan3A_1, %scan3A_2 : i32
    %scan3A_4 = arith.constant 1 : i32
    %scan3A_5 = scf.for %scan3A_31 = %scan3A_1 to %scan3A_3 step %scan3A_4 iter_args(%scan3A_32 = %scan3A) -> (i32)  : i32 {
      %broadcast_in_dim3A = arith.constant 0.000000e+00 : f32
      %broadcast_in_dim3A_33 = vector.broadcast %broadcast_in_dim3A : f32 to vector<16xf32>
      %jit3A = arith.constant 8 : i32
      %div3A = arith.divsi %scan3A_31, %jit3A : i32
      %sign3A = arith.constant 0 : i32
      %sign3A_34 = arith.cmpi sgt, %scan3A_31, %sign3A : i32
      %sign3A_35 = arith.extui %sign3A_34 : i1 to i32
      %sign3A_36 = arith.constant 0 : i32
      %sign3A_37 = arith.cmpi slt, %scan3A_31, %sign3A_36 : i32
      %sign3A_38 = arith.extui %sign3A_37 : i1 to i32
      %sign3A_39 = arith.subi %sign3A_35, %sign3A_38 : i32
      %sign3A_40 = arith.constant 0 : i32
      %sign3A_41 = arith.cmpi sgt, %jit3A, %sign3A_40 : i32
      %sign3A_42 = arith.extui %sign3A_41 : i1 to i32
      %sign3A_43 = arith.constant 0 : i32
      %sign3A_44 = arith.cmpi slt, %jit3A, %sign3A_43 : i32
      %sign3A_45 = arith.extui %sign3A_44 : i1 to i32
      %sign3A_46 = arith.subi %sign3A_42, %sign3A_45 : i32
      %ne3A = arith.cmpi ne, %sign3A_39, %sign3A_46 : i32
      %rem3A = arith.remsi %scan3A_31, %jit3A : i32
      %ne3A_47 = arith.constant 0 : i32
      %ne3A_48 = arith.cmpi ne, %rem3A, %ne3A_47 : i32
      %and3A = arith.andi %ne3A, %ne3A_48 : i1
      %sub3A = arith.constant 1 : i32
      %sub3A_49 = arith.subi %div3A, %sub3A : i32
      %select_n3A = arith.select %and3A, %sub3A_49, %div3A : i32
      %jit3A_50 = arith.constant 8 : i32
      %eq3A = arith.constant 0 : i32
      %eq3A_51 = arith.cmpi eq, %jit3A_50, %eq3A : i32
      %jit3A_52 = arith.constant 1 : i32
      %select_n3A_53 = arith.select %eq3A_51, %jit3A_52, %jit3A_50 : i32
      %rem3A_54 = arith.remsi %scan3A_31, %select_n3A_53 : i32
      %ne3A_55 = arith.constant 0 : i32
      %ne3A_56 = arith.cmpi ne, %rem3A_54, %ne3A_55 : i32
      %lt3A = arith.constant 0 : i32
      %lt3A_57 = arith.cmpi slt, %rem3A_54, %lt3A : i32
      %lt3A_58 = arith.constant 0 : i32
      %lt3A_59 = arith.cmpi slt, %select_n3A_53, %lt3A_58 : i32
      %ne3A_60 = arith.xori %lt3A_57, %lt3A_59 : i1
      %and3A_61 = arith.andi %ne3A_60, %ne3A_56 : i1
      %add3A_62 = arith.addi %rem3A_54, %select_n3A_53 : i32
      %select_n3A_63 = arith.select %and3A_61, %add3A_62, %rem3A_54 : i32
      %mul3A_64 = arith.constant 16 : i32
      %mul3A_65 = arith.muli %select_n3A_63, %mul3A_64 : i32
      %swap3A = arith.index_cast %select_n3A : i32 to index
      %swap3A_66 = arith.index_cast %mul3A_65 : i32 to index
      %swap3A_67 = tpu.vector_load %arg9[%swap3A, %swap3A_66] {strides = array<i32>} : memref<64x128xf32, #tpu.memory_space<vmem>>, vector<1x16xf32>,
      %swap3A_68 = vector.shape_cast %swap3A_67 : vector<1x16xf32> to vector<16xf32>
      %swap3A_69 = vector.shape_cast %broadcast_in_dim3A_33 : vector<16xf32> to vector<1x16xf32>
      tpu.vector_store %arg9[%swap3A, %swap3A_66], %swap3A_69 {strides = array<i32>} : memref<64x128xf32, #tpu.memory_space<vmem>>, vector<1x16xf32>,
      %scan3A_70 = arith.constant 0 : i32
      scf.yield %scan3A_70 : i32
    }
    %scan3A_6 = arith.constant 512 : i32
    %scan3A_7 = arith.constant 0 : i32
    %scan3A_8 = arith.constant 0 : i32
    %scan3A_9 = arith.constant 10 : i32
    %scan3A_10 = arith.addi %scan3A_8, %scan3A_9 : i32
    %scan3A_11 = arith.constant 1 : i32
    %scan3A_12 = scf.for %scan3A_31 = %scan3A_8 to %scan3A_10 step %scan3A_11 iter_args(%scan3A_32 = %scan3A_7) -> (i32)  : i32 {
      %mul3A_33 = arith.constant 640 : i32
      %mul3A_34 = arith.muli %arg1, %mul3A_33 : i32
      %mul3A_35 = arith.constant 64 : i32
      %mul3A_36 = arith.muli %scan3A_31, %mul3A_35 : i32
      %add3A_37 = arith.addi %mul3A_34, %mul3A_36 : i32
      "tpu.region"() ({
        %run_scoped3A = tpu.sem_alloc : memref<!tpu.dma_semaphore, #tpu.memory_space<semaphore_mem>>
        %dma_start3A = arith.constant 0 : i32
        %dma_start3A_39 = tpu.memref_slice %arg13[%add3A_37, %dma_start3A] : memref<10240x128xf32, #tpu.memory_space<vmem_shared>> -> memref<64x128xf32, #tpu.memory_space<vmem_shared>>
        %dma_start3A_40 = arith.constant 0 : i32
        %dma_start3A_41 = tpu.memref_slice %arg13[%add3A_37, %dma_start3A_40] : memref<10240x128xf32, #tpu.memory_space<vmem_shared>> -> memref<64x128xf32, #tpu.memory_space<vmem_shared>>
        tpu.enqueue_dma source(%arg9 : memref<64x128xf32, #tpu.memory_space<vmem>>) target(%dma_start3A_41 : memref<64x128xf32, #tpu.memory_space<vmem_shared>>) target_semaphore(%run_scoped3A : memref<!tpu.dma_semaphore, #tpu.memory_space<semaphore_mem>>)
        %dma_wait3A = arith.constant 0 : i32
        %dma_wait3A_42 = tpu.memref_slice %arg13[%add3A_37, %dma_wait3A] : memref<10240x128xf32, #tpu.memory_space<vmem_shared>> -> memref<64x128xf32, #tpu.memory_space<vmem_shared>>
        %dma_wait3A_43 = arith.constant 0 : i32
        %dma_wait3A_44 = tpu.memref_slice %arg13[%add3A_37, %dma_wait3A_43] : memref<10240x128xf32, #tpu.memory_space<vmem_shared>> -> memref<64x128xf32, #tpu.memory_space<vmem_shared>>
        tpu.wait_dma2 semaphore(%run_scoped3A : memref<!tpu.dma_semaphore, #tpu.memory_space<semaphore_mem>>) src(%arg9 : memref<64x128xf32, #tpu.memory_space<vmem>>) dst(%dma_wait3A_44 : memref<64x128xf32, #tpu.memory_space<vmem_shared>>)
        tpu.yield
      }) : () -> ()
      %scan3A_38 = arith.constant 0 : i32
      scf.yield %scan3A_38 : i32
    }
    %scan3A_13 = arith.constant 10 : i32
    %barrier3A = arith.constant 0 : index
    tpu.barrier barrier_id(%barrier3A)
    %mul3A_14 = arith.constant 10240 : i32
    %mul3A_15 = arith.muli %add3A, %mul3A_14 : i32
    %scan3A_16 = arith.constant 0 : i32
    %scan3A_17 = arith.constant 0 : i32
    %scan3A_18 = arith.constant 10 : i32
    %scan3A_19 = arith.addi %scan3A_17, %scan3A_18 : i32
    %scan3A_20 = arith.constant 1 : i32
    %scan3A_21 = scf.for %scan3A_31 = %scan3A_17 to %scan3A_19 step %scan3A_20 iter_args(%scan3A_32 = %scan3A_16) -> (i32)  : i32 {
      %mul3A_33 = arith.constant 16 : i32
      %mul3A_34 = arith.muli %scan3A_31, %mul3A_33 : i32
      "tpu.region"() ({
        %run_scoped3A = tpu.sem_alloc : memref<!tpu.dma_semaphore, #tpu.memory_space<semaphore_mem>>
        %dma_start3A_466 = arith.constant 0 : i32
        %dma_start3A_467 = tpu.memref_slice %arg3[%add3A, %mul3A_34, %dma_start3A_466] : memref<32x160x64xi32, #tpu.memory_space<hbm>> -> memref<1x16x64xi32, #tpu.memory_space<hbm>>
        %dma_start3A_468 = tpu.memref_squeeze %dma_start3A_467 : memref<1x16x64xi32, #tpu.memory_space<hbm>> -> memref<16x64xi32, #tpu.memory_space<hbm>>
        %dma_start3A_469 = arith.constant 0 : i32
        %dma_start3A_470 = tpu.memref_slice %arg3[%add3A, %mul3A_34, %dma_start3A_469] : memref<32x160x64xi32, #tpu.memory_space<hbm>> -> memref<1x16x64xi32, #tpu.memory_space<hbm>>
        %dma_start3A_471 = tpu.memref_squeeze %dma_start3A_470 : memref<1x16x64xi32, #tpu.memory_space<hbm>> -> memref<16x64xi32, #tpu.memory_space<hbm>>
        tpu.enqueue_dma source(%dma_start3A_471 : memref<16x64xi32, #tpu.memory_space<hbm>>) target(%arg6 : memref<16x64xi32, #tpu.memory_space<vmem>>) target_semaphore(%run_scoped3A : memref<!tpu.dma_semaphore, #tpu.memory_space<semaphore_mem>>)
        %dma_wait3A_472 = arith.constant 0 : i32
        %dma_wait3A_473 = tpu.memref_slice %arg3[%add3A, %mul3A_34, %dma_wait3A_472] : memref<32x160x64xi32, #tpu.memory_space<hbm>> -> memref<1x16x64xi32, #tpu.memory_space<hbm>>
        %dma_wait3A_474 = tpu.memref_squeeze %dma_wait3A_473 : memref<1x16x64xi32, #tpu.memory_space<hbm>> -> memref<16x64xi32, #tpu.memory_space<hbm>>
        %dma_wait3A_475 = arith.constant 0 : i32
        %dma_wait3A_476 = tpu.memref_slice %arg3[%add3A, %mul3A_34, %dma_wait3A_475] : memref<32x160x64xi32, #tpu.memory_space<hbm>> -> memref<1x16x64xi32, #tpu.memory_space<hbm>>
        %dma_wait3A_477 = tpu.memref_squeeze %dma_wait3A_476 : memref<1x16x64xi32, #tpu.memory_space<hbm>> -> memref<16x64xi32, #tpu.memory_space<hbm>>
        tpu.wait_dma2 semaphore(%run_scoped3A : memref<!tpu.dma_semaphore, #tpu.memory_space<semaphore_mem>>) src(%dma_wait3A_477 : memref<16x64xi32, #tpu.memory_space<hbm>>) dst(%arg6 : memref<16x64xi32, #tpu.memory_space<vmem>>)
        tpu.yield
      }) : () -> ()
      %dma_start3A = arith.constant 0 : i32
      %dma_start3A_35 = arith.constant 0 : i32
      %dma_start3A_36 = tpu.memref_slice %arg6[%dma_start3A, %dma_start3A_35] : memref<16x64xi32, #tpu.memory_space<vmem>> -> memref<1x64xi32, #tpu.memory_space<vmem>>
      %dma_start3A_37 = tpu.memref_squeeze %dma_start3A_36 : memref<1x64xi32, #tpu.memory_space<vmem>> -> memref<64xi32, #tpu.memory_space<vmem>>
      %dma_start3A_38 = arith.constant 0 : i32
      %dma_start3A_39 = arith.constant 0 : i32
      %dma_start3A_40 = tpu.memref_slice %arg2[%dma_start3A_38, %dma_start3A_39] : memref<10240x128xf32, #tpu.memory_space<hbm>> -> memref<10240x128xf32, #tpu.memory_space<hbm>>
      tpu.enqueue_indirect_dma source(%dma_start3A_40 : memref<10240x128xf32, #tpu.memory_space<hbm>>) target(%arg9 : memref<64x128xf32, #tpu.memory_space<vmem>>) offsets(%dma_start3A_37 : memref<64xi32, #tpu.memory_space<vmem>>) semaphore(%arg14 : memref<!tpu.dma_semaphore, #tpu.memory_space<semaphore_mem>>)
      %dma_start3A_41 = arith.constant 1 : i32
      %dma_start3A_42 = arith.constant 0 : i32
      %dma_start3A_43 = tpu.memref_slice %arg6[%dma_start3A_41, %dma_start3A_42] : memref<16x64xi32, #tpu.memory_space<vmem>> -> memref<1x64xi32, #tpu.memory_space<vmem>>
      %dma_start3A_44 = tpu.memref_squeeze %dma_start3A_43 : memref<1x64xi32, #tpu.memory_space<vmem>> -> memref<64xi32, #tpu.memory_space<vmem>>
      %dma_start3A_45 = arith.constant 0 : i32
      %dma_start3A_46 = arith.constant 0 : i32
      %dma_start3A_47 = tpu.memref_slice %arg2[%dma_start3A_45, %dma_start3A_46] : memref<10240x128xf32, #tpu.memory_space<hbm>> -> memref<10240x128xf32, #tpu.memory_space<hbm>>
      tpu.enqueue_indirect_dma source(%dma_start3A_47 : memref<10240x128xf32, #tpu.memory_space<hbm>>) target(%arg10 : memref<64x128xf32, #tpu.memory_space<vmem>>) offsets(%dma_start3A_44 : memref<64xi32, #tpu.memory_space<vmem>>) semaphore(%arg15 : memref<!tpu.dma_semaphore, #tpu.memory_space<semaphore_mem>>)
      %dma_start3A_48 = arith.constant 2 : i32
      %dma_start3A_49 = arith.constant 0 : i32
      %dma_start3A_50 = tpu.memref_slice %arg6[%dma_start3A_48, %dma_start3A_49] : memref<16x64xi32, #tpu.memory_space<vmem>> -> memref<1x64xi32, #tpu.memory_space<vmem>>
      %dma_start3A_51 = tpu.memref_squeeze %dma_start3A_50 : memref<1x64xi32, #tpu.memory_space<vmem>> -> memref<64xi32, #tpu.memory_space<vmem>>
      %dma_start3A_52 = arith.constant 0 : i32
      %dma_start3A_53 = arith.constant 0 : i32
      %dma_start3A_54 = tpu.memref_slice %arg2[%dma_start3A_52, %dma_start3A_53] : memref<10240x128xf32, #tpu.memory_space<hbm>> -> memref<10240x128xf32, #tpu.memory_space<hbm>>
      tpu.enqueue_indirect_dma source(%dma_start3A_54 : memref<10240x128xf32, #tpu.memory_space<hbm>>) target(%arg11 : memref<64x128xf32, #tpu.memory_space<vmem>>) offsets(%dma_start3A_51 : memref<64xi32, #tpu.memory_space<vmem>>) semaphore(%arg16 : memref<!tpu.dma_semaphore, #tpu.memory_space<semaphore_mem>>)
      %mul3A_55 = arith.constant 16 : i32
      %mul3A_56 = arith.muli %scan3A_31, %mul3A_55 : i32
      %add3A_57 = arith.constant 0 : i32
      %add3A_58 = arith.addi %mul3A_56, %add3A_57 : i32
      %mul3A_59 = arith.constant 64 : i32
      %mul3A_60 = arith.muli %add3A_58, %mul3A_59 : i32
      %add3A_61 = arith.addi %mul3A_15, %mul3A_60 : i32
      "tpu.region"() ({
        %run_scoped3A = tpu.sem_alloc : memref<!tpu.dma_semaphore, #tpu.memory_space<semaphore_mem>>
        %dma_start3A_466 = tpu.memref_slice %arg4[%add3A_61] : memref<327680xi32, #tpu.memory_space<hbm>> -> memref<64xi32, #tpu.memory_space<hbm>>
        %dma_start3A_467 = tpu.memref_slice %arg4[%add3A_61] : memref<327680xi32, #tpu.memory_space<hbm>> -> memref<64xi32, #tpu.memory_space<hbm>>
        tpu.enqueue_dma source(%dma_start3A_467 : memref<64xi32, #tpu.memory_space<hbm>>) target(%arg7 : memref<64xi32, #tpu.memory_space<vmem>>) target_semaphore(%run_scoped3A : memref<!tpu.dma_semaphore, #tpu.memory_space<semaphore_mem>>)
        %dma_wait3A_468 = tpu.memref_slice %arg4[%add3A_61] : memref<327680xi32, #tpu.memory_space<hbm>> -> memref<64xi32, #tpu.memory_space<hbm>>
        %dma_wait3A_469 = tpu.memref_slice %arg4[%add3A_61] : memref<327680xi32, #tpu.memory_space<hbm>> -> memref<64xi32, #tpu.memory_space<hbm>>
        tpu.wait_dma2 semaphore(%run_scoped3A : memref<!tpu.dma_semaphore, #tpu.memory_space<semaphore_mem>>) src(%dma_wait3A_469 : memref<64xi32, #tpu.memory_space<hbm>>) dst(%arg7 : memref<64xi32, #tpu.memory_space<vmem>>)
        tpu.yield
      }) : () -> ()
      %dma_wait3A = arith.constant 0 : i32
      %dma_wait3A_62 = arith.constant 0 : i32
      %dma_wait3A_63 = tpu.memref_slice %arg6[%dma_wait3A, %dma_wait3A_62] : memref<16x64xi32, #tpu.memory_space<vmem>> -> memref<1x64xi32, #tpu.memory_space<vmem>>
      %dma_wait3A_64 = tpu.memref_squeeze %dma_wait3A_63 : memref<1x64xi32, #tpu.memory_space<vmem>> -> memref<64xi32, #tpu.memory_space<vmem>>
      %dma_wait3A_65 = arith.constant 0 : i32
      %dma_wait3A_66 = arith.constant 0 : i32
      %dma_wait3A_67 = tpu.memref_slice %arg2[%dma_wait3A_65, %dma_wait3A_66] : memref<10240x128xf32, #tpu.memory_space<hbm>> -> memref<10240x128xf32, #tpu.memory_space<hbm>>
      tpu.wait_indirect_dma semaphore(%arg14 : memref<!tpu.dma_semaphore, #tpu.memory_space<semaphore_mem>>) src(%dma_wait3A_67 : memref<10240x128xf32, #tpu.memory_space<hbm>>) dst(%arg9 : memref<64x128xf32, #tpu.memory_space<vmem>>)
      %dma_start3A_68 = arith.constant 0 : i32
      %dma_start3A_69 = arith.constant 0 : i32
      %dma_start3A_70 = tpu.memref_slice %arg13[%dma_start3A_68, %dma_start3A_69] : memref<10240x128xf32, #tpu.memory_space<vmem_shared>> -> memref<10240x128xf32, #tpu.memory_space<vmem_shared>>
      tpu.enqueue_indirect_dma source(%arg9 : memref<64x128xf32, #tpu.memory_space<vmem>>) target(%dma_start3A_70 : memref<10240x128xf32, #tpu.memory_space<vmem_shared>>) offsets(%arg7 : memref<64xi32, #tpu.memory_space<vmem>>) semaphore(%arg18 : memref<!tpu.dma_semaphore, #tpu.memory_space<semaphore_mem>>) {add = true}
      %dma_start3A_71 = arith.constant 3 : i32
      %dma_start3A_72 = arith.constant 0 : i32
      %dma_start3A_73 = tpu.memref_slice %arg6[%dma_start3A_71, %dma_start3A_72] : memref<16x64xi32, #tpu.memory_space<vmem>> -> memref<1x64xi32, #tpu.memory_space<vmem>>
      %dma_start3A_74 = tpu.memref_squeeze %dma_start3A_73 : memref<1x64xi32, #tpu.memory_space<vmem>> -> memref<64xi32, #tpu.memory_space<vmem>>
      %dma_start3A_75 = arith.constant 0 : i32
      %dma_start3A_76 = arith.constant 0 : i32
      %dma_start3A_77 = tpu.memref_slice %arg2[%dma_start3A_75, %dma_start3A_76] : memref<10240x128xf32, #tpu.memory_space<hbm>> -> memref<10240x128xf32, #tpu.memory_space<hbm>>
      tpu.enqueue_indirect_dma source(%dma_start3A_77 : memref<10240x128xf32, #tpu.memory_space<hbm>>) target(%arg12 : memref<64x128xf32, #tpu.memory_space<vmem>>) offsets(%dma_start3A_74 : memref<64xi32, #tpu.memory_space<vmem>>) semaphore(%arg17 : memref<!tpu.dma_semaphore, #tpu.memory_space<semaphore_mem>>)
      %mul3A_78 = arith.constant 16 : i32
      %mul3A_79 = arith.muli %scan3A_31, %mul3A_78 : i32
      %add3A_80 = arith.constant 1 : i32
      %add3A_81 = arith.addi %mul3A_79, %add3A_80 : i32
      %mul3A_82 = arith.constant 64 : i32
      %mul3A_83 = arith.muli %add3A_81, %mul3A_82 : i32
      %add3A_84 = arith.addi %mul3A_15, %mul3A_83 : i32
      "tpu.region"() ({
        %run_scoped3A = tpu.sem_alloc : memref<!tpu.dma_semaphore, #tpu.memory_space<semaphore_mem>>
        %dma_start3A_466 = tpu.memref_slice %arg4[%add3A_84] : memref<327680xi32, #tpu.memory_space<hbm>> -> memref<64xi32, #tpu.memory_space<hbm>>
        %dma_start3A_467 = tpu.memref_slice %arg4[%add3A_84] : memref<327680xi32, #tpu.memory_space<hbm>> -> memref<64xi32, #tpu.memory_space<hbm>>
        tpu.enqueue_dma source(%dma_start3A_467 : memref<64xi32, #tpu.memory_space<hbm>>) target(%arg8 : memref<64xi32, #tpu.memory_space<vmem>>) target_semaphore(%run_scoped3A : memref<!tpu.dma_semaphore, #tpu.memory_space<semaphore_mem>>)
        %dma_wait3A_468 = tpu.memref_slice %arg4[%add3A_84] : memref<327680xi32, #tpu.memory_space<hbm>> -> memref<64xi32, #tpu.memory_space<hbm>>
        %dma_wait3A_469 = tpu.memref_slice %arg4[%add3A_84] : memref<327680xi32, #tpu.memory_space<hbm>> -> memref<64xi32, #tpu.memory_space<hbm>>
        tpu.wait_dma2 semaphore(%run_scoped3A : memref<!tpu.dma_semaphore, #tpu.memory_space<semaphore_mem>>) src(%dma_wait3A_469 : memref<64xi32, #tpu.memory_space<hbm>>) dst(%arg8 : memref<64xi32, #tpu.memory_space<vmem>>)
        tpu.yield
      }) : () -> ()
      %dma_wait3A_85 = arith.constant 1 : i32
      %dma_wait3A_86 = arith.constant 0 : i32
      %dma_wait3A_87 = tpu.memref_slice %arg6[%dma_wait3A_85, %dma_wait3A_86] : memref<16x64xi32, #tpu.memory_space<vmem>> -> memref<1x64xi32, #tpu.memory_space<vmem>>
      %dma_wait3A_88 = tpu.memref_squeeze %dma_wait3A_87 : memref<1x64xi32, #tpu.memory_space<vmem>> -> memref<64xi32, #tpu.memory_space<vmem>>
      %dma_wait3A_89 = arith.constant 0 : i32
      %dma_wait3A_90 = arith.constant 0 : i32
      %dma_wait3A_91 = tpu.memref_slice %arg2[%dma_wait3A_89, %dma_wait3A_90] : memref<10240x128xf32, #tpu.memory_space<hbm>> -> memref<10240x128xf32, #tpu.memory_space<hbm>>
      tpu.wait_indirect_dma semaphore(%arg15 : memref<!tpu.dma_semaphore, #tpu.memory_space<semaphore_mem>>) src(%dma_wait3A_91 : memref<10240x128xf32, #tpu.memory_space<hbm>>) dst(%arg10 : memref<64x128xf32, #tpu.memory_space<vmem>>)
      %dma_start3A_92 = arith.constant 0 : i32
      %dma_start3A_93 = arith.constant 0 : i32
      %dma_start3A_94 = tpu.memref_slice %arg13[%dma_start3A_92, %dma_start3A_93] : memref<10240x128xf32, #tpu.memory_space<vmem_shared>> -> memref<10240x128xf32, #tpu.memory_space<vmem_shared>>
      tpu.enqueue_indirect_dma source(%arg10 : memref<64x128xf32, #tpu.memory_space<vmem>>) target(%dma_start3A_94 : memref<10240x128xf32, #tpu.memory_space<vmem_shared>>) offsets(%arg8 : memref<64xi32, #tpu.memory_space<vmem>>) semaphore(%arg19 : memref<!tpu.dma_semaphore, #tpu.memory_space<semaphore_mem>>) {add = true}
      %dma_wait3A_95 = arith.constant 0 : i32
      %dma_wait3A_96 = arith.constant 0 : i32
      %dma_wait3A_97 = tpu.memref_slice %arg13[%dma_wait3A_95, %dma_wait3A_96] : memref<10240x128xf32, #tpu.memory_space<vmem_shared>> -> memref<10240x128xf32, #tpu.memory_space<vmem_shared>>
      tpu.wait_indirect_dma semaphore(%arg18 : memref<!tpu.dma_semaphore, #tpu.memory_space<semaphore_mem>>) src(%arg9 : memref<64x128xf32, #tpu.memory_space<vmem>>) dst(%dma_wait3A_97 : memref<10240x128xf32, #tpu.memory_space<vmem_shared>>)
      %dma_start3A_98 = arith.constant 4 : i32
      %dma_start3A_99 = arith.constant 0 : i32
      %dma_start3A_100 = tpu.memref_slice %arg6[%dma_start3A_98, %dma_start3A_99] : memref<16x64xi32, #tpu.memory_space<vmem>> -> memref<1x64xi32, #tpu.memory_space<vmem>>
      %dma_start3A_101 = tpu.memref_squeeze %dma_start3A_100 : memref<1x64xi32, #tpu.memory_space<vmem>> -> memref<64xi32, #tpu.memory_space<vmem>>
      %dma_start3A_102 = arith.constant 0 : i32
      %dma_start3A_103 = arith.constant 0 : i32
      %dma_start3A_104 = tpu.memref_slice %arg2[%dma_start3A_102, %dma_start3A_103] : memref<10240x128xf32, #tpu.memory_space<hbm>> -> memref<10240x128xf32, #tpu.memory_space<hbm>>
      tpu.enqueue_indirect_dma source(%dma_start3A_104 : memref<10240x128xf32, #tpu.memory_space<hbm>>) target(%arg9 : memref<64x128xf32, #tpu.memory_space<vmem>>) offsets(%dma_start3A_101 : memref<64xi32, #tpu.memory_space<vmem>>) semaphore(%arg14 : memref<!tpu.dma_semaphore, #tpu.memory_space<semaphore_mem>>)
      %mul3A_105 = arith.constant 16 : i32
      %mul3A_106 = arith.muli %scan3A_31, %mul3A_105 : i32
      %add3A_107 = arith.constant 2 : i32
      %add3A_108 = arith.addi %mul3A_106, %add3A_107 : i32
      %mul3A_109 = arith.constant 64 : i32
      %mul3A_110 = arith.muli %add3A_108, %mul3A_109 : i32
      %add3A_111 = arith.addi %mul3A_15, %mul3A_110 : i32
      "tpu.region"() ({
        %run_scoped3A = tpu.sem_alloc : memref<!tpu.dma_semaphore, #tpu.memory_space<semaphore_mem>>
        %dma_start3A_466 = tpu.memref_slice %arg4[%add3A_111] : memref<327680xi32, #tpu.memory_space<hbm>> -> memref<64xi32, #tpu.memory_space<hbm>>
        %dma_start3A_467 = tpu.memref_slice %arg4[%add3A_111] : memref<327680xi32, #tpu.memory_space<hbm>> -> memref<64xi32, #tpu.memory_space<hbm>>
        tpu.enqueue_dma source(%dma_start3A_467 : memref<64xi32, #tpu.memory_space<hbm>>) target(%arg7 : memref<64xi32, #tpu.memory_space<vmem>>) target_semaphore(%run_scoped3A : memref<!tpu.dma_semaphore, #tpu.memory_space<semaphore_mem>>)
        %dma_wait3A_468 = tpu.memref_slice %arg4[%add3A_111] : memref<327680xi32, #tpu.memory_space<hbm>> -> memref<64xi32, #tpu.memory_space<hbm>>
        %dma_wait3A_469 = tpu.memref_slice %arg4[%add3A_111] : memref<327680xi32, #tpu.memory_space<hbm>> -> memref<64xi32, #tpu.memory_space<hbm>>
        tpu.wait_dma2 semaphore(%run_scoped3A : memref<!tpu.dma_semaphore, #tpu.memory_space<semaphore_mem>>) src(%dma_wait3A_469 : memref<64xi32, #tpu.memory_space<hbm>>) dst(%arg7 : memref<64xi32, #tpu.memory_space<vmem>>)
        tpu.yield
      }) : () -> ()
      %dma_wait3A_112 = arith.constant 2 : i32
      %dma_wait3A_113 = arith.constant 0 : i32
      %dma_wait3A_114 = tpu.memref_slice %arg6[%dma_wait3A_112, %dma_wait3A_113] : memref<16x64xi32, #tpu.memory_space<vmem>> -> memref<1x64xi32, #tpu.memory_space<vmem>>
      %dma_wait3A_115 = tpu.memref_squeeze %dma_wait3A_114 : memref<1x64xi32, #tpu.memory_space<vmem>> -> memref<64xi32, #tpu.memory_space<vmem>>
      %dma_wait3A_116 = arith.constant 0 : i32
      %dma_wait3A_117 = arith.constant 0 : i32
      %dma_wait3A_118 = tpu.memref_slice %arg2[%dma_wait3A_116, %dma_wait3A_117] : memref<10240x128xf32, #tpu.memory_space<hbm>> -> memref<10240x128xf32, #tpu.memory_space<hbm>>
      tpu.wait_indirect_dma semaphore(%arg16 : memref<!tpu.dma_semaphore, #tpu.memory_space<semaphore_mem>>) src(%dma_wait3A_118 : memref<10240x128xf32, #tpu.memory_space<hbm>>) dst(%arg11 : memref<64x128xf32, #tpu.memory_space<vmem>>)
      %dma_start3A_119 = arith.constant 0 : i32
      %dma_start3A_120 = arith.constant 0 : i32
      %dma_start3A_121 = tpu.memref_slice %arg13[%dma_start3A_119, %dma_start3A_120] : memref<10240x128xf32, #tpu.memory_space<vmem_shared>> -> memref<10240x128xf32, #tpu.memory_space<vmem_shared>>
      tpu.enqueue_indirect_dma source(%arg11 : memref<64x128xf32, #tpu.memory_space<vmem>>) target(%dma_start3A_121 : memref<10240x128xf32, #tpu.memory_space<vmem_shared>>) offsets(%arg7 : memref<64xi32, #tpu.memory_space<vmem>>) semaphore(%arg20 : memref<!tpu.dma_semaphore, #tpu.memory_space<semaphore_mem>>) {add = true}
      %dma_wait3A_122 = arith.constant 0 : i32
      %dma_wait3A_123 = arith.constant 0 : i32
      %dma_wait3A_124 = tpu.memref_slice %arg13[%dma_wait3A_122, %dma_wait3A_123] : memref<10240x128xf32, #tpu.memory_space<vmem_shared>> -> memref<10240x128xf32, #tpu.memory_space<vmem_shared>>
      tpu.wait_indirect_dma semaphore(%arg19 : memref<!tpu.dma_semaphore, #tpu.memory_space<semaphore_mem>>) src(%arg10 : memref<64x128xf32, #tpu.memory_space<vmem>>) dst(%dma_wait3A_124 : memref<10240x128xf32, #tpu.memory_space<vmem_shared>>)
      %dma_start3A_125 = arith.constant 5 : i32
      %dma_start3A_126 = arith.constant 0 : i32
      %dma_start3A_127 = tpu.memref_slice %arg6[%dma_start3A_125, %dma_start3A_126] : memref<16x64xi32, #tpu.memory_space<vmem>> -> memref<1x64xi32, #tpu.memory_space<vmem>>
      %dma_start3A_128 = tpu.memref_squeeze %dma_start3A_127 : memref<1x64xi32, #tpu.memory_space<vmem>> -> memref<64xi32, #tpu.memory_space<vmem>>
      %dma_start3A_129 = arith.constant 0 : i32
      %dma_start3A_130 = arith.constant 0 : i32
      %dma_start3A_131 = tpu.memref_slice %arg2[%dma_start3A_129, %dma_start3A_130] : memref<10240x128xf32, #tpu.memory_space<hbm>> -> memref<10240x128xf32, #tpu.memory_space<hbm>>
      tpu.enqueue_indirect_dma source(%dma_start3A_131 : memref<10240x128xf32, #tpu.memory_space<hbm>>) target(%arg10 : memref<64x128xf32, #tpu.memory_space<vmem>>) offsets(%dma_start3A_128 : memref<64xi32, #tpu.memory_space<vmem>>) semaphore(%arg15 : memref<!tpu.dma_semaphore, #tpu.memory_space<semaphore_mem>>)
      %mul3A_132 = arith.constant 16 : i32
      %mul3A_133 = arith.muli %scan3A_31, %mul3A_132 : i32
      %add3A_134 = arith.constant 3 : i32
      %add3A_135 = arith.addi %mul3A_133, %add3A_134 : i32
      %mul3A_136 = arith.constant 64 : i32
      %mul3A_137 = arith.muli %add3A_135, %mul3A_136 : i32
      %add3A_138 = arith.addi %mul3A_15, %mul3A_137 : i32
      "tpu.region"() ({
        %run_scoped3A = tpu.sem_alloc : memref<!tpu.dma_semaphore, #tpu.memory_space<semaphore_mem>>
        %dma_start3A_466 = tpu.memref_slice %arg4[%add3A_138] : memref<327680xi32, #tpu.memory_space<hbm>> -> memref<64xi32, #tpu.memory_space<hbm>>
        %dma_start3A_467 = tpu.memref_slice %arg4[%add3A_138] : memref<327680xi32, #tpu.memory_space<hbm>> -> memref<64xi32, #tpu.memory_space<hbm>>
        tpu.enqueue_dma source(%dma_start3A_467 : memref<64xi32, #tpu.memory_space<hbm>>) target(%arg8 : memref<64xi32, #tpu.memory_space<vmem>>) target_semaphore(%run_scoped3A : memref<!tpu.dma_semaphore, #tpu.memory_space<semaphore_mem>>)
        %dma_wait3A_468 = tpu.memref_slice %arg4[%add3A_138] : memref<327680xi32, #tpu.memory_space<hbm>> -> memref<64xi32, #tpu.memory_space<hbm>>
        %dma_wait3A_469 = tpu.memref_slice %arg4[%add3A_138] : memref<327680xi32, #tpu.memory_space<hbm>> -> memref<64xi32, #tpu.memory_space<hbm>>
        tpu.wait_dma2 semaphore(%run_scoped3A : memref<!tpu.dma_semaphore, #tpu.memory_space<semaphore_mem>>) src(%dma_wait3A_469 : memref<64xi32, #tpu.memory_space<hbm>>) dst(%arg8 : memref<64xi32, #tpu.memory_space<vmem>>)
        tpu.yield
      }) : () -> ()
      %dma_wait3A_139 = arith.constant 3 : i32
      %dma_wait3A_140 = arith.constant 0 : i32
      %dma_wait3A_141 = tpu.memref_slice %arg6[%dma_wait3A_139, %dma_wait3A_140] : memref<16x64xi32, #tpu.memory_space<vmem>> -> memref<1x64xi32, #tpu.memory_space<vmem>>
      %dma_wait3A_142 = tpu.memref_squeeze %dma_wait3A_141 : memref<1x64xi32, #tpu.memory_space<vmem>> -> memref<64xi32, #tpu.memory_space<vmem>>
      %dma_wait3A_143 = arith.constant 0 : i32
      %dma_wait3A_144 = arith.constant 0 : i32
      %dma_wait3A_145 = tpu.memref_slice %arg2[%dma_wait3A_143, %dma_wait3A_144] : memref<10240x128xf32, #tpu.memory_space<hbm>> -> memref<10240x128xf32, #tpu.memory_space<hbm>>
      tpu.wait_indirect_dma semaphore(%arg17 : memref<!tpu.dma_semaphore, #tpu.memory_space<semaphore_mem>>) src(%dma_wait3A_145 : memref<10240x128xf32, #tpu.memory_space<hbm>>) dst(%arg12 : memref<64x128xf32, #tpu.memory_space<vmem>>)
      %dma_start3A_146 = arith.constant 0 : i32
      %dma_start3A_147 = arith.constant 0 : i32
      %dma_start3A_148 = tpu.memref_slice %arg13[%dma_start3A_146, %dma_start3A_147] : memref<10240x128xf32, #tpu.memory_space<vmem_shared>> -> memref<10240x128xf32, #tpu.memory_space<vmem_shared>>
      tpu.enqueue_indirect_dma source(%arg12 : memref<64x128xf32, #tpu.memory_space<vmem>>) target(%dma_start3A_148 : memref<10240x128xf32, #tpu.memory_space<vmem_shared>>) offsets(%arg8 : memref<64xi32, #tpu.memory_space<vmem>>) semaphore(%arg21 : memref<!tpu.dma_semaphore, #tpu.memory_space<semaphore_mem>>) {add = true}
      %dma_wait3A_149 = arith.constant 0 : i32
      %dma_wait3A_150 = arith.constant 0 : i32
      %dma_wait3A_151 = tpu.memref_slice %arg13[%dma_wait3A_149, %dma_wait3A_150] : memref<10240x128xf32, #tpu.memory_space<vmem_shared>> -> memref<10240x128xf32, #tpu.memory_space<vmem_shared>>
      tpu.wait_indirect_dma semaphore(%arg20 : memref<!tpu.dma_semaphore, #tpu.memory_space<semaphore_mem>>) src(%arg11 : memref<64x128xf32, #tpu.memory_space<vmem>>) dst(%dma_wait3A_151 : memref<10240x128xf32, #tpu.memory_space<vmem_shared>>)
      %dma_start3A_152 = arith.constant 6 : i32
      %dma_start3A_153 = arith.constant 0 : i32
      %dma_start3A_154 = tpu.memref_slice %arg6[%dma_start3A_152, %dma_start3A_153] : memref<16x64xi32, #tpu.memory_space<vmem>> -> memref<1x64xi32, #tpu.memory_space<vmem>>
      %dma_start3A_155 = tpu.memref_squeeze %dma_start3A_154 : memref<1x64xi32, #tpu.memory_space<vmem>> -> memref<64xi32, #tpu.memory_space<vmem>>
      %dma_start3A_156 = arith.constant 0 : i32
      %dma_start3A_157 = arith.constant 0 : i32
      %dma_start3A_158 = tpu.memref_slice %arg2[%dma_start3A_156, %dma_start3A_157] : memref<10240x128xf32, #tpu.memory_space<hbm>> -> memref<10240x128xf32, #tpu.memory_space<hbm>>
      tpu.enqueue_indirect_dma source(%dma_start3A_158 : memref<10240x128xf32, #tpu.memory_space<hbm>>) target(%arg11 : memref<64x128xf32, #tpu.memory_space<vmem>>) offsets(%dma_start3A_155 : memref<64xi32, #tpu.memory_space<vmem>>) semaphore(%arg16 : memref<!tpu.dma_semaphore, #tpu.memory_space<semaphore_mem>>)
      %mul3A_159 = arith.constant 16 : i32
      %mul3A_160 = arith.muli %scan3A_31, %mul3A_159 : i32
      %add3A_161 = arith.constant 4 : i32
      %add3A_162 = arith.addi %mul3A_160, %add3A_161 : i32
      %mul3A_163 = arith.constant 64 : i32
      %mul3A_164 = arith.muli %add3A_162, %mul3A_163 : i32
      %add3A_165 = arith.addi %mul3A_15, %mul3A_164 : i32
      "tpu.region"() ({
        %run_scoped3A = tpu.sem_alloc : memref<!tpu.dma_semaphore, #tpu.memory_space<semaphore_mem>>
        %dma_start3A_466 = tpu.memref_slice %arg4[%add3A_165] : memref<327680xi32, #tpu.memory_space<hbm>> -> memref<64xi32, #tpu.memory_space<hbm>>
        %dma_start3A_467 = tpu.memref_slice %arg4[%add3A_165] : memref<327680xi32, #tpu.memory_space<hbm>> -> memref<64xi32, #tpu.memory_space<hbm>>
        tpu.enqueue_dma source(%dma_start3A_467 : memref<64xi32, #tpu.memory_space<hbm>>) target(%arg7 : memref<64xi32, #tpu.memory_space<vmem>>) target_semaphore(%run_scoped3A : memref<!tpu.dma_semaphore, #tpu.memory_space<semaphore_mem>>)
        %dma_wait3A_468 = tpu.memref_slice %arg4[%add3A_165] : memref<327680xi32, #tpu.memory_space<hbm>> -> memref<64xi32, #tpu.memory_space<hbm>>
        %dma_wait3A_469 = tpu.memref_slice %arg4[%add3A_165] : memref<327680xi32, #tpu.memory_space<hbm>> -> memref<64xi32, #tpu.memory_space<hbm>>
        tpu.wait_dma2 semaphore(%run_scoped3A : memref<!tpu.dma_semaphore, #tpu.memory_space<semaphore_mem>>) src(%dma_wait3A_469 : memref<64xi32, #tpu.memory_space<hbm>>) dst(%arg7 : memref<64xi32, #tpu.memory_space<vmem>>)
        tpu.yield
      }) : () -> ()
      %dma_wait3A_166 = arith.constant 4 : i32
      %dma_wait3A_167 = arith.constant 0 : i32
      %dma_wait3A_168 = tpu.memref_slice %arg6[%dma_wait3A_166, %dma_wait3A_167] : memref<16x64xi32, #tpu.memory_space<vmem>> -> memref<1x64xi32, #tpu.memory_space<vmem>>
      %dma_wait3A_169 = tpu.memref_squeeze %dma_wait3A_168 : memref<1x64xi32, #tpu.memory_space<vmem>> -> memref<64xi32, #tpu.memory_space<vmem>>
      %dma_wait3A_170 = arith.constant 0 : i32
      %dma_wait3A_171 = arith.constant 0 : i32
      %dma_wait3A_172 = tpu.memref_slice %arg2[%dma_wait3A_170, %dma_wait3A_171] : memref<10240x128xf32, #tpu.memory_space<hbm>> -> memref<10240x128xf32, #tpu.memory_space<hbm>>
      tpu.wait_indirect_dma semaphore(%arg14 : memref<!tpu.dma_semaphore, #tpu.memory_space<semaphore_mem>>) src(%dma_wait3A_172 : memref<10240x128xf32, #tpu.memory_space<hbm>>) dst(%arg9 : memref<64x128xf32, #tpu.memory_space<vmem>>)
      %dma_start3A_173 = arith.constant 0 : i32
      %dma_start3A_174 = arith.constant 0 : i32
      %dma_start3A_175 = tpu.memref_slice %arg13[%dma_start3A_173, %dma_start3A_174] : memref<10240x128xf32, #tpu.memory_space<vmem_shared>> -> memref<10240x128xf32, #tpu.memory_space<vmem_shared>>
      tpu.enqueue_indirect_dma source(%arg9 : memref<64x128xf32, #tpu.memory_space<vmem>>) target(%dma_start3A_175 : memref<10240x128xf32, #tpu.memory_space<vmem_shared>>) offsets(%arg7 : memref<64xi32, #tpu.memory_space<vmem>>) semaphore(%arg18 : memref<!tpu.dma_semaphore, #tpu.memory_space<semaphore_mem>>) {add = true}
      %dma_wait3A_176 = arith.constant 0 : i32
      %dma_wait3A_177 = arith.constant 0 : i32
      %dma_wait3A_178 = tpu.memref_slice %arg13[%dma_wait3A_176, %dma_wait3A_177] : memref<10240x128xf32, #tpu.memory_space<vmem_shared>> -> memref<10240x128xf32, #tpu.memory_space<vmem_shared>>
      tpu.wait_indirect_dma semaphore(%arg21 : memref<!tpu.dma_semaphore, #tpu.memory_space<semaphore_mem>>) src(%arg12 : memref<64x128xf32, #tpu.memory_space<vmem>>) dst(%dma_wait3A_178 : memref<10240x128xf32, #tpu.memory_space<vmem_shared>>)
      %dma_start3A_179 = arith.constant 7 : i32
      %dma_start3A_180 = arith.constant 0 : i32
      %dma_start3A_181 = tpu.memref_slice %arg6[%dma_start3A_179, %dma_start3A_180] : memref<16x64xi32, #tpu.memory_space<vmem>> -> memref<1x64xi32, #tpu.memory_space<vmem>>
      %dma_start3A_182 = tpu.memref_squeeze %dma_start3A_181 : memref<1x64xi32, #tpu.memory_space<vmem>> -> memref<64xi32, #tpu.memory_space<vmem>>
      %dma_start3A_183 = arith.constant 0 : i32
      %dma_start3A_184 = arith.constant 0 : i32
      %dma_start3A_185 = tpu.memref_slice %arg2[%dma_start3A_183, %dma_start3A_184] : memref<10240x128xf32, #tpu.memory_space<hbm>> -> memref<10240x128xf32, #tpu.memory_space<hbm>>
      tpu.enqueue_indirect_dma source(%dma_start3A_185 : memref<10240x128xf32, #tpu.memory_space<hbm>>) target(%arg12 : memref<64x128xf32, #tpu.memory_space<vmem>>) offsets(%dma_start3A_182 : memref<64xi32, #tpu.memory_space<vmem>>) semaphore(%arg17 : memref<!tpu.dma_semaphore, #tpu.memory_space<semaphore_mem>>)
      %mul3A_186 = arith.constant 16 : i32
      %mul3A_187 = arith.muli %scan3A_31, %mul3A_186 : i32
      %add3A_188 = arith.constant 5 : i32
      %add3A_189 = arith.addi %mul3A_187, %add3A_188 : i32
      %mul3A_190 = arith.constant 64 : i32
      %mul3A_191 = arith.muli %add3A_189, %mul3A_190 : i32
      %add3A_192 = arith.addi %mul3A_15, %mul3A_191 : i32
      "tpu.region"() ({
        %run_scoped3A = tpu.sem_alloc : memref<!tpu.dma_semaphore, #tpu.memory_space<semaphore_mem>>
        %dma_start3A_466 = tpu.memref_slice %arg4[%add3A_192] : memref<327680xi32, #tpu.memory_space<hbm>> -> memref<64xi32, #tpu.memory_space<hbm>>
        %dma_start3A_467 = tpu.memref_slice %arg4[%add3A_192] : memref<327680xi32, #tpu.memory_space<hbm>> -> memref<64xi32, #tpu.memory_space<hbm>>
        tpu.enqueue_dma source(%dma_start3A_467 : memref<64xi32, #tpu.memory_space<hbm>>) target(%arg8 : memref<64xi32, #tpu.memory_space<vmem>>) target_semaphore(%run_scoped3A : memref<!tpu.dma_semaphore, #tpu.memory_space<semaphore_mem>>)
        %dma_wait3A_468 = tpu.memref_slice %arg4[%add3A_192] : memref<327680xi32, #tpu.memory_space<hbm>> -> memref<64xi32, #tpu.memory_space<hbm>>
        %dma_wait3A_469 = tpu.memref_slice %arg4[%add3A_192] : memref<327680xi32, #tpu.memory_space<hbm>> -> memref<64xi32, #tpu.memory_space<hbm>>
        tpu.wait_dma2 semaphore(%run_scoped3A : memref<!tpu.dma_semaphore, #tpu.memory_space<semaphore_mem>>) src(%dma_wait3A_469 : memref<64xi32, #tpu.memory_space<hbm>>) dst(%arg8 : memref<64xi32, #tpu.memory_space<vmem>>)
        tpu.yield
      }) : () -> ()
      %dma_wait3A_193 = arith.constant 5 : i32
      %dma_wait3A_194 = arith.constant 0 : i32
      %dma_wait3A_195 = tpu.memref_slice %arg6[%dma_wait3A_193, %dma_wait3A_194] : memref<16x64xi32, #tpu.memory_space<vmem>> -> memref<1x64xi32, #tpu.memory_space<vmem>>
      %dma_wait3A_196 = tpu.memref_squeeze %dma_wait3A_195 : memref<1x64xi32, #tpu.memory_space<vmem>> -> memref<64xi32, #tpu.memory_space<vmem>>
      %dma_wait3A_197 = arith.constant 0 : i32
      %dma_wait3A_198 = arith.constant 0 : i32
      %dma_wait3A_199 = tpu.memref_slice %arg2[%dma_wait3A_197, %dma_wait3A_198] : memref<10240x128xf32, #tpu.memory_space<hbm>> -> memref<10240x128xf32, #tpu.memory_space<hbm>>
      tpu.wait_indirect_dma semaphore(%arg15 : memref<!tpu.dma_semaphore, #tpu.memory_space<semaphore_mem>>) src(%dma_wait3A_199 : memref<10240x128xf32, #tpu.memory_space<hbm>>) dst(%arg10 : memref<64x128xf32, #tpu.memory_space<vmem>>)
      %dma_start3A_200 = arith.constant 0 : i32
      %dma_start3A_201 = arith.constant 0 : i32
      %dma_start3A_202 = tpu.memref_slice %arg13[%dma_start3A_200, %dma_start3A_201] : memref<10240x128xf32, #tpu.memory_space<vmem_shared>> -> memref<10240x128xf32, #tpu.memory_space<vmem_shared>>
      tpu.enqueue_indirect_dma source(%arg10 : memref<64x128xf32, #tpu.memory_space<vmem>>) target(%dma_start3A_202 : memref<10240x128xf32, #tpu.memory_space<vmem_shared>>) offsets(%arg8 : memref<64xi32, #tpu.memory_space<vmem>>) semaphore(%arg19 : memref<!tpu.dma_semaphore, #tpu.memory_space<semaphore_mem>>) {add = true}
      %dma_wait3A_203 = arith.constant 0 : i32
      %dma_wait3A_204 = arith.constant 0 : i32
      %dma_wait3A_205 = tpu.memref_slice %arg13[%dma_wait3A_203, %dma_wait3A_204] : memref<10240x128xf32, #tpu.memory_space<vmem_shared>> -> memref<10240x128xf32, #tpu.memory_space<vmem_shared>>
      tpu.wait_indirect_dma semaphore(%arg18 : memref<!tpu.dma_semaphore, #tpu.memory_space<semaphore_mem>>) src(%arg9 : memref<64x128xf32, #tpu.memory_space<vmem>>) dst(%dma_wait3A_205 : memref<10240x128xf32, #tpu.memory_space<vmem_shared>>)
      %dma_start3A_206 = arith.constant 8 : i32
      %dma_start3A_207 = arith.constant 0 : i32
      %dma_start3A_208 = tpu.memref_slice %arg6[%dma_start3A_206, %dma_start3A_207] : memref<16x64xi32, #tpu.memory_space<vmem>> -> memref<1x64xi32, #tpu.memory_space<vmem>>
      %dma_start3A_209 = tpu.memref_squeeze %dma_start3A_208 : memref<1x64xi32, #tpu.memory_space<vmem>> -> memref<64xi32, #tpu.memory_space<vmem>>
      %dma_start3A_210 = arith.constant 0 : i32
      %dma_start3A_211 = arith.constant 0 : i32
      %dma_start3A_212 = tpu.memref_slice %arg2[%dma_start3A_210, %dma_start3A_211] : memref<10240x128xf32, #tpu.memory_space<hbm>> -> memref<10240x128xf32, #tpu.memory_space<hbm>>
      tpu.enqueue_indirect_dma source(%dma_start3A_212 : memref<10240x128xf32, #tpu.memory_space<hbm>>) target(%arg9 : memref<64x128xf32, #tpu.memory_space<vmem>>) offsets(%dma_start3A_209 : memref<64xi32, #tpu.memory_space<vmem>>) semaphore(%arg14 : memref<!tpu.dma_semaphore, #tpu.memory_space<semaphore_mem>>)
      %mul3A_213 = arith.constant 16 : i32
      %mul3A_214 = arith.muli %scan3A_31, %mul3A_213 : i32
      %add3A_215 = arith.constant 6 : i32
      %add3A_216 = arith.addi %mul3A_214, %add3A_215 : i32
      %mul3A_217 = arith.constant 64 : i32
      %mul3A_218 = arith.muli %add3A_216, %mul3A_217 : i32
      %add3A_219 = arith.addi %mul3A_15, %mul3A_218 : i32
      "tpu.region"() ({
        %run_scoped3A = tpu.sem_alloc : memref<!tpu.dma_semaphore, #tpu.memory_space<semaphore_mem>>
        %dma_start3A_466 = tpu.memref_slice %arg4[%add3A_219] : memref<327680xi32, #tpu.memory_space<hbm>> -> memref<64xi32, #tpu.memory_space<hbm>>
        %dma_start3A_467 = tpu.memref_slice %arg4[%add3A_219] : memref<327680xi32, #tpu.memory_space<hbm>> -> memref<64xi32, #tpu.memory_space<hbm>>
        tpu.enqueue_dma source(%dma_start3A_467 : memref<64xi32, #tpu.memory_space<hbm>>) target(%arg7 : memref<64xi32, #tpu.memory_space<vmem>>) target_semaphore(%run_scoped3A : memref<!tpu.dma_semaphore, #tpu.memory_space<semaphore_mem>>)
        %dma_wait3A_468 = tpu.memref_slice %arg4[%add3A_219] : memref<327680xi32, #tpu.memory_space<hbm>> -> memref<64xi32, #tpu.memory_space<hbm>>
        %dma_wait3A_469 = tpu.memref_slice %arg4[%add3A_219] : memref<327680xi32, #tpu.memory_space<hbm>> -> memref<64xi32, #tpu.memory_space<hbm>>
        tpu.wait_dma2 semaphore(%run_scoped3A : memref<!tpu.dma_semaphore, #tpu.memory_space<semaphore_mem>>) src(%dma_wait3A_469 : memref<64xi32, #tpu.memory_space<hbm>>) dst(%arg7 : memref<64xi32, #tpu.memory_space<vmem>>)
        tpu.yield
      }) : () -> ()
      %dma_wait3A_220 = arith.constant 6 : i32
      %dma_wait3A_221 = arith.constant 0 : i32
      %dma_wait3A_222 = tpu.memref_slice %arg6[%dma_wait3A_220, %dma_wait3A_221] : memref<16x64xi32, #tpu.memory_space<vmem>> -> memref<1x64xi32, #tpu.memory_space<vmem>>
      %dma_wait3A_223 = tpu.memref_squeeze %dma_wait3A_222 : memref<1x64xi32, #tpu.memory_space<vmem>> -> memref<64xi32, #tpu.memory_space<vmem>>
      %dma_wait3A_224 = arith.constant 0 : i32
      %dma_wait3A_225 = arith.constant 0 : i32
      %dma_wait3A_226 = tpu.memref_slice %arg2[%dma_wait3A_224, %dma_wait3A_225] : memref<10240x128xf32, #tpu.memory_space<hbm>> -> memref<10240x128xf32, #tpu.memory_space<hbm>>
      tpu.wait_indirect_dma semaphore(%arg16 : memref<!tpu.dma_semaphore, #tpu.memory_space<semaphore_mem>>) src(%dma_wait3A_226 : memref<10240x128xf32, #tpu.memory_space<hbm>>) dst(%arg11 : memref<64x128xf32, #tpu.memory_space<vmem>>)
      %dma_start3A_227 = arith.constant 0 : i32
      %dma_start3A_228 = arith.constant 0 : i32
      %dma_start3A_229 = tpu.memref_slice %arg13[%dma_start3A_227, %dma_start3A_228] : memref<10240x128xf32, #tpu.memory_space<vmem_shared>> -> memref<10240x128xf32, #tpu.memory_space<vmem_shared>>
      tpu.enqueue_indirect_dma source(%arg11 : memref<64x128xf32, #tpu.memory_space<vmem>>) target(%dma_start3A_229 : memref<10240x128xf32, #tpu.memory_space<vmem_shared>>) offsets(%arg7 : memref<64xi32, #tpu.memory_space<vmem>>) semaphore(%arg20 : memref<!tpu.dma_semaphore, #tpu.memory_space<semaphore_mem>>) {add = true}
      %dma_wait3A_230 = arith.constant 0 : i32
      %dma_wait3A_231 = arith.constant 0 : i32
      %dma_wait3A_232 = tpu.memref_slice %arg13[%dma_wait3A_230, %dma_wait3A_231] : memref<10240x128xf32, #tpu.memory_space<vmem_shared>> -> memref<10240x128xf32, #tpu.memory_space<vmem_shared>>
      tpu.wait_indirect_dma semaphore(%arg19 : memref<!tpu.dma_semaphore, #tpu.memory_space<semaphore_mem>>) src(%arg10 : memref<64x128xf32, #tpu.memory_space<vmem>>) dst(%dma_wait3A_232 : memref<10240x128xf32, #tpu.memory_space<vmem_shared>>)
      %dma_start3A_233 = arith.constant 9 : i32
      %dma_start3A_234 = arith.constant 0 : i32
      %dma_start3A_235 = tpu.memref_slice %arg6[%dma_start3A_233, %dma_start3A_234] : memref<16x64xi32, #tpu.memory_space<vmem>> -> memref<1x64xi32, #tpu.memory_space<vmem>>
      %dma_start3A_236 = tpu.memref_squeeze %dma_start3A_235 : memref<1x64xi32, #tpu.memory_space<vmem>> -> memref<64xi32, #tpu.memory_space<vmem>>
      %dma_start3A_237 = arith.constant 0 : i32
      %dma_start3A_238 = arith.constant 0 : i32
      %dma_start3A_239 = tpu.memref_slice %arg2[%dma_start3A_237, %dma_start3A_238] : memref<10240x128xf32, #tpu.memory_space<hbm>> -> memref<10240x128xf32, #tpu.memory_space<hbm>>
      tpu.enqueue_indirect_dma source(%dma_start3A_239 : memref<10240x128xf32, #tpu.memory_space<hbm>>) target(%arg10 : memref<64x128xf32, #tpu.memory_space<vmem>>) offsets(%dma_start3A_236 : memref<64xi32, #tpu.memory_space<vmem>>) semaphore(%arg15 : memref<!tpu.dma_semaphore, #tpu.memory_space<semaphore_mem>>)
      %mul3A_240 = arith.constant 16 : i32
      %mul3A_241 = arith.muli %scan3A_31, %mul3A_240 : i32
      %add3A_242 = arith.constant 7 : i32
      %add3A_243 = arith.addi %mul3A_241, %add3A_242 : i32
      %mul3A_244 = arith.constant 64 : i32
      %mul3A_245 = arith.muli %add3A_243, %mul3A_244 : i32
      %add3A_246 = arith.addi %mul3A_15, %mul3A_245 : i32
      "tpu.region"() ({
        %run_scoped3A = tpu.sem_alloc : memref<!tpu.dma_semaphore, #tpu.memory_space<semaphore_mem>>
        %dma_start3A_466 = tpu.memref_slice %arg4[%add3A_246] : memref<327680xi32, #tpu.memory_space<hbm>> -> memref<64xi32, #tpu.memory_space<hbm>>
        %dma_start3A_467 = tpu.memref_slice %arg4[%add3A_246] : memref<327680xi32, #tpu.memory_space<hbm>> -> memref<64xi32, #tpu.memory_space<hbm>>
        tpu.enqueue_dma source(%dma_start3A_467 : memref<64xi32, #tpu.memory_space<hbm>>) target(%arg8 : memref<64xi32, #tpu.memory_space<vmem>>) target_semaphore(%run_scoped3A : memref<!tpu.dma_semaphore, #tpu.memory_space<semaphore_mem>>)
        %dma_wait3A_468 = tpu.memref_slice %arg4[%add3A_246] : memref<327680xi32, #tpu.memory_space<hbm>> -> memref<64xi32, #tpu.memory_space<hbm>>
        %dma_wait3A_469 = tpu.memref_slice %arg4[%add3A_246] : memref<327680xi32, #tpu.memory_space<hbm>> -> memref<64xi32, #tpu.memory_space<hbm>>
        tpu.wait_dma2 semaphore(%run_scoped3A : memref<!tpu.dma_semaphore, #tpu.memory_space<semaphore_mem>>) src(%dma_wait3A_469 : memref<64xi32, #tpu.memory_space<hbm>>) dst(%arg8 : memref<64xi32, #tpu.memory_space<vmem>>)
        tpu.yield
      }) : () -> ()
      %dma_wait3A_247 = arith.constant 7 : i32
      %dma_wait3A_248 = arith.constant 0 : i32
      %dma_wait3A_249 = tpu.memref_slice %arg6[%dma_wait3A_247, %dma_wait3A_248] : memref<16x64xi32, #tpu.memory_space<vmem>> -> memref<1x64xi32, #tpu.memory_space<vmem>>
      %dma_wait3A_250 = tpu.memref_squeeze %dma_wait3A_249 : memref<1x64xi32, #tpu.memory_space<vmem>> -> memref<64xi32, #tpu.memory_space<vmem>>
      %dma_wait3A_251 = arith.constant 0 : i32
      %dma_wait3A_252 = arith.constant 0 : i32
      %dma_wait3A_253 = tpu.memref_slice %arg2[%dma_wait3A_251, %dma_wait3A_252] : memref<10240x128xf32, #tpu.memory_space<hbm>> -> memref<10240x128xf32, #tpu.memory_space<hbm>>
      tpu.wait_indirect_dma semaphore(%arg17 : memref<!tpu.dma_semaphore, #tpu.memory_space<semaphore_mem>>) src(%dma_wait3A_253 : memref<10240x128xf32, #tpu.memory_space<hbm>>) dst(%arg12 : memref<64x128xf32, #tpu.memory_space<vmem>>)
      %dma_start3A_254 = arith.constant 0 : i32
      %dma_start3A_255 = arith.constant 0 : i32
      %dma_start3A_256 = tpu.memref_slice %arg13[%dma_start3A_254, %dma_start3A_255] : memref<10240x128xf32, #tpu.memory_space<vmem_shared>> -> memref<10240x128xf32, #tpu.memory_space<vmem_shared>>
      tpu.enqueue_indirect_dma source(%arg12 : memref<64x128xf32, #tpu.memory_space<vmem>>) target(%dma_start3A_256 : memref<10240x128xf32, #tpu.memory_space<vmem_shared>>) offsets(%arg8 : memref<64xi32, #tpu.memory_space<vmem>>) semaphore(%arg21 : memref<!tpu.dma_semaphore, #tpu.memory_space<semaphore_mem>>) {add = true}
      %dma_wait3A_257 = arith.constant 0 : i32
      %dma_wait3A_258 = arith.constant 0 : i32
      %dma_wait3A_259 = tpu.memref_slice %arg13[%dma_wait3A_257, %dma_wait3A_258] : memref<10240x128xf32, #tpu.memory_space<vmem_shared>> -> memref<10240x128xf32, #tpu.memory_space<vmem_shared>>
      tpu.wait_indirect_dma semaphore(%arg20 : memref<!tpu.dma_semaphore, #tpu.memory_space<semaphore_mem>>) src(%arg11 : memref<64x128xf32, #tpu.memory_space<vmem>>) dst(%dma_wait3A_259 : memref<10240x128xf32, #tpu.memory_space<vmem_shared>>)
      %dma_start3A_260 = arith.constant 10 : i32
      %dma_start3A_261 = arith.constant 0 : i32
      %dma_start3A_262 = tpu.memref_slice %arg6[%dma_start3A_260, %dma_start3A_261] : memref<16x64xi32, #tpu.memory_space<vmem>> -> memref<1x64xi32, #tpu.memory_space<vmem>>
      %dma_start3A_263 = tpu.memref_squeeze %dma_start3A_262 : memref<1x64xi32, #tpu.memory_space<vmem>> -> memref<64xi32, #tpu.memory_space<vmem>>
      %dma_start3A_264 = arith.constant 0 : i32
      %dma_start3A_265 = arith.constant 0 : i32
      %dma_start3A_266 = tpu.memref_slice %arg2[%dma_start3A_264, %dma_start3A_265] : memref<10240x128xf32, #tpu.memory_space<hbm>> -> memref<10240x128xf32, #tpu.memory_space<hbm>>
      tpu.enqueue_indirect_dma source(%dma_start3A_266 : memref<10240x128xf32, #tpu.memory_space<hbm>>) target(%arg11 : memref<64x128xf32, #tpu.memory_space<vmem>>) offsets(%dma_start3A_263 : memref<64xi32, #tpu.memory_space<vmem>>) semaphore(%arg16 : memref<!tpu.dma_semaphore, #tpu.memory_space<semaphore_mem>>)
      %mul3A_267 = arith.constant 16 : i32
      %mul3A_268 = arith.muli %scan3A_31, %mul3A_267 : i32
      %add3A_269 = arith.constant 8 : i32
      %add3A_270 = arith.addi %mul3A_268, %add3A_269 : i32
      %mul3A_271 = arith.constant 64 : i32
      %mul3A_272 = arith.muli %add3A_270, %mul3A_271 : i32
      %add3A_273 = arith.addi %mul3A_15, %mul3A_272 : i32
      "tpu.region"() ({
        %run_scoped3A = tpu.sem_alloc : memref<!tpu.dma_semaphore, #tpu.memory_space<semaphore_mem>>
        %dma_start3A_466 = tpu.memref_slice %arg4[%add3A_273] : memref<327680xi32, #tpu.memory_space<hbm>> -> memref<64xi32, #tpu.memory_space<hbm>>
        %dma_start3A_467 = tpu.memref_slice %arg4[%add3A_273] : memref<327680xi32, #tpu.memory_space<hbm>> -> memref<64xi32, #tpu.memory_space<hbm>>
        tpu.enqueue_dma source(%dma_start3A_467 : memref<64xi32, #tpu.memory_space<hbm>>) target(%arg7 : memref<64xi32, #tpu.memory_space<vmem>>) target_semaphore(%run_scoped3A : memref<!tpu.dma_semaphore, #tpu.memory_space<semaphore_mem>>)
        %dma_wait3A_468 = tpu.memref_slice %arg4[%add3A_273] : memref<327680xi32, #tpu.memory_space<hbm>> -> memref<64xi32, #tpu.memory_space<hbm>>
        %dma_wait3A_469 = tpu.memref_slice %arg4[%add3A_273] : memref<327680xi32, #tpu.memory_space<hbm>> -> memref<64xi32, #tpu.memory_space<hbm>>
        tpu.wait_dma2 semaphore(%run_scoped3A : memref<!tpu.dma_semaphore, #tpu.memory_space<semaphore_mem>>) src(%dma_wait3A_469 : memref<64xi32, #tpu.memory_space<hbm>>) dst(%arg7 : memref<64xi32, #tpu.memory_space<vmem>>)
        tpu.yield
      }) : () -> ()
      %dma_wait3A_274 = arith.constant 8 : i32
      %dma_wait3A_275 = arith.constant 0 : i32
      %dma_wait3A_276 = tpu.memref_slice %arg6[%dma_wait3A_274, %dma_wait3A_275] : memref<16x64xi32, #tpu.memory_space<vmem>> -> memref<1x64xi32, #tpu.memory_space<vmem>>
      %dma_wait3A_277 = tpu.memref_squeeze %dma_wait3A_276 : memref<1x64xi32, #tpu.memory_space<vmem>> -> memref<64xi32, #tpu.memory_space<vmem>>
      %dma_wait3A_278 = arith.constant 0 : i32
      %dma_wait3A_279 = arith.constant 0 : i32
      %dma_wait3A_280 = tpu.memref_slice %arg2[%dma_wait3A_278, %dma_wait3A_279] : memref<10240x128xf32, #tpu.memory_space<hbm>> -> memref<10240x128xf32, #tpu.memory_space<hbm>>
      tpu.wait_indirect_dma semaphore(%arg14 : memref<!tpu.dma_semaphore, #tpu.memory_space<semaphore_mem>>) src(%dma_wait3A_280 : memref<10240x128xf32, #tpu.memory_space<hbm>>) dst(%arg9 : memref<64x128xf32, #tpu.memory_space<vmem>>)
      %dma_start3A_281 = arith.constant 0 : i32
      %dma_start3A_282 = arith.constant 0 : i32
      %dma_start3A_283 = tpu.memref_slice %arg13[%dma_start3A_281, %dma_start3A_282] : memref<10240x128xf32, #tpu.memory_space<vmem_shared>> -> memref<10240x128xf32, #tpu.memory_space<vmem_shared>>
      tpu.enqueue_indirect_dma source(%arg9 : memref<64x128xf32, #tpu.memory_space<vmem>>) target(%dma_start3A_283 : memref<10240x128xf32, #tpu.memory_space<vmem_shared>>) offsets(%arg7 : memref<64xi32, #tpu.memory_space<vmem>>) semaphore(%arg18 : memref<!tpu.dma_semaphore, #tpu.memory_space<semaphore_mem>>) {add = true}
      %dma_wait3A_284 = arith.constant 0 : i32
      %dma_wait3A_285 = arith.constant 0 : i32
      %dma_wait3A_286 = tpu.memref_slice %arg13[%dma_wait3A_284, %dma_wait3A_285] : memref<10240x128xf32, #tpu.memory_space<vmem_shared>> -> memref<10240x128xf32, #tpu.memory_space<vmem_shared>>
      tpu.wait_indirect_dma semaphore(%arg21 : memref<!tpu.dma_semaphore, #tpu.memory_space<semaphore_mem>>) src(%arg12 : memref<64x128xf32, #tpu.memory_space<vmem>>) dst(%dma_wait3A_286 : memref<10240x128xf32, #tpu.memory_space<vmem_shared>>)
      %dma_start3A_287 = arith.constant 11 : i32
      %dma_start3A_288 = arith.constant 0 : i32
      %dma_start3A_289 = tpu.memref_slice %arg6[%dma_start3A_287, %dma_start3A_288] : memref<16x64xi32, #tpu.memory_space<vmem>> -> memref<1x64xi32, #tpu.memory_space<vmem>>
      %dma_start3A_290 = tpu.memref_squeeze %dma_start3A_289 : memref<1x64xi32, #tpu.memory_space<vmem>> -> memref<64xi32, #tpu.memory_space<vmem>>
      %dma_start3A_291 = arith.constant 0 : i32
      %dma_start3A_292 = arith.constant 0 : i32
      %dma_start3A_293 = tpu.memref_slice %arg2[%dma_start3A_291, %dma_start3A_292] : memref<10240x128xf32, #tpu.memory_space<hbm>> -> memref<10240x128xf32, #tpu.memory_space<hbm>>
      tpu.enqueue_indirect_dma source(%dma_start3A_293 : memref<10240x128xf32, #tpu.memory_space<hbm>>) target(%arg12 : memref<64x128xf32, #tpu.memory_space<vmem>>) offsets(%dma_start3A_290 : memref<64xi32, #tpu.memory_space<vmem>>) semaphore(%arg17 : memref<!tpu.dma_semaphore, #tpu.memory_space<semaphore_mem>>)
      %mul3A_294 = arith.constant 16 : i32
      %mul3A_295 = arith.muli %scan3A_31, %mul3A_294 : i32
      %add3A_296 = arith.constant 9 : i32
      %add3A_297 = arith.addi %mul3A_295, %add3A_296 : i32
      %mul3A_298 = arith.constant 64 : i32
      %mul3A_299 = arith.muli %add3A_297, %mul3A_298 : i32
      %add3A_300 = arith.addi %mul3A_15, %mul3A_299 : i32
      "tpu.region"() ({
        %run_scoped3A = tpu.sem_alloc : memref<!tpu.dma_semaphore, #tpu.memory_space<semaphore_mem>>
        %dma_start3A_466 = tpu.memref_slice %arg4[%add3A_300] : memref<327680xi32, #tpu.memory_space<hbm>> -> memref<64xi32, #tpu.memory_space<hbm>>
        %dma_start3A_467 = tpu.memref_slice %arg4[%add3A_300] : memref<327680xi32, #tpu.memory_space<hbm>> -> memref<64xi32, #tpu.memory_space<hbm>>
        tpu.enqueue_dma source(%dma_start3A_467 : memref<64xi32, #tpu.memory_space<hbm>>) target(%arg8 : memref<64xi32, #tpu.memory_space<vmem>>) target_semaphore(%run_scoped3A : memref<!tpu.dma_semaphore, #tpu.memory_space<semaphore_mem>>)
        %dma_wait3A_468 = tpu.memref_slice %arg4[%add3A_300] : memref<327680xi32, #tpu.memory_space<hbm>> -> memref<64xi32, #tpu.memory_space<hbm>>
        %dma_wait3A_469 = tpu.memref_slice %arg4[%add3A_300] : memref<327680xi32, #tpu.memory_space<hbm>> -> memref<64xi32, #tpu.memory_space<hbm>>
        tpu.wait_dma2 semaphore(%run_scoped3A : memref<!tpu.dma_semaphore, #tpu.memory_space<semaphore_mem>>) src(%dma_wait3A_469 : memref<64xi32, #tpu.memory_space<hbm>>) dst(%arg8 : memref<64xi32, #tpu.memory_space<vmem>>)
        tpu.yield
      }) : () -> ()
      %dma_wait3A_301 = arith.constant 9 : i32
      %dma_wait3A_302 = arith.constant 0 : i32
      %dma_wait3A_303 = tpu.memref_slice %arg6[%dma_wait3A_301, %dma_wait3A_302] : memref<16x64xi32, #tpu.memory_space<vmem>> -> memref<1x64xi32, #tpu.memory_space<vmem>>
      %dma_wait3A_304 = tpu.memref_squeeze %dma_wait3A_303 : memref<1x64xi32, #tpu.memory_space<vmem>> -> memref<64xi32, #tpu.memory_space<vmem>>
      %dma_wait3A_305 = arith.constant 0 : i32
      %dma_wait3A_306 = arith.constant 0 : i32
      %dma_wait3A_307 = tpu.memref_slice %arg2[%dma_wait3A_305, %dma_wait3A_306] : memref<10240x128xf32, #tpu.memory_space<hbm>> -> memref<10240x128xf32, #tpu.memory_space<hbm>>
      tpu.wait_indirect_dma semaphore(%arg15 : memref<!tpu.dma_semaphore, #tpu.memory_space<semaphore_mem>>) src(%dma_wait3A_307 : memref<10240x128xf32, #tpu.memory_space<hbm>>) dst(%arg10 : memref<64x128xf32, #tpu.memory_space<vmem>>)
      %dma_start3A_308 = arith.constant 0 : i32
      %dma_start3A_309 = arith.constant 0 : i32
      %dma_start3A_310 = tpu.memref_slice %arg13[%dma_start3A_308, %dma_start3A_309] : memref<10240x128xf32, #tpu.memory_space<vmem_shared>> -> memref<10240x128xf32, #tpu.memory_space<vmem_shared>>
      tpu.enqueue_indirect_dma source(%arg10 : memref<64x128xf32, #tpu.memory_space<vmem>>) target(%dma_start3A_310 : memref<10240x128xf32, #tpu.memory_space<vmem_shared>>) offsets(%arg8 : memref<64xi32, #tpu.memory_space<vmem>>) semaphore(%arg19 : memref<!tpu.dma_semaphore, #tpu.memory_space<semaphore_mem>>) {add = true}
      %dma_wait3A_311 = arith.constant 0 : i32
      %dma_wait3A_312 = arith.constant 0 : i32
      %dma_wait3A_313 = tpu.memref_slice %arg13[%dma_wait3A_311, %dma_wait3A_312] : memref<10240x128xf32, #tpu.memory_space<vmem_shared>> -> memref<10240x128xf32, #tpu.memory_space<vmem_shared>>
      tpu.wait_indirect_dma semaphore(%arg18 : memref<!tpu.dma_semaphore, #tpu.memory_space<semaphore_mem>>) src(%arg9 : memref<64x128xf32, #tpu.memory_space<vmem>>) dst(%dma_wait3A_313 : memref<10240x128xf32, #tpu.memory_space<vmem_shared>>)
      %dma_start3A_314 = arith.constant 12 : i32
      %dma_start3A_315 = arith.constant 0 : i32
      %dma_start3A_316 = tpu.memref_slice %arg6[%dma_start3A_314, %dma_start3A_315] : memref<16x64xi32, #tpu.memory_space<vmem>> -> memref<1x64xi32, #tpu.memory_space<vmem>>
      %dma_start3A_317 = tpu.memref_squeeze %dma_start3A_316 : memref<1x64xi32, #tpu.memory_space<vmem>> -> memref<64xi32, #tpu.memory_space<vmem>>
      %dma_start3A_318 = arith.constant 0 : i32
      %dma_start3A_319 = arith.constant 0 : i32
      %dma_start3A_320 = tpu.memref_slice %arg2[%dma_start3A_318, %dma_start3A_319] : memref<10240x128xf32, #tpu.memory_space<hbm>> -> memref<10240x128xf32, #tpu.memory_space<hbm>>
      tpu.enqueue_indirect_dma source(%dma_start3A_320 : memref<10240x128xf32, #tpu.memory_space<hbm>>) target(%arg9 : memref<64x128xf32, #tpu.memory_space<vmem>>) offsets(%dma_start3A_317 : memref<64xi32, #tpu.memory_space<vmem>>) semaphore(%arg14 : memref<!tpu.dma_semaphore, #tpu.memory_space<semaphore_mem>>)
      %mul3A_321 = arith.constant 16 : i32
      %mul3A_322 = arith.muli %scan3A_31, %mul3A_321 : i32
      %add3A_323 = arith.constant 10 : i32
      %add3A_324 = arith.addi %mul3A_322, %add3A_323 : i32
      %mul3A_325 = arith.constant 64 : i32
      %mul3A_326 = arith.muli %add3A_324, %mul3A_325 : i32
      %add3A_327 = arith.addi %mul3A_15, %mul3A_326 : i32
      "tpu.region"() ({
        %run_scoped3A = tpu.sem_alloc : memref<!tpu.dma_semaphore, #tpu.memory_space<semaphore_mem>>
        %dma_start3A_466 = tpu.memref_slice %arg4[%add3A_327] : memref<327680xi32, #tpu.memory_space<hbm>> -> memref<64xi32, #tpu.memory_space<hbm>>
        %dma_start3A_467 = tpu.memref_slice %arg4[%add3A_327] : memref<327680xi32, #tpu.memory_space<hbm>> -> memref<64xi32, #tpu.memory_space<hbm>>
        tpu.enqueue_dma source(%dma_start3A_467 : memref<64xi32, #tpu.memory_space<hbm>>) target(%arg7 : memref<64xi32, #tpu.memory_space<vmem>>) target_semaphore(%run_scoped3A : memref<!tpu.dma_semaphore, #tpu.memory_space<semaphore_mem>>)
        %dma_wait3A_468 = tpu.memref_slice %arg4[%add3A_327] : memref<327680xi32, #tpu.memory_space<hbm>> -> memref<64xi32, #tpu.memory_space<hbm>>
        %dma_wait3A_469 = tpu.memref_slice %arg4[%add3A_327] : memref<327680xi32, #tpu.memory_space<hbm>> -> memref<64xi32, #tpu.memory_space<hbm>>
        tpu.wait_dma2 semaphore(%run_scoped3A : memref<!tpu.dma_semaphore, #tpu.memory_space<semaphore_mem>>) src(%dma_wait3A_469 : memref<64xi32, #tpu.memory_space<hbm>>) dst(%arg7 : memref<64xi32, #tpu.memory_space<vmem>>)
        tpu.yield
      }) : () -> ()
      %dma_wait3A_328 = arith.constant 10 : i32
      %dma_wait3A_329 = arith.constant 0 : i32
      %dma_wait3A_330 = tpu.memref_slice %arg6[%dma_wait3A_328, %dma_wait3A_329] : memref<16x64xi32, #tpu.memory_space<vmem>> -> memref<1x64xi32, #tpu.memory_space<vmem>>
      %dma_wait3A_331 = tpu.memref_squeeze %dma_wait3A_330 : memref<1x64xi32, #tpu.memory_space<vmem>> -> memref<64xi32, #tpu.memory_space<vmem>>
      %dma_wait3A_332 = arith.constant 0 : i32
      %dma_wait3A_333 = arith.constant 0 : i32
      %dma_wait3A_334 = tpu.memref_slice %arg2[%dma_wait3A_332, %dma_wait3A_333] : memref<10240x128xf32, #tpu.memory_space<hbm>> -> memref<10240x128xf32, #tpu.memory_space<hbm>>
      tpu.wait_indirect_dma semaphore(%arg16 : memref<!tpu.dma_semaphore, #tpu.memory_space<semaphore_mem>>) src(%dma_wait3A_334 : memref<10240x128xf32, #tpu.memory_space<hbm>>) dst(%arg11 : memref<64x128xf32, #tpu.memory_space<vmem>>)
      %dma_start3A_335 = arith.constant 0 : i32
      %dma_start3A_336 = arith.constant 0 : i32
      %dma_start3A_337 = tpu.memref_slice %arg13[%dma_start3A_335, %dma_start3A_336] : memref<10240x128xf32, #tpu.memory_space<vmem_shared>> -> memref<10240x128xf32, #tpu.memory_space<vmem_shared>>
      tpu.enqueue_indirect_dma source(%arg11 : memref<64x128xf32, #tpu.memory_space<vmem>>) target(%dma_start3A_337 : memref<10240x128xf32, #tpu.memory_space<vmem_shared>>) offsets(%arg7 : memref<64xi32, #tpu.memory_space<vmem>>) semaphore(%arg20 : memref<!tpu.dma_semaphore, #tpu.memory_space<semaphore_mem>>) {add = true}
      %dma_wait3A_338 = arith.constant 0 : i32
      %dma_wait3A_339 = arith.constant 0 : i32
      %dma_wait3A_340 = tpu.memref_slice %arg13[%dma_wait3A_338, %dma_wait3A_339] : memref<10240x128xf32, #tpu.memory_space<vmem_shared>> -> memref<10240x128xf32, #tpu.memory_space<vmem_shared>>
      tpu.wait_indirect_dma semaphore(%arg19 : memref<!tpu.dma_semaphore, #tpu.memory_space<semaphore_mem>>) src(%arg10 : memref<64x128xf32, #tpu.memory_space<vmem>>) dst(%dma_wait3A_340 : memref<10240x128xf32, #tpu.memory_space<vmem_shared>>)
      %dma_start3A_341 = arith.constant 13 : i32
      %dma_start3A_342 = arith.constant 0 : i32
      %dma_start3A_343 = tpu.memref_slice %arg6[%dma_start3A_341, %dma_start3A_342] : memref<16x64xi32, #tpu.memory_space<vmem>> -> memref<1x64xi32, #tpu.memory_space<vmem>>
      %dma_start3A_344 = tpu.memref_squeeze %dma_start3A_343 : memref<1x64xi32, #tpu.memory_space<vmem>> -> memref<64xi32, #tpu.memory_space<vmem>>
      %dma_start3A_345 = arith.constant 0 : i32
      %dma_start3A_346 = arith.constant 0 : i32
      %dma_start3A_347 = tpu.memref_slice %arg2[%dma_start3A_345, %dma_start3A_346] : memref<10240x128xf32, #tpu.memory_space<hbm>> -> memref<10240x128xf32, #tpu.memory_space<hbm>>
      tpu.enqueue_indirect_dma source(%dma_start3A_347 : memref<10240x128xf32, #tpu.memory_space<hbm>>) target(%arg10 : memref<64x128xf32, #tpu.memory_space<vmem>>) offsets(%dma_start3A_344 : memref<64xi32, #tpu.memory_space<vmem>>) semaphore(%arg15 : memref<!tpu.dma_semaphore, #tpu.memory_space<semaphore_mem>>)
      %mul3A_348 = arith.constant 16 : i32
      %mul3A_349 = arith.muli %scan3A_31, %mul3A_348 : i32
      %add3A_350 = arith.constant 11 : i32
      %add3A_351 = arith.addi %mul3A_349, %add3A_350 : i32
      %mul3A_352 = arith.constant 64 : i32
      %mul3A_353 = arith.muli %add3A_351, %mul3A_352 : i32
      %add3A_354 = arith.addi %mul3A_15, %mul3A_353 : i32
      "tpu.region"() ({
        %run_scoped3A = tpu.sem_alloc : memref<!tpu.dma_semaphore, #tpu.memory_space<semaphore_mem>>
        %dma_start3A_466 = tpu.memref_slice %arg4[%add3A_354] : memref<327680xi32, #tpu.memory_space<hbm>> -> memref<64xi32, #tpu.memory_space<hbm>>
        %dma_start3A_467 = tpu.memref_slice %arg4[%add3A_354] : memref<327680xi32, #tpu.memory_space<hbm>> -> memref<64xi32, #tpu.memory_space<hbm>>
        tpu.enqueue_dma source(%dma_start3A_467 : memref<64xi32, #tpu.memory_space<hbm>>) target(%arg8 : memref<64xi32, #tpu.memory_space<vmem>>) target_semaphore(%run_scoped3A : memref<!tpu.dma_semaphore, #tpu.memory_space<semaphore_mem>>)
        %dma_wait3A_468 = tpu.memref_slice %arg4[%add3A_354] : memref<327680xi32, #tpu.memory_space<hbm>> -> memref<64xi32, #tpu.memory_space<hbm>>
        %dma_wait3A_469 = tpu.memref_slice %arg4[%add3A_354] : memref<327680xi32, #tpu.memory_space<hbm>> -> memref<64xi32, #tpu.memory_space<hbm>>
        tpu.wait_dma2 semaphore(%run_scoped3A : memref<!tpu.dma_semaphore, #tpu.memory_space<semaphore_mem>>) src(%dma_wait3A_469 : memref<64xi32, #tpu.memory_space<hbm>>) dst(%arg8 : memref<64xi32, #tpu.memory_space<vmem>>)
        tpu.yield
      }) : () -> ()
      %dma_wait3A_355 = arith.constant 11 : i32
      %dma_wait3A_356 = arith.constant 0 : i32
      %dma_wait3A_357 = tpu.memref_slice %arg6[%dma_wait3A_355, %dma_wait3A_356] : memref<16x64xi32, #tpu.memory_space<vmem>> -> memref<1x64xi32, #tpu.memory_space<vmem>>
      %dma_wait3A_358 = tpu.memref_squeeze %dma_wait3A_357 : memref<1x64xi32, #tpu.memory_space<vmem>> -> memref<64xi32, #tpu.memory_space<vmem>>
      %dma_wait3A_359 = arith.constant 0 : i32
      %dma_wait3A_360 = arith.constant 0 : i32
      %dma_wait3A_361 = tpu.memref_slice %arg2[%dma_wait3A_359, %dma_wait3A_360] : memref<10240x128xf32, #tpu.memory_space<hbm>> -> memref<10240x128xf32, #tpu.memory_space<hbm>>
      tpu.wait_indirect_dma semaphore(%arg17 : memref<!tpu.dma_semaphore, #tpu.memory_space<semaphore_mem>>) src(%dma_wait3A_361 : memref<10240x128xf32, #tpu.memory_space<hbm>>) dst(%arg12 : memref<64x128xf32, #tpu.memory_space<vmem>>)
      %dma_start3A_362 = arith.constant 0 : i32
      %dma_start3A_363 = arith.constant 0 : i32
      %dma_start3A_364 = tpu.memref_slice %arg13[%dma_start3A_362, %dma_start3A_363] : memref<10240x128xf32, #tpu.memory_space<vmem_shared>> -> memref<10240x128xf32, #tpu.memory_space<vmem_shared>>
      tpu.enqueue_indirect_dma source(%arg12 : memref<64x128xf32, #tpu.memory_space<vmem>>) target(%dma_start3A_364 : memref<10240x128xf32, #tpu.memory_space<vmem_shared>>) offsets(%arg8 : memref<64xi32, #tpu.memory_space<vmem>>) semaphore(%arg21 : memref<!tpu.dma_semaphore, #tpu.memory_space<semaphore_mem>>) {add = true}
      %dma_wait3A_365 = arith.constant 0 : i32
      %dma_wait3A_366 = arith.constant 0 : i32
      %dma_wait3A_367 = tpu.memref_slice %arg13[%dma_wait3A_365, %dma_wait3A_366] : memref<10240x128xf32, #tpu.memory_space<vmem_shared>> -> memref<10240x128xf32, #tpu.memory_space<vmem_shared>>
      tpu.wait_indirect_dma semaphore(%arg20 : memref<!tpu.dma_semaphore, #tpu.memory_space<semaphore_mem>>) src(%arg11 : memref<64x128xf32, #tpu.memory_space<vmem>>) dst(%dma_wait3A_367 : memref<10240x128xf32, #tpu.memory_space<vmem_shared>>)
      %dma_start3A_368 = arith.constant 14 : i32
      %dma_start3A_369 = arith.constant 0 : i32
      %dma_start3A_370 = tpu.memref_slice %arg6[%dma_start3A_368, %dma_start3A_369] : memref<16x64xi32, #tpu.memory_space<vmem>> -> memref<1x64xi32, #tpu.memory_space<vmem>>
      %dma_start3A_371 = tpu.memref_squeeze %dma_start3A_370 : memref<1x64xi32, #tpu.memory_space<vmem>> -> memref<64xi32, #tpu.memory_space<vmem>>
      %dma_start3A_372 = arith.constant 0 : i32
      %dma_start3A_373 = arith.constant 0 : i32
      %dma_start3A_374 = tpu.memref_slice %arg2[%dma_start3A_372, %dma_start3A_373] : memref<10240x128xf32, #tpu.memory_space<hbm>> -> memref<10240x128xf32, #tpu.memory_space<hbm>>
      tpu.enqueue_indirect_dma source(%dma_start3A_374 : memref<10240x128xf32, #tpu.memory_space<hbm>>) target(%arg11 : memref<64x128xf32, #tpu.memory_space<vmem>>) offsets(%dma_start3A_371 : memref<64xi32, #tpu.memory_space<vmem>>) semaphore(%arg16 : memref<!tpu.dma_semaphore, #tpu.memory_space<semaphore_mem>>)
      %mul3A_375 = arith.constant 16 : i32
      %mul3A_376 = arith.muli %scan3A_31, %mul3A_375 : i32
      %add3A_377 = arith.constant 12 : i32
      %add3A_378 = arith.addi %mul3A_376, %add3A_377 : i32
      %mul3A_379 = arith.constant 64 : i32
      %mul3A_380 = arith.muli %add3A_378, %mul3A_379 : i32
      %add3A_381 = arith.addi %mul3A_15, %mul3A_380 : i32
      "tpu.region"() ({
        %run_scoped3A = tpu.sem_alloc : memref<!tpu.dma_semaphore, #tpu.memory_space<semaphore_mem>>
        %dma_start3A_466 = tpu.memref_slice %arg4[%add3A_381] : memref<327680xi32, #tpu.memory_space<hbm>> -> memref<64xi32, #tpu.memory_space<hbm>>
        %dma_start3A_467 = tpu.memref_slice %arg4[%add3A_381] : memref<327680xi32, #tpu.memory_space<hbm>> -> memref<64xi32, #tpu.memory_space<hbm>>
        tpu.enqueue_dma source(%dma_start3A_467 : memref<64xi32, #tpu.memory_space<hbm>>) target(%arg7 : memref<64xi32, #tpu.memory_space<vmem>>) target_semaphore(%run_scoped3A : memref<!tpu.dma_semaphore, #tpu.memory_space<semaphore_mem>>)
        %dma_wait3A_468 = tpu.memref_slice %arg4[%add3A_381] : memref<327680xi32, #tpu.memory_space<hbm>> -> memref<64xi32, #tpu.memory_space<hbm>>
        %dma_wait3A_469 = tpu.memref_slice %arg4[%add3A_381] : memref<327680xi32, #tpu.memory_space<hbm>> -> memref<64xi32, #tpu.memory_space<hbm>>
        tpu.wait_dma2 semaphore(%run_scoped3A : memref<!tpu.dma_semaphore, #tpu.memory_space<semaphore_mem>>) src(%dma_wait3A_469 : memref<64xi32, #tpu.memory_space<hbm>>) dst(%arg7 : memref<64xi32, #tpu.memory_space<vmem>>)
        tpu.yield
      }) : () -> ()
      %dma_wait3A_382 = arith.constant 12 : i32
      %dma_wait3A_383 = arith.constant 0 : i32
      %dma_wait3A_384 = tpu.memref_slice %arg6[%dma_wait3A_382, %dma_wait3A_383] : memref<16x64xi32, #tpu.memory_space<vmem>> -> memref<1x64xi32, #tpu.memory_space<vmem>>
      %dma_wait3A_385 = tpu.memref_squeeze %dma_wait3A_384 : memref<1x64xi32, #tpu.memory_space<vmem>> -> memref<64xi32, #tpu.memory_space<vmem>>
      %dma_wait3A_386 = arith.constant 0 : i32
      %dma_wait3A_387 = arith.constant 0 : i32
      %dma_wait3A_388 = tpu.memref_slice %arg2[%dma_wait3A_386, %dma_wait3A_387] : memref<10240x128xf32, #tpu.memory_space<hbm>> -> memref<10240x128xf32, #tpu.memory_space<hbm>>
      tpu.wait_indirect_dma semaphore(%arg14 : memref<!tpu.dma_semaphore, #tpu.memory_space<semaphore_mem>>) src(%dma_wait3A_388 : memref<10240x128xf32, #tpu.memory_space<hbm>>) dst(%arg9 : memref<64x128xf32, #tpu.memory_space<vmem>>)
      %dma_start3A_389 = arith.constant 0 : i32
      %dma_start3A_390 = arith.constant 0 : i32
      %dma_start3A_391 = tpu.memref_slice %arg13[%dma_start3A_389, %dma_start3A_390] : memref<10240x128xf32, #tpu.memory_space<vmem_shared>> -> memref<10240x128xf32, #tpu.memory_space<vmem_shared>>
      tpu.enqueue_indirect_dma source(%arg9 : memref<64x128xf32, #tpu.memory_space<vmem>>) target(%dma_start3A_391 : memref<10240x128xf32, #tpu.memory_space<vmem_shared>>) offsets(%arg7 : memref<64xi32, #tpu.memory_space<vmem>>) semaphore(%arg18 : memref<!tpu.dma_semaphore, #tpu.memory_space<semaphore_mem>>) {add = true}
      %dma_wait3A_392 = arith.constant 0 : i32
      %dma_wait3A_393 = arith.constant 0 : i32
      %dma_wait3A_394 = tpu.memref_slice %arg13[%dma_wait3A_392, %dma_wait3A_393] : memref<10240x128xf32, #tpu.memory_space<vmem_shared>> -> memref<10240x128xf32, #tpu.memory_space<vmem_shared>>
      tpu.wait_indirect_dma semaphore(%arg21 : memref<!tpu.dma_semaphore, #tpu.memory_space<semaphore_mem>>) src(%arg12 : memref<64x128xf32, #tpu.memory_space<vmem>>) dst(%dma_wait3A_394 : memref<10240x128xf32, #tpu.memory_space<vmem_shared>>)
      %dma_start3A_395 = arith.constant 15 : i32
      %dma_start3A_396 = arith.constant 0 : i32
      %dma_start3A_397 = tpu.memref_slice %arg6[%dma_start3A_395, %dma_start3A_396] : memref<16x64xi32, #tpu.memory_space<vmem>> -> memref<1x64xi32, #tpu.memory_space<vmem>>
      %dma_start3A_398 = tpu.memref_squeeze %dma_start3A_397 : memref<1x64xi32, #tpu.memory_space<vmem>> -> memref<64xi32, #tpu.memory_space<vmem>>
      %dma_start3A_399 = arith.constant 0 : i32
      %dma_start3A_400 = arith.constant 0 : i32
      %dma_start3A_401 = tpu.memref_slice %arg2[%dma_start3A_399, %dma_start3A_400] : memref<10240x128xf32, #tpu.memory_space<hbm>> -> memref<10240x128xf32, #tpu.memory_space<hbm>>
      tpu.enqueue_indirect_dma source(%dma_start3A_401 : memref<10240x128xf32, #tpu.memory_space<hbm>>) target(%arg12 : memref<64x128xf32, #tpu.memory_space<vmem>>) offsets(%dma_start3A_398 : memref<64xi32, #tpu.memory_space<vmem>>) semaphore(%arg17 : memref<!tpu.dma_semaphore, #tpu.memory_space<semaphore_mem>>)
      %mul3A_402 = arith.constant 16 : i32
      %mul3A_403 = arith.muli %scan3A_31, %mul3A_402 : i32
      %add3A_404 = arith.constant 13 : i32
      %add3A_405 = arith.addi %mul3A_403, %add3A_404 : i32
      %mul3A_406 = arith.constant 64 : i32
      %mul3A_407 = arith.muli %add3A_405, %mul3A_406 : i32
      %add3A_408 = arith.addi %mul3A_15, %mul3A_407 : i32
      "tpu.region"() ({
        %run_scoped3A = tpu.sem_alloc : memref<!tpu.dma_semaphore, #tpu.memory_space<semaphore_mem>>
        %dma_start3A_466 = tpu.memref_slice %arg4[%add3A_408] : memref<327680xi32, #tpu.memory_space<hbm>> -> memref<64xi32, #tpu.memory_space<hbm>>
        %dma_start3A_467 = tpu.memref_slice %arg4[%add3A_408] : memref<327680xi32, #tpu.memory_space<hbm>> -> memref<64xi32, #tpu.memory_space<hbm>>
        tpu.enqueue_dma source(%dma_start3A_467 : memref<64xi32, #tpu.memory_space<hbm>>) target(%arg8 : memref<64xi32, #tpu.memory_space<vmem>>) target_semaphore(%run_scoped3A : memref<!tpu.dma_semaphore, #tpu.memory_space<semaphore_mem>>)
        %dma_wait3A_468 = tpu.memref_slice %arg4[%add3A_408] : memref<327680xi32, #tpu.memory_space<hbm>> -> memref<64xi32, #tpu.memory_space<hbm>>
        %dma_wait3A_469 = tpu.memref_slice %arg4[%add3A_408] : memref<327680xi32, #tpu.memory_space<hbm>> -> memref<64xi32, #tpu.memory_space<hbm>>
        tpu.wait_dma2 semaphore(%run_scoped3A : memref<!tpu.dma_semaphore, #tpu.memory_space<semaphore_mem>>) src(%dma_wait3A_469 : memref<64xi32, #tpu.memory_space<hbm>>) dst(%arg8 : memref<64xi32, #tpu.memory_space<vmem>>)
        tpu.yield
      }) : () -> ()
      %dma_wait3A_409 = arith.constant 13 : i32
      %dma_wait3A_410 = arith.constant 0 : i32
      %dma_wait3A_411 = tpu.memref_slice %arg6[%dma_wait3A_409, %dma_wait3A_410] : memref<16x64xi32, #tpu.memory_space<vmem>> -> memref<1x64xi32, #tpu.memory_space<vmem>>
      %dma_wait3A_412 = tpu.memref_squeeze %dma_wait3A_411 : memref<1x64xi32, #tpu.memory_space<vmem>> -> memref<64xi32, #tpu.memory_space<vmem>>
      %dma_wait3A_413 = arith.constant 0 : i32
      %dma_wait3A_414 = arith.constant 0 : i32
      %dma_wait3A_415 = tpu.memref_slice %arg2[%dma_wait3A_413, %dma_wait3A_414] : memref<10240x128xf32, #tpu.memory_space<hbm>> -> memref<10240x128xf32, #tpu.memory_space<hbm>>
      tpu.wait_indirect_dma semaphore(%arg15 : memref<!tpu.dma_semaphore, #tpu.memory_space<semaphore_mem>>) src(%dma_wait3A_415 : memref<10240x128xf32, #tpu.memory_space<hbm>>) dst(%arg10 : memref<64x128xf32, #tpu.memory_space<vmem>>)
      %dma_start3A_416 = arith.constant 0 : i32
      %dma_start3A_417 = arith.constant 0 : i32
      %dma_start3A_418 = tpu.memref_slice %arg13[%dma_start3A_416, %dma_start3A_417] : memref<10240x128xf32, #tpu.memory_space<vmem_shared>> -> memref<10240x128xf32, #tpu.memory_space<vmem_shared>>
      tpu.enqueue_indirect_dma source(%arg10 : memref<64x128xf32, #tpu.memory_space<vmem>>) target(%dma_start3A_418 : memref<10240x128xf32, #tpu.memory_space<vmem_shared>>) offsets(%arg8 : memref<64xi32, #tpu.memory_space<vmem>>) semaphore(%arg19 : memref<!tpu.dma_semaphore, #tpu.memory_space<semaphore_mem>>) {add = true}
      %dma_wait3A_419 = arith.constant 0 : i32
      %dma_wait3A_420 = arith.constant 0 : i32
      %dma_wait3A_421 = tpu.memref_slice %arg13[%dma_wait3A_419, %dma_wait3A_420] : memref<10240x128xf32, #tpu.memory_space<vmem_shared>> -> memref<10240x128xf32, #tpu.memory_space<vmem_shared>>
      tpu.wait_indirect_dma semaphore(%arg18 : memref<!tpu.dma_semaphore, #tpu.memory_space<semaphore_mem>>) src(%arg9 : memref<64x128xf32, #tpu.memory_space<vmem>>) dst(%dma_wait3A_421 : memref<10240x128xf32, #tpu.memory_space<vmem_shared>>)
      %mul3A_422 = arith.constant 16 : i32
      %mul3A_423 = arith.muli %scan3A_31, %mul3A_422 : i32
      %add3A_424 = arith.constant 14 : i32
      %add3A_425 = arith.addi %mul3A_423, %add3A_424 : i32
      %mul3A_426 = arith.constant 64 : i32
      %mul3A_427 = arith.muli %add3A_425, %mul3A_426 : i32
      %add3A_428 = arith.addi %mul3A_15, %mul3A_427 : i32
      "tpu.region"() ({
        %run_scoped3A = tpu.sem_alloc : memref<!tpu.dma_semaphore, #tpu.memory_space<semaphore_mem>>
        %dma_start3A_466 = tpu.memref_slice %arg4[%add3A_428] : memref<327680xi32, #tpu.memory_space<hbm>> -> memref<64xi32, #tpu.memory_space<hbm>>
        %dma_start3A_467 = tpu.memref_slice %arg4[%add3A_428] : memref<327680xi32, #tpu.memory_space<hbm>> -> memref<64xi32, #tpu.memory_space<hbm>>
        tpu.enqueue_dma source(%dma_start3A_467 : memref<64xi32, #tpu.memory_space<hbm>>) target(%arg7 : memref<64xi32, #tpu.memory_space<vmem>>) target_semaphore(%run_scoped3A : memref<!tpu.dma_semaphore, #tpu.memory_space<semaphore_mem>>)
        %dma_wait3A_468 = tpu.memref_slice %arg4[%add3A_428] : memref<327680xi32, #tpu.memory_space<hbm>> -> memref<64xi32, #tpu.memory_space<hbm>>
        %dma_wait3A_469 = tpu.memref_slice %arg4[%add3A_428] : memref<327680xi32, #tpu.memory_space<hbm>> -> memref<64xi32, #tpu.memory_space<hbm>>
        tpu.wait_dma2 semaphore(%run_scoped3A : memref<!tpu.dma_semaphore, #tpu.memory_space<semaphore_mem>>) src(%dma_wait3A_469 : memref<64xi32, #tpu.memory_space<hbm>>) dst(%arg7 : memref<64xi32, #tpu.memory_space<vmem>>)
        tpu.yield
      }) : () -> ()
      %dma_wait3A_429 = arith.constant 14 : i32
      %dma_wait3A_430 = arith.constant 0 : i32
      %dma_wait3A_431 = tpu.memref_slice %arg6[%dma_wait3A_429, %dma_wait3A_430] : memref<16x64xi32, #tpu.memory_space<vmem>> -> memref<1x64xi32, #tpu.memory_space<vmem>>
      %dma_wait3A_432 = tpu.memref_squeeze %dma_wait3A_431 : memref<1x64xi32, #tpu.memory_space<vmem>> -> memref<64xi32, #tpu.memory_space<vmem>>
      %dma_wait3A_433 = arith.constant 0 : i32
      %dma_wait3A_434 = arith.constant 0 : i32
      %dma_wait3A_435 = tpu.memref_slice %arg2[%dma_wait3A_433, %dma_wait3A_434] : memref<10240x128xf32, #tpu.memory_space<hbm>> -> memref<10240x128xf32, #tpu.memory_space<hbm>>
      tpu.wait_indirect_dma semaphore(%arg16 : memref<!tpu.dma_semaphore, #tpu.memory_space<semaphore_mem>>) src(%dma_wait3A_435 : memref<10240x128xf32, #tpu.memory_space<hbm>>) dst(%arg11 : memref<64x128xf32, #tpu.memory_space<vmem>>)
      %dma_start3A_436 = arith.constant 0 : i32
      %dma_start3A_437 = arith.constant 0 : i32
      %dma_start3A_438 = tpu.memref_slice %arg13[%dma_start3A_436, %dma_start3A_437] : memref<10240x128xf32, #tpu.memory_space<vmem_shared>> -> memref<10240x128xf32, #tpu.memory_space<vmem_shared>>
      tpu.enqueue_indirect_dma source(%arg11 : memref<64x128xf32, #tpu.memory_space<vmem>>) target(%dma_start3A_438 : memref<10240x128xf32, #tpu.memory_space<vmem_shared>>) offsets(%arg7 : memref<64xi32, #tpu.memory_space<vmem>>) semaphore(%arg20 : memref<!tpu.dma_semaphore, #tpu.memory_space<semaphore_mem>>) {add = true}
      %dma_wait3A_439 = arith.constant 0 : i32
      %dma_wait3A_440 = arith.constant 0 : i32
      %dma_wait3A_441 = tpu.memref_slice %arg13[%dma_wait3A_439, %dma_wait3A_440] : memref<10240x128xf32, #tpu.memory_space<vmem_shared>> -> memref<10240x128xf32, #tpu.memory_space<vmem_shared>>
      tpu.wait_indirect_dma semaphore(%arg19 : memref<!tpu.dma_semaphore, #tpu.memory_space<semaphore_mem>>) src(%arg10 : memref<64x128xf32, #tpu.memory_space<vmem>>) dst(%dma_wait3A_441 : memref<10240x128xf32, #tpu.memory_space<vmem_shared>>)
      %mul3A_442 = arith.constant 16 : i32
      %mul3A_443 = arith.muli %scan3A_31, %mul3A_442 : i32
      %add3A_444 = arith.constant 15 : i32
      %add3A_445 = arith.addi %mul3A_443, %add3A_444 : i32
      %mul3A_446 = arith.constant 64 : i32
      %mul3A_447 = arith.muli %add3A_445, %mul3A_446 : i32
      %add3A_448 = arith.addi %mul3A_15, %mul3A_447 : i32
      "tpu.region"() ({
        %run_scoped3A = tpu.sem_alloc : memref<!tpu.dma_semaphore, #tpu.memory_space<semaphore_mem>>
        %dma_start3A_466 = tpu.memref_slice %arg4[%add3A_448] : memref<327680xi32, #tpu.memory_space<hbm>> -> memref<64xi32, #tpu.memory_space<hbm>>
        %dma_start3A_467 = tpu.memref_slice %arg4[%add3A_448] : memref<327680xi32, #tpu.memory_space<hbm>> -> memref<64xi32, #tpu.memory_space<hbm>>
        tpu.enqueue_dma source(%dma_start3A_467 : memref<64xi32, #tpu.memory_space<hbm>>) target(%arg8 : memref<64xi32, #tpu.memory_space<vmem>>) target_semaphore(%run_scoped3A : memref<!tpu.dma_semaphore, #tpu.memory_space<semaphore_mem>>)
        %dma_wait3A_468 = tpu.memref_slice %arg4[%add3A_448] : memref<327680xi32, #tpu.memory_space<hbm>> -> memref<64xi32, #tpu.memory_space<hbm>>
        %dma_wait3A_469 = tpu.memref_slice %arg4[%add3A_448] : memref<327680xi32, #tpu.memory_space<hbm>> -> memref<64xi32, #tpu.memory_space<hbm>>
        tpu.wait_dma2 semaphore(%run_scoped3A : memref<!tpu.dma_semaphore, #tpu.memory_space<semaphore_mem>>) src(%dma_wait3A_469 : memref<64xi32, #tpu.memory_space<hbm>>) dst(%arg8 : memref<64xi32, #tpu.memory_space<vmem>>)
        tpu.yield
      }) : () -> ()
      %dma_wait3A_449 = arith.constant 15 : i32
      %dma_wait3A_450 = arith.constant 0 : i32
      %dma_wait3A_451 = tpu.memref_slice %arg6[%dma_wait3A_449, %dma_wait3A_450] : memref<16x64xi32, #tpu.memory_space<vmem>> -> memref<1x64xi32, #tpu.memory_space<vmem>>
      %dma_wait3A_452 = tpu.memref_squeeze %dma_wait3A_451 : memref<1x64xi32, #tpu.memory_space<vmem>> -> memref<64xi32, #tpu.memory_space<vmem>>
      %dma_wait3A_453 = arith.constant 0 : i32
      %dma_wait3A_454 = arith.constant 0 : i32
      %dma_wait3A_455 = tpu.memref_slice %arg2[%dma_wait3A_453, %dma_wait3A_454] : memref<10240x128xf32, #tpu.memory_space<hbm>> -> memref<10240x128xf32, #tpu.memory_space<hbm>>
      tpu.wait_indirect_dma semaphore(%arg17 : memref<!tpu.dma_semaphore, #tpu.memory_space<semaphore_mem>>) src(%dma_wait3A_455 : memref<10240x128xf32, #tpu.memory_space<hbm>>) dst(%arg12 : memref<64x128xf32, #tpu.memory_space<vmem>>)
      %dma_start3A_456 = arith.constant 0 : i32
      %dma_start3A_457 = arith.constant 0 : i32
      %dma_start3A_458 = tpu.memref_slice %arg13[%dma_start3A_456, %dma_start3A_457] : memref<10240x128xf32, #tpu.memory_space<vmem_shared>> -> memref<10240x128xf32, #tpu.memory_space<vmem_shared>>
      tpu.enqueue_indirect_dma source(%arg12 : memref<64x128xf32, #tpu.memory_space<vmem>>) target(%dma_start3A_458 : memref<10240x128xf32, #tpu.memory_space<vmem_shared>>) offsets(%arg8 : memref<64xi32, #tpu.memory_space<vmem>>) semaphore(%arg21 : memref<!tpu.dma_semaphore, #tpu.memory_space<semaphore_mem>>) {add = true}
      %dma_wait3A_459 = arith.constant 0 : i32
      %dma_wait3A_460 = arith.constant 0 : i32
      %dma_wait3A_461 = tpu.memref_slice %arg13[%dma_wait3A_459, %dma_wait3A_460] : memref<10240x128xf32, #tpu.memory_space<vmem_shared>> -> memref<10240x128xf32, #tpu.memory_space<vmem_shared>>
      tpu.wait_indirect_dma semaphore(%arg20 : memref<!tpu.dma_semaphore, #tpu.memory_space<semaphore_mem>>) src(%arg11 : memref<64x128xf32, #tpu.memory_space<vmem>>) dst(%dma_wait3A_461 : memref<10240x128xf32, #tpu.memory_space<vmem_shared>>)
      %dma_wait3A_462 = arith.constant 0 : i32
      %dma_wait3A_463 = arith.constant 0 : i32
      %dma_wait3A_464 = tpu.memref_slice %arg13[%dma_wait3A_462, %dma_wait3A_463] : memref<10240x128xf32, #tpu.memory_space<vmem_shared>> -> memref<10240x128xf32, #tpu.memory_space<vmem_shared>>
      tpu.wait_indirect_dma semaphore(%arg21 : memref<!tpu.dma_semaphore, #tpu.memory_space<semaphore_mem>>) src(%arg12 : memref<64x128xf32, #tpu.memory_space<vmem>>) dst(%dma_wait3A_464 : memref<10240x128xf32, #tpu.memory_space<vmem_shared>>)
      %scan3A_465 = arith.constant 0 : i32
      scf.yield %scan3A_465 : i32
    }
    %scan3A_22 = arith.constant 10 : i32
    %barrier3A_23 = arith.constant 0 : index
    tpu.barrier barrier_id(%barrier3A_23)
    %scan3A_24 = arith.constant 0 : i32
    %scan3A_25 = arith.constant 0 : i32
    %scan3A_26 = arith.constant 10 : i32
    %scan3A_27 = arith.addi %scan3A_25, %scan3A_26 : i32
    %scan3A_28 = arith.constant 1 : i32
    %scan3A_29 = scf.for %scan3A_31 = %scan3A_25 to %scan3A_27 step %scan3A_28 iter_args(%scan3A_32 = %scan3A_24) -> (i32)  : i32 {
      %mul3A_33 = arith.constant 640 : i32
      %mul3A_34 = arith.muli %arg1, %mul3A_33 : i32
      %mul3A_35 = arith.constant 64 : i32
      %mul3A_36 = arith.muli %scan3A_31, %mul3A_35 : i32
      %add3A_37 = arith.addi %mul3A_34, %mul3A_36 : i32
      %mul3A_38 = arith.constant 640 : i32
      %mul3A_39 = arith.muli %arg1, %mul3A_38 : i32
      %mul3A_40 = arith.constant 64 : i32
      %mul3A_41 = arith.muli %scan3A_31, %mul3A_40 : i32
      %add3A_42 = arith.addi %mul3A_39, %mul3A_41 : i32
      "tpu.region"() ({
        %run_scoped3A = tpu.sem_alloc : memref<!tpu.dma_semaphore, #tpu.memory_space<semaphore_mem>>
        %dma_start3A = arith.constant 0 : i32
        %dma_start3A_44 = tpu.memref_slice %arg5[%arg0, %add3A_42, %dma_start3A] : memref<2x10240x128xf32, #tpu.memory_space<hbm>> -> memref<1x64x128xf32, #tpu.memory_space<hbm>>
        %dma_start3A_45 = tpu.memref_squeeze %dma_start3A_44 : memref<1x64x128xf32, #tpu.memory_space<hbm>> -> memref<64x128xf32, #tpu.memory_space<hbm>>
        %dma_start3A_46 = arith.constant 0 : i32
        %dma_start3A_47 = tpu.memref_slice %arg13[%add3A_37, %dma_start3A_46] : memref<10240x128xf32, #tpu.memory_space<vmem_shared>> -> memref<64x128xf32, #tpu.memory_space<vmem_shared>>
        tpu.enqueue_dma source(%dma_start3A_47 : memref<64x128xf32, #tpu.memory_space<vmem_shared>>) target(%dma_start3A_45 : memref<64x128xf32, #tpu.memory_space<hbm>>) target_semaphore(%run_scoped3A : memref<!tpu.dma_semaphore, #tpu.memory_space<semaphore_mem>>)
        %dma_wait3A = arith.constant 0 : i32
        %dma_wait3A_48 = tpu.memref_slice %arg5[%arg0, %add3A_42, %dma_wait3A] : memref<2x10240x128xf32, #tpu.memory_space<hbm>> -> memref<1x64x128xf32, #tpu.memory_space<hbm>>
        %dma_wait3A_49 = tpu.memref_squeeze %dma_wait3A_48 : memref<1x64x128xf32, #tpu.memory_space<hbm>> -> memref<64x128xf32, #tpu.memory_space<hbm>>
        %dma_wait3A_50 = arith.constant 0 : i32
        %dma_wait3A_51 = tpu.memref_slice %arg13[%add3A_37, %dma_wait3A_50] : memref<10240x128xf32, #tpu.memory_space<vmem_shared>> -> memref<64x128xf32, #tpu.memory_space<vmem_shared>>
        tpu.wait_dma2 semaphore(%run_scoped3A : memref<!tpu.dma_semaphore, #tpu.memory_space<semaphore_mem>>) src(%dma_wait3A_51 : memref<64x128xf32, #tpu.memory_space<vmem_shared>>) dst(%dma_wait3A_49 : memref<64x128xf32, #tpu.memory_space<hbm>>)
        tpu.yield
      }) : () -> ()
      %scan3A_43 = arith.constant 0 : i32
      scf.yield %scan3A_43 : i32
    }
    %scan3A_30 = arith.constant 10 : i32
    return
  }
}

#map = affine_map<(d0, d1) -> (0, 0)>
#map1 = affine_map<(d0, d1) -> (0, 0, 0)>
#map2 = affine_map<(d0, d1) -> (0)>
module attributes {stable_mosaic.version = 14 : i64} {
  func.func @scat_kernel(%arg0: i32, %arg1: i32, %arg2: memref<10240x128xf32, #tpu.memory_space<hbm>>, %arg3: memref<32x160x64xi32, #tpu.memory_space<hbm>>, %arg4: memref<327680xi32, #tpu.memory_space<hbm>>, %arg5: memref<2x10240x128xf32, #tpu.memory_space<hbm>>, %arg6: memref<16x64xi32, #tpu.memory_space<vmem>>, %arg7: memref<64xi32, #tpu.memory_space<vmem>>, %arg8: memref<64xi32, #tpu.memory_space<vmem>>, %arg9: memref<64x128xf32, #tpu.memory_space<vmem>>, %arg10: memref<64x128xf32, #tpu.memory_space<vmem>>, %arg11: memref<64x128xf32, #tpu.memory_space<vmem>>, %arg12: memref<64x128xf32, #tpu.memory_space<vmem>>, %arg13: memref<10240x128xf32, #tpu.memory_space<vmem_shared>>, %arg14: memref<!tpu.dma_semaphore, #tpu.memory_space<semaphore_mem>>, %arg15: memref<!tpu.dma_semaphore, #tpu.memory_space<semaphore_mem>>, %arg16: memref<!tpu.dma_semaphore, #tpu.memory_space<semaphore_mem>>, %arg17: memref<!tpu.dma_semaphore, #tpu.memory_space<semaphore_mem>>, %arg18: memref<!tpu.dma_semaphore, #tpu.memory_space<semaphore_mem>>, %arg19: memref<!tpu.dma_semaphore, #tpu.memory_space<semaphore_mem>>, %arg20: memref<!tpu.dma_semaphore, #tpu.memory_space<semaphore_mem>>, %arg21: memref<!tpu.dma_semaphore, #tpu.memory_space<semaphore_mem>>) attributes {dimension_semantics = [#tpu.dimension_semantics<core_parallel>, #tpu.dimension_semantics<subcore_parallel>], iteration_bounds = array<i64: 2, 16>, scalar_prefetch = 0 : i64, scratch_operands = 16 : i64, tpu.core_type = #tpu.core_type<sc_vector_subcore>, window_params = [{transform_indices = #map}, {transform_indices = #map1}, {transform_indices = #map2}, {transform_indices = #map1}]} {
    %mul3A = arith.constant 2 : i32
    %mul3A_0 = arith.muli %arg1, %mul3A : i32
    %add3A = arith.addi %mul3A_0, %arg0 : i32
    %scan3A = arith.constant 0 : i32
    %scan3A_1 = arith.constant 0 : i32
    %scan3A_2 = arith.constant 512 : i32
    %scan3A_3 = arith.addi %scan3A_1, %scan3A_2 : i32
    %scan3A_4 = arith.constant 1 : i32
    %scan3A_5 = scf.for %scan3A_31 = %scan3A_1 to %scan3A_3 step %scan3A_4 iter_args(%scan3A_32 = %scan3A) -> (i32)  : i32 {
      %broadcast_in_dim3A = arith.constant 0.000000e+00 : f32
      %broadcast_in_dim3A_33 = vector.broadcast %broadcast_in_dim3A : f32 to vector<16xf32>
      %jit3A = arith.constant 8 : i32
      %div3A = arith.divsi %scan3A_31, %jit3A : i32
      %sign3A = arith.constant 0 : i32
      %sign3A_34 = arith.cmpi sgt, %scan3A_31, %sign3A : i32
      %sign3A_35 = arith.extui %sign3A_34 : i1 to i32
      %sign3A_36 = arith.constant 0 : i32
      %sign3A_37 = arith.cmpi slt, %scan3A_31, %sign3A_36 : i32
      %sign3A_38 = arith.extui %sign3A_37 : i1 to i32
      %sign3A_39 = arith.subi %sign3A_35, %sign3A_38 : i32
      %sign3A_40 = arith.constant 0 : i32
      %sign3A_41 = arith.cmpi sgt, %jit3A, %sign3A_40 : i32
      %sign3A_42 = arith.extui %sign3A_41 : i1 to i32
      %sign3A_43 = arith.constant 0 : i32
      %sign3A_44 = arith.cmpi slt, %jit3A, %sign3A_43 : i32
      %sign3A_45 = arith.extui %sign3A_44 : i1 to i32
      %sign3A_46 = arith.subi %sign3A_42, %sign3A_45 : i32
      %ne3A = arith.cmpi ne, %sign3A_39, %sign3A_46 : i32
      %rem3A = arith.remsi %scan3A_31, %jit3A : i32
      %ne3A_47 = arith.constant 0 : i32
      %ne3A_48 = arith.cmpi ne, %rem3A, %ne3A_47 : i32
      %and3A = arith.andi %ne3A, %ne3A_48 : i1
      %sub3A = arith.constant 1 : i32
      %sub3A_49 = arith.subi %div3A, %sub3A : i32
      %select_n3A = arith.select %and3A, %sub3A_49, %div3A : i32
      %jit3A_50 = arith.constant 8 : i32
      %eq3A = arith.constant 0 : i32
      %eq3A_51 = arith.cmpi eq, %jit3A_50, %eq3A : i32
      %jit3A_52 = arith.constant 1 : i32
      %select_n3A_53 = arith.select %eq3A_51, %jit3A_52, %jit3A_50 : i32
      %rem3A_54 = arith.remsi %scan3A_31, %select_n3A_53 : i32
      %ne3A_55 = arith.constant 0 : i32
      %ne3A_56 = arith.cmpi ne, %rem3A_54, %ne3A_55 : i32
      %lt3A = arith.constant 0 : i32
      %lt3A_57 = arith.cmpi slt, %rem3A_54, %lt3A : i32
      %lt3A_58 = arith.constant 0 : i32
      %lt3A_59 = arith.cmpi slt, %select_n3A_53, %lt3A_58 : i32
      %ne3A_60 = arith.xori %lt3A_57, %lt3A_59 : i1
      %and3A_61 = arith.andi %ne3A_60, %ne3A_56 : i1
      %add3A_62 = arith.addi %rem3A_54, %select_n3A_53 : i32
      %select_n3A_63 = arith.select %and3A_61, %add3A_62, %rem3A_54 : i32
      %mul3A_64 = arith.constant 16 : i32
      %mul3A_65 = arith.muli %select_n3A_63, %mul3A_64 : i32
      %swap3A = arith.index_cast %select_n3A : i32 to index
      %swap3A_66 = arith.index_cast %mul3A_65 : i32 to index
      %swap3A_67 = tpu.vector_load %arg9[%swap3A, %swap3A_66] {strides = array<i32>} : memref<64x128xf32, #tpu.memory_space<vmem>>, vector<1x16xf32>,
      %swap3A_68 = vector.shape_cast %swap3A_67 : vector<1x16xf32> to vector<16xf32>
      %swap3A_69 = vector.shape_cast %broadcast_in_dim3A_33 : vector<16xf32> to vector<1x16xf32>
      tpu.vector_store %arg9[%swap3A, %swap3A_66], %swap3A_69 {strides = array<i32>} : memref<64x128xf32, #tpu.memory_space<vmem>>, vector<1x16xf32>,
      %scan3A_70 = arith.constant 0 : i32
      scf.yield %scan3A_70 : i32
    }
    %scan3A_6 = arith.constant 512 : i32
    %scan3A_7 = arith.constant 0 : i32
    %scan3A_8 = arith.constant 0 : i32
    %scan3A_9 = arith.constant 10 : i32
    %scan3A_10 = arith.addi %scan3A_8, %scan3A_9 : i32
    %scan3A_11 = arith.constant 1 : i32
    %scan3A_12 = scf.for %scan3A_31 = %scan3A_8 to %scan3A_10 step %scan3A_11 iter_args(%scan3A_32 = %scan3A_7) -> (i32)  : i32 {
      %mul3A_33 = arith.constant 640 : i32
      %mul3A_34 = arith.muli %arg1, %mul3A_33 : i32
      %mul3A_35 = arith.constant 64 : i32
      %mul3A_36 = arith.muli %scan3A_31, %mul3A_35 : i32
      %add3A_37 = arith.addi %mul3A_34, %mul3A_36 : i32
      "tpu.region"() ({
        %run_scoped3A = tpu.sem_alloc : memref<!tpu.dma_semaphore, #tpu.memory_space<semaphore_mem>>
        %dma_start3A = arith.constant 0 : i32
        %dma_start3A_39 = tpu.memref_slice %arg13[%add3A_37, %dma_start3A] : memref<10240x128xf32, #tpu.memory_space<vmem_shared>> -> memref<64x128xf32, #tpu.memory_space<vmem_shared>>
        %dma_start3A_40 = arith.constant 0 : i32
        %dma_start3A_41 = tpu.memref_slice %arg13[%add3A_37, %dma_start3A_40] : memref<10240x128xf32, #tpu.memory_space<vmem_shared>> -> memref<64x128xf32, #tpu.memory_space<vmem_shared>>
        tpu.enqueue_dma source(%arg9 : memref<64x128xf32, #tpu.memory_space<vmem>>) target(%dma_start3A_41 : memref<64x128xf32, #tpu.memory_space<vmem_shared>>) target_semaphore(%run_scoped3A : memref<!tpu.dma_semaphore, #tpu.memory_space<semaphore_mem>>)
        %dma_wait3A = arith.constant 0 : i32
        %dma_wait3A_42 = tpu.memref_slice %arg13[%add3A_37, %dma_wait3A] : memref<10240x128xf32, #tpu.memory_space<vmem_shared>> -> memref<64x128xf32, #tpu.memory_space<vmem_shared>>
        %dma_wait3A_43 = arith.constant 0 : i32
        %dma_wait3A_44 = tpu.memref_slice %arg13[%add3A_37, %dma_wait3A_43] : memref<10240x128xf32, #tpu.memory_space<vmem_shared>> -> memref<64x128xf32, #tpu.memory_space<vmem_shared>>
        tpu.wait_dma2 semaphore(%run_scoped3A : memref<!tpu.dma_semaphore, #tpu.memory_space<semaphore_mem>>) src(%arg9 : memref<64x128xf32, #tpu.memory_space<vmem>>) dst(%dma_wait3A_44 : memref<64x128xf32, #tpu.memory_space<vmem_shared>>)
        tpu.yield
      }) : () -> ()
      %scan3A_38 = arith.constant 0 : i32
      scf.yield %scan3A_38 : i32
    }
    %scan3A_13 = arith.constant 10 : i32
    %barrier3A = arith.constant 0 : index
    tpu.barrier barrier_id(%barrier3A)
    %mul3A_14 = arith.constant 10240 : i32
    %mul3A_15 = arith.muli %add3A, %mul3A_14 : i32
    %scan3A_16 = arith.constant 0 : i32
    %scan3A_17 = arith.constant 0 : i32
    %scan3A_18 = arith.constant 10 : i32
    %scan3A_19 = arith.addi %scan3A_17, %scan3A_18 : i32
    %scan3A_20 = arith.constant 1 : i32
    %scan3A_21 = scf.for %scan3A_31 = %scan3A_17 to %scan3A_19 step %scan3A_20 iter_args(%scan3A_32 = %scan3A_16) -> (i32)  : i32 {
      %mul3A_33 = arith.constant 16 : i32
      %mul3A_34 = arith.muli %scan3A_31, %mul3A_33 : i32
      "tpu.region"() ({
        %run_scoped3A = tpu.sem_alloc : memref<!tpu.dma_semaphore, #tpu.memory_space<semaphore_mem>>
        %dma_start3A_466 = arith.constant 0 : i32
        %dma_start3A_467 = tpu.memref_slice %arg3[%add3A, %mul3A_34, %dma_start3A_466] : memref<32x160x64xi32, #tpu.memory_space<hbm>> -> memref<1x16x64xi32, #tpu.memory_space<hbm>>
        %dma_start3A_468 = tpu.memref_squeeze %dma_start3A_467 : memref<1x16x64xi32, #tpu.memory_space<hbm>> -> memref<16x64xi32, #tpu.memory_space<hbm>>
        %dma_start3A_469 = arith.constant 0 : i32
        %dma_start3A_470 = tpu.memref_slice %arg3[%add3A, %mul3A_34, %dma_start3A_469] : memref<32x160x64xi32, #tpu.memory_space<hbm>> -> memref<1x16x64xi32, #tpu.memory_space<hbm>>
        %dma_start3A_471 = tpu.memref_squeeze %dma_start3A_470 : memref<1x16x64xi32, #tpu.memory_space<hbm>> -> memref<16x64xi32, #tpu.memory_space<hbm>>
        tpu.enqueue_dma source(%dma_start3A_471 : memref<16x64xi32, #tpu.memory_space<hbm>>) target(%arg6 : memref<16x64xi32, #tpu.memory_space<vmem>>) target_semaphore(%run_scoped3A : memref<!tpu.dma_semaphore, #tpu.memory_space<semaphore_mem>>)
        %dma_wait3A_472 = arith.constant 0 : i32
        %dma_wait3A_473 = tpu.memref_slice %arg3[%add3A, %mul3A_34, %dma_wait3A_472] : memref<32x160x64xi32, #tpu.memory_space<hbm>> -> memref<1x16x64xi32, #tpu.memory_space<hbm>>
        %dma_wait3A_474 = tpu.memref_squeeze %dma_wait3A_473 : memref<1x16x64xi32, #tpu.memory_space<hbm>> -> memref<16x64xi32, #tpu.memory_space<hbm>>
        %dma_wait3A_475 = arith.constant 0 : i32
        %dma_wait3A_476 = tpu.memref_slice %arg3[%add3A, %mul3A_34, %dma_wait3A_475] : memref<32x160x64xi32, #tpu.memory_space<hbm>> -> memref<1x16x64xi32, #tpu.memory_space<hbm>>
        %dma_wait3A_477 = tpu.memref_squeeze %dma_wait3A_476 : memref<1x16x64xi32, #tpu.memory_space<hbm>> -> memref<16x64xi32, #tpu.memory_space<hbm>>
        tpu.wait_dma2 semaphore(%run_scoped3A : memref<!tpu.dma_semaphore, #tpu.memory_space<semaphore_mem>>) src(%dma_wait3A_477 : memref<16x64xi32, #tpu.memory_space<hbm>>) dst(%arg6 : memref<16x64xi32, #tpu.memory_space<vmem>>)
        tpu.yield
      }) : () -> ()
      %dma_start3A = arith.constant 0 : i32
      %dma_start3A_35 = arith.constant 0 : i32
      %dma_start3A_36 = tpu.memref_slice %arg6[%dma_start3A, %dma_start3A_35] : memref<16x64xi32, #tpu.memory_space<vmem>> -> memref<1x64xi32, #tpu.memory_space<vmem>>
      %dma_start3A_37 = tpu.memref_squeeze %dma_start3A_36 : memref<1x64xi32, #tpu.memory_space<vmem>> -> memref<64xi32, #tpu.memory_space<vmem>>
      %dma_start3A_38 = arith.constant 0 : i32
      %dma_start3A_39 = arith.constant 0 : i32
      %dma_start3A_40 = tpu.memref_slice %arg2[%dma_start3A_38, %dma_start3A_39] : memref<10240x128xf32, #tpu.memory_space<hbm>> -> memref<10240x128xf32, #tpu.memory_space<hbm>>
      tpu.enqueue_indirect_dma source(%dma_start3A_40 : memref<10240x128xf32, #tpu.memory_space<hbm>>) target(%arg9 : memref<64x128xf32, #tpu.memory_space<vmem>>) offsets(%dma_start3A_37 : memref<64xi32, #tpu.memory_space<vmem>>) semaphore(%arg14 : memref<!tpu.dma_semaphore, #tpu.memory_space<semaphore_mem>>)
      %dma_start3A_41 = arith.constant 1 : i32
      %dma_start3A_42 = arith.constant 0 : i32
      %dma_start3A_43 = tpu.memref_slice %arg6[%dma_start3A_41, %dma_start3A_42] : memref<16x64xi32, #tpu.memory_space<vmem>> -> memref<1x64xi32, #tpu.memory_space<vmem>>
      %dma_start3A_44 = tpu.memref_squeeze %dma_start3A_43 : memref<1x64xi32, #tpu.memory_space<vmem>> -> memref<64xi32, #tpu.memory_space<vmem>>
      %dma_start3A_45 = arith.constant 0 : i32
      %dma_start3A_46 = arith.constant 0 : i32
      %dma_start3A_47 = tpu.memref_slice %arg2[%dma_start3A_45, %dma_start3A_46] : memref<10240x128xf32, #tpu.memory_space<hbm>> -> memref<10240x128xf32, #tpu.memory_space<hbm>>
      tpu.enqueue_indirect_dma source(%dma_start3A_47 : memref<10240x128xf32, #tpu.memory_space<hbm>>) target(%arg10 : memref<64x128xf32, #tpu.memory_space<vmem>>) offsets(%dma_start3A_44 : memref<64xi32, #tpu.memory_space<vmem>>) semaphore(%arg15 : memref<!tpu.dma_semaphore, #tpu.memory_space<semaphore_mem>>)
      %dma_start3A_48 = arith.constant 2 : i32
      %dma_start3A_49 = arith.constant 0 : i32
      %dma_start3A_50 = tpu.memref_slice %arg6[%dma_start3A_48, %dma_start3A_49] : memref<16x64xi32, #tpu.memory_space<vmem>> -> memref<1x64xi32, #tpu.memory_space<vmem>>
      %dma_start3A_51 = tpu.memref_squeeze %dma_start3A_50 : memref<1x64xi32, #tpu.memory_space<vmem>> -> memref<64xi32, #tpu.memory_space<vmem>>
      %dma_start3A_52 = arith.constant 0 : i32
      %dma_start3A_53 = arith.constant 0 : i32
      %dma_start3A_54 = tpu.memref_slice %arg2[%dma_start3A_52, %dma_start3A_53] : memref<10240x128xf32, #tpu.memory_space<hbm>> -> memref<10240x128xf32, #tpu.memory_space<hbm>>
      tpu.enqueue_indirect_dma source(%dma_start3A_54 : memref<10240x128xf32, #tpu.memory_space<hbm>>) target(%arg11 : memref<64x128xf32, #tpu.memory_space<vmem>>) offsets(%dma_start3A_51 : memref<64xi32, #tpu.memory_space<vmem>>) semaphore(%arg16 : memref<!tpu.dma_semaphore, #tpu.memory_space<semaphore_mem>>)
      %mul3A_55 = arith.constant 16 : i32
      %mul3A_56 = arith.muli %scan3A_31, %mul3A_55 : i32
      %add3A_57 = arith.constant 0 : i32
      %add3A_58 = arith.addi %mul3A_56, %add3A_57 : i32
      %mul3A_59 = arith.constant 64 : i32
      %mul3A_60 = arith.muli %add3A_58, %mul3A_59 : i32
      %add3A_61 = arith.addi %mul3A_15, %mul3A_60 : i32
      "tpu.region"() ({
        %run_scoped3A = tpu.sem_alloc : memref<!tpu.dma_semaphore, #tpu.memory_space<semaphore_mem>>
        %dma_start3A_466 = tpu.memref_slice %arg4[%add3A_61] : memref<327680xi32, #tpu.memory_space<hbm>> -> memref<64xi32, #tpu.memory_space<hbm>>
        %dma_start3A_467 = tpu.memref_slice %arg4[%add3A_61] : memref<327680xi32, #tpu.memory_space<hbm>> -> memref<64xi32, #tpu.memory_space<hbm>>
        tpu.enqueue_dma source(%dma_start3A_467 : memref<64xi32, #tpu.memory_space<hbm>>) target(%arg7 : memref<64xi32, #tpu.memory_space<vmem>>) target_semaphore(%run_scoped3A : memref<!tpu.dma_semaphore, #tpu.memory_space<semaphore_mem>>)
        %dma_wait3A_468 = tpu.memref_slice %arg4[%add3A_61] : memref<327680xi32, #tpu.memory_space<hbm>> -> memref<64xi32, #tpu.memory_space<hbm>>
        %dma_wait3A_469 = tpu.memref_slice %arg4[%add3A_61] : memref<327680xi32, #tpu.memory_space<hbm>> -> memref<64xi32, #tpu.memory_space<hbm>>
        tpu.wait_dma2 semaphore(%run_scoped3A : memref<!tpu.dma_semaphore, #tpu.memory_space<semaphore_mem>>) src(%dma_wait3A_469 : memref<64xi32, #tpu.memory_space<hbm>>) dst(%arg7 : memref<64xi32, #tpu.memory_space<vmem>>)
        tpu.yield
      }) : () -> ()
      %dma_wait3A = arith.constant 0 : i32
      %dma_wait3A_62 = arith.constant 0 : i32
      %dma_wait3A_63 = tpu.memref_slice %arg6[%dma_wait3A, %dma_wait3A_62] : memref<16x64xi32, #tpu.memory_space<vmem>> -> memref<1x64xi32, #tpu.memory_space<vmem>>
      %dma_wait3A_64 = tpu.memref_squeeze %dma_wait3A_63 : memref<1x64xi32, #tpu.memory_space<vmem>> -> memref<64xi32, #tpu.memory_space<vmem>>
      %dma_wait3A_65 = arith.constant 0 : i32
      %dma_wait3A_66 = arith.constant 0 : i32
      %dma_wait3A_67 = tpu.memref_slice %arg2[%dma_wait3A_65, %dma_wait3A_66] : memref<10240x128xf32, #tpu.memory_space<hbm>> -> memref<10240x128xf32, #tpu.memory_space<hbm>>
      tpu.wait_indirect_dma semaphore(%arg14 : memref<!tpu.dma_semaphore, #tpu.memory_space<semaphore_mem>>) src(%dma_wait3A_67 : memref<10240x128xf32, #tpu.memory_space<hbm>>) dst(%arg9 : memref<64x128xf32, #tpu.memory_space<vmem>>)
      %dma_start3A_68 = arith.constant 0 : i32
      %dma_start3A_69 = arith.constant 0 : i32
      %dma_start3A_70 = tpu.memref_slice %arg13[%dma_start3A_68, %dma_start3A_69] : memref<10240x128xf32, #tpu.memory_space<vmem_shared>> -> memref<10240x128xf32, #tpu.memory_space<vmem_shared>>
      tpu.enqueue_indirect_dma source(%arg9 : memref<64x128xf32, #tpu.memory_space<vmem>>) target(%dma_start3A_70 : memref<10240x128xf32, #tpu.memory_space<vmem_shared>>) offsets(%arg7 : memref<64xi32, #tpu.memory_space<vmem>>) semaphore(%arg18 : memref<!tpu.dma_semaphore, #tpu.memory_space<semaphore_mem>>) {add = true}
      %dma_start3A_71 = arith.constant 3 : i32
      %dma_start3A_72 = arith.constant 0 : i32
      %dma_start3A_73 = tpu.memref_slice %arg6[%dma_start3A_71, %dma_start3A_72] : memref<16x64xi32, #tpu.memory_space<vmem>> -> memref<1x64xi32, #tpu.memory_space<vmem>>
      %dma_start3A_74 = tpu.memref_squeeze %dma_start3A_73 : memref<1x64xi32, #tpu.memory_space<vmem>> -> memref<64xi32, #tpu.memory_space<vmem>>
      %dma_start3A_75 = arith.constant 0 : i32
      %dma_start3A_76 = arith.constant 0 : i32
      %dma_start3A_77 = tpu.memref_slice %arg2[%dma_start3A_75, %dma_start3A_76] : memref<10240x128xf32, #tpu.memory_space<hbm>> -> memref<10240x128xf32, #tpu.memory_space<hbm>>
      tpu.enqueue_indirect_dma source(%dma_start3A_77 : memref<10240x128xf32, #tpu.memory_space<hbm>>) target(%arg12 : memref<64x128xf32, #tpu.memory_space<vmem>>) offsets(%dma_start3A_74 : memref<64xi32, #tpu.memory_space<vmem>>) semaphore(%arg17 : memref<!tpu.dma_semaphore, #tpu.memory_space<semaphore_mem>>)
      %mul3A_78 = arith.constant 16 : i32
      %mul3A_79 = arith.muli %scan3A_31, %mul3A_78 : i32
      %add3A_80 = arith.constant 1 : i32
      %add3A_81 = arith.addi %mul3A_79, %add3A_80 : i32
      %mul3A_82 = arith.constant 64 : i32
      %mul3A_83 = arith.muli %add3A_81, %mul3A_82 : i32
      %add3A_84 = arith.addi %mul3A_15, %mul3A_83 : i32
      "tpu.region"() ({
        %run_scoped3A = tpu.sem_alloc : memref<!tpu.dma_semaphore, #tpu.memory_space<semaphore_mem>>
        %dma_start3A_466 = tpu.memref_slice %arg4[%add3A_84] : memref<327680xi32, #tpu.memory_space<hbm>> -> memref<64xi32, #tpu.memory_space<hbm>>
        %dma_start3A_467 = tpu.memref_slice %arg4[%add3A_84] : memref<327680xi32, #tpu.memory_space<hbm>> -> memref<64xi32, #tpu.memory_space<hbm>>
        tpu.enqueue_dma source(%dma_start3A_467 : memref<64xi32, #tpu.memory_space<hbm>>) target(%arg8 : memref<64xi32, #tpu.memory_space<vmem>>) target_semaphore(%run_scoped3A : memref<!tpu.dma_semaphore, #tpu.memory_space<semaphore_mem>>)
        %dma_wait3A_468 = tpu.memref_slice %arg4[%add3A_84] : memref<327680xi32, #tpu.memory_space<hbm>> -> memref<64xi32, #tpu.memory_space<hbm>>
        %dma_wait3A_469 = tpu.memref_slice %arg4[%add3A_84] : memref<327680xi32, #tpu.memory_space<hbm>> -> memref<64xi32, #tpu.memory_space<hbm>>
        tpu.wait_dma2 semaphore(%run_scoped3A : memref<!tpu.dma_semaphore, #tpu.memory_space<semaphore_mem>>) src(%dma_wait3A_469 : memref<64xi32, #tpu.memory_space<hbm>>) dst(%arg8 : memref<64xi32, #tpu.memory_space<vmem>>)
        tpu.yield
      }) : () -> ()
      %dma_wait3A_85 = arith.constant 1 : i32
      %dma_wait3A_86 = arith.constant 0 : i32
      %dma_wait3A_87 = tpu.memref_slice %arg6[%dma_wait3A_85, %dma_wait3A_86] : memref<16x64xi32, #tpu.memory_space<vmem>> -> memref<1x64xi32, #tpu.memory_space<vmem>>
      %dma_wait3A_88 = tpu.memref_squeeze %dma_wait3A_87 : memref<1x64xi32, #tpu.memory_space<vmem>> -> memref<64xi32, #tpu.memory_space<vmem>>
      %dma_wait3A_89 = arith.constant 0 : i32
      %dma_wait3A_90 = arith.constant 0 : i32
      %dma_wait3A_91 = tpu.memref_slice %arg2[%dma_wait3A_89, %dma_wait3A_90] : memref<10240x128xf32, #tpu.memory_space<hbm>> -> memref<10240x128xf32, #tpu.memory_space<hbm>>
      tpu.wait_indirect_dma semaphore(%arg15 : memref<!tpu.dma_semaphore, #tpu.memory_space<semaphore_mem>>) src(%dma_wait3A_91 : memref<10240x128xf32, #tpu.memory_space<hbm>>) dst(%arg10 : memref<64x128xf32, #tpu.memory_space<vmem>>)
      %dma_start3A_92 = arith.constant 0 : i32
      %dma_start3A_93 = arith.constant 0 : i32
      %dma_start3A_94 = tpu.memref_slice %arg13[%dma_start3A_92, %dma_start3A_93] : memref<10240x128xf32, #tpu.memory_space<vmem_shared>> -> memref<10240x128xf32, #tpu.memory_space<vmem_shared>>
      tpu.enqueue_indirect_dma source(%arg10 : memref<64x128xf32, #tpu.memory_space<vmem>>) target(%dma_start3A_94 : memref<10240x128xf32, #tpu.memory_space<vmem_shared>>) offsets(%arg8 : memref<64xi32, #tpu.memory_space<vmem>>) semaphore(%arg19 : memref<!tpu.dma_semaphore, #tpu.memory_space<semaphore_mem>>) {add = true}
      %dma_wait3A_95 = arith.constant 0 : i32
      %dma_wait3A_96 = arith.constant 0 : i32
      %dma_wait3A_97 = tpu.memref_slice %arg13[%dma_wait3A_95, %dma_wait3A_96] : memref<10240x128xf32, #tpu.memory_space<vmem_shared>> -> memref<10240x128xf32, #tpu.memory_space<vmem_shared>>
      tpu.wait_indirect_dma semaphore(%arg18 : memref<!tpu.dma_semaphore, #tpu.memory_space<semaphore_mem>>) src(%arg9 : memref<64x128xf32, #tpu.memory_space<vmem>>) dst(%dma_wait3A_97 : memref<10240x128xf32, #tpu.memory_space<vmem_shared>>)
      %dma_start3A_98 = arith.constant 4 : i32
      %dma_start3A_99 = arith.constant 0 : i32
      %dma_start3A_100 = tpu.memref_slice %arg6[%dma_start3A_98, %dma_start3A_99] : memref<16x64xi32, #tpu.memory_space<vmem>> -> memref<1x64xi32, #tpu.memory_space<vmem>>
      %dma_start3A_101 = tpu.memref_squeeze %dma_start3A_100 : memref<1x64xi32, #tpu.memory_space<vmem>> -> memref<64xi32, #tpu.memory_space<vmem>>
      %dma_start3A_102 = arith.constant 0 : i32
      %dma_start3A_103 = arith.constant 0 : i32
      %dma_start3A_104 = tpu.memref_slice %arg2[%dma_start3A_102, %dma_start3A_103] : memref<10240x128xf32, #tpu.memory_space<hbm>> -> memref<10240x128xf32, #tpu.memory_space<hbm>>
      tpu.enqueue_indirect_dma source(%dma_start3A_104 : memref<10240x128xf32, #tpu.memory_space<hbm>>) target(%arg9 : memref<64x128xf32, #tpu.memory_space<vmem>>) offsets(%dma_start3A_101 : memref<64xi32, #tpu.memory_space<vmem>>) semaphore(%arg14 : memref<!tpu.dma_semaphore, #tpu.memory_space<semaphore_mem>>)
      %mul3A_105 = arith.constant 16 : i32
      %mul3A_106 = arith.muli %scan3A_31, %mul3A_105 : i32
      %add3A_107 = arith.constant 2 : i32
      %add3A_108 = arith.addi %mul3A_106, %add3A_107 : i32
      %mul3A_109 = arith.constant 64 : i32
      %mul3A_110 = arith.muli %add3A_108, %mul3A_109 : i32
      %add3A_111 = arith.addi %mul3A_15, %mul3A_110 : i32
      "tpu.region"() ({
        %run_scoped3A = tpu.sem_alloc : memref<!tpu.dma_semaphore, #tpu.memory_space<semaphore_mem>>
        %dma_start3A_466 = tpu.memref_slice %arg4[%add3A_111] : memref<327680xi32, #tpu.memory_space<hbm>> -> memref<64xi32, #tpu.memory_space<hbm>>
        %dma_start3A_467 = tpu.memref_slice %arg4[%add3A_111] : memref<327680xi32, #tpu.memory_space<hbm>> -> memref<64xi32, #tpu.memory_space<hbm>>
        tpu.enqueue_dma source(%dma_start3A_467 : memref<64xi32, #tpu.memory_space<hbm>>) target(%arg7 : memref<64xi32, #tpu.memory_space<vmem>>) target_semaphore(%run_scoped3A : memref<!tpu.dma_semaphore, #tpu.memory_space<semaphore_mem>>)
        %dma_wait3A_468 = tpu.memref_slice %arg4[%add3A_111] : memref<327680xi32, #tpu.memory_space<hbm>> -> memref<64xi32, #tpu.memory_space<hbm>>
        %dma_wait3A_469 = tpu.memref_slice %arg4[%add3A_111] : memref<327680xi32, #tpu.memory_space<hbm>> -> memref<64xi32, #tpu.memory_space<hbm>>
        tpu.wait_dma2 semaphore(%run_scoped3A : memref<!tpu.dma_semaphore, #tpu.memory_space<semaphore_mem>>) src(%dma_wait3A_469 : memref<64xi32, #tpu.memory_space<hbm>>) dst(%arg7 : memref<64xi32, #tpu.memory_space<vmem>>)
        tpu.yield
      }) : () -> ()
      %dma_wait3A_112 = arith.constant 2 : i32
      %dma_wait3A_113 = arith.constant 0 : i32
      %dma_wait3A_114 = tpu.memref_slice %arg6[%dma_wait3A_112, %dma_wait3A_113] : memref<16x64xi32, #tpu.memory_space<vmem>> -> memref<1x64xi32, #tpu.memory_space<vmem>>
      %dma_wait3A_115 = tpu.memref_squeeze %dma_wait3A_114 : memref<1x64xi32, #tpu.memory_space<vmem>> -> memref<64xi32, #tpu.memory_space<vmem>>
      %dma_wait3A_116 = arith.constant 0 : i32
      %dma_wait3A_117 = arith.constant 0 : i32
      %dma_wait3A_118 = tpu.memref_slice %arg2[%dma_wait3A_116, %dma_wait3A_117] : memref<10240x128xf32, #tpu.memory_space<hbm>> -> memref<10240x128xf32, #tpu.memory_space<hbm>>
      tpu.wait_indirect_dma semaphore(%arg16 : memref<!tpu.dma_semaphore, #tpu.memory_space<semaphore_mem>>) src(%dma_wait3A_118 : memref<10240x128xf32, #tpu.memory_space<hbm>>) dst(%arg11 : memref<64x128xf32, #tpu.memory_space<vmem>>)
      %dma_start3A_119 = arith.constant 0 : i32
      %dma_start3A_120 = arith.constant 0 : i32
      %dma_start3A_121 = tpu.memref_slice %arg13[%dma_start3A_119, %dma_start3A_120] : memref<10240x128xf32, #tpu.memory_space<vmem_shared>> -> memref<10240x128xf32, #tpu.memory_space<vmem_shared>>
      tpu.enqueue_indirect_dma source(%arg11 : memref<64x128xf32, #tpu.memory_space<vmem>>) target(%dma_start3A_121 : memref<10240x128xf32, #tpu.memory_space<vmem_shared>>) offsets(%arg7 : memref<64xi32, #tpu.memory_space<vmem>>) semaphore(%arg20 : memref<!tpu.dma_semaphore, #tpu.memory_space<semaphore_mem>>) {add = true}
      %dma_wait3A_122 = arith.constant 0 : i32
      %dma_wait3A_123 = arith.constant 0 : i32
      %dma_wait3A_124 = tpu.memref_slice %arg13[%dma_wait3A_122, %dma_wait3A_123] : memref<10240x128xf32, #tpu.memory_space<vmem_shared>> -> memref<10240x128xf32, #tpu.memory_space<vmem_shared>>
      tpu.wait_indirect_dma semaphore(%arg19 : memref<!tpu.dma_semaphore, #tpu.memory_space<semaphore_mem>>) src(%arg10 : memref<64x128xf32, #tpu.memory_space<vmem>>) dst(%dma_wait3A_124 : memref<10240x128xf32, #tpu.memory_space<vmem_shared>>)
      %dma_start3A_125 = arith.constant 5 : i32
      %dma_start3A_126 = arith.constant 0 : i32
      %dma_start3A_127 = tpu.memref_slice %arg6[%dma_start3A_125, %dma_start3A_126] : memref<16x64xi32, #tpu.memory_space<vmem>> -> memref<1x64xi32, #tpu.memory_space<vmem>>
      %dma_start3A_128 = tpu.memref_squeeze %dma_start3A_127 : memref<1x64xi32, #tpu.memory_space<vmem>> -> memref<64xi32, #tpu.memory_space<vmem>>
      %dma_start3A_129 = arith.constant 0 : i32
      %dma_start3A_130 = arith.constant 0 : i32
      %dma_start3A_131 = tpu.memref_slice %arg2[%dma_start3A_129, %dma_start3A_130] : memref<10240x128xf32, #tpu.memory_space<hbm>> -> memref<10240x128xf32, #tpu.memory_space<hbm>>
      tpu.enqueue_indirect_dma source(%dma_start3A_131 : memref<10240x128xf32, #tpu.memory_space<hbm>>) target(%arg10 : memref<64x128xf32, #tpu.memory_space<vmem>>) offsets(%dma_start3A_128 : memref<64xi32, #tpu.memory_space<vmem>>) semaphore(%arg15 : memref<!tpu.dma_semaphore, #tpu.memory_space<semaphore_mem>>)
      %mul3A_132 = arith.constant 16 : i32
      %mul3A_133 = arith.muli %scan3A_31, %mul3A_132 : i32
      %add3A_134 = arith.constant 3 : i32
      %add3A_135 = arith.addi %mul3A_133, %add3A_134 : i32
      %mul3A_136 = arith.constant 64 : i32
      %mul3A_137 = arith.muli %add3A_135, %mul3A_136 : i32
      %add3A_138 = arith.addi %mul3A_15, %mul3A_137 : i32
      "tpu.region"() ({
        %run_scoped3A = tpu.sem_alloc : memref<!tpu.dma_semaphore, #tpu.memory_space<semaphore_mem>>
        %dma_start3A_466 = tpu.memref_slice %arg4[%add3A_138] : memref<327680xi32, #tpu.memory_space<hbm>> -> memref<64xi32, #tpu.memory_space<hbm>>
        %dma_start3A_467 = tpu.memref_slice %arg4[%add3A_138] : memref<327680xi32, #tpu.memory_space<hbm>> -> memref<64xi32, #tpu.memory_space<hbm>>
        tpu.enqueue_dma source(%dma_start3A_467 : memref<64xi32, #tpu.memory_space<hbm>>) target(%arg8 : memref<64xi32, #tpu.memory_space<vmem>>) target_semaphore(%run_scoped3A : memref<!tpu.dma_semaphore, #tpu.memory_space<semaphore_mem>>)
        %dma_wait3A_468 = tpu.memref_slice %arg4[%add3A_138] : memref<327680xi32, #tpu.memory_space<hbm>> -> memref<64xi32, #tpu.memory_space<hbm>>
        %dma_wait3A_469 = tpu.memref_slice %arg4[%add3A_138] : memref<327680xi32, #tpu.memory_space<hbm>> -> memref<64xi32, #tpu.memory_space<hbm>>
        tpu.wait_dma2 semaphore(%run_scoped3A : memref<!tpu.dma_semaphore, #tpu.memory_space<semaphore_mem>>) src(%dma_wait3A_469 : memref<64xi32, #tpu.memory_space<hbm>>) dst(%arg8 : memref<64xi32, #tpu.memory_space<vmem>>)
        tpu.yield
      }) : () -> ()
      %dma_wait3A_139 = arith.constant 3 : i32
      %dma_wait3A_140 = arith.constant 0 : i32
      %dma_wait3A_141 = tpu.memref_slice %arg6[%dma_wait3A_139, %dma_wait3A_140] : memref<16x64xi32, #tpu.memory_space<vmem>> -> memref<1x64xi32, #tpu.memory_space<vmem>>
      %dma_wait3A_142 = tpu.memref_squeeze %dma_wait3A_141 : memref<1x64xi32, #tpu.memory_space<vmem>> -> memref<64xi32, #tpu.memory_space<vmem>>
      %dma_wait3A_143 = arith.constant 0 : i32
      %dma_wait3A_144 = arith.constant 0 : i32
      %dma_wait3A_145 = tpu.memref_slice %arg2[%dma_wait3A_143, %dma_wait3A_144] : memref<10240x128xf32, #tpu.memory_space<hbm>> -> memref<10240x128xf32, #tpu.memory_space<hbm>>
      tpu.wait_indirect_dma semaphore(%arg17 : memref<!tpu.dma_semaphore, #tpu.memory_space<semaphore_mem>>) src(%dma_wait3A_145 : memref<10240x128xf32, #tpu.memory_space<hbm>>) dst(%arg12 : memref<64x128xf32, #tpu.memory_space<vmem>>)
      %dma_start3A_146 = arith.constant 0 : i32
      %dma_start3A_147 = arith.constant 0 : i32
      %dma_start3A_148 = tpu.memref_slice %arg13[%dma_start3A_146, %dma_start3A_147] : memref<10240x128xf32, #tpu.memory_space<vmem_shared>> -> memref<10240x128xf32, #tpu.memory_space<vmem_shared>>
      tpu.enqueue_indirect_dma source(%arg12 : memref<64x128xf32, #tpu.memory_space<vmem>>) target(%dma_start3A_148 : memref<10240x128xf32, #tpu.memory_space<vmem_shared>>) offsets(%arg8 : memref<64xi32, #tpu.memory_space<vmem>>) semaphore(%arg21 : memref<!tpu.dma_semaphore, #tpu.memory_space<semaphore_mem>>) {add = true}
      %dma_wait3A_149 = arith.constant 0 : i32
      %dma_wait3A_150 = arith.constant 0 : i32
      %dma_wait3A_151 = tpu.memref_slice %arg13[%dma_wait3A_149, %dma_wait3A_150] : memref<10240x128xf32, #tpu.memory_space<vmem_shared>> -> memref<10240x128xf32, #tpu.memory_space<vmem_shared>>
      tpu.wait_indirect_dma semaphore(%arg20 : memref<!tpu.dma_semaphore, #tpu.memory_space<semaphore_mem>>) src(%arg11 : memref<64x128xf32, #tpu.memory_space<vmem>>) dst(%dma_wait3A_151 : memref<10240x128xf32, #tpu.memory_space<vmem_shared>>)
      %dma_start3A_152 = arith.constant 6 : i32
      %dma_start3A_153 = arith.constant 0 : i32
      %dma_start3A_154 = tpu.memref_slice %arg6[%dma_start3A_152, %dma_start3A_153] : memref<16x64xi32, #tpu.memory_space<vmem>> -> memref<1x64xi32, #tpu.memory_space<vmem>>
      %dma_start3A_155 = tpu.memref_squeeze %dma_start3A_154 : memref<1x64xi32, #tpu.memory_space<vmem>> -> memref<64xi32, #tpu.memory_space<vmem>>
      %dma_start3A_156 = arith.constant 0 : i32
      %dma_start3A_157 = arith.constant 0 : i32
      %dma_start3A_158 = tpu.memref_slice %arg2[%dma_start3A_156, %dma_start3A_157] : memref<10240x128xf32, #tpu.memory_space<hbm>> -> memref<10240x128xf32, #tpu.memory_space<hbm>>
      tpu.enqueue_indirect_dma source(%dma_start3A_158 : memref<10240x128xf32, #tpu.memory_space<hbm>>) target(%arg11 : memref<64x128xf32, #tpu.memory_space<vmem>>) offsets(%dma_start3A_155 : memref<64xi32, #tpu.memory_space<vmem>>) semaphore(%arg16 : memref<!tpu.dma_semaphore, #tpu.memory_space<semaphore_mem>>)
      %mul3A_159 = arith.constant 16 : i32
      %mul3A_160 = arith.muli %scan3A_31, %mul3A_159 : i32
      %add3A_161 = arith.constant 4 : i32
      %add3A_162 = arith.addi %mul3A_160, %add3A_161 : i32
      %mul3A_163 = arith.constant 64 : i32
      %mul3A_164 = arith.muli %add3A_162, %mul3A_163 : i32
      %add3A_165 = arith.addi %mul3A_15, %mul3A_164 : i32
      "tpu.region"() ({
        %run_scoped3A = tpu.sem_alloc : memref<!tpu.dma_semaphore, #tpu.memory_space<semaphore_mem>>
        %dma_start3A_466 = tpu.memref_slice %arg4[%add3A_165] : memref<327680xi32, #tpu.memory_space<hbm>> -> memref<64xi32, #tpu.memory_space<hbm>>
        %dma_start3A_467 = tpu.memref_slice %arg4[%add3A_165] : memref<327680xi32, #tpu.memory_space<hbm>> -> memref<64xi32, #tpu.memory_space<hbm>>
        tpu.enqueue_dma source(%dma_start3A_467 : memref<64xi32, #tpu.memory_space<hbm>>) target(%arg7 : memref<64xi32, #tpu.memory_space<vmem>>) target_semaphore(%run_scoped3A : memref<!tpu.dma_semaphore, #tpu.memory_space<semaphore_mem>>)
        %dma_wait3A_468 = tpu.memref_slice %arg4[%add3A_165] : memref<327680xi32, #tpu.memory_space<hbm>> -> memref<64xi32, #tpu.memory_space<hbm>>
        %dma_wait3A_469 = tpu.memref_slice %arg4[%add3A_165] : memref<327680xi32, #tpu.memory_space<hbm>> -> memref<64xi32, #tpu.memory_space<hbm>>
        tpu.wait_dma2 semaphore(%run_scoped3A : memref<!tpu.dma_semaphore, #tpu.memory_space<semaphore_mem>>) src(%dma_wait3A_469 : memref<64xi32, #tpu.memory_space<hbm>>) dst(%arg7 : memref<64xi32, #tpu.memory_space<vmem>>)
        tpu.yield
      }) : () -> ()
      %dma_wait3A_166 = arith.constant 4 : i32
      %dma_wait3A_167 = arith.constant 0 : i32
      %dma_wait3A_168 = tpu.memref_slice %arg6[%dma_wait3A_166, %dma_wait3A_167] : memref<16x64xi32, #tpu.memory_space<vmem>> -> memref<1x64xi32, #tpu.memory_space<vmem>>
      %dma_wait3A_169 = tpu.memref_squeeze %dma_wait3A_168 : memref<1x64xi32, #tpu.memory_space<vmem>> -> memref<64xi32, #tpu.memory_space<vmem>>
      %dma_wait3A_170 = arith.constant 0 : i32
      %dma_wait3A_171 = arith.constant 0 : i32
      %dma_wait3A_172 = tpu.memref_slice %arg2[%dma_wait3A_170, %dma_wait3A_171] : memref<10240x128xf32, #tpu.memory_space<hbm>> -> memref<10240x128xf32, #tpu.memory_space<hbm>>
      tpu.wait_indirect_dma semaphore(%arg14 : memref<!tpu.dma_semaphore, #tpu.memory_space<semaphore_mem>>) src(%dma_wait3A_172 : memref<10240x128xf32, #tpu.memory_space<hbm>>) dst(%arg9 : memref<64x128xf32, #tpu.memory_space<vmem>>)
      %dma_start3A_173 = arith.constant 0 : i32
      %dma_start3A_174 = arith.constant 0 : i32
      %dma_start3A_175 = tpu.memref_slice %arg13[%dma_start3A_173, %dma_start3A_174] : memref<10240x128xf32, #tpu.memory_space<vmem_shared>> -> memref<10240x128xf32, #tpu.memory_space<vmem_shared>>
      tpu.enqueue_indirect_dma source(%arg9 : memref<64x128xf32, #tpu.memory_space<vmem>>) target(%dma_start3A_175 : memref<10240x128xf32, #tpu.memory_space<vmem_shared>>) offsets(%arg7 : memref<64xi32, #tpu.memory_space<vmem>>) semaphore(%arg18 : memref<!tpu.dma_semaphore, #tpu.memory_space<semaphore_mem>>) {add = true}
      %dma_wait3A_176 = arith.constant 0 : i32
      %dma_wait3A_177 = arith.constant 0 : i32
      %dma_wait3A_178 = tpu.memref_slice %arg13[%dma_wait3A_176, %dma_wait3A_177] : memref<10240x128xf32, #tpu.memory_space<vmem_shared>> -> memref<10240x128xf32, #tpu.memory_space<vmem_shared>>
      tpu.wait_indirect_dma semaphore(%arg21 : memref<!tpu.dma_semaphore, #tpu.memory_space<semaphore_mem>>) src(%arg12 : memref<64x128xf32, #tpu.memory_space<vmem>>) dst(%dma_wait3A_178 : memref<10240x128xf32, #tpu.memory_space<vmem_shared>>)
      %dma_start3A_179 = arith.constant 7 : i32
      %dma_start3A_180 = arith.constant 0 : i32
      %dma_start3A_181 = tpu.memref_slice %arg6[%dma_start3A_179, %dma_start3A_180] : memref<16x64xi32, #tpu.memory_space<vmem>> -> memref<1x64xi32, #tpu.memory_space<vmem>>
      %dma_start3A_182 = tpu.memref_squeeze %dma_start3A_181 : memref<1x64xi32, #tpu.memory_space<vmem>> -> memref<64xi32, #tpu.memory_space<vmem>>
      %dma_start3A_183 = arith.constant 0 : i32
      %dma_start3A_184 = arith.constant 0 : i32
      %dma_start3A_185 = tpu.memref_slice %arg2[%dma_start3A_183, %dma_start3A_184] : memref<10240x128xf32, #tpu.memory_space<hbm>> -> memref<10240x128xf32, #tpu.memory_space<hbm>>
      tpu.enqueue_indirect_dma source(%dma_start3A_185 : memref<10240x128xf32, #tpu.memory_space<hbm>>) target(%arg12 : memref<64x128xf32, #tpu.memory_space<vmem>>) offsets(%dma_start3A_182 : memref<64xi32, #tpu.memory_space<vmem>>) semaphore(%arg17 : memref<!tpu.dma_semaphore, #tpu.memory_space<semaphore_mem>>)
      %mul3A_186 = arith.constant 16 : i32
      %mul3A_187 = arith.muli %scan3A_31, %mul3A_186 : i32
      %add3A_188 = arith.constant 5 : i32
      %add3A_189 = arith.addi %mul3A_187, %add3A_188 : i32
      %mul3A_190 = arith.constant 64 : i32
      %mul3A_191 = arith.muli %add3A_189, %mul3A_190 : i32
      %add3A_192 = arith.addi %mul3A_15, %mul3A_191 : i32
      "tpu.region"() ({
        %run_scoped3A = tpu.sem_alloc : memref<!tpu.dma_semaphore, #tpu.memory_space<semaphore_mem>>
        %dma_start3A_466 = tpu.memref_slice %arg4[%add3A_192] : memref<327680xi32, #tpu.memory_space<hbm>> -> memref<64xi32, #tpu.memory_space<hbm>>
        %dma_start3A_467 = tpu.memref_slice %arg4[%add3A_192] : memref<327680xi32, #tpu.memory_space<hbm>> -> memref<64xi32, #tpu.memory_space<hbm>>
        tpu.enqueue_dma source(%dma_start3A_467 : memref<64xi32, #tpu.memory_space<hbm>>) target(%arg8 : memref<64xi32, #tpu.memory_space<vmem>>) target_semaphore(%run_scoped3A : memref<!tpu.dma_semaphore, #tpu.memory_space<semaphore_mem>>)
        %dma_wait3A_468 = tpu.memref_slice %arg4[%add3A_192] : memref<327680xi32, #tpu.memory_space<hbm>> -> memref<64xi32, #tpu.memory_space<hbm>>
        %dma_wait3A_469 = tpu.memref_slice %arg4[%add3A_192] : memref<327680xi32, #tpu.memory_space<hbm>> -> memref<64xi32, #tpu.memory_space<hbm>>
        tpu.wait_dma2 semaphore(%run_scoped3A : memref<!tpu.dma_semaphore, #tpu.memory_space<semaphore_mem>>) src(%dma_wait3A_469 : memref<64xi32, #tpu.memory_space<hbm>>) dst(%arg8 : memref<64xi32, #tpu.memory_space<vmem>>)
        tpu.yield
      }) : () -> ()
      %dma_wait3A_193 = arith.constant 5 : i32
      %dma_wait3A_194 = arith.constant 0 : i32
      %dma_wait3A_195 = tpu.memref_slice %arg6[%dma_wait3A_193, %dma_wait3A_194] : memref<16x64xi32, #tpu.memory_space<vmem>> -> memref<1x64xi32, #tpu.memory_space<vmem>>
      %dma_wait3A_196 = tpu.memref_squeeze %dma_wait3A_195 : memref<1x64xi32, #tpu.memory_space<vmem>> -> memref<64xi32, #tpu.memory_space<vmem>>
      %dma_wait3A_197 = arith.constant 0 : i32
      %dma_wait3A_198 = arith.constant 0 : i32
      %dma_wait3A_199 = tpu.memref_slice %arg2[%dma_wait3A_197, %dma_wait3A_198] : memref<10240x128xf32, #tpu.memory_space<hbm>> -> memref<10240x128xf32, #tpu.memory_space<hbm>>
      tpu.wait_indirect_dma semaphore(%arg15 : memref<!tpu.dma_semaphore, #tpu.memory_space<semaphore_mem>>) src(%dma_wait3A_199 : memref<10240x128xf32, #tpu.memory_space<hbm>>) dst(%arg10 : memref<64x128xf32, #tpu.memory_space<vmem>>)
      %dma_start3A_200 = arith.constant 0 : i32
      %dma_start3A_201 = arith.constant 0 : i32
      %dma_start3A_202 = tpu.memref_slice %arg13[%dma_start3A_200, %dma_start3A_201] : memref<10240x128xf32, #tpu.memory_space<vmem_shared>> -> memref<10240x128xf32, #tpu.memory_space<vmem_shared>>
      tpu.enqueue_indirect_dma source(%arg10 : memref<64x128xf32, #tpu.memory_space<vmem>>) target(%dma_start3A_202 : memref<10240x128xf32, #tpu.memory_space<vmem_shared>>) offsets(%arg8 : memref<64xi32, #tpu.memory_space<vmem>>) semaphore(%arg19 : memref<!tpu.dma_semaphore, #tpu.memory_space<semaphore_mem>>) {add = true}
      %dma_wait3A_203 = arith.constant 0 : i32
      %dma_wait3A_204 = arith.constant 0 : i32
      %dma_wait3A_205 = tpu.memref_slice %arg13[%dma_wait3A_203, %dma_wait3A_204] : memref<10240x128xf32, #tpu.memory_space<vmem_shared>> -> memref<10240x128xf32, #tpu.memory_space<vmem_shared>>
      tpu.wait_indirect_dma semaphore(%arg18 : memref<!tpu.dma_semaphore, #tpu.memory_space<semaphore_mem>>) src(%arg9 : memref<64x128xf32, #tpu.memory_space<vmem>>) dst(%dma_wait3A_205 : memref<10240x128xf32, #tpu.memory_space<vmem_shared>>)
      %dma_start3A_206 = arith.constant 8 : i32
      %dma_start3A_207 = arith.constant 0 : i32
      %dma_start3A_208 = tpu.memref_slice %arg6[%dma_start3A_206, %dma_start3A_207] : memref<16x64xi32, #tpu.memory_space<vmem>> -> memref<1x64xi32, #tpu.memory_space<vmem>>
      %dma_start3A_209 = tpu.memref_squeeze %dma_start3A_208 : memref<1x64xi32, #tpu.memory_space<vmem>> -> memref<64xi32, #tpu.memory_space<vmem>>
      %dma_start3A_210 = arith.constant 0 : i32
      %dma_start3A_211 = arith.constant 0 : i32
      %dma_start3A_212 = tpu.memref_slice %arg2[%dma_start3A_210, %dma_start3A_211] : memref<10240x128xf32, #tpu.memory_space<hbm>> -> memref<10240x128xf32, #tpu.memory_space<hbm>>
      tpu.enqueue_indirect_dma source(%dma_start3A_212 : memref<10240x128xf32, #tpu.memory_space<hbm>>) target(%arg9 : memref<64x128xf32, #tpu.memory_space<vmem>>) offsets(%dma_start3A_209 : memref<64xi32, #tpu.memory_space<vmem>>) semaphore(%arg14 : memref<!tpu.dma_semaphore, #tpu.memory_space<semaphore_mem>>)
      %mul3A_213 = arith.constant 16 : i32
      %mul3A_214 = arith.muli %scan3A_31, %mul3A_213 : i32
      %add3A_215 = arith.constant 6 : i32
      %add3A_216 = arith.addi %mul3A_214, %add3A_215 : i32
      %mul3A_217 = arith.constant 64 : i32
      %mul3A_218 = arith.muli %add3A_216, %mul3A_217 : i32
      %add3A_219 = arith.addi %mul3A_15, %mul3A_218 : i32
      "tpu.region"() ({
        %run_scoped3A = tpu.sem_alloc : memref<!tpu.dma_semaphore, #tpu.memory_space<semaphore_mem>>
        %dma_start3A_466 = tpu.memref_slice %arg4[%add3A_219] : memref<327680xi32, #tpu.memory_space<hbm>> -> memref<64xi32, #tpu.memory_space<hbm>>
        %dma_start3A_467 = tpu.memref_slice %arg4[%add3A_219] : memref<327680xi32, #tpu.memory_space<hbm>> -> memref<64xi32, #tpu.memory_space<hbm>>
        tpu.enqueue_dma source(%dma_start3A_467 : memref<64xi32, #tpu.memory_space<hbm>>) target(%arg7 : memref<64xi32, #tpu.memory_space<vmem>>) target_semaphore(%run_scoped3A : memref<!tpu.dma_semaphore, #tpu.memory_space<semaphore_mem>>)
        %dma_wait3A_468 = tpu.memref_slice %arg4[%add3A_219] : memref<327680xi32, #tpu.memory_space<hbm>> -> memref<64xi32, #tpu.memory_space<hbm>>
        %dma_wait3A_469 = tpu.memref_slice %arg4[%add3A_219] : memref<327680xi32, #tpu.memory_space<hbm>> -> memref<64xi32, #tpu.memory_space<hbm>>
        tpu.wait_dma2 semaphore(%run_scoped3A : memref<!tpu.dma_semaphore, #tpu.memory_space<semaphore_mem>>) src(%dma_wait3A_469 : memref<64xi32, #tpu.memory_space<hbm>>) dst(%arg7 : memref<64xi32, #tpu.memory_space<vmem>>)
        tpu.yield
      }) : () -> ()
      %dma_wait3A_220 = arith.constant 6 : i32
      %dma_wait3A_221 = arith.constant 0 : i32
      %dma_wait3A_222 = tpu.memref_slice %arg6[%dma_wait3A_220, %dma_wait3A_221] : memref<16x64xi32, #tpu.memory_space<vmem>> -> memref<1x64xi32, #tpu.memory_space<vmem>>
      %dma_wait3A_223 = tpu.memref_squeeze %dma_wait3A_222 : memref<1x64xi32, #tpu.memory_space<vmem>> -> memref<64xi32, #tpu.memory_space<vmem>>
      %dma_wait3A_224 = arith.constant 0 : i32
      %dma_wait3A_225 = arith.constant 0 : i32
      %dma_wait3A_226 = tpu.memref_slice %arg2[%dma_wait3A_224, %dma_wait3A_225] : memref<10240x128xf32, #tpu.memory_space<hbm>> -> memref<10240x128xf32, #tpu.memory_space<hbm>>
      tpu.wait_indirect_dma semaphore(%arg16 : memref<!tpu.dma_semaphore, #tpu.memory_space<semaphore_mem>>) src(%dma_wait3A_226 : memref<10240x128xf32, #tpu.memory_space<hbm>>) dst(%arg11 : memref<64x128xf32, #tpu.memory_space<vmem>>)
      %dma_start3A_227 = arith.constant 0 : i32
      %dma_start3A_228 = arith.constant 0 : i32
      %dma_start3A_229 = tpu.memref_slice %arg13[%dma_start3A_227, %dma_start3A_228] : memref<10240x128xf32, #tpu.memory_space<vmem_shared>> -> memref<10240x128xf32, #tpu.memory_space<vmem_shared>>
      tpu.enqueue_indirect_dma source(%arg11 : memref<64x128xf32, #tpu.memory_space<vmem>>) target(%dma_start3A_229 : memref<10240x128xf32, #tpu.memory_space<vmem_shared>>) offsets(%arg7 : memref<64xi32, #tpu.memory_space<vmem>>) semaphore(%arg20 : memref<!tpu.dma_semaphore, #tpu.memory_space<semaphore_mem>>) {add = true}
      %dma_wait3A_230 = arith.constant 0 : i32
      %dma_wait3A_231 = arith.constant 0 : i32
      %dma_wait3A_232 = tpu.memref_slice %arg13[%dma_wait3A_230, %dma_wait3A_231] : memref<10240x128xf32, #tpu.memory_space<vmem_shared>> -> memref<10240x128xf32, #tpu.memory_space<vmem_shared>>
      tpu.wait_indirect_dma semaphore(%arg19 : memref<!tpu.dma_semaphore, #tpu.memory_space<semaphore_mem>>) src(%arg10 : memref<64x128xf32, #tpu.memory_space<vmem>>) dst(%dma_wait3A_232 : memref<10240x128xf32, #tpu.memory_space<vmem_shared>>)
      %dma_start3A_233 = arith.constant 9 : i32
      %dma_start3A_234 = arith.constant 0 : i32
      %dma_start3A_235 = tpu.memref_slice %arg6[%dma_start3A_233, %dma_start3A_234] : memref<16x64xi32, #tpu.memory_space<vmem>> -> memref<1x64xi32, #tpu.memory_space<vmem>>
      %dma_start3A_236 = tpu.memref_squeeze %dma_start3A_235 : memref<1x64xi32, #tpu.memory_space<vmem>> -> memref<64xi32, #tpu.memory_space<vmem>>
      %dma_start3A_237 = arith.constant 0 : i32
      %dma_start3A_238 = arith.constant 0 : i32
      %dma_start3A_239 = tpu.memref_slice %arg2[%dma_start3A_237, %dma_start3A_238] : memref<10240x128xf32, #tpu.memory_space<hbm>> -> memref<10240x128xf32, #tpu.memory_space<hbm>>
      tpu.enqueue_indirect_dma source(%dma_start3A_239 : memref<10240x128xf32, #tpu.memory_space<hbm>>) target(%arg10 : memref<64x128xf32, #tpu.memory_space<vmem>>) offsets(%dma_start3A_236 : memref<64xi32, #tpu.memory_space<vmem>>) semaphore(%arg15 : memref<!tpu.dma_semaphore, #tpu.memory_space<semaphore_mem>>)
      %mul3A_240 = arith.constant 16 : i32
      %mul3A_241 = arith.muli %scan3A_31, %mul3A_240 : i32
      %add3A_242 = arith.constant 7 : i32
      %add3A_243 = arith.addi %mul3A_241, %add3A_242 : i32
      %mul3A_244 = arith.constant 64 : i32
      %mul3A_245 = arith.muli %add3A_243, %mul3A_244 : i32
      %add3A_246 = arith.addi %mul3A_15, %mul3A_245 : i32
      "tpu.region"() ({
        %run_scoped3A = tpu.sem_alloc : memref<!tpu.dma_semaphore, #tpu.memory_space<semaphore_mem>>
        %dma_start3A_466 = tpu.memref_slice %arg4[%add3A_246] : memref<327680xi32, #tpu.memory_space<hbm>> -> memref<64xi32, #tpu.memory_space<hbm>>
        %dma_start3A_467 = tpu.memref_slice %arg4[%add3A_246] : memref<327680xi32, #tpu.memory_space<hbm>> -> memref<64xi32, #tpu.memory_space<hbm>>
        tpu.enqueue_dma source(%dma_start3A_467 : memref<64xi32, #tpu.memory_space<hbm>>) target(%arg8 : memref<64xi32, #tpu.memory_space<vmem>>) target_semaphore(%run_scoped3A : memref<!tpu.dma_semaphore, #tpu.memory_space<semaphore_mem>>)
        %dma_wait3A_468 = tpu.memref_slice %arg4[%add3A_246] : memref<327680xi32, #tpu.memory_space<hbm>> -> memref<64xi32, #tpu.memory_space<hbm>>
        %dma_wait3A_469 = tpu.memref_slice %arg4[%add3A_246] : memref<327680xi32, #tpu.memory_space<hbm>> -> memref<64xi32, #tpu.memory_space<hbm>>
        tpu.wait_dma2 semaphore(%run_scoped3A : memref<!tpu.dma_semaphore, #tpu.memory_space<semaphore_mem>>) src(%dma_wait3A_469 : memref<64xi32, #tpu.memory_space<hbm>>) dst(%arg8 : memref<64xi32, #tpu.memory_space<vmem>>)
        tpu.yield
      }) : () -> ()
      %dma_wait3A_247 = arith.constant 7 : i32
      %dma_wait3A_248 = arith.constant 0 : i32
      %dma_wait3A_249 = tpu.memref_slice %arg6[%dma_wait3A_247, %dma_wait3A_248] : memref<16x64xi32, #tpu.memory_space<vmem>> -> memref<1x64xi32, #tpu.memory_space<vmem>>
      %dma_wait3A_250 = tpu.memref_squeeze %dma_wait3A_249 : memref<1x64xi32, #tpu.memory_space<vmem>> -> memref<64xi32, #tpu.memory_space<vmem>>
      %dma_wait3A_251 = arith.constant 0 : i32
      %dma_wait3A_252 = arith.constant 0 : i32
      %dma_wait3A_253 = tpu.memref_slice %arg2[%dma_wait3A_251, %dma_wait3A_252] : memref<10240x128xf32, #tpu.memory_space<hbm>> -> memref<10240x128xf32, #tpu.memory_space<hbm>>
      tpu.wait_indirect_dma semaphore(%arg17 : memref<!tpu.dma_semaphore, #tpu.memory_space<semaphore_mem>>) src(%dma_wait3A_253 : memref<10240x128xf32, #tpu.memory_space<hbm>>) dst(%arg12 : memref<64x128xf32, #tpu.memory_space<vmem>>)
      %dma_start3A_254 = arith.constant 0 : i32
      %dma_start3A_255 = arith.constant 0 : i32
      %dma_start3A_256 = tpu.memref_slice %arg13[%dma_start3A_254, %dma_start3A_255] : memref<10240x128xf32, #tpu.memory_space<vmem_shared>> -> memref<10240x128xf32, #tpu.memory_space<vmem_shared>>
      tpu.enqueue_indirect_dma source(%arg12 : memref<64x128xf32, #tpu.memory_space<vmem>>) target(%dma_start3A_256 : memref<10240x128xf32, #tpu.memory_space<vmem_shared>>) offsets(%arg8 : memref<64xi32, #tpu.memory_space<vmem>>) semaphore(%arg21 : memref<!tpu.dma_semaphore, #tpu.memory_space<semaphore_mem>>) {add = true}
      %dma_wait3A_257 = arith.constant 0 : i32
      %dma_wait3A_258 = arith.constant 0 : i32
      %dma_wait3A_259 = tpu.memref_slice %arg13[%dma_wait3A_257, %dma_wait3A_258] : memref<10240x128xf32, #tpu.memory_space<vmem_shared>> -> memref<10240x128xf32, #tpu.memory_space<vmem_shared>>
      tpu.wait_indirect_dma semaphore(%arg20 : memref<!tpu.dma_semaphore, #tpu.memory_space<semaphore_mem>>) src(%arg11 : memref<64x128xf32, #tpu.memory_space<vmem>>) dst(%dma_wait3A_259 : memref<10240x128xf32, #tpu.memory_space<vmem_shared>>)
      %dma_start3A_260 = arith.constant 10 : i32
      %dma_start3A_261 = arith.constant 0 : i32
      %dma_start3A_262 = tpu.memref_slice %arg6[%dma_start3A_260, %dma_start3A_261] : memref<16x64xi32, #tpu.memory_space<vmem>> -> memref<1x64xi32, #tpu.memory_space<vmem>>
      %dma_start3A_263 = tpu.memref_squeeze %dma_start3A_262 : memref<1x64xi32, #tpu.memory_space<vmem>> -> memref<64xi32, #tpu.memory_space<vmem>>
      %dma_start3A_264 = arith.constant 0 : i32
      %dma_start3A_265 = arith.constant 0 : i32
      %dma_start3A_266 = tpu.memref_slice %arg2[%dma_start3A_264, %dma_start3A_265] : memref<10240x128xf32, #tpu.memory_space<hbm>> -> memref<10240x128xf32, #tpu.memory_space<hbm>>
      tpu.enqueue_indirect_dma source(%dma_start3A_266 : memref<10240x128xf32, #tpu.memory_space<hbm>>) target(%arg11 : memref<64x128xf32, #tpu.memory_space<vmem>>) offsets(%dma_start3A_263 : memref<64xi32, #tpu.memory_space<vmem>>) semaphore(%arg16 : memref<!tpu.dma_semaphore, #tpu.memory_space<semaphore_mem>>)
      %mul3A_267 = arith.constant 16 : i32
      %mul3A_268 = arith.muli %scan3A_31, %mul3A_267 : i32
      %add3A_269 = arith.constant 8 : i32
      %add3A_270 = arith.addi %mul3A_268, %add3A_269 : i32
      %mul3A_271 = arith.constant 64 : i32
      %mul3A_272 = arith.muli %add3A_270, %mul3A_271 : i32
      %add3A_273 = arith.addi %mul3A_15, %mul3A_272 : i32
      "tpu.region"() ({
        %run_scoped3A = tpu.sem_alloc : memref<!tpu.dma_semaphore, #tpu.memory_space<semaphore_mem>>
        %dma_start3A_466 = tpu.memref_slice %arg4[%add3A_273] : memref<327680xi32, #tpu.memory_space<hbm>> -> memref<64xi32, #tpu.memory_space<hbm>>
        %dma_start3A_467 = tpu.memref_slice %arg4[%add3A_273] : memref<327680xi32, #tpu.memory_space<hbm>> -> memref<64xi32, #tpu.memory_space<hbm>>
        tpu.enqueue_dma source(%dma_start3A_467 : memref<64xi32, #tpu.memory_space<hbm>>) target(%arg7 : memref<64xi32, #tpu.memory_space<vmem>>) target_semaphore(%run_scoped3A : memref<!tpu.dma_semaphore, #tpu.memory_space<semaphore_mem>>)
        %dma_wait3A_468 = tpu.memref_slice %arg4[%add3A_273] : memref<327680xi32, #tpu.memory_space<hbm>> -> memref<64xi32, #tpu.memory_space<hbm>>
        %dma_wait3A_469 = tpu.memref_slice %arg4[%add3A_273] : memref<327680xi32, #tpu.memory_space<hbm>> -> memref<64xi32, #tpu.memory_space<hbm>>
        tpu.wait_dma2 semaphore(%run_scoped3A : memref<!tpu.dma_semaphore, #tpu.memory_space<semaphore_mem>>) src(%dma_wait3A_469 : memref<64xi32, #tpu.memory_space<hbm>>) dst(%arg7 : memref<64xi32, #tpu.memory_space<vmem>>)
        tpu.yield
      }) : () -> ()
      %dma_wait3A_274 = arith.constant 8 : i32
      %dma_wait3A_275 = arith.constant 0 : i32
      %dma_wait3A_276 = tpu.memref_slice %arg6[%dma_wait3A_274, %dma_wait3A_275] : memref<16x64xi32, #tpu.memory_space<vmem>> -> memref<1x64xi32, #tpu.memory_space<vmem>>
      %dma_wait3A_277 = tpu.memref_squeeze %dma_wait3A_276 : memref<1x64xi32, #tpu.memory_space<vmem>> -> memref<64xi32, #tpu.memory_space<vmem>>
      %dma_wait3A_278 = arith.constant 0 : i32
      %dma_wait3A_279 = arith.constant 0 : i32
      %dma_wait3A_280 = tpu.memref_slice %arg2[%dma_wait3A_278, %dma_wait3A_279] : memref<10240x128xf32, #tpu.memory_space<hbm>> -> memref<10240x128xf32, #tpu.memory_space<hbm>>
      tpu.wait_indirect_dma semaphore(%arg14 : memref<!tpu.dma_semaphore, #tpu.memory_space<semaphore_mem>>) src(%dma_wait3A_280 : memref<10240x128xf32, #tpu.memory_space<hbm>>) dst(%arg9 : memref<64x128xf32, #tpu.memory_space<vmem>>)
      %dma_start3A_281 = arith.constant 0 : i32
      %dma_start3A_282 = arith.constant 0 : i32
      %dma_start3A_283 = tpu.memref_slice %arg13[%dma_start3A_281, %dma_start3A_282] : memref<10240x128xf32, #tpu.memory_space<vmem_shared>> -> memref<10240x128xf32, #tpu.memory_space<vmem_shared>>
      tpu.enqueue_indirect_dma source(%arg9 : memref<64x128xf32, #tpu.memory_space<vmem>>) target(%dma_start3A_283 : memref<10240x128xf32, #tpu.memory_space<vmem_shared>>) offsets(%arg7 : memref<64xi32, #tpu.memory_space<vmem>>) semaphore(%arg18 : memref<!tpu.dma_semaphore, #tpu.memory_space<semaphore_mem>>) {add = true}
      %dma_wait3A_284 = arith.constant 0 : i32
      %dma_wait3A_285 = arith.constant 0 : i32
      %dma_wait3A_286 = tpu.memref_slice %arg13[%dma_wait3A_284, %dma_wait3A_285] : memref<10240x128xf32, #tpu.memory_space<vmem_shared>> -> memref<10240x128xf32, #tpu.memory_space<vmem_shared>>
      tpu.wait_indirect_dma semaphore(%arg21 : memref<!tpu.dma_semaphore, #tpu.memory_space<semaphore_mem>>) src(%arg12 : memref<64x128xf32, #tpu.memory_space<vmem>>) dst(%dma_wait3A_286 : memref<10240x128xf32, #tpu.memory_space<vmem_shared>>)
      %dma_start3A_287 = arith.constant 11 : i32
      %dma_start3A_288 = arith.constant 0 : i32
      %dma_start3A_289 = tpu.memref_slice %arg6[%dma_start3A_287, %dma_start3A_288] : memref<16x64xi32, #tpu.memory_space<vmem>> -> memref<1x64xi32, #tpu.memory_space<vmem>>
      %dma_start3A_290 = tpu.memref_squeeze %dma_start3A_289 : memref<1x64xi32, #tpu.memory_space<vmem>> -> memref<64xi32, #tpu.memory_space<vmem>>
      %dma_start3A_291 = arith.constant 0 : i32
      %dma_start3A_292 = arith.constant 0 : i32
      %dma_start3A_293 = tpu.memref_slice %arg2[%dma_start3A_291, %dma_start3A_292] : memref<10240x128xf32, #tpu.memory_space<hbm>> -> memref<10240x128xf32, #tpu.memory_space<hbm>>
      tpu.enqueue_indirect_dma source(%dma_start3A_293 : memref<10240x128xf32, #tpu.memory_space<hbm>>) target(%arg12 : memref<64x128xf32, #tpu.memory_space<vmem>>) offsets(%dma_start3A_290 : memref<64xi32, #tpu.memory_space<vmem>>) semaphore(%arg17 : memref<!tpu.dma_semaphore, #tpu.memory_space<semaphore_mem>>)
      %mul3A_294 = arith.constant 16 : i32
      %mul3A_295 = arith.muli %scan3A_31, %mul3A_294 : i32
      %add3A_296 = arith.constant 9 : i32
      %add3A_297 = arith.addi %mul3A_295, %add3A_296 : i32
      %mul3A_298 = arith.constant 64 : i32
      %mul3A_299 = arith.muli %add3A_297, %mul3A_298 : i32
      %add3A_300 = arith.addi %mul3A_15, %mul3A_299 : i32
      "tpu.region"() ({
        %run_scoped3A = tpu.sem_alloc : memref<!tpu.dma_semaphore, #tpu.memory_space<semaphore_mem>>
        %dma_start3A_466 = tpu.memref_slice %arg4[%add3A_300] : memref<327680xi32, #tpu.memory_space<hbm>> -> memref<64xi32, #tpu.memory_space<hbm>>
        %dma_start3A_467 = tpu.memref_slice %arg4[%add3A_300] : memref<327680xi32, #tpu.memory_space<hbm>> -> memref<64xi32, #tpu.memory_space<hbm>>
        tpu.enqueue_dma source(%dma_start3A_467 : memref<64xi32, #tpu.memory_space<hbm>>) target(%arg8 : memref<64xi32, #tpu.memory_space<vmem>>) target_semaphore(%run_scoped3A : memref<!tpu.dma_semaphore, #tpu.memory_space<semaphore_mem>>)
        %dma_wait3A_468 = tpu.memref_slice %arg4[%add3A_300] : memref<327680xi32, #tpu.memory_space<hbm>> -> memref<64xi32, #tpu.memory_space<hbm>>
        %dma_wait3A_469 = tpu.memref_slice %arg4[%add3A_300] : memref<327680xi32, #tpu.memory_space<hbm>> -> memref<64xi32, #tpu.memory_space<hbm>>
        tpu.wait_dma2 semaphore(%run_scoped3A : memref<!tpu.dma_semaphore, #tpu.memory_space<semaphore_mem>>) src(%dma_wait3A_469 : memref<64xi32, #tpu.memory_space<hbm>>) dst(%arg8 : memref<64xi32, #tpu.memory_space<vmem>>)
        tpu.yield
      }) : () -> ()
      %dma_wait3A_301 = arith.constant 9 : i32
      %dma_wait3A_302 = arith.constant 0 : i32
      %dma_wait3A_303 = tpu.memref_slice %arg6[%dma_wait3A_301, %dma_wait3A_302] : memref<16x64xi32, #tpu.memory_space<vmem>> -> memref<1x64xi32, #tpu.memory_space<vmem>>
      %dma_wait3A_304 = tpu.memref_squeeze %dma_wait3A_303 : memref<1x64xi32, #tpu.memory_space<vmem>> -> memref<64xi32, #tpu.memory_space<vmem>>
      %dma_wait3A_305 = arith.constant 0 : i32
      %dma_wait3A_306 = arith.constant 0 : i32
      %dma_wait3A_307 = tpu.memref_slice %arg2[%dma_wait3A_305, %dma_wait3A_306] : memref<10240x128xf32, #tpu.memory_space<hbm>> -> memref<10240x128xf32, #tpu.memory_space<hbm>>
      tpu.wait_indirect_dma semaphore(%arg15 : memref<!tpu.dma_semaphore, #tpu.memory_space<semaphore_mem>>) src(%dma_wait3A_307 : memref<10240x128xf32, #tpu.memory_space<hbm>>) dst(%arg10 : memref<64x128xf32, #tpu.memory_space<vmem>>)
      %dma_start3A_308 = arith.constant 0 : i32
      %dma_start3A_309 = arith.constant 0 : i32
      %dma_start3A_310 = tpu.memref_slice %arg13[%dma_start3A_308, %dma_start3A_309] : memref<10240x128xf32, #tpu.memory_space<vmem_shared>> -> memref<10240x128xf32, #tpu.memory_space<vmem_shared>>
      tpu.enqueue_indirect_dma source(%arg10 : memref<64x128xf32, #tpu.memory_space<vmem>>) target(%dma_start3A_310 : memref<10240x128xf32, #tpu.memory_space<vmem_shared>>) offsets(%arg8 : memref<64xi32, #tpu.memory_space<vmem>>) semaphore(%arg19 : memref<!tpu.dma_semaphore, #tpu.memory_space<semaphore_mem>>) {add = true}
      %dma_wait3A_311 = arith.constant 0 : i32
      %dma_wait3A_312 = arith.constant 0 : i32
      %dma_wait3A_313 = tpu.memref_slice %arg13[%dma_wait3A_311, %dma_wait3A_312] : memref<10240x128xf32, #tpu.memory_space<vmem_shared>> -> memref<10240x128xf32, #tpu.memory_space<vmem_shared>>
      tpu.wait_indirect_dma semaphore(%arg18 : memref<!tpu.dma_semaphore, #tpu.memory_space<semaphore_mem>>) src(%arg9 : memref<64x128xf32, #tpu.memory_space<vmem>>) dst(%dma_wait3A_313 : memref<10240x128xf32, #tpu.memory_space<vmem_shared>>)
      %dma_start3A_314 = arith.constant 12 : i32
      %dma_start3A_315 = arith.constant 0 : i32
      %dma_start3A_316 = tpu.memref_slice %arg6[%dma_start3A_314, %dma_start3A_315] : memref<16x64xi32, #tpu.memory_space<vmem>> -> memref<1x64xi32, #tpu.memory_space<vmem>>
      %dma_start3A_317 = tpu.memref_squeeze %dma_start3A_316 : memref<1x64xi32, #tpu.memory_space<vmem>> -> memref<64xi32, #tpu.memory_space<vmem>>
      %dma_start3A_318 = arith.constant 0 : i32
      %dma_start3A_319 = arith.constant 0 : i32
      %dma_start3A_320 = tpu.memref_slice %arg2[%dma_start3A_318, %dma_start3A_319] : memref<10240x128xf32, #tpu.memory_space<hbm>> -> memref<10240x128xf32, #tpu.memory_space<hbm>>
      tpu.enqueue_indirect_dma source(%dma_start3A_320 : memref<10240x128xf32, #tpu.memory_space<hbm>>) target(%arg9 : memref<64x128xf32, #tpu.memory_space<vmem>>) offsets(%dma_start3A_317 : memref<64xi32, #tpu.memory_space<vmem>>) semaphore(%arg14 : memref<!tpu.dma_semaphore, #tpu.memory_space<semaphore_mem>>)
      %mul3A_321 = arith.constant 16 : i32
      %mul3A_322 = arith.muli %scan3A_31, %mul3A_321 : i32
      %add3A_323 = arith.constant 10 : i32
      %add3A_324 = arith.addi %mul3A_322, %add3A_323 : i32
      %mul3A_325 = arith.constant 64 : i32
      %mul3A_326 = arith.muli %add3A_324, %mul3A_325 : i32
      %add3A_327 = arith.addi %mul3A_15, %mul3A_326 : i32
      "tpu.region"() ({
        %run_scoped3A = tpu.sem_alloc : memref<!tpu.dma_semaphore, #tpu.memory_space<semaphore_mem>>
        %dma_start3A_466 = tpu.memref_slice %arg4[%add3A_327] : memref<327680xi32, #tpu.memory_space<hbm>> -> memref<64xi32, #tpu.memory_space<hbm>>
        %dma_start3A_467 = tpu.memref_slice %arg4[%add3A_327] : memref<327680xi32, #tpu.memory_space<hbm>> -> memref<64xi32, #tpu.memory_space<hbm>>
        tpu.enqueue_dma source(%dma_start3A_467 : memref<64xi32, #tpu.memory_space<hbm>>) target(%arg7 : memref<64xi32, #tpu.memory_space<vmem>>) target_semaphore(%run_scoped3A : memref<!tpu.dma_semaphore, #tpu.memory_space<semaphore_mem>>)
        %dma_wait3A_468 = tpu.memref_slice %arg4[%add3A_327] : memref<327680xi32, #tpu.memory_space<hbm>> -> memref<64xi32, #tpu.memory_space<hbm>>
        %dma_wait3A_469 = tpu.memref_slice %arg4[%add3A_327] : memref<327680xi32, #tpu.memory_space<hbm>> -> memref<64xi32, #tpu.memory_space<hbm>>
        tpu.wait_dma2 semaphore(%run_scoped3A : memref<!tpu.dma_semaphore, #tpu.memory_space<semaphore_mem>>) src(%dma_wait3A_469 : memref<64xi32, #tpu.memory_space<hbm>>) dst(%arg7 : memref<64xi32, #tpu.memory_space<vmem>>)
        tpu.yield
      }) : () -> ()
      %dma_wait3A_328 = arith.constant 10 : i32
      %dma_wait3A_329 = arith.constant 0 : i32
      %dma_wait3A_330 = tpu.memref_slice %arg6[%dma_wait3A_328, %dma_wait3A_329] : memref<16x64xi32, #tpu.memory_space<vmem>> -> memref<1x64xi32, #tpu.memory_space<vmem>>
      %dma_wait3A_331 = tpu.memref_squeeze %dma_wait3A_330 : memref<1x64xi32, #tpu.memory_space<vmem>> -> memref<64xi32, #tpu.memory_space<vmem>>
      %dma_wait3A_332 = arith.constant 0 : i32
      %dma_wait3A_333 = arith.constant 0 : i32
      %dma_wait3A_334 = tpu.memref_slice %arg2[%dma_wait3A_332, %dma_wait3A_333] : memref<10240x128xf32, #tpu.memory_space<hbm>> -> memref<10240x128xf32, #tpu.memory_space<hbm>>
      tpu.wait_indirect_dma semaphore(%arg16 : memref<!tpu.dma_semaphore, #tpu.memory_space<semaphore_mem>>) src(%dma_wait3A_334 : memref<10240x128xf32, #tpu.memory_space<hbm>>) dst(%arg11 : memref<64x128xf32, #tpu.memory_space<vmem>>)
      %dma_start3A_335 = arith.constant 0 : i32
      %dma_start3A_336 = arith.constant 0 : i32
      %dma_start3A_337 = tpu.memref_slice %arg13[%dma_start3A_335, %dma_start3A_336] : memref<10240x128xf32, #tpu.memory_space<vmem_shared>> -> memref<10240x128xf32, #tpu.memory_space<vmem_shared>>
      tpu.enqueue_indirect_dma source(%arg11 : memref<64x128xf32, #tpu.memory_space<vmem>>) target(%dma_start3A_337 : memref<10240x128xf32, #tpu.memory_space<vmem_shared>>) offsets(%arg7 : memref<64xi32, #tpu.memory_space<vmem>>) semaphore(%arg20 : memref<!tpu.dma_semaphore, #tpu.memory_space<semaphore_mem>>) {add = true}
      %dma_wait3A_338 = arith.constant 0 : i32
      %dma_wait3A_339 = arith.constant 0 : i32
      %dma_wait3A_340 = tpu.memref_slice %arg13[%dma_wait3A_338, %dma_wait3A_339] : memref<10240x128xf32, #tpu.memory_space<vmem_shared>> -> memref<10240x128xf32, #tpu.memory_space<vmem_shared>>
      tpu.wait_indirect_dma semaphore(%arg19 : memref<!tpu.dma_semaphore, #tpu.memory_space<semaphore_mem>>) src(%arg10 : memref<64x128xf32, #tpu.memory_space<vmem>>) dst(%dma_wait3A_340 : memref<10240x128xf32, #tpu.memory_space<vmem_shared>>)
      %dma_start3A_341 = arith.constant 13 : i32
      %dma_start3A_342 = arith.constant 0 : i32
      %dma_start3A_343 = tpu.memref_slice %arg6[%dma_start3A_341, %dma_start3A_342] : memref<16x64xi32, #tpu.memory_space<vmem>> -> memref<1x64xi32, #tpu.memory_space<vmem>>
      %dma_start3A_344 = tpu.memref_squeeze %dma_start3A_343 : memref<1x64xi32, #tpu.memory_space<vmem>> -> memref<64xi32, #tpu.memory_space<vmem>>
      %dma_start3A_345 = arith.constant 0 : i32
      %dma_start3A_346 = arith.constant 0 : i32
      %dma_start3A_347 = tpu.memref_slice %arg2[%dma_start3A_345, %dma_start3A_346] : memref<10240x128xf32, #tpu.memory_space<hbm>> -> memref<10240x128xf32, #tpu.memory_space<hbm>>
      tpu.enqueue_indirect_dma source(%dma_start3A_347 : memref<10240x128xf32, #tpu.memory_space<hbm>>) target(%arg10 : memref<64x128xf32, #tpu.memory_space<vmem>>) offsets(%dma_start3A_344 : memref<64xi32, #tpu.memory_space<vmem>>) semaphore(%arg15 : memref<!tpu.dma_semaphore, #tpu.memory_space<semaphore_mem>>)
      %mul3A_348 = arith.constant 16 : i32
      %mul3A_349 = arith.muli %scan3A_31, %mul3A_348 : i32
      %add3A_350 = arith.constant 11 : i32
      %add3A_351 = arith.addi %mul3A_349, %add3A_350 : i32
      %mul3A_352 = arith.constant 64 : i32
      %mul3A_353 = arith.muli %add3A_351, %mul3A_352 : i32
      %add3A_354 = arith.addi %mul3A_15, %mul3A_353 : i32
      "tpu.region"() ({
        %run_scoped3A = tpu.sem_alloc : memref<!tpu.dma_semaphore, #tpu.memory_space<semaphore_mem>>
        %dma_start3A_466 = tpu.memref_slice %arg4[%add3A_354] : memref<327680xi32, #tpu.memory_space<hbm>> -> memref<64xi32, #tpu.memory_space<hbm>>
        %dma_start3A_467 = tpu.memref_slice %arg4[%add3A_354] : memref<327680xi32, #tpu.memory_space<hbm>> -> memref<64xi32, #tpu.memory_space<hbm>>
        tpu.enqueue_dma source(%dma_start3A_467 : memref<64xi32, #tpu.memory_space<hbm>>) target(%arg8 : memref<64xi32, #tpu.memory_space<vmem>>) target_semaphore(%run_scoped3A : memref<!tpu.dma_semaphore, #tpu.memory_space<semaphore_mem>>)
        %dma_wait3A_468 = tpu.memref_slice %arg4[%add3A_354] : memref<327680xi32, #tpu.memory_space<hbm>> -> memref<64xi32, #tpu.memory_space<hbm>>
        %dma_wait3A_469 = tpu.memref_slice %arg4[%add3A_354] : memref<327680xi32, #tpu.memory_space<hbm>> -> memref<64xi32, #tpu.memory_space<hbm>>
        tpu.wait_dma2 semaphore(%run_scoped3A : memref<!tpu.dma_semaphore, #tpu.memory_space<semaphore_mem>>) src(%dma_wait3A_469 : memref<64xi32, #tpu.memory_space<hbm>>) dst(%arg8 : memref<64xi32, #tpu.memory_space<vmem>>)
        tpu.yield
      }) : () -> ()
      %dma_wait3A_355 = arith.constant 11 : i32
      %dma_wait3A_356 = arith.constant 0 : i32
      %dma_wait3A_357 = tpu.memref_slice %arg6[%dma_wait3A_355, %dma_wait3A_356] : memref<16x64xi32, #tpu.memory_space<vmem>> -> memref<1x64xi32, #tpu.memory_space<vmem>>
      %dma_wait3A_358 = tpu.memref_squeeze %dma_wait3A_357 : memref<1x64xi32, #tpu.memory_space<vmem>> -> memref<64xi32, #tpu.memory_space<vmem>>
      %dma_wait3A_359 = arith.constant 0 : i32
      %dma_wait3A_360 = arith.constant 0 : i32
      %dma_wait3A_361 = tpu.memref_slice %arg2[%dma_wait3A_359, %dma_wait3A_360] : memref<10240x128xf32, #tpu.memory_space<hbm>> -> memref<10240x128xf32, #tpu.memory_space<hbm>>
      tpu.wait_indirect_dma semaphore(%arg17 : memref<!tpu.dma_semaphore, #tpu.memory_space<semaphore_mem>>) src(%dma_wait3A_361 : memref<10240x128xf32, #tpu.memory_space<hbm>>) dst(%arg12 : memref<64x128xf32, #tpu.memory_space<vmem>>)
      %dma_start3A_362 = arith.constant 0 : i32
      %dma_start3A_363 = arith.constant 0 : i32
      %dma_start3A_364 = tpu.memref_slice %arg13[%dma_start3A_362, %dma_start3A_363] : memref<10240x128xf32, #tpu.memory_space<vmem_shared>> -> memref<10240x128xf32, #tpu.memory_space<vmem_shared>>
      tpu.enqueue_indirect_dma source(%arg12 : memref<64x128xf32, #tpu.memory_space<vmem>>) target(%dma_start3A_364 : memref<10240x128xf32, #tpu.memory_space<vmem_shared>>) offsets(%arg8 : memref<64xi32, #tpu.memory_space<vmem>>) semaphore(%arg21 : memref<!tpu.dma_semaphore, #tpu.memory_space<semaphore_mem>>) {add = true}
      %dma_wait3A_365 = arith.constant 0 : i32
      %dma_wait3A_366 = arith.constant 0 : i32
      %dma_wait3A_367 = tpu.memref_slice %arg13[%dma_wait3A_365, %dma_wait3A_366] : memref<10240x128xf32, #tpu.memory_space<vmem_shared>> -> memref<10240x128xf32, #tpu.memory_space<vmem_shared>>
      tpu.wait_indirect_dma semaphore(%arg20 : memref<!tpu.dma_semaphore, #tpu.memory_space<semaphore_mem>>) src(%arg11 : memref<64x128xf32, #tpu.memory_space<vmem>>) dst(%dma_wait3A_367 : memref<10240x128xf32, #tpu.memory_space<vmem_shared>>)
      %dma_start3A_368 = arith.constant 14 : i32
      %dma_start3A_369 = arith.constant 0 : i32
      %dma_start3A_370 = tpu.memref_slice %arg6[%dma_start3A_368, %dma_start3A_369] : memref<16x64xi32, #tpu.memory_space<vmem>> -> memref<1x64xi32, #tpu.memory_space<vmem>>
      %dma_start3A_371 = tpu.memref_squeeze %dma_start3A_370 : memref<1x64xi32, #tpu.memory_space<vmem>> -> memref<64xi32, #tpu.memory_space<vmem>>
      %dma_start3A_372 = arith.constant 0 : i32
      %dma_start3A_373 = arith.constant 0 : i32
      %dma_start3A_374 = tpu.memref_slice %arg2[%dma_start3A_372, %dma_start3A_373] : memref<10240x128xf32, #tpu.memory_space<hbm>> -> memref<10240x128xf32, #tpu.memory_space<hbm>>
      tpu.enqueue_indirect_dma source(%dma_start3A_374 : memref<10240x128xf32, #tpu.memory_space<hbm>>) target(%arg11 : memref<64x128xf32, #tpu.memory_space<vmem>>) offsets(%dma_start3A_371 : memref<64xi32, #tpu.memory_space<vmem>>) semaphore(%arg16 : memref<!tpu.dma_semaphore, #tpu.memory_space<semaphore_mem>>)
      %mul3A_375 = arith.constant 16 : i32
      %mul3A_376 = arith.muli %scan3A_31, %mul3A_375 : i32
      %add3A_377 = arith.constant 12 : i32
      %add3A_378 = arith.addi %mul3A_376, %add3A_377 : i32
      %mul3A_379 = arith.constant 64 : i32
      %mul3A_380 = arith.muli %add3A_378, %mul3A_379 : i32
      %add3A_381 = arith.addi %mul3A_15, %mul3A_380 : i32
      "tpu.region"() ({
        %run_scoped3A = tpu.sem_alloc : memref<!tpu.dma_semaphore, #tpu.memory_space<semaphore_mem>>
        %dma_start3A_466 = tpu.memref_slice %arg4[%add3A_381] : memref<327680xi32, #tpu.memory_space<hbm>> -> memref<64xi32, #tpu.memory_space<hbm>>
        %dma_start3A_467 = tpu.memref_slice %arg4[%add3A_381] : memref<327680xi32, #tpu.memory_space<hbm>> -> memref<64xi32, #tpu.memory_space<hbm>>
        tpu.enqueue_dma source(%dma_start3A_467 : memref<64xi32, #tpu.memory_space<hbm>>) target(%arg7 : memref<64xi32, #tpu.memory_space<vmem>>) target_semaphore(%run_scoped3A : memref<!tpu.dma_semaphore, #tpu.memory_space<semaphore_mem>>)
        %dma_wait3A_468 = tpu.memref_slice %arg4[%add3A_381] : memref<327680xi32, #tpu.memory_space<hbm>> -> memref<64xi32, #tpu.memory_space<hbm>>
        %dma_wait3A_469 = tpu.memref_slice %arg4[%add3A_381] : memref<327680xi32, #tpu.memory_space<hbm>> -> memref<64xi32, #tpu.memory_space<hbm>>
        tpu.wait_dma2 semaphore(%run_scoped3A : memref<!tpu.dma_semaphore, #tpu.memory_space<semaphore_mem>>) src(%dma_wait3A_469 : memref<64xi32, #tpu.memory_space<hbm>>) dst(%arg7 : memref<64xi32, #tpu.memory_space<vmem>>)
        tpu.yield
      }) : () -> ()
      %dma_wait3A_382 = arith.constant 12 : i32
      %dma_wait3A_383 = arith.constant 0 : i32
      %dma_wait3A_384 = tpu.memref_slice %arg6[%dma_wait3A_382, %dma_wait3A_383] : memref<16x64xi32, #tpu.memory_space<vmem>> -> memref<1x64xi32, #tpu.memory_space<vmem>>
      %dma_wait3A_385 = tpu.memref_squeeze %dma_wait3A_384 : memref<1x64xi32, #tpu.memory_space<vmem>> -> memref<64xi32, #tpu.memory_space<vmem>>
      %dma_wait3A_386 = arith.constant 0 : i32
      %dma_wait3A_387 = arith.constant 0 : i32
      %dma_wait3A_388 = tpu.memref_slice %arg2[%dma_wait3A_386, %dma_wait3A_387] : memref<10240x128xf32, #tpu.memory_space<hbm>> -> memref<10240x128xf32, #tpu.memory_space<hbm>>
      tpu.wait_indirect_dma semaphore(%arg14 : memref<!tpu.dma_semaphore, #tpu.memory_space<semaphore_mem>>) src(%dma_wait3A_388 : memref<10240x128xf32, #tpu.memory_space<hbm>>) dst(%arg9 : memref<64x128xf32, #tpu.memory_space<vmem>>)
      %dma_start3A_389 = arith.constant 0 : i32
      %dma_start3A_390 = arith.constant 0 : i32
      %dma_start3A_391 = tpu.memref_slice %arg13[%dma_start3A_389, %dma_start3A_390] : memref<10240x128xf32, #tpu.memory_space<vmem_shared>> -> memref<10240x128xf32, #tpu.memory_space<vmem_shared>>
      tpu.enqueue_indirect_dma source(%arg9 : memref<64x128xf32, #tpu.memory_space<vmem>>) target(%dma_start3A_391 : memref<10240x128xf32, #tpu.memory_space<vmem_shared>>) offsets(%arg7 : memref<64xi32, #tpu.memory_space<vmem>>) semaphore(%arg18 : memref<!tpu.dma_semaphore, #tpu.memory_space<semaphore_mem>>) {add = true}
      %dma_wait3A_392 = arith.constant 0 : i32
      %dma_wait3A_393 = arith.constant 0 : i32
      %dma_wait3A_394 = tpu.memref_slice %arg13[%dma_wait3A_392, %dma_wait3A_393] : memref<10240x128xf32, #tpu.memory_space<vmem_shared>> -> memref<10240x128xf32, #tpu.memory_space<vmem_shared>>
      tpu.wait_indirect_dma semaphore(%arg21 : memref<!tpu.dma_semaphore, #tpu.memory_space<semaphore_mem>>) src(%arg12 : memref<64x128xf32, #tpu.memory_space<vmem>>) dst(%dma_wait3A_394 : memref<10240x128xf32, #tpu.memory_space<vmem_shared>>)
      %dma_start3A_395 = arith.constant 15 : i32
      %dma_start3A_396 = arith.constant 0 : i32
      %dma_start3A_397 = tpu.memref_slice %arg6[%dma_start3A_395, %dma_start3A_396] : memref<16x64xi32, #tpu.memory_space<vmem>> -> memref<1x64xi32, #tpu.memory_space<vmem>>
      %dma_start3A_398 = tpu.memref_squeeze %dma_start3A_397 : memref<1x64xi32, #tpu.memory_space<vmem>> -> memref<64xi32, #tpu.memory_space<vmem>>
      %dma_start3A_399 = arith.constant 0 : i32
      %dma_start3A_400 = arith.constant 0 : i32
      %dma_start3A_401 = tpu.memref_slice %arg2[%dma_start3A_399, %dma_start3A_400] : memref<10240x128xf32, #tpu.memory_space<hbm>> -> memref<10240x128xf32, #tpu.memory_space<hbm>>
      tpu.enqueue_indirect_dma source(%dma_start3A_401 : memref<10240x128xf32, #tpu.memory_space<hbm>>) target(%arg12 : memref<64x128xf32, #tpu.memory_space<vmem>>) offsets(%dma_start3A_398 : memref<64xi32, #tpu.memory_space<vmem>>) semaphore(%arg17 : memref<!tpu.dma_semaphore, #tpu.memory_space<semaphore_mem>>)
      %mul3A_402 = arith.constant 16 : i32
      %mul3A_403 = arith.muli %scan3A_31, %mul3A_402 : i32
      %add3A_404 = arith.constant 13 : i32
      %add3A_405 = arith.addi %mul3A_403, %add3A_404 : i32
      %mul3A_406 = arith.constant 64 : i32
      %mul3A_407 = arith.muli %add3A_405, %mul3A_406 : i32
      %add3A_408 = arith.addi %mul3A_15, %mul3A_407 : i32
      "tpu.region"() ({
        %run_scoped3A = tpu.sem_alloc : memref<!tpu.dma_semaphore, #tpu.memory_space<semaphore_mem>>
        %dma_start3A_466 = tpu.memref_slice %arg4[%add3A_408] : memref<327680xi32, #tpu.memory_space<hbm>> -> memref<64xi32, #tpu.memory_space<hbm>>
        %dma_start3A_467 = tpu.memref_slice %arg4[%add3A_408] : memref<327680xi32, #tpu.memory_space<hbm>> -> memref<64xi32, #tpu.memory_space<hbm>>
        tpu.enqueue_dma source(%dma_start3A_467 : memref<64xi32, #tpu.memory_space<hbm>>) target(%arg8 : memref<64xi32, #tpu.memory_space<vmem>>) target_semaphore(%run_scoped3A : memref<!tpu.dma_semaphore, #tpu.memory_space<semaphore_mem>>)
        %dma_wait3A_468 = tpu.memref_slice %arg4[%add3A_408] : memref<327680xi32, #tpu.memory_space<hbm>> -> memref<64xi32, #tpu.memory_space<hbm>>
        %dma_wait3A_469 = tpu.memref_slice %arg4[%add3A_408] : memref<327680xi32, #tpu.memory_space<hbm>> -> memref<64xi32, #tpu.memory_space<hbm>>
        tpu.wait_dma2 semaphore(%run_scoped3A : memref<!tpu.dma_semaphore, #tpu.memory_space<semaphore_mem>>) src(%dma_wait3A_469 : memref<64xi32, #tpu.memory_space<hbm>>) dst(%arg8 : memref<64xi32, #tpu.memory_space<vmem>>)
        tpu.yield
      }) : () -> ()
      %dma_wait3A_409 = arith.constant 13 : i32
      %dma_wait3A_410 = arith.constant 0 : i32
      %dma_wait3A_411 = tpu.memref_slice %arg6[%dma_wait3A_409, %dma_wait3A_410] : memref<16x64xi32, #tpu.memory_space<vmem>> -> memref<1x64xi32, #tpu.memory_space<vmem>>
      %dma_wait3A_412 = tpu.memref_squeeze %dma_wait3A_411 : memref<1x64xi32, #tpu.memory_space<vmem>> -> memref<64xi32, #tpu.memory_space<vmem>>
      %dma_wait3A_413 = arith.constant 0 : i32
      %dma_wait3A_414 = arith.constant 0 : i32
      %dma_wait3A_415 = tpu.memref_slice %arg2[%dma_wait3A_413, %dma_wait3A_414] : memref<10240x128xf32, #tpu.memory_space<hbm>> -> memref<10240x128xf32, #tpu.memory_space<hbm>>
      tpu.wait_indirect_dma semaphore(%arg15 : memref<!tpu.dma_semaphore, #tpu.memory_space<semaphore_mem>>) src(%dma_wait3A_415 : memref<10240x128xf32, #tpu.memory_space<hbm>>) dst(%arg10 : memref<64x128xf32, #tpu.memory_space<vmem>>)
      %dma_start3A_416 = arith.constant 0 : i32
      %dma_start3A_417 = arith.constant 0 : i32
      %dma_start3A_418 = tpu.memref_slice %arg13[%dma_start3A_416, %dma_start3A_417] : memref<10240x128xf32, #tpu.memory_space<vmem_shared>> -> memref<10240x128xf32, #tpu.memory_space<vmem_shared>>
      tpu.enqueue_indirect_dma source(%arg10 : memref<64x128xf32, #tpu.memory_space<vmem>>) target(%dma_start3A_418 : memref<10240x128xf32, #tpu.memory_space<vmem_shared>>) offsets(%arg8 : memref<64xi32, #tpu.memory_space<vmem>>) semaphore(%arg19 : memref<!tpu.dma_semaphore, #tpu.memory_space<semaphore_mem>>) {add = true}
      %dma_wait3A_419 = arith.constant 0 : i32
      %dma_wait3A_420 = arith.constant 0 : i32
      %dma_wait3A_421 = tpu.memref_slice %arg13[%dma_wait3A_419, %dma_wait3A_420] : memref<10240x128xf32, #tpu.memory_space<vmem_shared>> -> memref<10240x128xf32, #tpu.memory_space<vmem_shared>>
      tpu.wait_indirect_dma semaphore(%arg18 : memref<!tpu.dma_semaphore, #tpu.memory_space<semaphore_mem>>) src(%arg9 : memref<64x128xf32, #tpu.memory_space<vmem>>) dst(%dma_wait3A_421 : memref<10240x128xf32, #tpu.memory_space<vmem_shared>>)
      %mul3A_422 = arith.constant 16 : i32
      %mul3A_423 = arith.muli %scan3A_31, %mul3A_422 : i32
      %add3A_424 = arith.constant 14 : i32
      %add3A_425 = arith.addi %mul3A_423, %add3A_424 : i32
      %mul3A_426 = arith.constant 64 : i32
      %mul3A_427 = arith.muli %add3A_425, %mul3A_426 : i32
      %add3A_428 = arith.addi %mul3A_15, %mul3A_427 : i32
      "tpu.region"() ({
        %run_scoped3A = tpu.sem_alloc : memref<!tpu.dma_semaphore, #tpu.memory_space<semaphore_mem>>
        %dma_start3A_466 = tpu.memref_slice %arg4[%add3A_428] : memref<327680xi32, #tpu.memory_space<hbm>> -> memref<64xi32, #tpu.memory_space<hbm>>
        %dma_start3A_467 = tpu.memref_slice %arg4[%add3A_428] : memref<327680xi32, #tpu.memory_space<hbm>> -> memref<64xi32, #tpu.memory_space<hbm>>
        tpu.enqueue_dma source(%dma_start3A_467 : memref<64xi32, #tpu.memory_space<hbm>>) target(%arg7 : memref<64xi32, #tpu.memory_space<vmem>>) target_semaphore(%run_scoped3A : memref<!tpu.dma_semaphore, #tpu.memory_space<semaphore_mem>>)
        %dma_wait3A_468 = tpu.memref_slice %arg4[%add3A_428] : memref<327680xi32, #tpu.memory_space<hbm>> -> memref<64xi32, #tpu.memory_space<hbm>>
        %dma_wait3A_469 = tpu.memref_slice %arg4[%add3A_428] : memref<327680xi32, #tpu.memory_space<hbm>> -> memref<64xi32, #tpu.memory_space<hbm>>
        tpu.wait_dma2 semaphore(%run_scoped3A : memref<!tpu.dma_semaphore, #tpu.memory_space<semaphore_mem>>) src(%dma_wait3A_469 : memref<64xi32, #tpu.memory_space<hbm>>) dst(%arg7 : memref<64xi32, #tpu.memory_space<vmem>>)
        tpu.yield
      }) : () -> ()
      %dma_wait3A_429 = arith.constant 14 : i32
      %dma_wait3A_430 = arith.constant 0 : i32
      %dma_wait3A_431 = tpu.memref_slice %arg6[%dma_wait3A_429, %dma_wait3A_430] : memref<16x64xi32, #tpu.memory_space<vmem>> -> memref<1x64xi32, #tpu.memory_space<vmem>>
      %dma_wait3A_432 = tpu.memref_squeeze %dma_wait3A_431 : memref<1x64xi32, #tpu.memory_space<vmem>> -> memref<64xi32, #tpu.memory_space<vmem>>
      %dma_wait3A_433 = arith.constant 0 : i32
      %dma_wait3A_434 = arith.constant 0 : i32
      %dma_wait3A_435 = tpu.memref_slice %arg2[%dma_wait3A_433, %dma_wait3A_434] : memref<10240x128xf32, #tpu.memory_space<hbm>> -> memref<10240x128xf32, #tpu.memory_space<hbm>>
      tpu.wait_indirect_dma semaphore(%arg16 : memref<!tpu.dma_semaphore, #tpu.memory_space<semaphore_mem>>) src(%dma_wait3A_435 : memref<10240x128xf32, #tpu.memory_space<hbm>>) dst(%arg11 : memref<64x128xf32, #tpu.memory_space<vmem>>)
      %dma_start3A_436 = arith.constant 0 : i32
      %dma_start3A_437 = arith.constant 0 : i32
      %dma_start3A_438 = tpu.memref_slice %arg13[%dma_start3A_436, %dma_start3A_437] : memref<10240x128xf32, #tpu.memory_space<vmem_shared>> -> memref<10240x128xf32, #tpu.memory_space<vmem_shared>>
      tpu.enqueue_indirect_dma source(%arg11 : memref<64x128xf32, #tpu.memory_space<vmem>>) target(%dma_start3A_438 : memref<10240x128xf32, #tpu.memory_space<vmem_shared>>) offsets(%arg7 : memref<64xi32, #tpu.memory_space<vmem>>) semaphore(%arg20 : memref<!tpu.dma_semaphore, #tpu.memory_space<semaphore_mem>>) {add = true}
      %dma_wait3A_439 = arith.constant 0 : i32
      %dma_wait3A_440 = arith.constant 0 : i32
      %dma_wait3A_441 = tpu.memref_slice %arg13[%dma_wait3A_439, %dma_wait3A_440] : memref<10240x128xf32, #tpu.memory_space<vmem_shared>> -> memref<10240x128xf32, #tpu.memory_space<vmem_shared>>
      tpu.wait_indirect_dma semaphore(%arg19 : memref<!tpu.dma_semaphore, #tpu.memory_space<semaphore_mem>>) src(%arg10 : memref<64x128xf32, #tpu.memory_space<vmem>>) dst(%dma_wait3A_441 : memref<10240x128xf32, #tpu.memory_space<vmem_shared>>)
      %mul3A_442 = arith.constant 16 : i32
      %mul3A_443 = arith.muli %scan3A_31, %mul3A_442 : i32
      %add3A_444 = arith.constant 15 : i32
      %add3A_445 = arith.addi %mul3A_443, %add3A_444 : i32
      %mul3A_446 = arith.constant 64 : i32
      %mul3A_447 = arith.muli %add3A_445, %mul3A_446 : i32
      %add3A_448 = arith.addi %mul3A_15, %mul3A_447 : i32
      "tpu.region"() ({
        %run_scoped3A = tpu.sem_alloc : memref<!tpu.dma_semaphore, #tpu.memory_space<semaphore_mem>>
        %dma_start3A_466 = tpu.memref_slice %arg4[%add3A_448] : memref<327680xi32, #tpu.memory_space<hbm>> -> memref<64xi32, #tpu.memory_space<hbm>>
        %dma_start3A_467 = tpu.memref_slice %arg4[%add3A_448] : memref<327680xi32, #tpu.memory_space<hbm>> -> memref<64xi32, #tpu.memory_space<hbm>>
        tpu.enqueue_dma source(%dma_start3A_467 : memref<64xi32, #tpu.memory_space<hbm>>) target(%arg8 : memref<64xi32, #tpu.memory_space<vmem>>) target_semaphore(%run_scoped3A : memref<!tpu.dma_semaphore, #tpu.memory_space<semaphore_mem>>)
        %dma_wait3A_468 = tpu.memref_slice %arg4[%add3A_448] : memref<327680xi32, #tpu.memory_space<hbm>> -> memref<64xi32, #tpu.memory_space<hbm>>
        %dma_wait3A_469 = tpu.memref_slice %arg4[%add3A_448] : memref<327680xi32, #tpu.memory_space<hbm>> -> memref<64xi32, #tpu.memory_space<hbm>>
        tpu.wait_dma2 semaphore(%run_scoped3A : memref<!tpu.dma_semaphore, #tpu.memory_space<semaphore_mem>>) src(%dma_wait3A_469 : memref<64xi32, #tpu.memory_space<hbm>>) dst(%arg8 : memref<64xi32, #tpu.memory_space<vmem>>)
        tpu.yield
      }) : () -> ()
      %dma_wait3A_449 = arith.constant 15 : i32
      %dma_wait3A_450 = arith.constant 0 : i32
      %dma_wait3A_451 = tpu.memref_slice %arg6[%dma_wait3A_449, %dma_wait3A_450] : memref<16x64xi32, #tpu.memory_space<vmem>> -> memref<1x64xi32, #tpu.memory_space<vmem>>
      %dma_wait3A_452 = tpu.memref_squeeze %dma_wait3A_451 : memref<1x64xi32, #tpu.memory_space<vmem>> -> memref<64xi32, #tpu.memory_space<vmem>>
      %dma_wait3A_453 = arith.constant 0 : i32
      %dma_wait3A_454 = arith.constant 0 : i32
      %dma_wait3A_455 = tpu.memref_slice %arg2[%dma_wait3A_453, %dma_wait3A_454] : memref<10240x128xf32, #tpu.memory_space<hbm>> -> memref<10240x128xf32, #tpu.memory_space<hbm>>
      tpu.wait_indirect_dma semaphore(%arg17 : memref<!tpu.dma_semaphore, #tpu.memory_space<semaphore_mem>>) src(%dma_wait3A_455 : memref<10240x128xf32, #tpu.memory_space<hbm>>) dst(%arg12 : memref<64x128xf32, #tpu.memory_space<vmem>>)
      %dma_start3A_456 = arith.constant 0 : i32
      %dma_start3A_457 = arith.constant 0 : i32
      %dma_start3A_458 = tpu.memref_slice %arg13[%dma_start3A_456, %dma_start3A_457] : memref<10240x128xf32, #tpu.memory_space<vmem_shared>> -> memref<10240x128xf32, #tpu.memory_space<vmem_shared>>
      tpu.enqueue_indirect_dma source(%arg12 : memref<64x128xf32, #tpu.memory_space<vmem>>) target(%dma_start3A_458 : memref<10240x128xf32, #tpu.memory_space<vmem_shared>>) offsets(%arg8 : memref<64xi32, #tpu.memory_space<vmem>>) semaphore(%arg21 : memref<!tpu.dma_semaphore, #tpu.memory_space<semaphore_mem>>) {add = true}
      %dma_wait3A_459 = arith.constant 0 : i32
      %dma_wait3A_460 = arith.constant 0 : i32
      %dma_wait3A_461 = tpu.memref_slice %arg13[%dma_wait3A_459, %dma_wait3A_460] : memref<10240x128xf32, #tpu.memory_space<vmem_shared>> -> memref<10240x128xf32, #tpu.memory_space<vmem_shared>>
      tpu.wait_indirect_dma semaphore(%arg20 : memref<!tpu.dma_semaphore, #tpu.memory_space<semaphore_mem>>) src(%arg11 : memref<64x128xf32, #tpu.memory_space<vmem>>) dst(%dma_wait3A_461 : memref<10240x128xf32, #tpu.memory_space<vmem_shared>>)
      %dma_wait3A_462 = arith.constant 0 : i32
      %dma_wait3A_463 = arith.constant 0 : i32
      %dma_wait3A_464 = tpu.memref_slice %arg13[%dma_wait3A_462, %dma_wait3A_463] : memref<10240x128xf32, #tpu.memory_space<vmem_shared>> -> memref<10240x128xf32, #tpu.memory_space<vmem_shared>>
      tpu.wait_indirect_dma semaphore(%arg21 : memref<!tpu.dma_semaphore, #tpu.memory_space<semaphore_mem>>) src(%arg12 : memref<64x128xf32, #tpu.memory_space<vmem>>) dst(%dma_wait3A_464 : memref<10240x128xf32, #tpu.memory_space<vmem_shared>>)
      %scan3A_465 = arith.constant 0 : i32
      scf.yield %scan3A_465 : i32
    }
    %scan3A_22 = arith.constant 10 : i32
    %barrier3A_23 = arith.constant 0 : index
    tpu.barrier barrier_id(%barrier3A_23)
    %scan3A_24 = arith.constant 0 : i32
    %scan3A_25 = arith.constant 0 : i32
    %scan3A_26 = arith.constant 10 : i32
    %scan3A_27 = arith.addi %scan3A_25, %scan3A_26 : i32
    %scan3A_28 = arith.constant 1 : i32
    %scan3A_29 = scf.for %scan3A_31 = %scan3A_25 to %scan3A_27 step %scan3A_28 iter_args(%scan3A_32 = %scan3A_24) -> (i32)  : i32 {
      %mul3A_33 = arith.constant 640 : i32
      %mul3A_34 = arith.muli %arg1, %mul3A_33 : i32
      %mul3A_35 = arith.constant 64 : i32
      %mul3A_36 = arith.muli %scan3A_31, %mul3A_35 : i32
      %add3A_37 = arith.addi %mul3A_34, %mul3A_36 : i32
      %mul3A_38 = arith.constant 640 : i32
      %mul3A_39 = arith.muli %arg1, %mul3A_38 : i32
      %mul3A_40 = arith.constant 64 : i32
      %mul3A_41 = arith.muli %scan3A_31, %mul3A_40 : i32
      %add3A_42 = arith.addi %mul3A_39, %mul3A_41 : i32
      "tpu.region"() ({
        %run_scoped3A = tpu.sem_alloc : memref<!tpu.dma_semaphore, #tpu.memory_space<semaphore_mem>>
        %dma_start3A = arith.constant 0 : i32
        %dma_start3A_44 = tpu.memref_slice %arg5[%arg0, %add3A_42, %dma_start3A] : memref<2x10240x128xf32, #tpu.memory_space<hbm>> -> memref<1x64x128xf32, #tpu.memory_space<hbm>>
        %dma_start3A_45 = tpu.memref_squeeze %dma_start3A_44 : memref<1x64x128xf32, #tpu.memory_space<hbm>> -> memref<64x128xf32, #tpu.memory_space<hbm>>
        %dma_start3A_46 = arith.constant 0 : i32
        %dma_start3A_47 = tpu.memref_slice %arg13[%add3A_37, %dma_start3A_46] : memref<10240x128xf32, #tpu.memory_space<vmem_shared>> -> memref<64x128xf32, #tpu.memory_space<vmem_shared>>
        tpu.enqueue_dma source(%dma_start3A_47 : memref<64x128xf32, #tpu.memory_space<vmem_shared>>) target(%dma_start3A_45 : memref<64x128xf32, #tpu.memory_space<hbm>>) target_semaphore(%run_scoped3A : memref<!tpu.dma_semaphore, #tpu.memory_space<semaphore_mem>>)
        %dma_wait3A = arith.constant 0 : i32
        %dma_wait3A_48 = tpu.memref_slice %arg5[%arg0, %add3A_42, %dma_wait3A] : memref<2x10240x128xf32, #tpu.memory_space<hbm>> -> memref<1x64x128xf32, #tpu.memory_space<hbm>>
        %dma_wait3A_49 = tpu.memref_squeeze %dma_wait3A_48 : memref<1x64x128xf32, #tpu.memory_space<hbm>> -> memref<64x128xf32, #tpu.memory_space<hbm>>
        %dma_wait3A_50 = arith.constant 0 : i32
        %dma_wait3A_51 = tpu.memref_slice %arg13[%add3A_37, %dma_wait3A_50] : memref<10240x128xf32, #tpu.memory_space<vmem_shared>> -> memref<64x128xf32, #tpu.memory_space<vmem_shared>>
        tpu.wait_dma2 semaphore(%run_scoped3A : memref<!tpu.dma_semaphore, #tpu.memory_space<semaphore_mem>>) src(%dma_wait3A_51 : memref<64x128xf32, #tpu.memory_space<vmem_shared>>) dst(%dma_wait3A_49 : memref<64x128xf32, #tpu.memory_space<hbm>>)
        tpu.yield
      }) : () -> ()
      %scan3A_43 = arith.constant 0 : i32
      scf.yield %scan3A_43 : i32
    }
    %scan3A_30 = arith.constant 10 : i32
    return
  }
}

#map = affine_map<(d0, d1) -> (0)>
#map1 = affine_map<(d0, d1) -> (0, 0)>
module attributes {stable_mosaic.version = 14 : i64} {
  func.func @deg_kernel(%arg0: i32, %arg1: i32, %arg2: memref<327680xi32, #tpu.memory_space<hbm>>, %arg3: memref<2x10240xf32, #tpu.memory_space<hbm>>, %arg4: memref<128xi32, #tpu.memory_space<vmem>>, %arg5: memref<128xf32, #tpu.memory_space<vmem>>, %arg6: memref<640xf32, #tpu.memory_space<vmem>>, %arg7: memref<10240xf32, #tpu.memory_space<vmem_shared>>) attributes {dimension_semantics = [#tpu.dimension_semantics<core_parallel>, #tpu.dimension_semantics<subcore_parallel>], iteration_bounds = array<i64: 2, 16>, scalar_prefetch = 0 : i64, scratch_operands = 4 : i64, tpu.core_type = #tpu.core_type<sc_vector_subcore>, window_params = [{transform_indices = #map}, {transform_indices = #map1}]} {
    %mul3A = arith.constant 2 : i32
    %mul3A_0 = arith.muli %arg1, %mul3A : i32
    %add3A = arith.addi %mul3A_0, %arg0 : i32
    %scan3A = arith.constant 0 : i32
    %scan3A_1 = arith.constant 0 : i32
    %scan3A_2 = arith.constant 8 : i32
    %scan3A_3 = arith.addi %scan3A_1, %scan3A_2 : i32
    %scan3A_4 = arith.constant 1 : i32
    %scan3A_5 = scf.for %scan3A_30 = %scan3A_1 to %scan3A_3 step %scan3A_4 iter_args(%scan3A_31 = %scan3A) -> (i32)  : i32 {
      %broadcast_in_dim3A = arith.constant 1.000000e+00 : f32
      %broadcast_in_dim3A_32 = vector.broadcast %broadcast_in_dim3A : f32 to vector<16xf32>
      %mul3A_33 = arith.constant 16 : i32
      %mul3A_34 = arith.muli %scan3A_30, %mul3A_33 : i32
      %swap3A = arith.index_cast %mul3A_34 : i32 to index
      %swap3A_35 = tpu.vector_load %arg5[%swap3A] {strides = array<i32>} : memref<128xf32, #tpu.memory_space<vmem>>, vector<16xf32>,
      %swap3A_36 = vector.shape_cast %swap3A_35 : vector<16xf32> to vector<16xf32>
      %swap3A_37 = vector.shape_cast %broadcast_in_dim3A_32 : vector<16xf32> to vector<16xf32>
      tpu.vector_store %arg5[%swap3A], %swap3A_37 {strides = array<i32>} : memref<128xf32, #tpu.memory_space<vmem>>, vector<16xf32>,
      %scan3A_38 = arith.constant 0 : i32
      scf.yield %scan3A_38 : i32
    }
    %scan3A_6 = arith.constant 8 : i32
    %scan3A_7 = arith.constant 0 : i32
    %scan3A_8 = arith.constant 0 : i32
    %scan3A_9 = arith.constant 40 : i32
    %scan3A_10 = arith.addi %scan3A_8, %scan3A_9 : i32
    %scan3A_11 = arith.constant 1 : i32
    %scan3A_12 = scf.for %scan3A_30 = %scan3A_8 to %scan3A_10 step %scan3A_11 iter_args(%scan3A_31 = %scan3A_7) -> (i32)  : i32 {
      %broadcast_in_dim3A = arith.constant 0.000000e+00 : f32
      %broadcast_in_dim3A_32 = vector.broadcast %broadcast_in_dim3A : f32 to vector<16xf32>
      %mul3A_33 = arith.constant 16 : i32
      %mul3A_34 = arith.muli %scan3A_30, %mul3A_33 : i32
      %swap3A = arith.index_cast %mul3A_34 : i32 to index
      %swap3A_35 = tpu.vector_load %arg6[%swap3A] {strides = array<i32>} : memref<640xf32, #tpu.memory_space<vmem>>, vector<16xf32>,
      %swap3A_36 = vector.shape_cast %swap3A_35 : vector<16xf32> to vector<16xf32>
      %swap3A_37 = vector.shape_cast %broadcast_in_dim3A_32 : vector<16xf32> to vector<16xf32>
      tpu.vector_store %arg6[%swap3A], %swap3A_37 {strides = array<i32>} : memref<640xf32, #tpu.memory_space<vmem>>, vector<16xf32>,
      %scan3A_38 = arith.constant 0 : i32
      scf.yield %scan3A_38 : i32
    }
    %scan3A_13 = arith.constant 40 : i32
    %mul3A_14 = arith.constant 640 : i32
    %mul3A_15 = arith.muli %arg1, %mul3A_14 : i32
    "tpu.region"() ({
      %run_scoped3A = tpu.sem_alloc : memref<!tpu.dma_semaphore, #tpu.memory_space<semaphore_mem>>
      %dma_start3A = tpu.memref_slice %arg7[%mul3A_15] : memref<10240xf32, #tpu.memory_space<vmem_shared>> -> memref<640xf32, #tpu.memory_space<vmem_shared>>
      %dma_start3A_30 = tpu.memref_slice %arg7[%mul3A_15] : memref<10240xf32, #tpu.memory_space<vmem_shared>> -> memref<640xf32, #tpu.memory_space<vmem_shared>>
      tpu.enqueue_dma source(%arg6 : memref<640xf32, #tpu.memory_space<vmem>>) target(%dma_start3A_30 : memref<640xf32, #tpu.memory_space<vmem_shared>>) target_semaphore(%run_scoped3A : memref<!tpu.dma_semaphore, #tpu.memory_space<semaphore_mem>>)
      %dma_wait3A = tpu.memref_slice %arg7[%mul3A_15] : memref<10240xf32, #tpu.memory_space<vmem_shared>> -> memref<640xf32, #tpu.memory_space<vmem_shared>>
      %dma_wait3A_31 = tpu.memref_slice %arg7[%mul3A_15] : memref<10240xf32, #tpu.memory_space<vmem_shared>> -> memref<640xf32, #tpu.memory_space<vmem_shared>>
      tpu.wait_dma2 semaphore(%run_scoped3A : memref<!tpu.dma_semaphore, #tpu.memory_space<semaphore_mem>>) src(%arg6 : memref<640xf32, #tpu.memory_space<vmem>>) dst(%dma_wait3A_31 : memref<640xf32, #tpu.memory_space<vmem_shared>>)
      tpu.yield
    }) : () -> ()
    %barrier3A = arith.constant 0 : index
    tpu.barrier barrier_id(%barrier3A)
    %mul3A_16 = arith.constant 10240 : i32
    %mul3A_17 = arith.muli %add3A, %mul3A_16 : i32
    %scan3A_18 = arith.constant 0 : i32
    %scan3A_19 = arith.constant 0 : i32
    %scan3A_20 = arith.constant 80 : i32
    %scan3A_21 = arith.addi %scan3A_19, %scan3A_20 : i32
    %scan3A_22 = arith.constant 1 : i32
    %scan3A_23 = scf.for %scan3A_30 = %scan3A_19 to %scan3A_21 step %scan3A_22 iter_args(%scan3A_31 = %scan3A_18) -> (i32)  : i32 {
      %mul3A_32 = arith.constant 128 : i32
      %mul3A_33 = arith.muli %scan3A_30, %mul3A_32 : i32
      %add3A_34 = arith.addi %mul3A_17, %mul3A_33 : i32
      "tpu.region"() ({
        %run_scoped3A = tpu.sem_alloc : memref<!tpu.dma_semaphore, #tpu.memory_space<semaphore_mem>>
        %dma_start3A = tpu.memref_slice %arg2[%add3A_34] : memref<327680xi32, #tpu.memory_space<hbm>> -> memref<128xi32, #tpu.memory_space<hbm>>
        %dma_start3A_36 = tpu.memref_slice %arg2[%add3A_34] : memref<327680xi32, #tpu.memory_space<hbm>> -> memref<128xi32, #tpu.memory_space<hbm>>
        tpu.enqueue_dma source(%dma_start3A_36 : memref<128xi32, #tpu.memory_space<hbm>>) target(%arg4 : memref<128xi32, #tpu.memory_space<vmem>>) target_semaphore(%run_scoped3A : memref<!tpu.dma_semaphore, #tpu.memory_space<semaphore_mem>>)
        %dma_wait3A = tpu.memref_slice %arg2[%add3A_34] : memref<327680xi32, #tpu.memory_space<hbm>> -> memref<128xi32, #tpu.memory_space<hbm>>
        %dma_wait3A_37 = tpu.memref_slice %arg2[%add3A_34] : memref<327680xi32, #tpu.memory_space<hbm>> -> memref<128xi32, #tpu.memory_space<hbm>>
        tpu.wait_dma2 semaphore(%run_scoped3A : memref<!tpu.dma_semaphore, #tpu.memory_space<semaphore_mem>>) src(%dma_wait3A_37 : memref<128xi32, #tpu.memory_space<hbm>>) dst(%arg4 : memref<128xi32, #tpu.memory_space<vmem>>)
        tpu.yield
      }) : () -> ()
      "tpu.region"() ({
        %run_scoped3A = tpu.sem_alloc : memref<!tpu.dma_semaphore, #tpu.memory_space<semaphore_mem>>
        %dma_start3A = arith.constant 0 : i32
        %dma_start3A_36 = tpu.memref_slice %arg7[%dma_start3A] : memref<10240xf32, #tpu.memory_space<vmem_shared>> -> memref<10240xf32, #tpu.memory_space<vmem_shared>>
        tpu.enqueue_indirect_dma source(%arg5 : memref<128xf32, #tpu.memory_space<vmem>>) target(%dma_start3A_36 : memref<10240xf32, #tpu.memory_space<vmem_shared>>) offsets(%arg4 : memref<128xi32, #tpu.memory_space<vmem>>) semaphore(%run_scoped3A : memref<!tpu.dma_semaphore, #tpu.memory_space<semaphore_mem>>) {add = true}
        %dma_wait3A = arith.constant 0 : i32
        %dma_wait3A_37 = tpu.memref_slice %arg7[%dma_wait3A] : memref<10240xf32, #tpu.memory_space<vmem_shared>> -> memref<10240xf32, #tpu.memory_space<vmem_shared>>
        tpu.wait_indirect_dma semaphore(%run_scoped3A : memref<!tpu.dma_semaphore, #tpu.memory_space<semaphore_mem>>) src(%arg5 : memref<128xf32, #tpu.memory_space<vmem>>) dst(%dma_wait3A_37 : memref<10240xf32, #tpu.memory_space<vmem_shared>>)
        tpu.yield
      }) : () -> ()
      %scan3A_35 = arith.constant 0 : i32
      scf.yield %scan3A_35 : i32
    }
    %scan3A_24 = arith.constant 80 : i32
    %barrier3A_25 = arith.constant 0 : index
    tpu.barrier barrier_id(%barrier3A_25)
    %mul3A_26 = arith.constant 640 : i32
    %mul3A_27 = arith.muli %arg1, %mul3A_26 : i32
    %mul3A_28 = arith.constant 640 : i32
    %mul3A_29 = arith.muli %arg1, %mul3A_28 : i32
    "tpu.region"() ({
      %run_scoped3A = tpu.sem_alloc : memref<!tpu.dma_semaphore, #tpu.memory_space<semaphore_mem>>
      %dma_start3A = tpu.memref_slice %arg3[%arg0, %mul3A_29] : memref<2x10240xf32, #tpu.memory_space<hbm>> -> memref<1x640xf32, #tpu.memory_space<hbm>>
      %dma_start3A_30 = tpu.memref_squeeze %dma_start3A : memref<1x640xf32, #tpu.memory_space<hbm>> -> memref<640xf32, #tpu.memory_space<hbm>>
      %dma_start3A_31 = tpu.memref_slice %arg7[%mul3A_27] : memref<10240xf32, #tpu.memory_space<vmem_shared>> -> memref<640xf32, #tpu.memory_space<vmem_shared>>
      tpu.enqueue_dma source(%dma_start3A_31 : memref<640xf32, #tpu.memory_space<vmem_shared>>) target(%dma_start3A_30 : memref<640xf32, #tpu.memory_space<hbm>>) target_semaphore(%run_scoped3A : memref<!tpu.dma_semaphore, #tpu.memory_space<semaphore_mem>>)
      %dma_wait3A = tpu.memref_slice %arg3[%arg0, %mul3A_29] : memref<2x10240xf32, #tpu.memory_space<hbm>> -> memref<1x640xf32, #tpu.memory_space<hbm>>
      %dma_wait3A_32 = tpu.memref_squeeze %dma_wait3A : memref<1x640xf32, #tpu.memory_space<hbm>> -> memref<640xf32, #tpu.memory_space<hbm>>
      %dma_wait3A_33 = tpu.memref_slice %arg7[%mul3A_27] : memref<10240xf32, #tpu.memory_space<vmem_shared>> -> memref<640xf32, #tpu.memory_space<vmem_shared>>
      tpu.wait_dma2 semaphore(%run_scoped3A : memref<!tpu.dma_semaphore, #tpu.memory_space<semaphore_mem>>) src(%dma_wait3A_33 : memref<640xf32, #tpu.memory_space<vmem_shared>>) dst(%dma_wait3A_32 : memref<640xf32, #tpu.memory_space<hbm>>)
      tpu.yield
    }) : () -> ()
    return
  }
}

module attributes {stable_mosaic.version = 14 : i64} {
  func.func @_lin1_body(%arg0: i32, %arg1: memref<1024x128xf32, #tpu.memory_space<vmem>>, %arg2: memref<128x128xf32, #tpu.memory_space<vmem>>, %arg3: memref<1024x1xf32, #tpu.memory_space<vmem>>, %arg4: memref<1024x1xf32, #tpu.memory_space<vmem>>, %arg5: memref<1024x128xf32, #tpu.memory_space<vmem>>, %arg6: memref<1024x1xf32, #tpu.memory_space<vmem>>) attributes {dimension_semantics = [#tpu.dimension_semantics<arbitrary>], iteration_bounds = array<i64: 10>, scalar_prefetch = 0 : i64, scratch_operands = 0 : i64, tpu.core_type = #tpu.core_type<tc>, window_params = [{transform_indices = @transform_0, window_bounds = array<i64: 1024, 128>}, {pipeline_mode = #tpu.pipeline_mode<synchronous>, transform_indices = @transform_1, window_bounds = array<i64: 128, 128>}, {transform_indices = @transform_2, window_bounds = array<i64: 1024, 1>}, {transform_indices = @transform_3, window_bounds = array<i64: 1024, 1>}, {transform_indices = @transform_4, window_bounds = array<i64: 1024, 128>}, {transform_indices = @transform_5, window_bounds = array<i64: 1024, 1>}]} {
    %get3A = arith.constant 0 : index
    %get3A_0 = arith.constant 0 : index
    %get3A_1 = vector.load %arg3[%get3A, %get3A_0] : memref<1024x1xf32, #tpu.memory_space<vmem>>, vector<1024x1xf32>
    %get3A_2 = arith.constant 0 : index
    %get3A_3 = arith.constant 0 : index
    %get3A_4 = vector.load %arg4[%get3A_2, %get3A_3] : memref<1024x1xf32, #tpu.memory_space<vmem>>, vector<1024x1xf32>
    %add3A = arith.addf %get3A_1, %get3A_4 : vector<1024x1xf32>
    %add3A_5 = arith.constant 1.000000e+00 : f32
    %add3A_6 = vector.broadcast %add3A_5 : f32 to vector<1024x1xf32>
    %add3A_7 = arith.addf %add3A, %add3A_6 : vector<1024x1xf32>
    %rsqrt3A = math.rsqrt %add3A_7 : vector<1024x1xf32>
    %swap3A = arith.constant 0 : index
    %swap3A_8 = arith.constant 0 : index
    %swap3A_9 = vector.load %arg6[%swap3A, %swap3A_8] : memref<1024x1xf32, #tpu.memory_space<vmem>>, vector<1024x1xf32>
    tpu.vector_store %arg6[%swap3A, %swap3A_8], %rsqrt3A {strides = array<i32>} : memref<1024x1xf32, #tpu.memory_space<vmem>>, vector<1024x1xf32>,
    %get3A_10 = arith.constant 0 : index
    %get3A_11 = arith.constant 0 : index
    %get3A_12 = vector.load %arg1[%get3A_10, %get3A_11] : memref<1024x128xf32, #tpu.memory_space<vmem>>, vector<1024x128xf32>
    %get3A_13 = arith.constant 0 : index
    %get3A_14 = arith.constant 0 : index
    %get3A_15 = vector.load %arg2[%get3A_13, %get3A_14] : memref<128x128xf32, #tpu.memory_space<vmem>>, vector<128x128xf32>
    %dot_general3A = arith.constant dense<0.000000e+00> : vector<1024x128xf32>
    %dot_general3A_16 = tpu.matmul %get3A_12, %get3A_15, %dot_general3A {dimension_numbers = #tpu.dot_dimension_numbers<[1], [0], [0], [1], [0, 0, 1, 1], [], []>, transpose_lhs_hint = false} : vector<1024x128xf32>, vector<128x128xf32>, vector<1024x128xf32> -> vector<1024x128xf32>
    %mul3A = vector.broadcast %rsqrt3A : vector<1024x1xf32> to vector<1024x128xf32>
    %mul3A_17 = arith.mulf %dot_general3A_16, %mul3A : vector<1024x128xf32>
    %swap3A_18 = arith.constant 0 : index
    %swap3A_19 = arith.constant 0 : index
    %swap3A_20 = vector.load %arg5[%swap3A_18, %swap3A_19] : memref<1024x128xf32, #tpu.memory_space<vmem>>, vector<1024x128xf32>
    tpu.vector_store %arg5[%swap3A_18, %swap3A_19], %mul3A_17 {strides = array<i32>} : memref<1024x128xf32, #tpu.memory_space<vmem>>, vector<1024x128xf32>,
    return
  }
  func.func @transform_0(%arg0: i32) -> (i32, i32) {
    %c0_i32 = arith.constant 0 : i32
    %c0_i32_0 = arith.constant 0 : i32
    return %arg0, %c0_i32 : i32, i32
  }
  func.func @transform_1(%arg0: i32) -> (i32, i32) {
    %c0_i32 = arith.constant 0 : i32
    %c0_i32_0 = arith.constant 0 : i32
    %c0_i32_1 = arith.constant 0 : i32
    return %c0_i32, %c0_i32_0 : i32, i32
  }
  func.func @transform_2(%arg0: i32) -> (i32, i32) {
    %c0_i32 = arith.constant 0 : i32
    %c0_i32_0 = arith.constant 0 : i32
    return %arg0, %c0_i32 : i32, i32
  }
  func.func @transform_3(%arg0: i32) -> (i32, i32) {
    %c0_i32 = arith.constant 0 : i32
    %c0_i32_0 = arith.constant 0 : i32
    return %arg0, %c0_i32 : i32, i32
  }
  func.func @transform_4(%arg0: i32) -> (i32, i32) {
    %c0_i32 = arith.constant 0 : i32
    %c0_i32_0 = arith.constant 0 : i32
    return %arg0, %c0_i32 : i32, i32
  }
  func.func @transform_5(%arg0: i32) -> (i32, i32) {
    %c0_i32 = arith.constant 0 : i32
    %c0_i32_0 = arith.constant 0 : i32
    return %arg0, %c0_i32 : i32, i32
  }
}

module attributes {stable_mosaic.version = 14 : i64} {
  func.func @_lin2_body(%arg0: i32, %arg1: memref<1024x128xf32, #tpu.memory_space<vmem>>, %arg2: memref<1024x128xf32, #tpu.memory_space<vmem>>, %arg3: memref<1024x128xf32, #tpu.memory_space<vmem>>, %arg4: memref<1024x1xf32, #tpu.memory_space<vmem>>, %arg5: memref<1x128xf32, #tpu.memory_space<vmem>>, %arg6: memref<128x128xf32, #tpu.memory_space<vmem>>, %arg7: memref<1024x128xf32, #tpu.memory_space<vmem>>) attributes {dimension_semantics = [#tpu.dimension_semantics<arbitrary>], iteration_bounds = array<i64: 10>, scalar_prefetch = 0 : i64, scratch_operands = 0 : i64, tpu.core_type = #tpu.core_type<tc>, window_params = [{transform_indices = @transform_0, window_bounds = array<i64: 1024, 128>}, {transform_indices = @transform_1, window_bounds = array<i64: 1024, 128>}, {transform_indices = @transform_2, window_bounds = array<i64: 1024, 128>}, {transform_indices = @transform_3, window_bounds = array<i64: 1024, 1>}, {pipeline_mode = #tpu.pipeline_mode<synchronous>, transform_indices = @transform_4, window_bounds = array<i64: 1, 128>}, {pipeline_mode = #tpu.pipeline_mode<synchronous>, transform_indices = @transform_5, window_bounds = array<i64: 128, 128>}, {transform_indices = @transform_6, window_bounds = array<i64: 1024, 128>}]} {
    %get3A = arith.constant 0 : index
    %get3A_0 = arith.constant 0 : index
    %get3A_1 = vector.load %arg4[%get3A, %get3A_0] : memref<1024x1xf32, #tpu.memory_space<vmem>>, vector<1024x1xf32>
    %get3A_2 = arith.constant 0 : index
    %get3A_3 = arith.constant 0 : index
    %get3A_4 = vector.load %arg1[%get3A_2, %get3A_3] : memref<1024x128xf32, #tpu.memory_space<vmem>>, vector<1024x128xf32>
    %get3A_5 = arith.constant 0 : index
    %get3A_6 = arith.constant 0 : index
    %get3A_7 = vector.load %arg2[%get3A_5, %get3A_6] : memref<1024x128xf32, #tpu.memory_space<vmem>>, vector<1024x128xf32>
    %add3A = arith.addf %get3A_4, %get3A_7 : vector<1024x128xf32>
    %get3A_8 = arith.constant 0 : index
    %get3A_9 = arith.constant 0 : index
    %get3A_10 = vector.load %arg3[%get3A_8, %get3A_9] : memref<1024x128xf32, #tpu.memory_space<vmem>>, vector<1024x128xf32>
    %add3A_11 = arith.addf %add3A, %get3A_10 : vector<1024x128xf32>
    %mul3A = vector.broadcast %get3A_1 : vector<1024x1xf32> to vector<1024x128xf32>
    %mul3A_12 = arith.mulf %add3A_11, %mul3A : vector<1024x128xf32>
    %get3A_13 = arith.constant 0 : index
    %get3A_14 = arith.constant 0 : index
    %get3A_15 = vector.load %arg5[%get3A_13, %get3A_14] : memref<1x128xf32, #tpu.memory_space<vmem>>, vector<1x128xf32>
    %add3A_16 = vector.broadcast %get3A_15 : vector<1x128xf32> to vector<1024x128xf32>
    %add3A_17 = arith.addf %mul3A_12, %add3A_16 : vector<1024x128xf32>
    %max3A = arith.constant 0.000000e+00 : f32
    %max3A_18 = vector.broadcast %max3A : f32 to vector<1024x128xf32>
    %max3A_19 = arith.maximumf %add3A_17, %max3A_18 : vector<1024x128xf32>
    %get3A_20 = arith.constant 0 : index
    %get3A_21 = arith.constant 0 : index
    %get3A_22 = vector.load %arg6[%get3A_20, %get3A_21] : memref<128x128xf32, #tpu.memory_space<vmem>>, vector<128x128xf32>
    %dot_general3A = arith.constant dense<0.000000e+00> : vector<1024x128xf32>
    %dot_general3A_23 = tpu.matmul %max3A_19, %get3A_22, %dot_general3A {dimension_numbers = #tpu.dot_dimension_numbers<[1], [0], [0], [1], [0, 0, 1, 1], [], []>, transpose_lhs_hint = false} : vector<1024x128xf32>, vector<128x128xf32>, vector<1024x128xf32> -> vector<1024x128xf32>
    %mul3A_24 = vector.broadcast %get3A_1 : vector<1024x1xf32> to vector<1024x128xf32>
    %mul3A_25 = arith.mulf %dot_general3A_23, %mul3A_24 : vector<1024x128xf32>
    %swap3A = arith.constant 0 : index
    %swap3A_26 = arith.constant 0 : index
    %swap3A_27 = vector.load %arg7[%swap3A, %swap3A_26] : memref<1024x128xf32, #tpu.memory_space<vmem>>, vector<1024x128xf32>
    tpu.vector_store %arg7[%swap3A, %swap3A_26], %mul3A_25 {strides = array<i32>} : memref<1024x128xf32, #tpu.memory_space<vmem>>, vector<1024x128xf32>,
    return
  }
  func.func @transform_0(%arg0: i32) -> (i32, i32) {
    %c0_i32 = arith.constant 0 : i32
    %c0_i32_0 = arith.constant 0 : i32
    return %arg0, %c0_i32 : i32, i32
  }
  func.func @transform_1(%arg0: i32) -> (i32, i32) {
    %c0_i32 = arith.constant 0 : i32
    %c0_i32_0 = arith.constant 0 : i32
    return %arg0, %c0_i32 : i32, i32
  }
  func.func @transform_2(%arg0: i32) -> (i32, i32) {
    %c0_i32 = arith.constant 0 : i32
    %c0_i32_0 = arith.constant 0 : i32
    return %arg0, %c0_i32 : i32, i32
  }
  func.func @transform_3(%arg0: i32) -> (i32, i32) {
    %c0_i32 = arith.constant 0 : i32
    %c0_i32_0 = arith.constant 0 : i32
    return %arg0, %c0_i32 : i32, i32
  }
  func.func @transform_4(%arg0: i32) -> (i32, i32) {
    %c0_i32 = arith.constant 0 : i32
    %c0_i32_0 = arith.constant 0 : i32
    %c0_i32_1 = arith.constant 0 : i32
    return %c0_i32, %c0_i32_0 : i32, i32
  }
  func.func @transform_5(%arg0: i32) -> (i32, i32) {
    %c0_i32 = arith.constant 0 : i32
    %c0_i32_0 = arith.constant 0 : i32
    %c0_i32_1 = arith.constant 0 : i32
    return %c0_i32, %c0_i32_0 : i32, i32
  }
  func.func @transform_6(%arg0: i32) -> (i32, i32) {
    %c0_i32 = arith.constant 0 : i32
    %c0_i32_0 = arith.constant 0 : i32
    return %arg0, %c0_i32 : i32, i32
  }
}

module attributes {stable_mosaic.version = 14 : i64} {
  func.func @_out_body(%arg0: i32, %arg1: memref<1024x128xf32, #tpu.memory_space<vmem>>, %arg2: memref<1024x128xf32, #tpu.memory_space<vmem>>, %arg3: memref<1024x128xf32, #tpu.memory_space<vmem>>, %arg4: memref<1024x1xf32, #tpu.memory_space<vmem>>, %arg5: memref<1x128xf32, #tpu.memory_space<vmem>>, %arg6: memref<1024x128xf32, #tpu.memory_space<vmem>>) attributes {dimension_semantics = [#tpu.dimension_semantics<arbitrary>], iteration_bounds = array<i64: 10>, scalar_prefetch = 0 : i64, scratch_operands = 0 : i64, tpu.core_type = #tpu.core_type<tc>, window_params = [{transform_indices = @transform_0, window_bounds = array<i64: 1024, 128>}, {transform_indices = @transform_1, window_bounds = array<i64: 1024, 128>}, {transform_indices = @transform_2, window_bounds = array<i64: 1024, 128>}, {transform_indices = @transform_3, window_bounds = array<i64: 1024, 1>}, {pipeline_mode = #tpu.pipeline_mode<synchronous>, transform_indices = @transform_4, window_bounds = array<i64: 1, 128>}, {transform_indices = @transform_5, window_bounds = array<i64: 1024, 128>}]} {
    %get3A = arith.constant 0 : index
    %get3A_0 = arith.constant 0 : index
    %get3A_1 = vector.load %arg1[%get3A, %get3A_0] : memref<1024x128xf32, #tpu.memory_space<vmem>>, vector<1024x128xf32>
    %get3A_2 = arith.constant 0 : index
    %get3A_3 = arith.constant 0 : index
    %get3A_4 = vector.load %arg2[%get3A_2, %get3A_3] : memref<1024x128xf32, #tpu.memory_space<vmem>>, vector<1024x128xf32>
    %add3A = arith.addf %get3A_1, %get3A_4 : vector<1024x128xf32>
    %get3A_5 = arith.constant 0 : index
    %get3A_6 = arith.constant 0 : index
    %get3A_7 = vector.load %arg3[%get3A_5, %get3A_6] : memref<1024x128xf32, #tpu.memory_space<vmem>>, vector<1024x128xf32>
    %add3A_8 = arith.addf %add3A, %get3A_7 : vector<1024x128xf32>
    %get3A_9 = arith.constant 0 : index
    %get3A_10 = arith.constant 0 : index
    %get3A_11 = vector.load %arg4[%get3A_9, %get3A_10] : memref<1024x1xf32, #tpu.memory_space<vmem>>, vector<1024x1xf32>
    %mul3A = vector.broadcast %get3A_11 : vector<1024x1xf32> to vector<1024x128xf32>
    %mul3A_12 = arith.mulf %add3A_8, %mul3A : vector<1024x128xf32>
    %get3A_13 = arith.constant 0 : index
    %get3A_14 = arith.constant 0 : index
    %get3A_15 = vector.load %arg5[%get3A_13, %get3A_14] : memref<1x128xf32, #tpu.memory_space<vmem>>, vector<1x128xf32>
    %add3A_16 = vector.broadcast %get3A_15 : vector<1x128xf32> to vector<1024x128xf32>
    %add3A_17 = arith.addf %mul3A_12, %add3A_16 : vector<1024x128xf32>
    %swap3A = arith.constant 0 : index
    %swap3A_18 = arith.constant 0 : index
    %swap3A_19 = vector.load %arg6[%swap3A, %swap3A_18] : memref<1024x128xf32, #tpu.memory_space<vmem>>, vector<1024x128xf32>
    tpu.vector_store %arg6[%swap3A, %swap3A_18], %add3A_17 {strides = array<i32>} : memref<1024x128xf32, #tpu.memory_space<vmem>>, vector<1024x128xf32>,
    return
  }
  func.func @transform_0(%arg0: i32) -> (i32, i32) {
    %c0_i32 = arith.constant 0 : i32
    %c0_i32_0 = arith.constant 0 : i32
    return %arg0, %c0_i32 : i32, i32
  }
  func.func @transform_1(%arg0: i32) -> (i32, i32) {
    %c0_i32 = arith.constant 0 : i32
    %c0_i32_0 = arith.constant 0 : i32
    return %arg0, %c0_i32 : i32, i32
  }
  func.func @transform_2(%arg0: i32) -> (i32, i32) {
    %c0_i32 = arith.constant 0 : i32
    %c0_i32_0 = arith.constant 0 : i32
    return %arg0, %c0_i32 : i32, i32
  }
  func.func @transform_3(%arg0: i32) -> (i32, i32) {
    %c0_i32 = arith.constant 0 : i32
    %c0_i32_0 = arith.constant 0 : i32
    return %arg0, %c0_i32 : i32, i32
  }
  func.func @transform_4(%arg0: i32) -> (i32, i32) {
    %c0_i32 = arith.constant 0 : i32
    %c0_i32_0 = arith.constant 0 : i32
    %c0_i32_1 = arith.constant 0 : i32
    return %c0_i32, %c0_i32_0 : i32, i32
  }
  func.func @transform_5(%arg0: i32) -> (i32, i32) {
    %c0_i32 = arith.constant 0 : i32
    %c0_i32_0 = arith.constant 0 : i32
    return %arg0, %c0_i32 : i32, i32
  }
}

</mosaic_0001>

<sc_bundles>
// kernel: kernel.11.cloned.1.call-start
scs
__scs_entry_jumppad:
0x0: {  	(pc) =	sbr.rel $0x88, $3  }
0x1: {  	(tag) =	ssettag $0x0;
	lr =	simm.s32 $0x1  }
0x2: {  	[smem:$0x3F9B] =	sst lr;
	_ =	strace $0xD0000000  }
0x3: {  	_ = 	snop  }
0x4: {  	_ = 	snop  }
0x5: {  	_ = 	snop  }
0x6: {  	_ = 	snop  }
0x7: {  	_ = 	snop  }
__scs_overlays_trampoline_lowered:
0x8: {  	[smem:$0x3FAA] =	sst s0  }
0x9: {  	[smem:$0x3FAB] =	sst s1  }
0xa: {  	[smem:$0x3FAC] =	sst s2  }
0xb: {  	[smem:$0x3FAD] =	sst s3  }
0xc: {  	[smem:$0x3FAE] =	sst s4  }
0xd: {  	[smem:$0x3FAF] =	sst s5  }
0xe: {  	[smem:$0x3FB0] =	sst s6  }
0xf: {  	[smem:$0x3FB1] =	sst s7  }
0x10: {  	[smem:$0x3FB2] =	sst s8  }
0x11: {  	[smem:$0x3FB3] =	sst s9;
	s0 =	simm.s32 @!p0 $0x0  }
0x12: {  	s1 =	sld [smem:$0x3F99];
	s0 =	simm.s32 @p0 $0x1  }
0x13: {  	[smem:$0x3FB4] =	sst s0;
	s0 =	simm.s32 @!p1 $0x0  }
0x14: {  	s2 =	sld [smem:$0x3F98];
	s0 =	simm.s32 @p1 $0x1  }
0x15: {  	[smem:$0x3FB5] =	sst s0;
	s0 =	simm.s32 @!p2 $0x0  }
0x16: {  	s3 =	sld [smem:$0x3FDB];
	s0 =	simm.s32 @p2 $0x1  }
0x17: {  	s4 =	simm.s32 $0x1BF5;
	[smem:$0x3FB7] =	sst s0  }
0x18: {  	s0 =	sld [smem:$0x3F9A];
	_ =	swait.ge [sflag:s4], $0x0  }
0x19: {  	s7 =	sld [smem:$0x3F9B]  }
0x1a: {  	s8 =	sadd.s32 $0xFFFFE003, lr  }
0x1b: {  	s9 =	sadd.s32 $0xFFFFFEF7, lr;
	s5 =	simm.s32 $0xFFFFFFFF;
	p2 =	slt.u32 s8, $0xFFFFF086  }
0x1c: {  	p1 =	slt.u32 s9, $0xF7A;
	s5 =	simm.s32 @!p2 $0x0  }
0x1d: {  	s5 =	simm.s32 @p1 $0x1;
	p0 =	seq.s32 s7, s2  }
0x1e: {  	s7 =	smul.u32 @!p0 $0xF7A, s2;
	p2 =	seq.s32 @!p0 s5, $0x0  }
0x1f: {  	s9 =	smul.u32 $0xF7A, s1;
	s8 =	simm.s32 @!p0 $0x1BF5;
	p2 =	por !p2, p0  }
0x20: {  	[sflag:s8] =	ssyncset.s32 @!p0 $0xFFFFF086;
	s6 =	sadd.s32 @!p0 s3, s7;
	s7 =	simm.s32 @!p0 $0x108  }
0x21: {  	s3 =	sadd.s32 s3, s9;
	s6 =	sadd.s32 @!p0 $0x88, s6;
	s7 =	simm.s32 @p2 $0x1082  }
0x22: {  	[simem:s7], [sflag:s8] =	dma.local @!p0 [hbm:s6], $0xF7A  }
0x23: {  	s9 =	sor.u32 $0xD0000000, s2;
	s6 =	simm.s32 $0x108;
	_ =	swait.ge @!p0 [sflag:s8], $0x0  }
0x24: {  	s3 =	sadd.s32 $0x88, s3;
	s6 =	simm.s32 @!p1 $0x1082;
	[sflag:s4] =	ssyncset.s32 $0xFFFFF086  }
0x25: {  	[simem:s6], [sflag:s4] =	dma.local [hbm:s3], $0xF7A  }
0x26: {  	[smem:$0x3F9B] =	sst s1;
	(tag) =	ssettag s2;
	_ =	strace s9  }
0x27: {  	s1 =	sld [smem:$0x3FAB]  }
0x28: {  	s2 =	sld [smem:$0x3FAC]  }
0x29: {  	s4 =	sld [smem:$0x3FAE]  }
0x2a: {  	p0 =	seq.s32 s5, $0x0;
	s5 =	sld [smem:$0x3FAF]  }
0x2b: {  	s6 =	sld [smem:$0x3FB0]  }
0x2c: {  	s7 =	sld [smem:$0x3FB1]  }
0x2d: {  	s3 =	simm.s32 $0x108;
	s8 =	sld [smem:$0x3FB2]  }
0x2e: {  	s3 =	simm.s32 @!p0 $0x1082;
	s9 =	sld [smem:$0x3FB3]  }
0x2f: {  	lr =	sadd.s32 s0, s3;
	s0 =	sld [smem:$0x3FAA]  }
0x30: {  	s3 =	sld [smem:$0x3FAD]  }
0x31: {  	[smem:$0x3FB6] =	sst s10  }
0x32: {  	s10 =	sld [smem:$0x3FB4];
	_ =	sdelay $0x3  }
0x33: {  	p0 =	seq.s32 s10, $0x1;
	s10 =	sld [smem:$0x3FB6];
	_ =	sdelay $0x3  }
0x34: {  	[smem:$0x3FB6] =	sst s10  }
0x35: {  	s10 =	sld [smem:$0x3FB5];
	_ =	sdelay $0x3  }
0x36: {  	p1 =	seq.s32 s10, $0x1;
	s10 =	sld [smem:$0x3FB6];
	_ =	sdelay $0x3  }
0x37: {  	[smem:$0x3FB6] =	sst s10  }
0x38: {  	s10 =	sld [smem:$0x3FB7]  }
0x39: {  	_ = 	snop;
	(pc) =	sbr.ind lr, $3  }
0x3a: {  	_ = 	snop  }
0x3b: {  	_ = 	snop  }
0x3c: {  	p2 =	seq.s32 s10, $0x1;
	s10 =	sld [smem:$0x3FB6]  }
0x3d: {  	_ =	shalt  }
0x3e: {  	_ =	shalt  }
0x3f: {  	_ =	shalt  }
0x40: {  	_ =	shalt  }
0x41: {  	_ =	shalt  }
0x42: {  	_ =	shalt  }
0x43: {  	_ =	shalt  }
0x44: {  	_ =	shalt  }
0x45: {  	_ =	shalt  }
0x46: {  	_ =	shalt  }
0x47: {  	_ =	shalt  }
0x48: {  	_ =	shalt  }
0x49: {  	_ =	shalt  }
0x4a: {  	_ =	shalt  }
0x4b: {  	_ =	shalt  }
0x4c: {  	_ =	shalt  }
0x4d: {  	_ =	shalt  }
0x4e: {  	_ =	shalt  }
0x4f: {  	_ =	shalt  }
0x50: {  	_ =	shalt  }
0x51: {  	_ =	shalt  }
0x52: {  	_ =	shalt  }
0x53: {  	_ =	shalt  }
0x54: {  	_ =	shalt  }
0x55: {  	_ =	shalt  }
0x56: {  	_ =	shalt  }
0x57: {  	_ =	shalt  }
0x58: {  	_ =	shalt  }
0x59: {  	_ =	shalt  }
0x5a: {  	_ =	shalt  }
0x5b: {  	_ =	shalt  }
0x5c: {  	_ =	shalt  }
0x5d: {  	_ =	shalt  }
0x5e: {  	_ =	shalt  }
0x5f: {  	_ =	shalt  }
0x60: {  	_ =	shalt  }
0x61: {  	_ =	shalt  }
0x62: {  	_ =	shalt  }
0x63: {  	_ =	shalt  }
0x64: {  	_ =	shalt  }
0x65: {  	_ =	shalt  }
0x66: {  	_ =	shalt  }
0x67: {  	_ =	shalt  }
0x68: {  	_ =	shalt  }
0x69: {  	_ =	shalt  }
0x6a: {  	_ =	shalt  }
0x6b: {  	_ =	shalt  }
0x6c: {  	_ =	shalt  }
0x6d: {  	_ =	shalt  }
0x6e: {  	_ =	shalt  }
0x6f: {  	_ =	shalt  }
0x70: {  	_ =	shalt  }
0x71: {  	_ =	shalt  }
0x72: {  	_ =	shalt  }
0x73: {  	_ =	shalt  }
0x74: {  	_ =	shalt  }
0x75: {  	_ =	shalt  }
0x76: {  	_ =	shalt  }
0x77: {  	_ =	shalt  }
0x78: {  	_ =	shalt  }
0x79: {  	_ =	shalt  }
0x7a: {  	_ =	shalt  }
0x7b: {  	_ =	shalt  }
0x7c: {  	_ =	shalt  }
0x7d: {  	_ =	shalt  }
0x7e: {  	_ =	shalt  }
0x7f: {  	_ =	shalt  }
0x80: {  	_ =	shalt  }
0x81: {  	_ =	shalt  }
0x82: {  	_ =	shalt  }
0x83: {  	_ =	shalt  }
0x84: {  	_ =	shalt  }
0x85: {  	_ =	shalt  }
0x86: {  	_ =	shalt  }
0x87: {  	_ =	shalt  }
.Lfunc_end0:
.L_simem_size_0:
called_computation.1_lowered:
.L_overlay_start_0:
0x88: {  	s2 =	sld [smem:$0x3FD9]  }
0x89: {  	s3 =	sld [smem:$0x3FFE];
	_ =	sdelay $0x1  }
0x8a: {  	s1 =	srdreg.scid  }
0x8b: {  	s0 =	sand.u32 $0x1, s1  }
0x8c: {  	s17 =	sshll.u32 s0, $0xA;
	s2 =	sadd.s32 s3, s2  }
0x8d: {  	s2 =	sadd.s32 s2, s17  }
0x8e: {  	[smem:$0x3FC2] =	sst s2  }
0x8f: {  	_ = 	snop  }
0x90: {  	s2 =	sld [smem:$0x3FD0];
	(tm) =	ssettm $0x1  }
0x91: {  	s18 =	sld [smem:$0x3FFB];
	_ =	sdelay $0x3  }
0x92: {  	_ =	strace s18  }
0x93: {  	s3 =	sld [smem:$0x3FFC];
	_ =	sdelay $0x3  }
0x94: {  	_ =	strace s3  }
0x95: {  	s3 =	sld [smem:$0x3FFD];
	_ =	sdelay $0x3  }
0x96: {  	_ =	strace s3  }
0x97: {  	_ =	strace $0x8FFFFFFF  }
0x98: {  	s19 =	sld [smem:$0x3FDB];
	_ =	sdelay $0x1  }
0x99: {  	s4 =	simm.s32 $_scs_section_size  }
0x9a: {  	s5 =	simm.s32 $_size__tile_overlayer_lowered;
	s6 =	simm.s32 $_tile_overlayer_lowered  }
0x9b: {  	s22 =	simm.s32 $0x1BFF;
	s21 =	sshll.u32 s6, $0x1;
	s3 =	sadd.s32 s4, s19  }
0x9c: {  	s7 =	simm.s32 $0x0;
	s20 =	sshll.u32 s5, $0x1;
	s5 =	sadd.s32 s21, s3  }
0x9d: {  	[timem:s7], [sflag:s22] =	dma.local [hbm:s5], s20  }
0x9e: {  	_ =	swait.ge [sflag:s22], s20  }
0x9f: {  	s4 =	ssub.s32 $0x0, s20;
	[sflag:s22] =	ssyncset.done $0x0  }
0xa0: {  	[sflag:s22] =	ssyncadd.s32 s4;
	_ =	sdelay $0x1  }
0xa1: {  	s23 =	simm.s32 $0x1B8B  }
0xa2: {  	_ =	swait.ge [sflag:s23], $0x1  }
0xa3: {  	[sflag:s23] =	ssyncset.done $0x0  }
0xa4: {  	s25 =	simm.s32 $0x1B8E;
	s24 =	sld [smem:$0x3FFE];
	[sflag:s23] =	ssyncadd.s32 $0xFFFFFFFF  }
0xa5: {  	s26 =	simm.s32 $execute0_lowered;
	[smem:$0x3FD2] =	sst s25  }
0xa6: {  	s5 =	sshll.u32 s26, $0x1;
	_ =	strace $0x80000049;
	[dreg:$0x1] =	wrdreg $0xFFFFFFFF  }
0xa7: {  	s28 =	simm.s32 $_size_execute0_lowered;
	s3 =	sadd.s32 s3, s5;
	[dreg:$0x0] =	wrdreg $0x0  }
0xa8: {  	s5 =	sshll.u32 s28, $0x1;
	[dreg:$0x2] =	wrdreg s3  }
0xa9: {  	[dreg:$0x3] =	wrdreg s5  }
0xaa: {  	[dreg:$0x4] =	wrdreg $0xC0  }
0xab: {  	_ =	task [dreg:s7], $0x5FFFF  }
0xac: {  	[dreg:$0x1] =	wrdreg $0xFFFFFFFF  }
0xad: {  	[dreg:$0x0] =	wrdreg $0x60  }
0xae: {  	[dreg:$0x2] =	wrdreg s24  }
0xaf: {  	[dreg:$0x3] =	wrdreg s2  }
0xb0: {  	[dreg:$0x4] =	wrdreg $0x89000  }
0xb1: {  	[dreg:$0x5] =	wrdreg $0x9  }
0xb2: {  	_ =	task.clear_ibuf [dreg:s7], $0x6FFFF;
	_ =	strace $0x90000049  }
0xb3: {  	s29 =	simm.s32 $0x9;
	_ =	strace $0x8000004B  }
0xb4: {  	_ =	swait.ge [sflag:s29], $0x1  }
0xb5: {  	[sflag:s29] =	ssyncadd.s32 $0xFFFFFFFF  }
0xb6: {  	_ =	strace $0x9000004B  }
0xb7: {  	_ =	sfence  }
0xb8: {  	s30 =	sld [smem:$0x0];
	_ =	sdelay $0x2  }
0xb9: {  	s31 =	sshll.u32 s1, $0xD;
	s1 =	sshrl.u32 s1, $0x2  }
0xba: {  	s3 =	sand.u32 $0x4000, s31;
	s1 =	sadd.s32 s1, s30  }
0xbb: {  	s0 =	sor.u32 s3, s0;
	s1 =	sshll.u32 s1, $0x11  }
0xbc: {  	s0 =	sor.u32 s1, s0  }
0xbd: {  	s0 =	sadd.s32 $0x8F2B, s0  }
0xbe: {  	[sflag:s0] =	ssyncadd.remote.s32 $0x1  }
0xbf: {  	_ =	sfence.sel $0xFFFF  }
0xc0: {  	[dreg:$0x0] =	wrdreg $0xFFFFFFFF;
	(pc) =	sbr.abs _section_cstart, $3  }
0xc1: {  	[dreg:$0x1] =	wrdreg $0xFFFFFFFF  }
0xc2: {  	_ =	task.clear_ibuf [dreg:s7], $0x2FFFF;
	_ =	strace $0x9FFFFFFF  }
0xc3: {  	(tm) =	ssettm $0x7FFFFFFF  }
tec
execute0_lowered:
.L_overlay_start_1:
0x0: {  	(tag) =	ssettag $0x1  }
0x1: {  	s0 =	rddreg [dreg:$0x0]  }
0x2: {  	s2 =	rddreg [dreg:$0x1]  }
0x3: {  	s1 =	rddreg [dreg:$0x2];
	s19 =	stileid.u32  }
0x4: {  	s3 =	srdreg.scid;
	s11 =	smul.u32 $0x14000, s19  }
0x5: {  	s7 =	sand.u32 $0x1, s3;
	s3 =	simm.s32 $0x0;
	s13 =	smul.u32 $0x5000, s19  }
0x6: {  	s12 =	sadd.s32 $0x2E00, s0;
	s9 =	sadd.s32 $0x5CE00, s0;
	s8 =	smul.u32 $0x140000, s7  }
0x7: {  	[smem:$0x7FF] =	sst s3;
	s4 =	ssub.s32 $0x2, s7;
	s14 =	smul.u32 $0x2800, s7  }
0x8: {  	_ =	strace $0x8000004A;
	s5 =	sshrl.u32 s4, $0x1;
	s6 =	sadd.s32 s8, s11  }
0x9: {  	s4 =	ssub.s32 s4, s5;
	s5 =	sor.u32 $0x2000, s11;
	s13 =	sadd.s32 s14, s13  }
0xa: {  	s10 =	sshrl.u32 s6, $0x3;
	s6 =	sadd.s32 $0x4000, s11;
	s20 =	sadd.s32 s8, s5  }
0xb: {  	s14 =	sor.u32 $0x3C0, s13;
	s22 =	sor.u32 $0x380, s13;
	s16 =	sor.u32 $0x340, s13  }
0xc: {  	s26 =	sor.u32 $0x300, s13;
	s30 =	sor.u32 $0x2C0, s13;
	s31 =	sor.u32 $0x280, s13  }
0xd: {  	s18 =	sor.u32 $0x240, s13;
	s10 =	sadd.s32 s9, s10;
	s15 =	sadd.s32 s8, s6  }
0xe: {  	s14 =	sshrl.u32 s14, $0x3;
	s24 =	sshrl.u32 s16, $0x3;
	s28 =	sshrl.u32 s26, $0x3  }
0xf: {  	s16 =	sshrl.u32 s31, $0x3;
	[smem:$0x7E1] =	sst s10;
	s14 =	sadd.s32 s14, s12  }
0x10: {  	s26 =	sor.u32 $0x180, s13;
	s25 =	sadd.s32 s24, s12;
	[dreg:$0x4] =	wrdreg s14  }
0x11: {  	s31 =	sor.u32 $0x100, s13;
	s17 =	sadd.s32 s16, s12;
	[dreg:$0x6] =	wrdreg s25  }
0x12: {  	s10 =	sshrl.u32 s20, $0x3;
	s16 =	simm.s32 $0x180;
	[dreg:$0x9] =	wrdreg s17  }
0x13: {  	s15 =	sshrl.u32 s15, $0x3;
	s10 =	sadd.s32 s9, s10;
	[dreg:$0x16] =	wrdreg s16  }
0x14: {  	s20 =	sshrl.u32 s18, $0x3;
	s21 =	sadd.s32 s9, s15;
	[smem:$0x7E2] =	sst s10  }
0x15: {  	s15 =	sshrl.u32 s22, $0x3;
	s14 =	sadd.s32 s28, s12;
	[smem:$0x7E3] =	sst s21  }
0x16: {  	s18 =	sshrl.u32 s31, $0x3;
	s23 =	sadd.s32 s15, s12;
	[dreg:$0x7] =	wrdreg s14  }
0x17: {  	s22 =	sor.u32 $0x1C0, s13;
	s14 =	sadd.s32 s20, s12;
	[dreg:$0x5] =	wrdreg s23  }
0x18: {  	s28 =	sshrl.u32 s26, $0x3;
	s20 =	sadd.s32 s18, s12;
	[dreg:$0xa] =	wrdreg s14  }
0x19: {  	s15 =	sshrl.u32 s30, $0x3;
	s18 =	simm.s32 $0x200;
	[dreg:$0xf] =	wrdreg s20  }
0x1a: {  	s24 =	sshrl.u32 s22, $0x3;
	s15 =	sadd.s32 s15, s12;
	[dreg:$0x17] =	wrdreg s18  }
0x1b: {  	s21 =	sor.u32 $0x200, s13;
	s25 =	sadd.s32 s24, s12;
	[dreg:$0x8] =	wrdreg s15  }
0x1c: {  	s14 =	sadd.s32 s28, s12;
	s24 =	sor.u32 $0x40, s13;
	[dreg:$0xc] =	wrdreg s25  }
0x1d: {  	s20 =	simm.s32 $0x280;
	s15 =	sshrl.u32 s21, $0x3;
	[dreg:$0xd] =	wrdreg s14  }
0x1e: {  	s26 =	sshrl.u32 s24, $0x3;
	[dreg:$0x18] =	wrdreg s20;
	s24 =	simm.s32 $0x400  }
0x1f: {  	s23 =	sadd.s32 s15, s12;
	[dreg:$0x1b] =	wrdreg s24  }
0x20: {  	s21 =	sor.u32 $0xC0, s13;
	s28 =	sadd.s32 s26, s12;
	[dreg:$0xb] =	wrdreg s23  }
0x21: {  	s22 =	sshrl.u32 s21, $0x3;
	s21 =	simm.s32 $0x300;
	[dreg:$0x12] =	wrdreg s28  }
0x22: {  	s30 =	sor.u32 $0x140, s13;
	s26 =	simm.s32 $0x500;
	[dreg:$0x19] =	wrdreg s21  }
0x23: {  	s15 =	sshrl.u32 s30, $0x3;
	s24 =	simm.s32 $0x600;
	[dreg:$0x1d] =	wrdreg s26  }
0x24: {  	s17 =	sadd.s32 s15, s12;
	[dreg:$0x1f] =	wrdreg s24  }
0x25: {  	s14 =	sadd.s32 s22, s12;
	[dreg:$0xe] =	wrdreg s17  }
0x26: {  	s7 =	smul.u32 $0x5000, s7;
	s22 =	simm.s32 $0x380;
	[dreg:$0x10] =	wrdreg s14  }
0x27: {  	s10 =	sadd.s32 $0x6000, s11;
	s28 =	simm.s32 $0x580;
	[dreg:$0x1a] =	wrdreg s22  }
0x28: {  	s30 =	sadd.s32 s8, s10;
	s26 =	simm.s32 $0x680;
	[dreg:$0x1e] =	wrdreg s28  }
0x29: {  	s23 =	sor.u32 $0x80, s13;
	s14 =	simm.s32 $0x80;
	[smem:$0x7EB] =	sst s26  }
0x2a: {  	s15 =	sshrl.u32 s23, $0x3;
	s28 =	simm.s32 $0x700;
	[dreg:$0x14] =	wrdreg s14  }
0x2b: {  	s13 =	sshrl.u32 s13, $0x3;
	s25 =	sadd.s32 s15, s12;
	[smem:$0x7EC] =	sst s28  }
0x2c: {  	s31 =	sshrl.u32 s30, $0x3;
	s12 =	sadd.s32 s13, s12;
	[dreg:$0x11] =	wrdreg s25  }
0x2d: {  	s18 =	sadd.s32 $0xE000, s11;
	s13 =	sadd.s32 s9, s31;
	[dreg:$0x13] =	wrdreg s12  }
0x2e: {  	s21 =	sadd.s32 $0x10000, s11;
	s15 =	simm.s32 $0x100;
	[smem:$0x7E4] =	sst s13  }
0x2f: {  	s31 =	sadd.s32 s8, s18;
	s12 =	sadd.s32 $0x8000, s11;
	[dreg:$0x15] =	wrdreg s15  }
0x30: {  	s25 =	simm.s32 $0x480;
	s13 =	sshrl.u32 s31, $0x3;
	s31 =	simm.s32 $0x780  }
0x31: {  	s17 =	sadd.s32 s8, s12;
	[dreg:$0x1c] =	wrdreg s25;
	s13 =	sadd.s32 s9, s13  }
0x32: {  	s25 =	smul.u32 $0x50000, s19;
	[smem:$0x7ED] =	sst s31;
	s14 =	sshrl.u32 s17, $0x3  }
0x33: {  	s17 =	sadd.s32 $0xC000, s11;
	[smem:$0x7E8] =	sst s13;
	s14 =	sadd.s32 s9, s14  }
0x34: {  	s22 =	sadd.s32 s8, s21;
	s30 =	sadd.s32 s8, s17;
	[smem:$0x7E5] =	sst s14  }
0x35: {  	s14 =	sadd.s32 $0xA000, s11;
	s20 =	sshrl.u32 s30, $0x3;
	s30 =	sshrl.u32 s25, $0x2  }
0x36: {  	s11 =	sadd.s32 $0x12000, s11;
	s23 =	sadd.s32 s8, s14;
	s16 =	sadd.s32 s30, s1  }
0x37: {  	s8 =	sadd.s32 s8, s11;
	s13 =	sadd.s32 s11, s1;
	s24 =	sadd.s32 $0x2000, s16  }
0x38: {  	s11 =	simm.s32 $0x4900;
	s25 =	sadd.s32 $0x4000, s16;
	[smem:$0x7F8] =	sst s24  }
0x39: {  	s15 =	sshrl.u32 s23, $0x3;
	s26 =	sadd.s32 $0x6000, s16;
	[smem:$0x7F9] =	sst s25  }
0x3a: {  	s23 =	smul.u32 $0xA000, s19;
	s28 =	sadd.s32 $0x8000, s16;
	[smem:$0x7FA] =	sst s26  }
0x3b: {  	s8 =	sshrl.u32 s8, $0x3;
	s30 =	sadd.s32 $0xA000, s16;
	[smem:$0x7FB] =	sst s28  }
0x3c: {  	s31 =	sadd.s32 $0xC000, s16;
	s15 =	sadd.s32 s9, s15;
	[smem:$0x7FC] =	sst s30  }
0x3d: {  	s8 =	sadd.s32 s9, s8;
	[smem:$0x7FD] =	sst s31;
	s24 =	simm.s32 $0x7  }
0x3e: {  	s25 =	simm.s32 $0x8;
	s26 =	simm.s32 $0x0;
	[smem:$0x7E6] =	sst s15  }
0x3f: {  	s15 =	sadd.s32 s9, s20;
	[smem:$0x7EA] =	sst s8;
	s7 =	sadd.s32 s7, s23  }
0x40: {  	s8 =	sadd.s32 s14, s1;
	s23 =	sshrl.u32 s13, $0x3;
	s13 =	simm.s32 $0x1  }
0x41: {  	[smem:$0x7E7] =	sst s15;
	s15 =	sshrl.u32 s22, $0x3;
	s7 =	sshrl.u32 s7, $0x3  }
0x42: {  	s19 =	sshrl.u32 s8, $0x3;
	[smem:$0x7F7] =	sst s23;
	s8 =	simm.s32 $0x9  }
0x43: {  	s23 =	simm.s32 $0x4;
	s15 =	sadd.s32 s9, s15;
	s29 =	sadd.s32 s7, s2  }
0x44: {  	s2 =	smax.u32 s4, $0x1;
	s4 =	sadd.s32 s5, s1;
	s5 =	sadd.s32 s6, s1  }
0x45: {  	s6 =	sadd.s32 s10, s1;
	s7 =	sadd.s32 s12, s1;
	s9 =	sadd.s32 s17, s1  }
0x46: {  	s10 =	sadd.s32 s18, s1;
	s12 =	sadd.s32 s21, s1;
	[smem:$0x7F3] =	sst s19  }
0x47: {  	s19 =	simm.s32 $0x2;
	[smem:$0x7E9] =	sst s15;
	s15 =	sadd.s32 $0xCE00, s0  }
0x48: {  	[smem:$0x7EE] =	sst s2;
	s0 =	sshrl.u32 s4, $0x3;
	s14 =	sshrl.u32 s5, $0x3  }
0x49: {  	s17 =	sshrl.u32 s6, $0x3;
	s18 =	sshrl.u32 s7, $0x3;
	[smem:$0x7EF] =	sst s0  }
0x4a: {  	s20 =	sshrl.u32 s9, $0x3;
	s21 =	sshrl.u32 s10, $0x3;
	[smem:$0x7F0] =	sst s14  }
0x4b: {  	s22 =	sshrl.u32 s12, $0x3;
	s4 =	sadd.s32 $0xE000, s16;
	[smem:$0x7F1] =	sst s17  }
0x4c: {  	s5 =	sadd.s32 $0x10000, s16;
	s6 =	sadd.s32 $0x12000, s16;
	[smem:$0x7F2] =	sst s18  }
0x4d: {  	s7 =	simm.s32 $0x900;
	s9 =	simm.s32 $0x40;
	[smem:$0x7F4] =	sst s20  }
0x4e: {  	s10 =	simm.s32 $0x2900;
	s12 =	simm.s32 $0x800;
	[smem:$0x7F5] =	sst s21  }
0x4f: {  	[smem:$0x7F6] =	sst s22;
	s17 =	simm.s32 $0x6900;
	s18 =	simm.s32 $0x880  }
0x50: {  	v0 =	vimm.f32 $0.0e+00;
	s20 =	simm.s32 $0x5;
	s21 =	simm.s32 $0x3;
	s22 =	simm.s32 $0x6  }
.LBB2_1:
0x51: {  	s14 =	sand.u32 $0x7E00, s3  }
0x52: {  	s28 =	sand.u32 $0x70, s3;
	s30 =	sshrl.u32 s14, $0x2  }
0x53: {  	s14 =	simm.s32 $0x40;
	s30 =	sor.u32 s28, s30;
	s28 =	simm.s32 $0x0  }
.LBB2_2:
0x54: {  	p0 =	sne.s32 s14, $0x7FC0  }
0x55: {  	[tilespmem:s30+$0x900] =	vst v0;
	s28 =	sadd.s32 $0x10, s28;
	s30 =	smov.u32 s14;
	s14 =	sadd.s32 $0x40, s14  }
.Ltmp0:
0x56: {  	(pc) =	sbr.rel @p0 .LBB2_2-.Ltmp0, $4  }
0x57: {  	_ = 	snop  }
0x58: {  	s30 =	sand.u32 $0x7E00, s30  }
0x59: {  	s31 =	sand.u32 $0x70, s28;
	s30 =	sshrl.u32 s30, $0x2  }
0x5a: {  	s30 =	sor.u32 s31, s30  }
0x5b: {  	[tilespmem:s30+$0x900] =	vst v0  }
0x5c: {  	[spmem:s16] =	stream.linear.scatter [tilespmem:s7], [sflag:$0x9], $0x2000, $0x38;
	[tilespmem:$0x1C900] =	vst v63  }
0x5d: {  	_ =	swait.ge [sflag:s8], $0x2000  }
0x5e: {  	s0 =	sld [smem:$0x7F8]  }
0x5f: {  	[sflag:s8] =	ssyncset.done $0x0  }
0x60: {  	[sflag:s8] =	ssyncadd.s32 $0xFFFFE000  }
0x61: {  	[spmem:s0] =	stream.linear.scatter [tilespmem:s7], [sflag:$0x9], $0x2000, $0x38;
	[tilespmem:$0x1C900] =	vst v63  }
0x62: {  	_ =	swait.ge [sflag:s8], $0x2000  }
0x63: {  	s31 =	sld [smem:$0x7F9]  }
0x64: {  	[sflag:s8] =	ssyncset.done $0x0  }
0x65: {  	[sflag:s8] =	ssyncadd.s32 $0xFFFFE000  }
0x66: {  	[spmem:s31] =	stream.linear.scatter [tilespmem:s7], [sflag:$0x9], $0x2000, $0x38;
	[tilespmem:$0x1C900] =	vst v63  }
0x67: {  	_ =	swait.ge [sflag:s8], $0x2000  }
0x68: {  	s2 =	sld [smem:$0x7FA]  }
0x69: {  	[sflag:s8] =	ssyncset.done $0x0  }
0x6a: {  	[sflag:s8] =	ssyncadd.s32 $0xFFFFE000  }
0x6b: {  	[spmem:s2] =	stream.linear.scatter [tilespmem:s7], [sflag:$0x9], $0x2000, $0x38;
	[tilespmem:$0x1C900] =	vst v63  }
0x6c: {  	_ =	swait.ge [sflag:s8], $0x2000  }
0x6d: {  	s14 =	sld [smem:$0x7FB]  }
0x6e: {  	[sflag:s8] =	ssyncset.done $0x0  }
0x6f: {  	[sflag:s8] =	ssyncadd.s32 $0xFFFFE000  }
0x70: {  	[spmem:s14] =	stream.linear.scatter [tilespmem:s7], [sflag:$0x9], $0x2000, $0x38;
	[tilespmem:$0x1C900] =	vst v63  }
0x71: {  	_ =	swait.ge [sflag:s8], $0x2000  }
0x72: {  	s30 =	sld [smem:$0x7FC]  }
0x73: {  	[sflag:s8] =	ssyncset.done $0x0  }
0x74: {  	[sflag:s8] =	ssyncadd.s32 $0xFFFFE000  }
0x75: {  	[spmem:s30] =	stream.linear.scatter [tilespmem:s7], [sflag:$0x9], $0x2000, $0x38;
	[tilespmem:$0x1C900] =	vst v63  }
0x76: {  	_ =	swait.ge [sflag:s8], $0x2000  }
0x77: {  	s31 =	sld [smem:$0x7FD]  }
0x78: {  	[sflag:s8] =	ssyncset.done $0x0  }
0x79: {  	[sflag:s8] =	ssyncadd.s32 $0xFFFFE000  }
0x7a: {  	[spmem:s31] =	stream.linear.scatter [tilespmem:s7], [sflag:$0x9], $0x2000, $0x38;
	[tilespmem:$0x1C900] =	vst v63  }
0x7b: {  	_ =	swait.ge [sflag:s8], $0x2000  }
0x7c: {  	[sflag:s8] =	ssyncset.done $0x0  }
0x7d: {  	[sflag:s8] =	ssyncadd.s32 $0xFFFFE000  }
0x7e: {  	[spmem:s4] =	stream.linear.scatter [tilespmem:s7], [sflag:$0x9], $0x2000, $0x38;
	[tilespmem:$0x1C900] =	vst v63  }
0x7f: {  	_ =	swait.ge [sflag:s8], $0x2000  }
0x80: {  	[sflag:s8] =	ssyncset.done $0x0  }
0x81: {  	[sflag:s8] =	ssyncadd.s32 $0xFFFFE000  }
0x82: {  	[spmem:s5] =	stream.linear.scatter [tilespmem:s7], [sflag:$0x9], $0x2000, $0x38;
	[tilespmem:$0x1C900] =	vst v63  }
0x83: {  	_ =	swait.ge [sflag:s8], $0x2000  }
0x84: {  	[sflag:s8] =	ssyncset.done $0x0  }
0x85: {  	[sflag:s8] =	ssyncadd.s32 $0xFFFFE000  }
0x86: {  	[spmem:s6] =	stream.linear.scatter [tilespmem:s7], [sflag:$0x9], $0x2000, $0x38;
	[tilespmem:$0x1C900] =	vst v63  }
0x87: {  	_ =	swait.ge [sflag:s8], $0x2000  }
0x88: {  	[sflag:s8] =	ssyncset.done $0x0  }
0x89: {  	[sflag:s8] =	ssyncadd.s32 $0xFFFFE000  }
0x8a: {  	[bflag:$0x0] =	sbarrier.arrive $0xFFFF  }
0x8b: {  	[tilespmem:s3], [sflag:$0x9] =	stream.linear.gather [hbm4b:s29+s3], $0x800, $0x38;
	[tilespmem:$0x1C900] =	vst v63  }
0x8c: {  	_ =	swait.ge [sflag:s8], $0x800  }
0x8d: {  	[sflag:s8] =	ssyncset.done $0x0  }
0x8e: {  	s14 =	rddreg [dreg:$0x14];
	[sflag:s8] =	ssyncadd.s32 $0xFFFFF800  }
0x8f: {  	[tilespmem:s7], [sflag:$0x1] =	stream.indirect.gather [hbm4b:s15+s9], $0x80, s3, s9, $0xb8;
	[tilespmem:$0x1C900] =	vst v63  }
0x90: {  	s28 =	rddreg [dreg:$0x15]  }
0x91: {  	[tilespmem:s10], [sflag:$0x2] =	stream.indirect.gather [hbm4b:s15+s9], $0x80, s14, s9, $0xb8;
	[tilespmem:$0x1C900] =	vst v63  }
0x92: {  	s0 =	rddreg [dreg:$0x13]  }
0x93: {  	[tilespmem:s11], [sflag:$0x3] =	stream.indirect.gather [hbm4b:s15+s9], $0x80, s28, s9, $0xb8;
	[tilespmem:$0x1C900] =	vst v63  }
0x94: {  	s14 =	sadd.s32 $0x0, s0  }
0x95: {  	[tilespmem:s12], [sflag:$0x9] =	stream.linear.gather [hbm4b:s14+s3], $0x40, $0x38;
	[tilespmem:$0x1C900] =	vst v63  }
0x96: {  	_ =	swait.ge [sflag:s8], $0x40  }
0x97: {  	[sflag:s8] =	ssyncset.done $0x0  }
0x98: {  	[sflag:s8] =	ssyncadd.s32 $0xFFFFFFC0  }
0x99: {  	_ =	swait.ge [sflag:s13], $0x2000  }
0x9a: {  	[sflag:s13] =	ssyncset.done $0x0  }
0x9b: {  	s2 =	rddreg [dreg:$0x12];
	[sflag:s13] =	ssyncadd.s32 $0xFFFFE000  }
0x9c: {  	[spmem:s1] =	stream.indirect.scatter.add.f32 [tilespmem:s7], [sflag:$0x5], $0x80, s12, s9, $0xb8;
	[tilespmem:$0x1C900] =	vst v63  }
0x9d: {  	s28 =	rddreg [dreg:$0x16]  }
0x9e: {  	[tilespmem:s17], [sflag:$0x4] =	stream.indirect.gather [hbm4b:s15+s9], $0x80, s28, s9, $0xb8;
	[tilespmem:$0x1C900] =	vst v63  }
0x9f: {  	s14 =	sadd.s32 $0x0, s2  }
0xa0: {  	[tilespmem:s18], [sflag:$0x9] =	stream.linear.gather [hbm4b:s14+s3], $0x40, $0x38;
	[tilespmem:$0x1C900] =	vst v63  }
0xa1: {  	_ =	swait.ge [sflag:s8], $0x40  }
0xa2: {  	[sflag:s8] =	ssyncset.done $0x0  }
0xa3: {  	[sflag:s8] =	ssyncadd.s32 $0xFFFFFFC0  }
0xa4: {  	_ =	swait.ge [sflag:s19], $0x2000  }
0xa5: {  	[sflag:s19] =	ssyncset.done $0x0  }
0xa6: {  	[sflag:s19] =	ssyncadd.s32 $0xFFFFE000  }
0xa7: {  	[spmem:s1] =	stream.indirect.scatter.add.f32 [tilespmem:s10], [sflag:$0x6], $0x80, s18, s9, $0xb8;
	[tilespmem:$0x1C900] =	vst v63  }
0xa8: {  	_ =	swait.ge [sflag:s20], $0x2000  }
0xa9: {  	s30 =	rddreg [dreg:$0x17];
	[sflag:s20] =	ssyncset.done $0x0  }
0xaa: {  	s28 =	rddreg [dreg:$0x11];
	[sflag:s20] =	ssyncadd.s32 $0xFFFFE000  }
0xab: {  	[tilespmem:s7], [sflag:$0x1] =	stream.indirect.gather [hbm4b:s15+s9], $0x80, s30, s9, $0xb8;
	[tilespmem:$0x1C900] =	vst v63  }
0xac: {  	s31 =	sadd.s32 $0x0, s28  }
0xad: {  	[tilespmem:s12], [sflag:$0x9] =	stream.linear.gather [hbm4b:s31+s3], $0x40, $0x38;
	[tilespmem:$0x1C900] =	vst v63  }
0xae: {  	_ =	swait.ge [sflag:s8], $0x40  }
0xaf: {  	[sflag:s8] =	ssyncset.done $0x0  }
0xb0: {  	[sflag:s8] =	ssyncadd.s32 $0xFFFFFFC0  }
0xb1: {  	_ =	swait.ge [sflag:s21], $0x2000  }
0xb2: {  	[sflag:s21] =	ssyncset.done $0x0  }
0xb3: {  	[sflag:s21] =	ssyncadd.s32 $0xFFFFE000  }
0xb4: {  	[spmem:s1] =	stream.indirect.scatter.add.f32 [tilespmem:s11], [sflag:$0x7], $0x80, s12, s9, $0xb8;
	[tilespmem:$0x1C900] =	vst v63  }
0xb5: {  	_ =	swait.ge [sflag:s22], $0x2000  }
0xb6: {  	s0 =	rddreg [dreg:$0x18];
	[sflag:s22] =	ssyncset.done $0x0  }
0xb7: {  	s28 =	rddreg [dreg:$0x10];
	[sflag:s22] =	ssyncadd.s32 $0xFFFFE000  }
0xb8: {  	[tilespmem:s10], [sflag:$0x2] =	stream.indirect.gather [hbm4b:s15+s9], $0x80, s0, s9, $0xb8;
	[tilespmem:$0x1C900] =	vst v63  }
0xb9: {  	s2 =	sadd.s32 $0x0, s28  }
0xba: {  	[tilespmem:s18], [sflag:$0x9] =	stream.linear.gather [hbm4b:s2+s3], $0x40, $0x38;
	[tilespmem:$0x1C900] =	vst v63  }
0xbb: {  	_ =	swait.ge [sflag:s8], $0x40  }
0xbc: {  	[sflag:s8] =	ssyncset.done $0x0  }
0xbd: {  	[sflag:s8] =	ssyncadd.s32 $0xFFFFFFC0  }
0xbe: {  	_ =	swait.ge [sflag:s23], $0x2000  }
0xbf: {  	[sflag:s23] =	ssyncset.done $0x0  }
0xc0: {  	[sflag:s23] =	ssyncadd.s32 $0xFFFFE000  }
0xc1: {  	[spmem:s1] =	stream.indirect.scatter.add.f32 [tilespmem:s17], [sflag:$0x8], $0x80, s18, s9, $0xb8;
	[tilespmem:$0x1C900] =	vst v63  }
0xc2: {  	_ =	swait.ge [sflag:s24], $0x2000  }
0xc3: {  	s30 =	rddreg [dreg:$0x19];
	[sflag:s24] =	ssyncset.done $0x0  }
0xc4: {  	s28 =	rddreg [dreg:$0xf];
	[sflag:s24] =	ssyncadd.s32 $0xFFFFE000  }
0xc5: {  	[tilespmem:s11], [sflag:$0x3] =	stream.indirect.gather [hbm4b:s15+s9], $0x80, s30, s9, $0xb8;
	[tilespmem:$0x1C900] =	vst v63  }
0xc6: {  	s31 =	sadd.s32 $0x0, s28  }
0xc7: {  	[tilespmem:s12], [sflag:$0x9] =	stream.linear.gather [hbm4b:s31+s3], $0x40, $0x38;
	[tilespmem:$0x1C900] =	vst v63  }
0xc8: {  	_ =	swait.ge [sflag:s8], $0x40  }
0xc9: {  	[sflag:s8] =	ssyncset.done $0x0  }
0xca: {  	[sflag:s8] =	ssyncadd.s32 $0xFFFFFFC0  }
0xcb: {  	_ =	swait.ge [sflag:s13], $0x2000  }
0xcc: {  	[sflag:s13] =	ssyncset.done $0x0  }
0xcd: {  	[sflag:s13] =	ssyncadd.s32 $0xFFFFE000  }
0xce: {  	[spmem:s1] =	stream.indirect.scatter.add.f32 [tilespmem:s7], [sflag:$0x5], $0x80, s12, s9, $0xb8;
	[tilespmem:$0x1C900] =	vst v63  }
0xcf: {  	_ =	swait.ge [sflag:s25], $0x2000  }
0xd0: {  	s0 =	rddreg [dreg:$0x1a];
	[sflag:s25] =	ssyncset.done $0x0  }
0xd1: {  	s28 =	rddreg [dreg:$0xe];
	[sflag:s25] =	ssyncadd.s32 $0xFFFFE000  }
0xd2: {  	[tilespmem:s17], [sflag:$0x4] =	stream.indirect.gather [hbm4b:s15+s9], $0x80, s0, s9, $0xb8;
	[tilespmem:$0x1C900] =	vst v63  }
0xd3: {  	s2 =	sadd.s32 $0x0, s28  }
0xd4: {  	[tilespmem:s18], [sflag:$0x9] =	stream.linear.gather [hbm4b:s2+s3], $0x40, $0x38;
	[tilespmem:$0x1C900] =	vst v63  }
0xd5: {  	_ =	swait.ge [sflag:s8], $0x40  }
0xd6: {  	[sflag:s8] =	ssyncset.done $0x0  }
0xd7: {  	[sflag:s8] =	ssyncadd.s32 $0xFFFFFFC0  }
0xd8: {  	_ =	swait.ge [sflag:s19], $0x2000  }
0xd9: {  	[sflag:s19] =	ssyncset.done $0x0  }
0xda: {  	[sflag:s19] =	ssyncadd.s32 $0xFFFFE000  }
0xdb: {  	[spmem:s1] =	stream.indirect.scatter.add.f32 [tilespmem:s10], [sflag:$0x6], $0x80, s18, s9, $0xb8;
	[tilespmem:$0x1C900] =	vst v63  }
0xdc: {  	_ =	swait.ge [sflag:s20], $0x2000  }
0xdd: {  	s30 =	rddreg [dreg:$0x1b];
	[sflag:s20] =	ssyncset.done $0x0  }
0xde: {  	s28 =	rddreg [dreg:$0xd];
	[sflag:s20] =	ssyncadd.s32 $0xFFFFE000  }
0xdf: {  	[tilespmem:s7], [sflag:$0x1] =	stream.indirect.gather [hbm4b:s15+s9], $0x80, s30, s9, $0xb8;
	[tilespmem:$0x1C900] =	vst v63  }
0xe0: {  	s31 =	sadd.s32 $0x0, s28  }
0xe1: {  	[tilespmem:s12], [sflag:$0x9] =	stream.linear.gather [hbm4b:s31+s3], $0x40, $0x38;
	[tilespmem:$0x1C900] =	vst v63  }
0xe2: {  	_ =	swait.ge [sflag:s8], $0x40  }
0xe3: {  	[sflag:s8] =	ssyncset.done $0x0  }
0xe4: {  	[sflag:s8] =	ssyncadd.s32 $0xFFFFFFC0  }
0xe5: {  	_ =	swait.ge [sflag:s21], $0x2000  }
0xe6: {  	[sflag:s21] =	ssyncset.done $0x0  }
0xe7: {  	[sflag:s21] =	ssyncadd.s32 $0xFFFFE000  }
0xe8: {  	[spmem:s1] =	stream.indirect.scatter.add.f32 [tilespmem:s11], [sflag:$0x7], $0x80, s12, s9, $0xb8;
	[tilespmem:$0x1C900] =	vst v63  }
0xe9: {  	_ =	swait.ge [sflag:s22], $0x2000  }
0xea: {  	s0 =	rddreg [dreg:$0x1c];
	[sflag:s22] =	ssyncset.done $0x0  }
0xeb: {  	s28 =	rddreg [dreg:$0xc];
	[sflag:s22] =	ssyncadd.s32 $0xFFFFE000  }
0xec: {  	[tilespmem:s10], [sflag:$0x2] =	stream.indirect.gather [hbm4b:s15+s9], $0x80, s0, s9, $0xb8;
	[tilespmem:$0x1C900] =	vst v63  }
0xed: {  	s2 =	sadd.s32 $0x0, s28  }
0xee: {  	[tilespmem:s18], [sflag:$0x9] =	stream.linear.gather [hbm4b:s2+s3], $0x40, $0x38;
	[tilespmem:$0x1C900] =	vst v63  }
0xef: {  	_ =	swait.ge [sflag:s8], $0x40  }
0xf0: {  	[sflag:s8] =	ssyncset.done $0x0  }
0xf1: {  	[sflag:s8] =	ssyncadd.s32 $0xFFFFFFC0  }
0xf2: {  	_ =	swait.ge [sflag:s23], $0x2000  }
0xf3: {  	[sflag:s23] =	ssyncset.done $0x0  }
0xf4: {  	[sflag:s23] =	ssyncadd.s32 $0xFFFFE000  }
0xf5: {  	[spmem:s1] =	stream.indirect.scatter.add.f32 [tilespmem:s17], [sflag:$0x8], $0x80, s18, s9, $0xb8;
	[tilespmem:$0x1C900] =	vst v63  }
0xf6: {  	_ =	swait.ge [sflag:s24], $0x2000  }
0xf7: {  	s30 =	rddreg [dreg:$0x1d];
	[sflag:s24] =	ssyncset.done $0x0  }
0xf8: {  	s28 =	rddreg [dreg:$0xb];
	[sflag:s24] =	ssyncadd.s32 $0xFFFFE000  }
0xf9: {  	[tilespmem:s11], [sflag:$0x3] =	stream.indirect.gather [hbm4b:s15+s9], $0x80, s30, s9, $0xb8;
	[tilespmem:$0x1C900] =	vst v63  }
0xfa: {  	s31 =	sadd.s32 $0x0, s28  }
0xfb: {  	[tilespmem:s12], [sflag:$0x9] =	stream.linear.gather [hbm4b:s31+s3], $0x40, $0x38;
	[tilespmem:$0x1C900] =	vst v63  }
0xfc: {  	_ =	swait.ge [sflag:s8], $0x40  }
0xfd: {  	[sflag:s8] =	ssyncset.done $0x0  }
0xfe: {  	[sflag:s8] =	ssyncadd.s32 $0xFFFFFFC0  }
0xff: {  	_ =	swait.ge [sflag:s13], $0x2000  }
0x100: {  	[sflag:s13] =	ssyncset.done $0x0  }
0x101: {  	[sflag:s13] =	ssyncadd.s32 $0xFFFFE000  }
0x102: {  	[spmem:s1] =	stream.indirect.scatter.add.f32 [tilespmem:s7], [sflag:$0x5], $0x80, s12, s9, $0xb8;
	[tilespmem:$0x1C900] =	vst v63  }
0x103: {  	_ =	swait.ge [sflag:s25], $0x2000  }
0x104: {  	s0 =	rddreg [dreg:$0x1e];
	[sflag:s25] =	ssyncset.done $0x0  }
0x105: {  	s28 =	rddreg [dreg:$0xa];
	[sflag:s25] =	ssyncadd.s32 $0xFFFFE000  }
0x106: {  	[tilespmem:s17], [sflag:$0x4] =	stream.indirect.gather [hbm4b:s15+s9], $0x80, s0, s9, $0xb8;
	[tilespmem:$0x1C900] =	vst v63  }
0x107: {  	s2 =	sadd.s32 $0x0, s28  }
0x108: {  	[tilespmem:s18], [sflag:$0x9] =	stream.linear.gather [hbm4b:s2+s3], $0x40, $0x38;
	[tilespmem:$0x1C900] =	vst v63  }
0x109: {  	_ =	swait.ge [sflag:s8], $0x40  }
0x10a: {  	[sflag:s8] =	ssyncset.done $0x0  }
0x10b: {  	[sflag:s8] =	ssyncadd.s32 $0xFFFFFFC0  }
0x10c: {  	_ =	swait.ge [sflag:s19], $0x2000  }
0x10d: {  	[sflag:s19] =	ssyncset.done $0x0  }
0x10e: {  	[sflag:s19] =	ssyncadd.s32 $0xFFFFE000  }
0x10f: {  	[spmem:s1] =	stream.indirect.scatter.add.f32 [tilespmem:s10], [sflag:$0x6], $0x80, s18, s9, $0xb8;
	[tilespmem:$0x1C900] =	vst v63  }
0x110: {  	_ =	swait.ge [sflag:s20], $0x2000  }
0x111: {  	s30 =	rddreg [dreg:$0x1f];
	[sflag:s20] =	ssyncset.done $0x0  }
0x112: {  	s28 =	rddreg [dreg:$0x9];
	[sflag:s20] =	ssyncadd.s32 $0xFFFFE000  }
0x113: {  	[tilespmem:s7], [sflag:$0x1] =	stream.indirect.gather [hbm4b:s15+s9], $0x80, s30, s9, $0xb8;
	[tilespmem:$0x1C900] =	vst v63  }
0x114: {  	s31 =	sadd.s32 $0x0, s28  }
0x115: {  	[tilespmem:s12], [sflag:$0x9] =	stream.linear.gather [hbm4b:s31+s3], $0x40, $0x38;
	[tilespmem:$0x1C900] =	vst v63  }
0x116: {  	_ =	swait.ge [sflag:s8], $0x40  }
0x117: {  	[sflag:s8] =	ssyncset.done $0x0  }
0x118: {  	[sflag:s8] =	ssyncadd.s32 $0xFFFFFFC0  }
0x119: {  	_ =	swait.ge [sflag:s21], $0x2000  }
0x11a: {  	[sflag:s21] =	ssyncset.done $0x0  }
0x11b: {  	[sflag:s21] =	ssyncadd.s32 $0xFFFFE000  }
0x11c: {  	[spmem:s1] =	stream.indirect.scatter.add.f32 [tilespmem:s11], [sflag:$0x7], $0x80, s12, s9, $0xb8;
	[tilespmem:$0x1C900] =	vst v63  }
0x11d: {  	_ =	swait.ge [sflag:s22], $0x2000  }
0x11e: {  	s0 =	sld [smem:$0x7EB]  }
0x11f: {  	[sflag:s22] =	ssyncset.done $0x0  }
0x120: {  	s28 =	rddreg [dreg:$0x8];
	[sflag:s22] =	ssyncadd.s32 $0xFFFFE000  }
0x121: {  	[tilespmem:s10], [sflag:$0x2] =	stream.indirect.gather [hbm4b:s15+s9], $0x80, s0, s9, $0xb8;
	[tilespmem:$0x1C900] =	vst v63  }
0x122: {  	s2 =	sadd.s32 $0x0, s28  }
0x123: {  	[tilespmem:s18], [sflag:$0x9] =	stream.linear.gather [hbm4b:s2+s3], $0x40, $0x38;
	[tilespmem:$0x1C900] =	vst v63  }
0x124: {  	_ =	swait.ge [sflag:s8], $0x40  }
0x125: {  	[sflag:s8] =	ssyncset.done $0x0  }
0x126: {  	[sflag:s8] =	ssyncadd.s32 $0xFFFFFFC0  }
0x127: {  	_ =	swait.ge [sflag:s23], $0x2000  }
0x128: {  	[sflag:s23] =	ssyncset.done $0x0  }
0x129: {  	[sflag:s23] =	ssyncadd.s32 $0xFFFFE000  }
0x12a: {  	[spmem:s1] =	stream.indirect.scatter.add.f32 [tilespmem:s17], [sflag:$0x8], $0x80, s18, s9, $0xb8;
	[tilespmem:$0x1C900] =	vst v63  }
0x12b: {  	_ =	swait.ge [sflag:s24], $0x2000  }
0x12c: {  	s30 =	sld [smem:$0x7EC]  }
0x12d: {  	[sflag:s24] =	ssyncset.done $0x0  }
0x12e: {  	s28 =	rddreg [dreg:$0x7];
	[sflag:s24] =	ssyncadd.s32 $0xFFFFE000  }
0x12f: {  	[tilespmem:s11], [sflag:$0x3] =	stream.indirect.gather [hbm4b:s15+s9], $0x80, s30, s9, $0xb8;
	[tilespmem:$0x1C900] =	vst v63  }
0x130: {  	s31 =	sadd.s32 $0x0, s28  }
0x131: {  	[tilespmem:s12], [sflag:$0x9] =	stream.linear.gather [hbm4b:s31+s3], $0x40, $0x38;
	[tilespmem:$0x1C900] =	vst v63  }
0x132: {  	_ =	swait.ge [sflag:s8], $0x40  }
0x133: {  	[sflag:s8] =	ssyncset.done $0x0  }
0x134: {  	[sflag:s8] =	ssyncadd.s32 $0xFFFFFFC0  }
0x135: {  	_ =	swait.ge [sflag:s13], $0x2000  }
0x136: {  	[sflag:s13] =	ssyncset.done $0x0  }
0x137: {  	[sflag:s13] =	ssyncadd.s32 $0xFFFFE000  }
0x138: {  	[spmem:s1] =	stream.indirect.scatter.add.f32 [tilespmem:s7], [sflag:$0x5], $0x80, s12, s9, $0xb8;
	[tilespmem:$0x1C900] =	vst v63  }
0x139: {  	_ =	swait.ge [sflag:s25], $0x2000  }
0x13a: {  	s0 =	sld [smem:$0x7ED]  }
0x13b: {  	[sflag:s25] =	ssyncset.done $0x0  }
0x13c: {  	s28 =	rddreg [dreg:$0x6];
	[sflag:s25] =	ssyncadd.s32 $0xFFFFE000  }
0x13d: {  	[tilespmem:s17], [sflag:$0x4] =	stream.indirect.gather [hbm4b:s15+s9], $0x80, s0, s9, $0xb8;
	[tilespmem:$0x1C900] =	vst v63  }
0x13e: {  	s2 =	sadd.s32 $0x0, s28  }
0x13f: {  	[tilespmem:s18], [sflag:$0x9] =	stream.linear.gather [hbm4b:s2+s3], $0x40, $0x38;
	[tilespmem:$0x1C900] =	vst v63  }
0x140: {  	_ =	swait.ge [sflag:s8], $0x40  }
0x141: {  	[sflag:s8] =	ssyncset.done $0x0  }
0x142: {  	[sflag:s8] =	ssyncadd.s32 $0xFFFFFFC0  }
0x143: {  	_ =	swait.ge [sflag:s19], $0x2000  }
0x144: {  	[sflag:s19] =	ssyncset.done $0x0  }
0x145: {  	[sflag:s19] =	ssyncadd.s32 $0xFFFFE000  }
0x146: {  	[spmem:s1] =	stream.indirect.scatter.add.f32 [tilespmem:s10], [sflag:$0x6], $0x80, s18, s9, $0xb8;
	[tilespmem:$0x1C900] =	vst v63  }
0x147: {  	_ =	swait.ge [sflag:s20], $0x2000  }
0x148: {  	s30 =	rddreg [dreg:$0x5];
	[sflag:s20] =	ssyncset.done $0x0  }
0x149: {  	[sflag:s20] =	ssyncadd.s32 $0xFFFFE000;
	s14 =	sadd.s32 $0x0, s30  }
0x14a: {  	[tilespmem:s12], [sflag:$0x9] =	stream.linear.gather [hbm4b:s14+s3], $0x40, $0x38;
	[tilespmem:$0x1C900] =	vst v63  }
0x14b: {  	_ =	swait.ge [sflag:s8], $0x40  }
0x14c: {  	[sflag:s8] =	ssyncset.done $0x0  }
0x14d: {  	[sflag:s8] =	ssyncadd.s32 $0xFFFFFFC0  }
0x14e: {  	_ =	swait.ge [sflag:s21], $0x2000  }
0x14f: {  	[sflag:s21] =	ssyncset.done $0x0  }
0x150: {  	[sflag:s21] =	ssyncadd.s32 $0xFFFFE000  }
0x151: {  	[spmem:s1] =	stream.indirect.scatter.add.f32 [tilespmem:s11], [sflag:$0x7], $0x80, s12, s9, $0xb8;
	[tilespmem:$0x1C900] =	vst v63  }
0x152: {  	_ =	swait.ge [sflag:s22], $0x2000  }
0x153: {  	s31 =	rddreg [dreg:$0x4];
	[sflag:s22] =	ssyncset.done $0x0  }
0x154: {  	[sflag:s22] =	ssyncadd.s32 $0xFFFFE000;
	s14 =	sadd.s32 $0x0, s31  }
0x155: {  	[tilespmem:s18], [sflag:$0x9] =	stream.linear.gather [hbm4b:s14+s3], $0x40, $0x38;
	[tilespmem:$0x1C900] =	vst v63  }
0x156: {  	_ =	swait.ge [sflag:s8], $0x40  }
0x157: {  	[sflag:s8] =	ssyncset.done $0x0  }
0x158: {  	[sflag:s8] =	ssyncadd.s32 $0xFFFFFFC0  }
0x159: {  	_ =	swait.ge [sflag:s23], $0x2000  }
0x15a: {  	[sflag:s23] =	ssyncset.done $0x0  }
0x15b: {  	[sflag:s23] =	ssyncadd.s32 $0xFFFFE000  }
0x15c: {  	[spmem:s1] =	stream.indirect.scatter.add.f32 [tilespmem:s17], [sflag:$0x8], $0x80, s18, s9, $0xb8;
	[tilespmem:$0x1C900] =	vst v63  }
0x15d: {  	_ =	swait.ge [sflag:s24], $0x2000  }
0x15e: {  	[sflag:s24] =	ssyncset.done $0x0  }
0x15f: {  	[sflag:s24] =	ssyncadd.s32 $0xFFFFE000  }
0x160: {  	_ =	swait.ge [sflag:s25], $0x2000  }
0x161: {  	s28 =	simm.s32 $0x80;
	s14 =	smov.u32 s29;
	[sflag:s25] =	ssyncset.done $0x0  }
.LBB2_4:
0x162: {  	[sflag:s25] =	ssyncadd.s32 $0xFFFFE000;
	s14 =	sadd.s32 $0x100, s14  }
0x163: {  	[tilespmem:s3], [sflag:$0x9] =	stream.linear.gather [hbm4b:s14+s3], $0x800, $0x38;
	[tilespmem:$0x1C900] =	vst v63  }
0x164: {  	_ =	swait.ge [sflag:s8], $0x800  }
0x165: {  	[sflag:s8] =	ssyncset.done $0x0  }
0x166: {  	s31 =	rddreg [dreg:$0x13];
	[sflag:s8] =	ssyncadd.s32 $0xFFFFF800  }
0x167: {  	[tilespmem:s7], [sflag:$0x1] =	stream.indirect.gather [hbm4b:s15+s9], $0x80, s3, s9, $0xb8;
	[tilespmem:$0x1C900] =	vst v63  }
0x168: {  	s0 =	rddreg [dreg:$0x14]  }
0x169: {  	[tilespmem:s10], [sflag:$0x2] =	stream.indirect.gather [hbm4b:s15+s9], $0x80, s0, s9, $0xb8;
	[tilespmem:$0x1C900] =	vst v63  }
0x16a: {  	s30 =	smov.u32 s28;
	s2 =	rddreg [dreg:$0x15]  }
0x16b: {  	[tilespmem:s11], [sflag:$0x3] =	stream.indirect.gather [hbm4b:s15+s9], $0x80, s2, s9, $0xb8;
	[tilespmem:$0x1C900] =	vst v63  }
0x16c: {  	s2 =	sadd.s32 s30, s31  }
0x16d: {  	[tilespmem:s12], [sflag:$0x9] =	stream.linear.gather [hbm4b:s2+s3], $0x40, $0x38;
	[tilespmem:$0x1C900] =	vst v63  }
0x16e: {  	_ =	swait.ge [sflag:s8], $0x40  }
0x16f: {  	[sflag:s8] =	ssyncset.done $0x0  }
0x170: {  	[sflag:s8] =	ssyncadd.s32 $0xFFFFFFC0  }
0x171: {  	_ =	swait.ge [sflag:s13], $0x2000  }
0x172: {  	[sflag:s13] =	ssyncset.done $0x0  }
0x173: {  	s0 =	rddreg [dreg:$0x12];
	[sflag:s13] =	ssyncadd.s32 $0xFFFFE000  }
0x174: {  	[spmem:s1] =	stream.indirect.scatter.add.f32 [tilespmem:s7], [sflag:$0x5], $0x80, s12, s9, $0xb8;
	[tilespmem:$0x1C900] =	vst v63  }
0x175: {  	s31 =	rddreg [dreg:$0x16]  }
0x176: {  	[tilespmem:s17], [sflag:$0x4] =	stream.indirect.gather [hbm4b:s15+s9], $0x80, s31, s9, $0xb8;
	[tilespmem:$0x1C900] =	vst v63  }
0x177: {  	s0 =	sadd.s32 s30, s0  }
0x178: {  	[tilespmem:s18], [sflag:$0x9] =	stream.linear.gather [hbm4b:s0+s3], $0x40, $0x38;
	[tilespmem:$0x1C900] =	vst v63  }
0x179: {  	_ =	swait.ge [sflag:s8], $0x40  }
0x17a: {  	[sflag:s8] =	ssyncset.done $0x0  }
0x17b: {  	[sflag:s8] =	ssyncadd.s32 $0xFFFFFFC0  }
0x17c: {  	_ =	swait.ge [sflag:s19], $0x2000  }
0x17d: {  	[sflag:s19] =	ssyncset.done $0x0  }
0x17e: {  	[sflag:s19] =	ssyncadd.s32 $0xFFFFE000  }
0x17f: {  	[spmem:s1] =	stream.indirect.scatter.add.f32 [tilespmem:s10], [sflag:$0x6], $0x80, s18, s9, $0xb8;
	[tilespmem:$0x1C900] =	vst v63  }
0x180: {  	_ =	swait.ge [sflag:s20], $0x2000  }
0x181: {  	s2 =	rddreg [dreg:$0x17];
	[sflag:s20] =	ssyncset.done $0x0  }
0x182: {  	s31 =	rddreg [dreg:$0x11];
	[sflag:s20] =	ssyncadd.s32 $0xFFFFE000  }
0x183: {  	[tilespmem:s7], [sflag:$0x1] =	stream.indirect.gather [hbm4b:s15+s9], $0x80, s2, s9, $0xb8;
	[tilespmem:$0x1C900] =	vst v63  }
0x184: {  	s31 =	sadd.s32 s30, s31  }
0x185: {  	[tilespmem:s12], [sflag:$0x9] =	stream.linear.gather [hbm4b:s31+s3], $0x40, $0x38;
	[tilespmem:$0x1C900] =	vst v63  }
0x186: {  	_ =	swait.ge [sflag:s8], $0x40  }
0x187: {  	[sflag:s8] =	ssyncset.done $0x0  }
0x188: {  	[sflag:s8] =	ssyncadd.s32 $0xFFFFFFC0  }
0x189: {  	_ =	swait.ge [sflag:s21], $0x2000  }
0x18a: {  	[sflag:s21] =	ssyncset.done $0x0  }
0x18b: {  	[sflag:s21] =	ssyncadd.s32 $0xFFFFE000  }
0x18c: {  	[spmem:s1] =	stream.indirect.scatter.add.f32 [tilespmem:s11], [sflag:$0x7], $0x80, s12, s9, $0xb8;
	[tilespmem:$0x1C900] =	vst v63  }
0x18d: {  	_ =	swait.ge [sflag:s22], $0x2000  }
0x18e: {  	s2 =	rddreg [dreg:$0x18];
	[sflag:s22] =	ssyncset.done $0x0  }
0x18f: {  	s31 =	rddreg [dreg:$0x10];
	[sflag:s22] =	ssyncadd.s32 $0xFFFFE000  }
0x190: {  	[tilespmem:s10], [sflag:$0x2] =	stream.indirect.gather [hbm4b:s15+s9], $0x80, s2, s9, $0xb8;
	[tilespmem:$0x1C900] =	vst v63  }
0x191: {  	s31 =	sadd.s32 s30, s31  }
0x192: {  	[tilespmem:s18], [sflag:$0x9] =	stream.linear.gather [hbm4b:s31+s3], $0x40, $0x38;
	[tilespmem:$0x1C900] =	vst v63  }
0x193: {  	_ =	swait.ge [sflag:s8], $0x40  }
0x194: {  	[sflag:s8] =	ssyncset.done $0x0  }
0x195: {  	[sflag:s8] =	ssyncadd.s32 $0xFFFFFFC0  }
0x196: {  	_ =	swait.ge [sflag:s23], $0x2000  }
0x197: {  	[sflag:s23] =	ssyncset.done $0x0  }
0x198: {  	[sflag:s23] =	ssyncadd.s32 $0xFFFFE000  }
0x199: {  	[spmem:s1] =	stream.indirect.scatter.add.f32 [tilespmem:s17], [sflag:$0x8], $0x80, s18, s9, $0xb8;
	[tilespmem:$0x1C900] =	vst v63  }
0x19a: {  	_ =	swait.ge [sflag:s24], $0x2000  }
0x19b: {  	s2 =	rddreg [dreg:$0x19];
	[sflag:s24] =	ssyncset.done $0x0  }
0x19c: {  	s31 =	rddreg [dreg:$0xf];
	[sflag:s24] =	ssyncadd.s32 $0xFFFFE000  }
0x19d: {  	[tilespmem:s11], [sflag:$0x3] =	stream.indirect.gather [hbm4b:s15+s9], $0x80, s2, s9, $0xb8;
	[tilespmem:$0x1C900] =	vst v63  }
0x19e: {  	s31 =	sadd.s32 s30, s31  }
0x19f: {  	[tilespmem:s12], [sflag:$0x9] =	stream.linear.gather [hbm4b:s31+s3], $0x40, $0x38;
	[tilespmem:$0x1C900] =	vst v63  }
0x1a0: {  	_ =	swait.ge [sflag:s8], $0x40  }
0x1a1: {  	[sflag:s8] =	ssyncset.done $0x0  }
0x1a2: {  	[sflag:s8] =	ssyncadd.s32 $0xFFFFFFC0  }
0x1a3: {  	_ =	swait.ge [sflag:s13], $0x2000  }
0x1a4: {  	[sflag:s13] =	ssyncset.done $0x0  }
0x1a5: {  	[sflag:s13] =	ssyncadd.s32 $0xFFFFE000  }
0x1a6: {  	[spmem:s1] =	stream.indirect.scatter.add.f32 [tilespmem:s7], [sflag:$0x5], $0x80, s12, s9, $0xb8;
	[tilespmem:$0x1C900] =	vst v63  }
0x1a7: {  	_ =	swait.ge [sflag:s25], $0x2000  }
0x1a8: {  	s2 =	rddreg [dreg:$0x1a];
	[sflag:s25] =	ssyncset.done $0x0  }
0x1a9: {  	s31 =	rddreg [dreg:$0xe];
	[sflag:s25] =	ssyncadd.s32 $0xFFFFE000  }
0x1aa: {  	[tilespmem:s17], [sflag:$0x4] =	stream.indirect.gather [hbm4b:s15+s9], $0x80, s2, s9, $0xb8;
	[tilespmem:$0x1C900] =	vst v63  }
0x1ab: {  	s31 =	sadd.s32 s30, s31  }
0x1ac: {  	[tilespmem:s18], [sflag:$0x9] =	stream.linear.gather [hbm4b:s31+s3], $0x40, $0x38;
	[tilespmem:$0x1C900] =	vst v63  }
0x1ad: {  	_ =	swait.ge [sflag:s8], $0x40  }
0x1ae: {  	[sflag:s8] =	ssyncset.done $0x0  }
0x1af: {  	[sflag:s8] =	ssyncadd.s32 $0xFFFFFFC0  }
0x1b0: {  	_ =	swait.ge [sflag:s19], $0x2000  }
0x1b1: {  	[sflag:s19] =	ssyncset.done $0x0  }
0x1b2: {  	[sflag:s19] =	ssyncadd.s32 $0xFFFFE000  }
0x1b3: {  	[spmem:s1] =	stream.indirect.scatter.add.f32 [tilespmem:s10], [sflag:$0x6], $0x80, s18, s9, $0xb8;
	[tilespmem:$0x1C900] =	vst v63  }
0x1b4: {  	_ =	swait.ge [sflag:s20], $0x2000  }
0x1b5: {  	s2 =	rddreg [dreg:$0x1b];
	[sflag:s20] =	ssyncset.done $0x0  }
0x1b6: {  	s31 =	rddreg [dreg:$0xd];
	[sflag:s20] =	ssyncadd.s32 $0xFFFFE000  }
0x1b7: {  	[tilespmem:s7], [sflag:$0x1] =	stream.indirect.gather [hbm4b:s15+s9], $0x80, s2, s9, $0xb8;
	[tilespmem:$0x1C900] =	vst v63  }
0x1b8: {  	s31 =	sadd.s32 s30, s31  }
0x1b9: {  	[tilespmem:s12], [sflag:$0x9] =	stream.linear.gather [hbm4b:s31+s3], $0x40, $0x38;
	[tilespmem:$0x1C900] =	vst v63  }
0x1ba: {  	_ =	swait.ge [sflag:s8], $0x40  }
0x1bb: {  	[sflag:s8] =	ssyncset.done $0x0  }
0x1bc: {  	[sflag:s8] =	ssyncadd.s32 $0xFFFFFFC0  }
0x1bd: {  	_ =	swait.ge [sflag:s21], $0x2000  }
0x1be: {  	[sflag:s21] =	ssyncset.done $0x0  }
0x1bf: {  	[sflag:s21] =	ssyncadd.s32 $0xFFFFE000  }
0x1c0: {  	[spmem:s1] =	stream.indirect.scatter.add.f32 [tilespmem:s11], [sflag:$0x7], $0x80, s12, s9, $0xb8;
	[tilespmem:$0x1C900] =	vst v63  }
0x1c1: {  	_ =	swait.ge [sflag:s22], $0x2000  }
0x1c2: {  	s2 =	rddreg [dreg:$0x1c];
	[sflag:s22] =	ssyncset.done $0x0  }
0x1c3: {  	s31 =	rddreg [dreg:$0xc];
	[sflag:s22] =	ssyncadd.s32 $0xFFFFE000  }
0x1c4: {  	[tilespmem:s10], [sflag:$0x2] =	stream.indirect.gather [hbm4b:s15+s9], $0x80, s2, s9, $0xb8;
	[tilespmem:$0x1C900] =	vst v63  }
0x1c5: {  	s31 =	sadd.s32 s30, s31  }
0x1c6: {  	[tilespmem:s18], [sflag:$0x9] =	stream.linear.gather [hbm4b:s31+s3], $0x40, $0x38;
	[tilespmem:$0x1C900] =	vst v63  }
0x1c7: {  	_ =	swait.ge [sflag:s8], $0x40  }
0x1c8: {  	[sflag:s8] =	ssyncset.done $0x0  }
0x1c9: {  	[sflag:s8] =	ssyncadd.s32 $0xFFFFFFC0  }
0x1ca: {  	_ =	swait.ge [sflag:s23], $0x2000  }
0x1cb: {  	[sflag:s23] =	ssyncset.done $0x0  }
0x1cc: {  	[sflag:s23] =	ssyncadd.s32 $0xFFFFE000  }
0x1cd: {  	[spmem:s1] =	stream.indirect.scatter.add.f32 [tilespmem:s17], [sflag:$0x8], $0x80, s18, s9, $0xb8;
	[tilespmem:$0x1C900] =	vst v63  }
0x1ce: {  	_ =	swait.ge [sflag:s24], $0x2000  }
0x1cf: {  	s2 =	rddreg [dreg:$0x1d];
	[sflag:s24] =	ssyncset.done $0x0  }
0x1d0: {  	s31 =	rddreg [dreg:$0xb];
	[sflag:s24] =	ssyncadd.s32 $0xFFFFE000  }
0x1d1: {  	[tilespmem:s11], [sflag:$0x3] =	stream.indirect.gather [hbm4b:s15+s9], $0x80, s2, s9, $0xb8;
	[tilespmem:$0x1C900] =	vst v63  }
0x1d2: {  	s31 =	sadd.s32 s30, s31  }
0x1d3: {  	[tilespmem:s12], [sflag:$0x9] =	stream.linear.gather [hbm4b:s31+s3], $0x40, $0x38;
	[tilespmem:$0x1C900] =	vst v63  }
0x1d4: {  	_ =	swait.ge [sflag:s8], $0x40  }
0x1d5: {  	[sflag:s8] =	ssyncset.done $0x0  }
0x1d6: {  	[sflag:s8] =	ssyncadd.s32 $0xFFFFFFC0  }
0x1d7: {  	_ =	swait.ge [sflag:s13], $0x2000  }
0x1d8: {  	[sflag:s13] =	ssyncset.done $0x0  }
0x1d9: {  	[sflag:s13] =	ssyncadd.s32 $0xFFFFE000  }
0x1da: {  	[spmem:s1] =	stream.indirect.scatter.add.f32 [tilespmem:s7], [sflag:$0x5], $0x80, s12, s9, $0xb8;
	[tilespmem:$0x1C900] =	vst v63  }
0x1db: {  	_ =	swait.ge [sflag:s25], $0x2000  }
0x1dc: {  	s2 =	rddreg [dreg:$0x1e];
	[sflag:s25] =	ssyncset.done $0x0  }
0x1dd: {  	s31 =	rddreg [dreg:$0xa];
	[sflag:s25] =	ssyncadd.s32 $0xFFFFE000  }
0x1de: {  	[tilespmem:s17], [sflag:$0x4] =	stream.indirect.gather [hbm4b:s15+s9], $0x80, s2, s9, $0xb8;
	[tilespmem:$0x1C900] =	vst v63  }
0x1df: {  	s31 =	sadd.s32 s30, s31  }
0x1e0: {  	[tilespmem:s18], [sflag:$0x9] =	stream.linear.gather [hbm4b:s31+s3], $0x40, $0x38;
	[tilespmem:$0x1C900] =	vst v63  }
0x1e1: {  	_ =	swait.ge [sflag:s8], $0x40  }
0x1e2: {  	[sflag:s8] =	ssyncset.done $0x0  }
0x1e3: {  	[sflag:s8] =	ssyncadd.s32 $0xFFFFFFC0  }
0x1e4: {  	_ =	swait.ge [sflag:s19], $0x2000  }
0x1e5: {  	[sflag:s19] =	ssyncset.done $0x0  }
0x1e6: {  	[sflag:s19] =	ssyncadd.s32 $0xFFFFE000  }
0x1e7: {  	[spmem:s1] =	stream.indirect.scatter.add.f32 [tilespmem:s10], [sflag:$0x6], $0x80, s18, s9, $0xb8;
	[tilespmem:$0x1C900] =	vst v63  }
0x1e8: {  	_ =	swait.ge [sflag:s20], $0x2000  }
0x1e9: {  	s2 =	rddreg [dreg:$0x1f];
	[sflag:s20] =	ssyncset.done $0x0  }
0x1ea: {  	s31 =	rddreg [dreg:$0x9];
	[sflag:s20] =	ssyncadd.s32 $0xFFFFE000  }
0x1eb: {  	[tilespmem:s7], [sflag:$0x1] =	stream.indirect.gather [hbm4b:s15+s9], $0x80, s2, s9, $0xb8;
	[tilespmem:$0x1C900] =	vst v63  }
0x1ec: {  	s31 =	sadd.s32 s30, s31  }
0x1ed: {  	[tilespmem:s12], [sflag:$0x9] =	stream.linear.gather [hbm4b:s31+s3], $0x40, $0x38;
	[tilespmem:$0x1C900] =	vst v63  }
0x1ee: {  	_ =	swait.ge [sflag:s8], $0x40  }
0x1ef: {  	[sflag:s8] =	ssyncset.done $0x0  }
0x1f0: {  	[sflag:s8] =	ssyncadd.s32 $0xFFFFFFC0  }
0x1f1: {  	_ =	swait.ge [sflag:s21], $0x2000  }
0x1f2: {  	[sflag:s21] =	ssyncset.done $0x0  }
0x1f3: {  	[sflag:s21] =	ssyncadd.s32 $0xFFFFE000  }
0x1f4: {  	[spmem:s1] =	stream.indirect.scatter.add.f32 [tilespmem:s11], [sflag:$0x7], $0x80, s12, s9, $0xb8;
	[tilespmem:$0x1C900] =	vst v63  }
0x1f5: {  	_ =	swait.ge [sflag:s22], $0x2000  }
0x1f6: {  	s2 =	sld [smem:$0x7EB]  }
0x1f7: {  	[sflag:s22] =	ssyncset.done $0x0  }
0x1f8: {  	s31 =	rddreg [dreg:$0x8];
	[sflag:s22] =	ssyncadd.s32 $0xFFFFE000  }
0x1f9: {  	[tilespmem:s10], [sflag:$0x2] =	stream.indirect.gather [hbm4b:s15+s9], $0x80, s2, s9, $0xb8;
	[tilespmem:$0x1C900] =	vst v63  }
0x1fa: {  	s31 =	sadd.s32 s30, s31  }
0x1fb: {  	[tilespmem:s18], [sflag:$0x9] =	stream.linear.gather [hbm4b:s31+s3], $0x40, $0x38;
	[tilespmem:$0x1C900] =	vst v63  }
0x1fc: {  	_ =	swait.ge [sflag:s8], $0x40  }
0x1fd: {  	[sflag:s8] =	ssyncset.done $0x0  }
0x1fe: {  	[sflag:s8] =	ssyncadd.s32 $0xFFFFFFC0  }
0x1ff: {  	_ =	swait.ge [sflag:s23], $0x2000  }
0x200: {  	[sflag:s23] =	ssyncset.done $0x0  }
0x201: {  	[sflag:s23] =	ssyncadd.s32 $0xFFFFE000  }
0x202: {  	[spmem:s1] =	stream.indirect.scatter.add.f32 [tilespmem:s17], [sflag:$0x8], $0x80, s18, s9, $0xb8;
	[tilespmem:$0x1C900] =	vst v63  }
0x203: {  	_ =	swait.ge [sflag:s24], $0x2000  }
0x204: {  	s2 =	sld [smem:$0x7EC]  }
0x205: {  	[sflag:s24] =	ssyncset.done $0x0  }
0x206: {  	s31 =	rddreg [dreg:$0x7];
	[sflag:s24] =	ssyncadd.s32 $0xFFFFE000  }
0x207: {  	[tilespmem:s11], [sflag:$0x3] =	stream.indirect.gather [hbm4b:s15+s9], $0x80, s2, s9, $0xb8;
	[tilespmem:$0x1C900] =	vst v63  }
0x208: {  	s31 =	sadd.s32 s30, s31  }
0x209: {  	[tilespmem:s12], [sflag:$0x9] =	stream.linear.gather [hbm4b:s31+s3], $0x40, $0x38;
	[tilespmem:$0x1C900] =	vst v63  }
0x20a: {  	_ =	swait.ge [sflag:s8], $0x40  }
0x20b: {  	[sflag:s8] =	ssyncset.done $0x0  }
0x20c: {  	[sflag:s8] =	ssyncadd.s32 $0xFFFFFFC0  }
0x20d: {  	_ =	swait.ge [sflag:s13], $0x2000  }
0x20e: {  	[sflag:s13] =	ssyncset.done $0x0  }
0x20f: {  	[sflag:s13] =	ssyncadd.s32 $0xFFFFE000  }
0x210: {  	[spmem:s1] =	stream.indirect.scatter.add.f32 [tilespmem:s7], [sflag:$0x5], $0x80, s12, s9, $0xb8;
	[tilespmem:$0x1C900] =	vst v63  }
0x211: {  	_ =	swait.ge [sflag:s25], $0x2000  }
0x212: {  	s2 =	sld [smem:$0x7ED]  }
0x213: {  	[sflag:s25] =	ssyncset.done $0x0  }
0x214: {  	s31 =	rddreg [dreg:$0x6];
	[sflag:s25] =	ssyncadd.s32 $0xFFFFE000  }
0x215: {  	[tilespmem:s17], [sflag:$0x4] =	stream.indirect.gather [hbm4b:s15+s9], $0x80, s2, s9, $0xb8;
	[tilespmem:$0x1C900] =	vst v63  }
0x216: {  	s31 =	sadd.s32 s30, s31  }
0x217: {  	[tilespmem:s18], [sflag:$0x9] =	stream.linear.gather [hbm4b:s31+s3], $0x40, $0x38;
	[tilespmem:$0x1C900] =	vst v63  }
0x218: {  	_ =	swait.ge [sflag:s8], $0x40  }
0x219: {  	[sflag:s8] =	ssyncset.done $0x0  }
0x21a: {  	[sflag:s8] =	ssyncadd.s32 $0xFFFFFFC0  }
0x21b: {  	_ =	swait.ge [sflag:s19], $0x2000  }
0x21c: {  	[sflag:s19] =	ssyncset.done $0x0  }
0x21d: {  	[sflag:s19] =	ssyncadd.s32 $0xFFFFE000  }
0x21e: {  	[spmem:s1] =	stream.indirect.scatter.add.f32 [tilespmem:s10], [sflag:$0x6], $0x80, s18, s9, $0xb8;
	[tilespmem:$0x1C900] =	vst v63  }
0x21f: {  	_ =	swait.ge [sflag:s20], $0x2000  }
0x220: {  	s2 =	rddreg [dreg:$0x5];
	[sflag:s20] =	ssyncset.done $0x0  }
0x221: {  	[sflag:s20] =	ssyncadd.s32 $0xFFFFE000;
	s0 =	sadd.s32 s30, s2  }
0x222: {  	[tilespmem:s12], [sflag:$0x9] =	stream.linear.gather [hbm4b:s0+s3], $0x40, $0x38;
	[tilespmem:$0x1C900] =	vst v63  }
0x223: {  	_ =	swait.ge [sflag:s8], $0x40  }
0x224: {  	[sflag:s8] =	ssyncset.done $0x0  }
0x225: {  	[sflag:s8] =	ssyncadd.s32 $0xFFFFFFC0  }
0x226: {  	_ =	swait.ge [sflag:s21], $0x2000  }
0x227: {  	[sflag:s21] =	ssyncset.done $0x0  }
0x228: {  	[sflag:s21] =	ssyncadd.s32 $0xFFFFE000  }
0x229: {  	[spmem:s1] =	stream.indirect.scatter.add.f32 [tilespmem:s11], [sflag:$0x7], $0x80, s12, s9, $0xb8;
	[tilespmem:$0x1C900] =	vst v63  }
0x22a: {  	_ =	swait.ge [sflag:s22], $0x2000  }
0x22b: {  	s31 =	rddreg [dreg:$0x4];
	[sflag:s22] =	ssyncset.done $0x0  }
0x22c: {  	[sflag:s22] =	ssyncadd.s32 $0xFFFFE000;
	s0 =	sadd.s32 s30, s31  }
0x22d: {  	[tilespmem:s18], [sflag:$0x9] =	stream.linear.gather [hbm4b:s0+s3], $0x40, $0x38;
	[tilespmem:$0x1C900] =	vst v63  }
0x22e: {  	_ =	swait.ge [sflag:s8], $0x40  }
0x22f: {  	[sflag:s8] =	ssyncset.done $0x0  }
0x230: {  	[sflag:s8] =	ssyncadd.s32 $0xFFFFFFC0  }
0x231: {  	_ =	swait.ge [sflag:s23], $0x2000  }
0x232: {  	[sflag:s23] =	ssyncset.done $0x0  }
0x233: {  	p0 =	sne.s32 s28, $0x480;
	[sflag:s23] =	ssyncadd.s32 $0xFFFFE000  }
0x234: {  	[spmem:s1] =	stream.indirect.scatter.add.f32 [tilespmem:s17], [sflag:$0x8], $0x80, s18, s9, $0xb8;
	[tilespmem:$0x1C900] =	vst v63  }
.Ltmp1:
0x235: {  	_ =	swait.ge [sflag:s24], $0x2000;
	(pc) =	sbr.rel @p0 .LBB2_4-.Ltmp1, $4  }
0x236: {  	[sflag:s24] =	ssyncset.done $0x0  }
0x237: {  	[sflag:s24] =	ssyncadd.s32 $0xFFFFE000  }
0x238: {  	_ =	swait.ge [sflag:s25], $0x2000  }
0x239: {  	s28 =	sadd.s32 $0x80, s28;
	[sflag:s25] =	ssyncset.done $0x0  }
0x23a: {  	[sflag:s25] =	ssyncadd.s32 $0xFFFFE000  }
0x23b: {  	[bflag:$0x0] =	sbarrier.arrive $0xFFFF  }
0x23c: {  	s0 =	stileid.u32;
	s14 =	sld [smem:$0x7E1]  }
0x23d: {  	s0 =	sshll.u32 s0, $0x6  }
0x23e: {  	s2 =	sshrl.u32 s16, $0x3;
	s0 =	sor.u32 $0x1C09, s0  }
0x23f: {  	[hbm:s14], [sflag:s0] =	dma.local [spmem:s2], $0x400  }
0x240: {  	_ =	swait.ge [sflag:s8], $0x400  }
0x241: {  	s14 =	sld [smem:$0x7E2]  }
0x242: {  	s28 =	sld [smem:$0x7EF]  }
0x243: {  	[sflag:s8] =	ssyncset.done $0x0  }
0x244: {  	[sflag:s8] =	ssyncadd.s32 $0xFFFFFC00  }
0x245: {  	[hbm:s14], [sflag:s0] =	dma.local [spmem:s28], $0x400  }
0x246: {  	_ =	swait.ge [sflag:s8], $0x400  }
0x247: {  	s30 =	sld [smem:$0x7E3]  }
0x248: {  	s31 =	sld [smem:$0x7F0]  }
0x249: {  	[sflag:s8] =	ssyncset.done $0x0  }
0x24a: {  	[sflag:s8] =	ssyncadd.s32 $0xFFFFFC00  }
0x24b: {  	[hbm:s30], [sflag:s0] =	dma.local [spmem:s31], $0x400  }
0x24c: {  	_ =	swait.ge [sflag:s8], $0x400  }
0x24d: {  	s14 =	sld [smem:$0x7E4]  }
0x24e: {  	s28 =	sld [smem:$0x7F1]  }
0x24f: {  	[sflag:s8] =	ssyncset.done $0x0  }
0x250: {  	[sflag:s8] =	ssyncadd.s32 $0xFFFFFC00  }
0x251: {  	[hbm:s14], [sflag:s0] =	dma.local [spmem:s28], $0x400  }
0x252: {  	_ =	swait.ge [sflag:s8], $0x400  }
0x253: {  	s30 =	sld [smem:$0x7E5]  }
0x254: {  	s31 =	sld [smem:$0x7F2]  }
0x255: {  	[sflag:s8] =	ssyncset.done $0x0  }
0x256: {  	[sflag:s8] =	ssyncadd.s32 $0xFFFFFC00  }
0x257: {  	[hbm:s30], [sflag:s0] =	dma.local [spmem:s31], $0x400  }
0x258: {  	_ =	swait.ge [sflag:s8], $0x400  }
0x259: {  	s14 =	sld [smem:$0x7E6]  }
0x25a: {  	s28 =	sld [smem:$0x7F3]  }
0x25b: {  	[sflag:s8] =	ssyncset.done $0x0  }
0x25c: {  	[sflag:s8] =	ssyncadd.s32 $0xFFFFFC00  }
0x25d: {  	[hbm:s14], [sflag:s0] =	dma.local [spmem:s28], $0x400  }
0x25e: {  	_ =	swait.ge [sflag:s8], $0x400  }
0x25f: {  	s30 =	sld [smem:$0x7E7]  }
0x260: {  	s31 =	sld [smem:$0x7F4]  }
0x261: {  	[sflag:s8] =	ssyncset.done $0x0  }
0x262: {  	[sflag:s8] =	ssyncadd.s32 $0xFFFFFC00  }
0x263: {  	[hbm:s30], [sflag:s0] =	dma.local [spmem:s31], $0x400  }
0x264: {  	_ =	swait.ge [sflag:s8], $0x400  }
0x265: {  	s14 =	sld [smem:$0x7E8]  }
0x266: {  	s28 =	sld [smem:$0x7F5]  }
0x267: {  	[sflag:s8] =	ssyncset.done $0x0  }
0x268: {  	[sflag:s8] =	ssyncadd.s32 $0xFFFFFC00  }
0x269: {  	[hbm:s14], [sflag:s0] =	dma.local [spmem:s28], $0x400  }
0x26a: {  	_ =	swait.ge [sflag:s8], $0x400  }
0x26b: {  	s30 =	sld [smem:$0x7E9]  }
0x26c: {  	s31 =	sld [smem:$0x7F6]  }
0x26d: {  	[sflag:s8] =	ssyncset.done $0x0  }
0x26e: {  	[sflag:s8] =	ssyncadd.s32 $0xFFFFFC00  }
0x26f: {  	[hbm:s30], [sflag:s0] =	dma.local [spmem:s31], $0x400  }
0x270: {  	_ =	swait.ge [sflag:s8], $0x400  }
0x271: {  	s28 =	sld [smem:$0x7EA]  }
0x272: {  	s30 =	sld [smem:$0x7F7]  }
0x273: {  	[sflag:s8] =	ssyncset.done $0x0  }
0x274: {  	[sflag:s8] =	ssyncadd.s32 $0xFFFFFC00  }
0x275: {  	[hbm:s28], [sflag:s0] =	dma.local [spmem:s30], $0x400  }
0x276: {  	_ =	swait.ge [sflag:s8], $0x400  }
0x277: {  	s31 =	sld [smem:$0x7EE];
	_ =	sdelay $0x1  }
0x278: {  	s26 =	sadd.s32 $0x1, s26  }
0x279: {  	p0 =	sne.s32 s26, s31  }
.Ltmp2:
0x27a: {  	_ = 	snop;
	(pc) =	sbr.rel @p0 .LBB2_1-.Ltmp2, $3  }
0x27b: {  	_ =	sdelay $0x1  }
0x27c: {  	[sflag:s8] =	ssyncset.done $0x0  }
0x27d: {  	[sflag:s8] =	ssyncadd.s32 $0xFFFFFC00  }
0x27e: {  	_ =	sfence.sel $0x180000  }
0x27f: {  	[bflag:$0x0] =	sbarrier.arrive $0xFFFF  }
0x280: {  	_ =	strace $0x9000004A  }
0x281: {  	s0 =	stileid.u32;
	[bflag:$0x2] =	sbarrier.arrive $0xFFFF  }
0x282: {  	p0 =	sne.s32 s0, $0x0;
	s0 =	rddreg [dreg:$0x3]  }
0x283: {  	s0 =	sadd.s32 @!p0 $0x100000, s0  }
0x284: {  	[sflag:s0] =	ssyncadd.tile.s32 @!p0 $0x1;
	_ =	shalt  }
.Lfunc_end2:
_tile_overlayer_lowered:
.L_overlay_start_2:
0x285: {  	(tag) =	ssettag $0x2  }
0x286: {  	s0 =	rddreg [dreg:$0x0];
	s2 =	stileid.u32  }
0x287: {  	s1 =	rddreg [dreg:$0x1];
	p0 =	sne.s32 s2, $0x0  }
0x288: {  	s3 =	rddreg [dreg:$0x2];
	[bflag:$0x3] =	sbarrier.arrive $0xFFFF;
	s2 =	simm.s32 @!p0 $0x1C09  }
0x289: {  	[timem:s3], [sflag:s2] =	dma.local @!p0 [hbm:s0], s1  }
0x28a: {  	s0 =	simm.s32 @!p0 $0x9  }
0x28b: {  	_ =	swait.ge @!p0 [sflag:s0], s1  }
0x28c: {  	s1 =	ssub.s32 @!p0 $0x0, s1;
	[sflag:s0] =	ssyncset.done @!p0 $0x0  }
0x28d: {  	[sflag:s0] =	ssyncadd.s32 @!p0 s1  }
0x28e: {  	[bflag:$0x3] =	sbarrier.arrive $0xFFFF  }
0x28f: {  	_ =	shalt  }

// kernel: kernel.14.cloned.1.call-start
scs
__scs_entry_jumppad:
0x0: {  	(pc) =	sbr.rel $0x88, $3  }
0x1: {  	(tag) =	ssettag $0x0;
	lr =	simm.s32 $0x1  }
0x2: {  	[smem:$0x3F9B] =	sst lr;
	_ =	strace $0xD0000000  }
0x3: {  	_ = 	snop  }
0x4: {  	_ = 	snop  }
0x5: {  	_ = 	snop  }
0x6: {  	_ = 	snop  }
0x7: {  	_ = 	snop  }
__scs_overlays_trampoline_lowered:
0x8: {  	[smem:$0x3FAA] =	sst s0  }
0x9: {  	[smem:$0x3FAB] =	sst s1  }
0xa: {  	[smem:$0x3FAC] =	sst s2  }
0xb: {  	[smem:$0x3FAD] =	sst s3  }
0xc: {  	[smem:$0x3FAE] =	sst s4  }
0xd: {  	[smem:$0x3FAF] =	sst s5  }
0xe: {  	[smem:$0x3FB0] =	sst s6  }
0xf: {  	[smem:$0x3FB1] =	sst s7  }
0x10: {  	[smem:$0x3FB2] =	sst s8  }
0x11: {  	[smem:$0x3FB3] =	sst s9;
	s0 =	simm.s32 @!p0 $0x0  }
0x12: {  	s1 =	sld [smem:$0x3F99];
	s0 =	simm.s32 @p0 $0x1  }
0x13: {  	[smem:$0x3FB4] =	sst s0;
	s0 =	simm.s32 @!p1 $0x0  }
0x14: {  	s2 =	sld [smem:$0x3F98];
	s0 =	simm.s32 @p1 $0x1  }
0x15: {  	[smem:$0x3FB5] =	sst s0;
	s0 =	simm.s32 @!p2 $0x0  }
0x16: {  	s3 =	sld [smem:$0x3FDB];
	s0 =	simm.s32 @p2 $0x1  }
0x17: {  	s4 =	simm.s32 $0x1BF5;
	[smem:$0x3FB7] =	sst s0  }
0x18: {  	s0 =	sld [smem:$0x3F9A];
	_ =	swait.ge [sflag:s4], $0x0  }
0x19: {  	s7 =	sld [smem:$0x3F9B]  }
0x1a: {  	s8 =	sadd.s32 $0xFFFFE003, lr  }
0x1b: {  	s9 =	sadd.s32 $0xFFFFFEF7, lr;
	s5 =	simm.s32 $0xFFFFFFFF;
	p2 =	slt.u32 s8, $0xFFFFF086  }
0x1c: {  	p1 =	slt.u32 s9, $0xF7A;
	s5 =	simm.s32 @!p2 $0x0  }
0x1d: {  	s5 =	simm.s32 @p1 $0x1;
	p0 =	seq.s32 s7, s2  }
0x1e: {  	s7 =	smul.u32 @!p0 $0xF7A, s2;
	p2 =	seq.s32 @!p0 s5, $0x0  }
0x1f: {  	s9 =	smul.u32 $0xF7A, s1;
	s8 =	simm.s32 @!p0 $0x1BF5;
	p2 =	por !p2, p0  }
0x20: {  	[sflag:s8] =	ssyncset.s32 @!p0 $0xFFFFF086;
	s6 =	sadd.s32 @!p0 s3, s7;
	s7 =	simm.s32 @!p0 $0x108  }
0x21: {  	s3 =	sadd.s32 s3, s9;
	s6 =	sadd.s32 @!p0 $0x88, s6;
	s7 =	simm.s32 @p2 $0x1082  }
0x22: {  	[simem:s7], [sflag:s8] =	dma.local @!p0 [hbm:s6], $0xF7A  }
0x23: {  	s9 =	sor.u32 $0xD0000000, s2;
	s6 =	simm.s32 $0x108;
	_ =	swait.ge @!p0 [sflag:s8], $0x0  }
0x24: {  	s3 =	sadd.s32 $0x88, s3;
	s6 =	simm.s32 @!p1 $0x1082;
	[sflag:s4] =	ssyncset.s32 $0xFFFFF086  }
0x25: {  	[simem:s6], [sflag:s4] =	dma.local [hbm:s3], $0xF7A  }
0x26: {  	[smem:$0x3F9B] =	sst s1;
	(tag) =	ssettag s2;
	_ =	strace s9  }
0x27: {  	s1 =	sld [smem:$0x3FAB]  }
0x28: {  	s2 =	sld [smem:$0x3FAC]  }
0x29: {  	s4 =	sld [smem:$0x3FAE]  }
0x2a: {  	p0 =	seq.s32 s5, $0x0;
	s5 =	sld [smem:$0x3FAF]  }
0x2b: {  	s6 =	sld [smem:$0x3FB0]  }
0x2c: {  	s7 =	sld [smem:$0x3FB1]  }
0x2d: {  	s3 =	simm.s32 $0x108;
	s8 =	sld [smem:$0x3FB2]  }
0x2e: {  	s3 =	simm.s32 @!p0 $0x1082;
	s9 =	sld [smem:$0x3FB3]  }
0x2f: {  	lr =	sadd.s32 s0, s3;
	s0 =	sld [smem:$0x3FAA]  }
0x30: {  	s3 =	sld [smem:$0x3FAD]  }
0x31: {  	[smem:$0x3FB6] =	sst s10  }
0x32: {  	s10 =	sld [smem:$0x3FB4];
	_ =	sdelay $0x3  }
0x33: {  	p0 =	seq.s32 s10, $0x1;
	s10 =	sld [smem:$0x3FB6];
	_ =	sdelay $0x3  }
0x34: {  	[smem:$0x3FB6] =	sst s10  }
0x35: {  	s10 =	sld [smem:$0x3FB5];
	_ =	sdelay $0x3  }
0x36: {  	p1 =	seq.s32 s10, $0x1;
	s10 =	sld [smem:$0x3FB6];
	_ =	sdelay $0x3  }
0x37: {  	[smem:$0x3FB6] =	sst s10  }
0x38: {  	s10 =	sld [smem:$0x3FB7]  }
0x39: {  	_ = 	snop;
	(pc) =	sbr.ind lr, $3  }
0x3a: {  	_ = 	snop  }
0x3b: {  	_ = 	snop  }
0x3c: {  	p2 =	seq.s32 s10, $0x1;
	s10 =	sld [smem:$0x3FB6]  }
0x3d: {  	_ =	shalt  }
0x3e: {  	_ =	shalt  }
0x3f: {  	_ =	shalt  }
0x40: {  	_ =	shalt  }
0x41: {  	_ =	shalt  }
0x42: {  	_ =	shalt  }
0x43: {  	_ =	shalt  }
0x44: {  	_ =	shalt  }
0x45: {  	_ =	shalt  }
0x46: {  	_ =	shalt  }
0x47: {  	_ =	shalt  }
0x48: {  	_ =	shalt  }
0x49: {  	_ =	shalt  }
0x4a: {  	_ =	shalt  }
0x4b: {  	_ =	shalt  }
0x4c: {  	_ =	shalt  }
0x4d: {  	_ =	shalt  }
0x4e: {  	_ =	shalt  }
0x4f: {  	_ =	shalt  }
0x50: {  	_ =	shalt  }
0x51: {  	_ =	shalt  }
0x52: {  	_ =	shalt  }
0x53: {  	_ =	shalt  }
0x54: {  	_ =	shalt  }
0x55: {  	_ =	shalt  }
0x56: {  	_ =	shalt  }
0x57: {  	_ =	shalt  }
0x58: {  	_ =	shalt  }
0x59: {  	_ =	shalt  }
0x5a: {  	_ =	shalt  }
0x5b: {  	_ =	shalt  }
0x5c: {  	_ =	shalt  }
0x5d: {  	_ =	shalt  }
0x5e: {  	_ =	shalt  }
0x5f: {  	_ =	shalt  }
0x60: {  	_ =	shalt  }
0x61: {  	_ =	shalt  }
0x62: {  	_ =	shalt  }
0x63: {  	_ =	shalt  }
0x64: {  	_ =	shalt  }
0x65: {  	_ =	shalt  }
0x66: {  	_ =	shalt  }
0x67: {  	_ =	shalt  }
0x68: {  	_ =	shalt  }
0x69: {  	_ =	shalt  }
0x6a: {  	_ =	shalt  }
0x6b: {  	_ =	shalt  }
0x6c: {  	_ =	shalt  }
0x6d: {  	_ =	shalt  }
0x6e: {  	_ =	shalt  }
0x6f: {  	_ =	shalt  }
0x70: {  	_ =	shalt  }
0x71: {  	_ =	shalt  }
0x72: {  	_ =	shalt  }
0x73: {  	_ =	shalt  }
0x74: {  	_ =	shalt  }
0x75: {  	_ =	shalt  }
0x76: {  	_ =	shalt  }
0x77: {  	_ =	shalt  }
0x78: {  	_ =	shalt  }
0x79: {  	_ =	shalt  }
0x7a: {  	_ =	shalt  }
0x7b: {  	_ =	shalt  }
0x7c: {  	_ =	shalt  }
0x7d: {  	_ =	shalt  }
0x7e: {  	_ =	shalt  }
0x7f: {  	_ =	shalt  }
0x80: {  	_ =	shalt  }
0x81: {  	_ =	shalt  }
0x82: {  	_ =	shalt  }
0x83: {  	_ =	shalt  }
0x84: {  	_ =	shalt  }
0x85: {  	_ =	shalt  }
0x86: {  	_ =	shalt  }
0x87: {  	_ =	shalt  }
.Lfunc_end0:
.L_simem_size_0:
called_computation.2_lowered:
.L_overlay_start_0:
0x88: {  	s2 =	sld [smem:$0x3FD9]  }
0x89: {  	s3 =	sld [smem:$0x3FFE];
	_ =	sdelay $0x1  }
0x8a: {  	s1 =	srdreg.scid  }
0x8b: {  	s0 =	sand.u32 $0x1, s1  }
0x8c: {  	s17 =	sshll.u32 s0, $0xA;
	s2 =	sadd.s32 s3, s2  }
0x8d: {  	s2 =	sadd.s32 s2, s17  }
0x8e: {  	[smem:$0x3FC2] =	sst s2  }
0x8f: {  	_ = 	snop  }
0x90: {  	s2 =	sld [smem:$0x3FD0];
	(tm) =	ssettm $0x1  }
0x91: {  	s18 =	sld [smem:$0x3FFB];
	_ =	sdelay $0x3  }
0x92: {  	_ =	strace s18  }
0x93: {  	s3 =	sld [smem:$0x3FFC];
	_ =	sdelay $0x3  }
0x94: {  	_ =	strace s3  }
0x95: {  	s3 =	sld [smem:$0x3FFD];
	_ =	sdelay $0x3  }
0x96: {  	_ =	strace s3  }
0x97: {  	_ =	strace $0x8FFFFFFF  }
0x98: {  	s19 =	sld [smem:$0x3FDB];
	_ =	sdelay $0x1  }
0x99: {  	s4 =	simm.s32 $_scs_section_size  }
0x9a: {  	s5 =	simm.s32 $_size__tile_overlayer_lowered;
	s6 =	simm.s32 $_tile_overlayer_lowered  }
0x9b: {  	s22 =	simm.s32 $0x1BFF;
	s21 =	sshll.u32 s6, $0x1;
	s3 =	sadd.s32 s4, s19  }
0x9c: {  	s7 =	simm.s32 $0x0;
	s20 =	sshll.u32 s5, $0x1;
	s5 =	sadd.s32 s21, s3  }
0x9d: {  	[timem:s7], [sflag:s22] =	dma.local [hbm:s5], s20  }
0x9e: {  	_ =	swait.ge [sflag:s22], s20  }
0x9f: {  	s4 =	ssub.s32 $0x0, s20;
	[sflag:s22] =	ssyncset.done $0x0  }
0xa0: {  	[sflag:s22] =	ssyncadd.s32 s4;
	_ =	sdelay $0x1  }
0xa1: {  	s23 =	simm.s32 $0x1B8B  }
0xa2: {  	_ =	swait.ge [sflag:s23], $0x1  }
0xa3: {  	[sflag:s23] =	ssyncset.done $0x0  }
0xa4: {  	s25 =	simm.s32 $0x1B8E;
	s24 =	sld [smem:$0x3FFE];
	[sflag:s23] =	ssyncadd.s32 $0xFFFFFFFF  }
0xa5: {  	s26 =	simm.s32 $execute0_lowered;
	[smem:$0x3FD2] =	sst s25  }
0xa6: {  	s5 =	sshll.u32 s26, $0x1;
	_ =	strace $0x8000004C;
	[dreg:$0x1] =	wrdreg $0xFFFFFFFF  }
0xa7: {  	s28 =	simm.s32 $_size_execute0_lowered;
	s3 =	sadd.s32 s3, s5;
	[dreg:$0x0] =	wrdreg $0x0  }
0xa8: {  	s5 =	sshll.u32 s28, $0x1;
	[dreg:$0x2] =	wrdreg s3  }
0xa9: {  	[dreg:$0x3] =	wrdreg s5  }
0xaa: {  	[dreg:$0x4] =	wrdreg $0xC0  }
0xab: {  	_ =	task [dreg:s7], $0x5FFFF  }
0xac: {  	[dreg:$0x1] =	wrdreg $0xFFFFFFFF  }
0xad: {  	[dreg:$0x0] =	wrdreg $0x60  }
0xae: {  	[dreg:$0x2] =	wrdreg s24  }
0xaf: {  	[dreg:$0x3] =	wrdreg s2  }
0xb0: {  	[dreg:$0x4] =	wrdreg $0x89000  }
0xb1: {  	[dreg:$0x5] =	wrdreg $0x9  }
0xb2: {  	_ =	task.clear_ibuf [dreg:s7], $0x6FFFF;
	_ =	strace $0x9000004C  }
0xb3: {  	s29 =	simm.s32 $0x9;
	_ =	strace $0x8000004E  }
0xb4: {  	_ =	swait.ge [sflag:s29], $0x1  }
0xb5: {  	[sflag:s29] =	ssyncadd.s32 $0xFFFFFFFF  }
0xb6: {  	_ =	strace $0x9000004E  }
0xb7: {  	_ =	sfence  }
0xb8: {  	s30 =	sld [smem:$0x0];
	_ =	sdelay $0x2  }
0xb9: {  	s31 =	sshll.u32 s1, $0xD;
	s1 =	sshrl.u32 s1, $0x2  }
0xba: {  	s3 =	sand.u32 $0x4000, s31;
	s1 =	sadd.s32 s1, s30  }
0xbb: {  	s0 =	sor.u32 s3, s0;
	s1 =	sshll.u32 s1, $0x11  }
0xbc: {  	s0 =	sor.u32 s1, s0  }
0xbd: {  	s0 =	sadd.s32 $0x8F2B, s0  }
0xbe: {  	[sflag:s0] =	ssyncadd.remote.s32 $0x1  }
0xbf: {  	_ =	sfence.sel $0xFFFF  }
0xc0: {  	[dreg:$0x0] =	wrdreg $0xFFFFFFFF;
	(pc) =	sbr.abs _section_cstart, $3  }
0xc1: {  	[dreg:$0x1] =	wrdreg $0xFFFFFFFF  }
0xc2: {  	_ =	task.clear_ibuf [dreg:s7], $0x2FFFF;
	_ =	strace $0x9FFFFFFF  }
0xc3: {  	(tm) =	ssettm $0x7FFFFFFF  }
tec
execute0_lowered:
.L_overlay_start_1:
0x0: {  	(tag) =	ssettag $0x1  }
0x1: {  	s0 =	rddreg [dreg:$0x0]  }
0x2: {  	s2 =	rddreg [dreg:$0x1]  }
0x3: {  	s1 =	rddreg [dreg:$0x2];
	s19 =	stileid.u32  }
0x4: {  	s3 =	srdreg.scid;
	s11 =	smul.u32 $0x14000, s19  }
0x5: {  	s7 =	sand.u32 $0x1, s3;
	s3 =	simm.s32 $0x0;
	s13 =	smul.u32 $0x5000, s19  }
0x6: {  	s12 =	sadd.s32 $0x2E00, s0;
	s9 =	sadd.s32 $0x5CE00, s0;
	s8 =	smul.u32 $0x140000, s7  }
0x7: {  	[smem:$0x7FF] =	sst s3;
	s4 =	ssub.s32 $0x2, s7;
	s14 =	smul.u32 $0x2800, s7  }
0x8: {  	_ =	strace $0x8000004D;
	s5 =	sshrl.u32 s4, $0x1;
	s6 =	sadd.s32 s8, s11  }
0x9: {  	s4 =	ssub.s32 s4, s5;
	s5 =	sor.u32 $0x2000, s11;
	s13 =	sadd.s32 s14, s13  }
0xa: {  	s10 =	sshrl.u32 s6, $0x3;
	s6 =	sadd.s32 $0x4000, s11;
	s20 =	sadd.s32 s8, s5  }
0xb: {  	s14 =	sor.u32 $0x3C0, s13;
	s22 =	sor.u32 $0x380, s13;
	s16 =	sor.u32 $0x340, s13  }
0xc: {  	s26 =	sor.u32 $0x300, s13;
	s30 =	sor.u32 $0x2C0, s13;
	s31 =	sor.u32 $0x280, s13  }
0xd: {  	s18 =	sor.u32 $0x240, s13;
	s10 =	sadd.s32 s9, s10;
	s15 =	sadd.s32 s8, s6  }
0xe: {  	s14 =	sshrl.u32 s14, $0x3;
	s24 =	sshrl.u32 s16, $0x3;
	s28 =	sshrl.u32 s26, $0x3  }
0xf: {  	s16 =	sshrl.u32 s31, $0x3;
	[smem:$0x7E1] =	sst s10;
	s14 =	sadd.s32 s14, s12  }
0x10: {  	s26 =	sor.u32 $0x180, s13;
	s25 =	sadd.s32 s24, s12;
	[dreg:$0x4] =	wrdreg s14  }
0x11: {  	s31 =	sor.u32 $0x100, s13;
	s17 =	sadd.s32 s16, s12;
	[dreg:$0x6] =	wrdreg s25  }
0x12: {  	s10 =	sshrl.u32 s20, $0x3;
	s16 =	simm.s32 $0x180;
	[dreg:$0x9] =	wrdreg s17  }
0x13: {  	s15 =	sshrl.u32 s15, $0x3;
	s10 =	sadd.s32 s9, s10;
	[dreg:$0x16] =	wrdreg s16  }
0x14: {  	s20 =	sshrl.u32 s18, $0x3;
	s21 =	sadd.s32 s9, s15;
	[smem:$0x7E2] =	sst s10  }
0x15: {  	s15 =	sshrl.u32 s22, $0x3;
	s14 =	sadd.s32 s28, s12;
	[smem:$0x7E3] =	sst s21  }
0x16: {  	s18 =	sshrl.u32 s31, $0x3;
	s23 =	sadd.s32 s15, s12;
	[dreg:$0x7] =	wrdreg s14  }
0x17: {  	s22 =	sor.u32 $0x1C0, s13;
	s14 =	sadd.s32 s20, s12;
	[dreg:$0x5] =	wrdreg s23  }
0x18: {  	s28 =	sshrl.u32 s26, $0x3;
	s20 =	sadd.s32 s18, s12;
	[dreg:$0xa] =	wrdreg s14  }
0x19: {  	s15 =	sshrl.u32 s30, $0x3;
	s18 =	simm.s32 $0x200;
	[dreg:$0xf] =	wrdreg s20  }
0x1a: {  	s24 =	sshrl.u32 s22, $0x3;
	s15 =	sadd.s32 s15, s12;
	[dreg:$0x17] =	wrdreg s18  }
0x1b: {  	s21 =	sor.u32 $0x200, s13;
	s25 =	sadd.s32 s24, s12;
	[dreg:$0x8] =	wrdreg s15  }
0x1c: {  	s14 =	sadd.s32 s28, s12;
	s24 =	sor.u32 $0x40, s13;
	[dreg:$0xc] =	wrdreg s25  }
0x1d: {  	s20 =	simm.s32 $0x280;
	s15 =	sshrl.u32 s21, $0x3;
	[dreg:$0xd] =	wrdreg s14  }
0x1e: {  	s26 =	sshrl.u32 s24, $0x3;
	[dreg:$0x18] =	wrdreg s20;
	s24 =	simm.s32 $0x400  }
0x1f: {  	s23 =	sadd.s32 s15, s12;
	[dreg:$0x1b] =	wrdreg s24  }
0x20: {  	s21 =	sor.u32 $0xC0, s13;
	s28 =	sadd.s32 s26, s12;
	[dreg:$0xb] =	wrdreg s23  }
0x21: {  	s22 =	sshrl.u32 s21, $0x3;
	s21 =	simm.s32 $0x300;
	[dreg:$0x12] =	wrdreg s28  }
0x22: {  	s30 =	sor.u32 $0x140, s13;
	s26 =	simm.s32 $0x500;
	[dreg:$0x19] =	wrdreg s21  }
0x23: {  	s15 =	sshrl.u32 s30, $0x3;
	s24 =	simm.s32 $0x600;
	[dreg:$0x1d] =	wrdreg s26  }
0x24: {  	s17 =	sadd.s32 s15, s12;
	[dreg:$0x1f] =	wrdreg s24  }
0x25: {  	s14 =	sadd.s32 s22, s12;
	[dreg:$0xe] =	wrdreg s17  }
0x26: {  	s7 =	smul.u32 $0x5000, s7;
	s22 =	simm.s32 $0x380;
	[dreg:$0x10] =	wrdreg s14  }
0x27: {  	s10 =	sadd.s32 $0x6000, s11;
	s28 =	simm.s32 $0x580;
	[dreg:$0x1a] =	wrdreg s22  }
0x28: {  	s30 =	sadd.s32 s8, s10;
	s26 =	simm.s32 $0x680;
	[dreg:$0x1e] =	wrdreg s28  }
0x29: {  	s23 =	sor.u32 $0x80, s13;
	s14 =	simm.s32 $0x80;
	[smem:$0x7EB] =	sst s26  }
0x2a: {  	s15 =	sshrl.u32 s23, $0x3;
	s28 =	simm.s32 $0x700;
	[dreg:$0x14] =	wrdreg s14  }
0x2b: {  	s13 =	sshrl.u32 s13, $0x3;
	s25 =	sadd.s32 s15, s12;
	[smem:$0x7EC] =	sst s28  }
0x2c: {  	s31 =	sshrl.u32 s30, $0x3;
	s12 =	sadd.s32 s13, s12;
	[dreg:$0x11] =	wrdreg s25  }
0x2d: {  	s18 =	sadd.s32 $0xE000, s11;
	s13 =	sadd.s32 s9, s31;
	[dreg:$0x13] =	wrdreg s12  }
0x2e: {  	s21 =	sadd.s32 $0x10000, s11;
	s15 =	simm.s32 $0x100;
	[smem:$0x7E4] =	sst s13  }
0x2f: {  	s31 =	sadd.s32 s8, s18;
	s12 =	sadd.s32 $0x8000, s11;
	[dreg:$0x15] =	wrdreg s15  }
0x30: {  	s25 =	simm.s32 $0x480;
	s13 =	sshrl.u32 s31, $0x3;
	s31 =	simm.s32 $0x780  }
0x31: {  	s17 =	sadd.s32 s8, s12;
	[dreg:$0x1c] =	wrdreg s25;
	s13 =	sadd.s32 s9, s13  }
0x32: {  	s25 =	smul.u32 $0x50000, s19;
	[smem:$0x7ED] =	sst s31;
	s14 =	sshrl.u32 s17, $0x3  }
0x33: {  	s17 =	sadd.s32 $0xC000, s11;
	[smem:$0x7E8] =	sst s13;
	s14 =	sadd.s32 s9, s14  }
0x34: {  	s22 =	sadd.s32 s8, s21;
	s30 =	sadd.s32 s8, s17;
	[smem:$0x7E5] =	sst s14  }
0x35: {  	s14 =	sadd.s32 $0xA000, s11;
	s20 =	sshrl.u32 s30, $0x3;
	s30 =	sshrl.u32 s25, $0x2  }
0x36: {  	s11 =	sadd.s32 $0x12000, s11;
	s23 =	sadd.s32 s8, s14;
	s16 =	sadd.s32 s30, s1  }
0x37: {  	s8 =	sadd.s32 s8, s11;
	s13 =	sadd.s32 s11, s1;
	s24 =	sadd.s32 $0x2000, s16  }
0x38: {  	s11 =	simm.s32 $0x4900;
	s25 =	sadd.s32 $0x4000, s16;
	[smem:$0x7F8] =	sst s24  }
0x39: {  	s15 =	sshrl.u32 s23, $0x3;
	s26 =	sadd.s32 $0x6000, s16;
	[smem:$0x7F9] =	sst s25  }
0x3a: {  	s23 =	smul.u32 $0xA000, s19;
	s28 =	sadd.s32 $0x8000, s16;
	[smem:$0x7FA] =	sst s26  }
0x3b: {  	s8 =	sshrl.u32 s8, $0x3;
	s30 =	sadd.s32 $0xA000, s16;
	[smem:$0x7FB] =	sst s28  }
0x3c: {  	s31 =	sadd.s32 $0xC000, s16;
	s15 =	sadd.s32 s9, s15;
	[smem:$0x7FC] =	sst s30  }
0x3d: {  	s8 =	sadd.s32 s9, s8;
	[smem:$0x7FD] =	sst s31;
	s24 =	simm.s32 $0x7  }
0x3e: {  	s25 =	simm.s32 $0x8;
	s26 =	simm.s32 $0x0;
	[smem:$0x7E6] =	sst s15  }
0x3f: {  	s15 =	sadd.s32 s9, s20;
	[smem:$0x7EA] =	sst s8;
	s7 =	sadd.s32 s7, s23  }
0x40: {  	s8 =	sadd.s32 s14, s1;
	s23 =	sshrl.u32 s13, $0x3;
	s13 =	simm.s32 $0x1  }
0x41: {  	[smem:$0x7E7] =	sst s15;
	s15 =	sshrl.u32 s22, $0x3;
	s7 =	sshrl.u32 s7, $0x3  }
0x42: {  	s19 =	sshrl.u32 s8, $0x3;
	[smem:$0x7F7] =	sst s23;
	s8 =	simm.s32 $0x9  }
0x43: {  	s23 =	simm.s32 $0x4;
	s15 =	sadd.s32 s9, s15;
	s29 =	sadd.s32 s7, s2  }
0x44: {  	s2 =	smax.u32 s4, $0x1;
	s4 =	sadd.s32 s5, s1;
	s5 =	sadd.s32 s6, s1  }
0x45: {  	s6 =	sadd.s32 s10, s1;
	s7 =	sadd.s32 s12, s1;
	s9 =	sadd.s32 s17, s1  }
0x46: {  	s10 =	sadd.s32 s18, s1;
	s12 =	sadd.s32 s21, s1;
	[smem:$0x7F3] =	sst s19  }
0x47: {  	s19 =	simm.s32 $0x2;
	[smem:$0x7E9] =	sst s15;
	s15 =	sadd.s32 $0xCE00, s0  }
0x48: {  	[smem:$0x7EE] =	sst s2;
	s0 =	sshrl.u32 s4, $0x3;
	s14 =	sshrl.u32 s5, $0x3  }
0x49: {  	s17 =	sshrl.u32 s6, $0x3;
	s18 =	sshrl.u32 s7, $0x3;
	[smem:$0x7EF] =	sst s0  }
0x4a: {  	s20 =	sshrl.u32 s9, $0x3;
	s21 =	sshrl.u32 s10, $0x3;
	[smem:$0x7F0] =	sst s14  }
0x4b: {  	s22 =	sshrl.u32 s12, $0x3;
	s4 =	sadd.s32 $0xE000, s16;
	[smem:$0x7F1] =	sst s17  }
0x4c: {  	s5 =	sadd.s32 $0x10000, s16;
	s6 =	sadd.s32 $0x12000, s16;
	[smem:$0x7F2] =	sst s18  }
0x4d: {  	s7 =	simm.s32 $0x900;
	s9 =	simm.s32 $0x40;
	[smem:$0x7F4] =	sst s20  }
0x4e: {  	s10 =	simm.s32 $0x2900;
	s12 =	simm.s32 $0x800;
	[smem:$0x7F5] =	sst s21  }
0x4f: {  	[smem:$0x7F6] =	sst s22;
	s17 =	simm.s32 $0x6900;
	s18 =	simm.s32 $0x880  }
0x50: {  	v0 =	vimm.f32 $0.0e+00;
	s20 =	simm.s32 $0x5;
	s21 =	simm.s32 $0x3;
	s22 =	simm.s32 $0x6  }
.LBB2_1:
0x51: {  	s14 =	sand.u32 $0x7E00, s3  }
0x52: {  	s28 =	sand.u32 $0x70, s3;
	s30 =	sshrl.u32 s14, $0x2  }
0x53: {  	s14 =	simm.s32 $0x40;
	s30 =	sor.u32 s28, s30;
	s28 =	simm.s32 $0x0  }
.LBB2_2:
0x54: {  	p0 =	sne.s32 s14, $0x7FC0  }
0x55: {  	[tilespmem:s30+$0x900] =	vst v0;
	s28 =	sadd.s32 $0x10, s28;
	s30 =	smov.u32 s14;
	s14 =	sadd.s32 $0x40, s14  }
.Ltmp0:
0x56: {  	(pc) =	sbr.rel @p0 .LBB2_2-.Ltmp0, $4  }
0x57: {  	_ = 	snop  }
0x58: {  	s30 =	sand.u32 $0x7E00, s30  }
0x59: {  	s31 =	sand.u32 $0x70, s28;
	s30 =	sshrl.u32 s30, $0x2  }
0x5a: {  	s30 =	sor.u32 s31, s30  }
0x5b: {  	[tilespmem:s30+$0x900] =	vst v0  }
0x5c: {  	[spmem:s16] =	stream.linear.scatter [tilespmem:s7], [sflag:$0x9], $0x2000, $0x38;
	[tilespmem:$0x1C900] =	vst v63  }
0x5d: {  	_ =	swait.ge [sflag:s8], $0x2000  }
0x5e: {  	s0 =	sld [smem:$0x7F8]  }
0x5f: {  	[sflag:s8] =	ssyncset.done $0x0  }
0x60: {  	[sflag:s8] =	ssyncadd.s32 $0xFFFFE000  }
0x61: {  	[spmem:s0] =	stream.linear.scatter [tilespmem:s7], [sflag:$0x9], $0x2000, $0x38;
	[tilespmem:$0x1C900] =	vst v63  }
0x62: {  	_ =	swait.ge [sflag:s8], $0x2000  }
0x63: {  	s31 =	sld [smem:$0x7F9]  }
0x64: {  	[sflag:s8] =	ssyncset.done $0x0  }
0x65: {  	[sflag:s8] =	ssyncadd.s32 $0xFFFFE000  }
0x66: {  	[spmem:s31] =	stream.linear.scatter [tilespmem:s7], [sflag:$0x9], $0x2000, $0x38;
	[tilespmem:$0x1C900] =	vst v63  }
0x67: {  	_ =	swait.ge [sflag:s8], $0x2000  }
0x68: {  	s2 =	sld [smem:$0x7FA]  }
0x69: {  	[sflag:s8] =	ssyncset.done $0x0  }
0x6a: {  	[sflag:s8] =	ssyncadd.s32 $0xFFFFE000  }
0x6b: {  	[spmem:s2] =	stream.linear.scatter [tilespmem:s7], [sflag:$0x9], $0x2000, $0x38;
	[tilespmem:$0x1C900] =	vst v63  }
0x6c: {  	_ =	swait.ge [sflag:s8], $0x2000  }
0x6d: {  	s14 =	sld [smem:$0x7FB]  }
0x6e: {  	[sflag:s8] =	ssyncset.done $0x0  }
0x6f: {  	[sflag:s8] =	ssyncadd.s32 $0xFFFFE000  }
0x70: {  	[spmem:s14] =	stream.linear.scatter [tilespmem:s7], [sflag:$0x9], $0x2000, $0x38;
	[tilespmem:$0x1C900] =	vst v63  }
0x71: {  	_ =	swait.ge [sflag:s8], $0x2000  }
0x72: {  	s30 =	sld [smem:$0x7FC]  }
0x73: {  	[sflag:s8] =	ssyncset.done $0x0  }
0x74: {  	[sflag:s8] =	ssyncadd.s32 $0xFFFFE000  }
0x75: {  	[spmem:s30] =	stream.linear.scatter [tilespmem:s7], [sflag:$0x9], $0x2000, $0x38;
	[tilespmem:$0x1C900] =	vst v63  }
0x76: {  	_ =	swait.ge [sflag:s8], $0x2000  }
0x77: {  	s31 =	sld [smem:$0x7FD]  }
0x78: {  	[sflag:s8] =	ssyncset.done $0x0  }
0x79: {  	[sflag:s8] =	ssyncadd.s32 $0xFFFFE000  }
0x7a: {  	[spmem:s31] =	stream.linear.scatter [tilespmem:s7], [sflag:$0x9], $0x2000, $0x38;
	[tilespmem:$0x1C900] =	vst v63  }
0x7b: {  	_ =	swait.ge [sflag:s8], $0x2000  }
0x7c: {  	[sflag:s8] =	ssyncset.done $0x0  }
0x7d: {  	[sflag:s8] =	ssyncadd.s32 $0xFFFFE000  }
0x7e: {  	[spmem:s4] =	stream.linear.scatter [tilespmem:s7], [sflag:$0x9], $0x2000, $0x38;
	[tilespmem:$0x1C900] =	vst v63  }
0x7f: {  	_ =	swait.ge [sflag:s8], $0x2000  }
0x80: {  	[sflag:s8] =	ssyncset.done $0x0  }
0x81: {  	[sflag:s8] =	ssyncadd.s32 $0xFFFFE000  }
0x82: {  	[spmem:s5] =	stream.linear.scatter [tilespmem:s7], [sflag:$0x9], $0x2000, $0x38;
	[tilespmem:$0x1C900] =	vst v63  }
0x83: {  	_ =	swait.ge [sflag:s8], $0x2000  }
0x84: {  	[sflag:s8] =	ssyncset.done $0x0  }
0x85: {  	[sflag:s8] =	ssyncadd.s32 $0xFFFFE000  }
0x86: {  	[spmem:s6] =	stream.linear.scatter [tilespmem:s7], [sflag:$0x9], $0x2000, $0x38;
	[tilespmem:$0x1C900] =	vst v63  }
0x87: {  	_ =	swait.ge [sflag:s8], $0x2000  }
0x88: {  	[sflag:s8] =	ssyncset.done $0x0  }
0x89: {  	[sflag:s8] =	ssyncadd.s32 $0xFFFFE000  }
0x8a: {  	[bflag:$0x0] =	sbarrier.arrive $0xFFFF  }
0x8b: {  	[tilespmem:s3], [sflag:$0x9] =	stream.linear.gather [hbm4b:s29+s3], $0x800, $0x38;
	[tilespmem:$0x1C900] =	vst v63  }
0x8c: {  	_ =	swait.ge [sflag:s8], $0x800  }
0x8d: {  	[sflag:s8] =	ssyncset.done $0x0  }
0x8e: {  	s14 =	rddreg [dreg:$0x14];
	[sflag:s8] =	ssyncadd.s32 $0xFFFFF800  }
0x8f: {  	[tilespmem:s7], [sflag:$0x1] =	stream.indirect.gather [hbm4b:s15+s9], $0x80, s3, s9, $0xb8;
	[tilespmem:$0x1C900] =	vst v63  }
0x90: {  	s28 =	rddreg [dreg:$0x15]  }
0x91: {  	[tilespmem:s10], [sflag:$0x2] =	stream.indirect.gather [hbm4b:s15+s9], $0x80, s14, s9, $0xb8;
	[tilespmem:$0x1C900] =	vst v63  }
0x92: {  	s0 =	rddreg [dreg:$0x13]  }
0x93: {  	[tilespmem:s11], [sflag:$0x3] =	stream.indirect.gather [hbm4b:s15+s9], $0x80, s28, s9, $0xb8;
	[tilespmem:$0x1C900] =	vst v63  }
0x94: {  	s14 =	sadd.s32 $0x0, s0  }
0x95: {  	[tilespmem:s12], [sflag:$0x9] =	stream.linear.gather [hbm4b:s14+s3], $0x40, $0x38;
	[tilespmem:$0x1C900] =	vst v63  }
0x96: {  	_ =	swait.ge [sflag:s8], $0x40  }
0x97: {  	[sflag:s8] =	ssyncset.done $0x0  }
0x98: {  	[sflag:s8] =	ssyncadd.s32 $0xFFFFFFC0  }
0x99: {  	_ =	swait.ge [sflag:s13], $0x2000  }
0x9a: {  	[sflag:s13] =	ssyncset.done $0x0  }
0x9b: {  	s2 =	rddreg [dreg:$0x12];
	[sflag:s13] =	ssyncadd.s32 $0xFFFFE000  }
0x9c: {  	[spmem:s1] =	stream.indirect.scatter.add.f32 [tilespmem:s7], [sflag:$0x5], $0x80, s12, s9, $0xb8;
	[tilespmem:$0x1C900] =	vst v63  }
0x9d: {  	s28 =	rddreg [dreg:$0x16]  }
0x9e: {  	[tilespmem:s17], [sflag:$0x4] =	stream.indirect.gather [hbm4b:s15+s9], $0x80, s28, s9, $0xb8;
	[tilespmem:$0x1C900] =	vst v63  }
0x9f: {  	s14 =	sadd.s32 $0x0, s2  }
0xa0: {  	[tilespmem:s18], [sflag:$0x9] =	stream.linear.gather [hbm4b:s14+s3], $0x40, $0x38;
	[tilespmem:$0x1C900] =	vst v63  }
0xa1: {  	_ =	swait.ge [sflag:s8], $0x40  }
0xa2: {  	[sflag:s8] =	ssyncset.done $0x0  }
0xa3: {  	[sflag:s8] =	ssyncadd.s32 $0xFFFFFFC0  }
0xa4: {  	_ =	swait.ge [sflag:s19], $0x2000  }
0xa5: {  	[sflag:s19] =	ssyncset.done $0x0  }
0xa6: {  	[sflag:s19] =	ssyncadd.s32 $0xFFFFE000  }
0xa7: {  	[spmem:s1] =	stream.indirect.scatter.add.f32 [tilespmem:s10], [sflag:$0x6], $0x80, s18, s9, $0xb8;
	[tilespmem:$0x1C900] =	vst v63  }
0xa8: {  	_ =	swait.ge [sflag:s20], $0x2000  }
0xa9: {  	s30 =	rddreg [dreg:$0x17];
	[sflag:s20] =	ssyncset.done $0x0  }
0xaa: {  	s28 =	rddreg [dreg:$0x11];
	[sflag:s20] =	ssyncadd.s32 $0xFFFFE000  }
0xab: {  	[tilespmem:s7], [sflag:$0x1] =	stream.indirect.gather [hbm4b:s15+s9], $0x80, s30, s9, $0xb8;
	[tilespmem:$0x1C900] =	vst v63  }
0xac: {  	s31 =	sadd.s32 $0x0, s28  }
0xad: {  	[tilespmem:s12], [sflag:$0x9] =	stream.linear.gather [hbm4b:s31+s3], $0x40, $0x38;
	[tilespmem:$0x1C900] =	vst v63  }
0xae: {  	_ =	swait.ge [sflag:s8], $0x40  }
0xaf: {  	[sflag:s8] =	ssyncset.done $0x0  }
0xb0: {  	[sflag:s8] =	ssyncadd.s32 $0xFFFFFFC0  }
0xb1: {  	_ =	swait.ge [sflag:s21], $0x2000  }
0xb2: {  	[sflag:s21] =	ssyncset.done $0x0  }
0xb3: {  	[sflag:s21] =	ssyncadd.s32 $0xFFFFE000  }
0xb4: {  	[spmem:s1] =	stream.indirect.scatter.add.f32 [tilespmem:s11], [sflag:$0x7], $0x80, s12, s9, $0xb8;
	[tilespmem:$0x1C900] =	vst v63  }
0xb5: {  	_ =	swait.ge [sflag:s22], $0x2000  }
0xb6: {  	s0 =	rddreg [dreg:$0x18];
	[sflag:s22] =	ssyncset.done $0x0  }
0xb7: {  	s28 =	rddreg [dreg:$0x10];
	[sflag:s22] =	ssyncadd.s32 $0xFFFFE000  }
0xb8: {  	[tilespmem:s10], [sflag:$0x2] =	stream.indirect.gather [hbm4b:s15+s9], $0x80, s0, s9, $0xb8;
	[tilespmem:$0x1C900] =	vst v63  }
0xb9: {  	s2 =	sadd.s32 $0x0, s28  }
0xba: {  	[tilespmem:s18], [sflag:$0x9] =	stream.linear.gather [hbm4b:s2+s3], $0x40, $0x38;
	[tilespmem:$0x1C900] =	vst v63  }
0xbb: {  	_ =	swait.ge [sflag:s8], $0x40  }
0xbc: {  	[sflag:s8] =	ssyncset.done $0x0  }
0xbd: {  	[sflag:s8] =	ssyncadd.s32 $0xFFFFFFC0  }
0xbe: {  	_ =	swait.ge [sflag:s23], $0x2000  }
0xbf: {  	[sflag:s23] =	ssyncset.done $0x0  }
0xc0: {  	[sflag:s23] =	ssyncadd.s32 $0xFFFFE000  }
0xc1: {  	[spmem:s1] =	stream.indirect.scatter.add.f32 [tilespmem:s17], [sflag:$0x8], $0x80, s18, s9, $0xb8;
	[tilespmem:$0x1C900] =	vst v63  }
0xc2: {  	_ =	swait.ge [sflag:s24], $0x2000  }
0xc3: {  	s30 =	rddreg [dreg:$0x19];
	[sflag:s24] =	ssyncset.done $0x0  }
0xc4: {  	s28 =	rddreg [dreg:$0xf];
	[sflag:s24] =	ssyncadd.s32 $0xFFFFE000  }
0xc5: {  	[tilespmem:s11], [sflag:$0x3] =	stream.indirect.gather [hbm4b:s15+s9], $0x80, s30, s9, $0xb8;
	[tilespmem:$0x1C900] =	vst v63  }
0xc6: {  	s31 =	sadd.s32 $0x0, s28  }
0xc7: {  	[tilespmem:s12], [sflag:$0x9] =	stream.linear.gather [hbm4b:s31+s3], $0x40, $0x38;
	[tilespmem:$0x1C900] =	vst v63  }
0xc8: {  	_ =	swait.ge [sflag:s8], $0x40  }
0xc9: {  	[sflag:s8] =	ssyncset.done $0x0  }
0xca: {  	[sflag:s8] =	ssyncadd.s32 $0xFFFFFFC0  }
0xcb: {  	_ =	swait.ge [sflag:s13], $0x2000  }
0xcc: {  	[sflag:s13] =	ssyncset.done $0x0  }
0xcd: {  	[sflag:s13] =	ssyncadd.s32 $0xFFFFE000  }
0xce: {  	[spmem:s1] =	stream.indirect.scatter.add.f32 [tilespmem:s7], [sflag:$0x5], $0x80, s12, s9, $0xb8;
	[tilespmem:$0x1C900] =	vst v63  }
0xcf: {  	_ =	swait.ge [sflag:s25], $0x2000  }
0xd0: {  	s0 =	rddreg [dreg:$0x1a];
	[sflag:s25] =	ssyncset.done $0x0  }
0xd1: {  	s28 =	rddreg [dreg:$0xe];
	[sflag:s25] =	ssyncadd.s32 $0xFFFFE000  }
0xd2: {  	[tilespmem:s17], [sflag:$0x4] =	stream.indirect.gather [hbm4b:s15+s9], $0x80, s0, s9, $0xb8;
	[tilespmem:$0x1C900] =	vst v63  }
0xd3: {  	s2 =	sadd.s32 $0x0, s28  }
0xd4: {  	[tilespmem:s18], [sflag:$0x9] =	stream.linear.gather [hbm4b:s2+s3], $0x40, $0x38;
	[tilespmem:$0x1C900] =	vst v63  }
0xd5: {  	_ =	swait.ge [sflag:s8], $0x40  }
0xd6: {  	[sflag:s8] =	ssyncset.done $0x0  }
0xd7: {  	[sflag:s8] =	ssyncadd.s32 $0xFFFFFFC0  }
0xd8: {  	_ =	swait.ge [sflag:s19], $0x2000  }
0xd9: {  	[sflag:s19] =	ssyncset.done $0x0  }
0xda: {  	[sflag:s19] =	ssyncadd.s32 $0xFFFFE000  }
0xdb: {  	[spmem:s1] =	stream.indirect.scatter.add.f32 [tilespmem:s10], [sflag:$0x6], $0x80, s18, s9, $0xb8;
	[tilespmem:$0x1C900] =	vst v63  }
0xdc: {  	_ =	swait.ge [sflag:s20], $0x2000  }
0xdd: {  	s30 =	rddreg [dreg:$0x1b];
	[sflag:s20] =	ssyncset.done $0x0  }
0xde: {  	s28 =	rddreg [dreg:$0xd];
	[sflag:s20] =	ssyncadd.s32 $0xFFFFE000  }
0xdf: {  	[tilespmem:s7], [sflag:$0x1] =	stream.indirect.gather [hbm4b:s15+s9], $0x80, s30, s9, $0xb8;
	[tilespmem:$0x1C900] =	vst v63  }
0xe0: {  	s31 =	sadd.s32 $0x0, s28  }
0xe1: {  	[tilespmem:s12], [sflag:$0x9] =	stream.linear.gather [hbm4b:s31+s3], $0x40, $0x38;
	[tilespmem:$0x1C900] =	vst v63  }
0xe2: {  	_ =	swait.ge [sflag:s8], $0x40  }
0xe3: {  	[sflag:s8] =	ssyncset.done $0x0  }
0xe4: {  	[sflag:s8] =	ssyncadd.s32 $0xFFFFFFC0  }
0xe5: {  	_ =	swait.ge [sflag:s21], $0x2000  }
0xe6: {  	[sflag:s21] =	ssyncset.done $0x0  }
0xe7: {  	[sflag:s21] =	ssyncadd.s32 $0xFFFFE000  }
0xe8: {  	[spmem:s1] =	stream.indirect.scatter.add.f32 [tilespmem:s11], [sflag:$0x7], $0x80, s12, s9, $0xb8;
	[tilespmem:$0x1C900] =	vst v63  }
0xe9: {  	_ =	swait.ge [sflag:s22], $0x2000  }
0xea: {  	s0 =	rddreg [dreg:$0x1c];
	[sflag:s22] =	ssyncset.done $0x0  }
0xeb: {  	s28 =	rddreg [dreg:$0xc];
	[sflag:s22] =	ssyncadd.s32 $0xFFFFE000  }
0xec: {  	[tilespmem:s10], [sflag:$0x2] =	stream.indirect.gather [hbm4b:s15+s9], $0x80, s0, s9, $0xb8;
	[tilespmem:$0x1C900] =	vst v63  }
0xed: {  	s2 =	sadd.s32 $0x0, s28  }
0xee: {  	[tilespmem:s18], [sflag:$0x9] =	stream.linear.gather [hbm4b:s2+s3], $0x40, $0x38;
	[tilespmem:$0x1C900] =	vst v63  }
0xef: {  	_ =	swait.ge [sflag:s8], $0x40  }
0xf0: {  	[sflag:s8] =	ssyncset.done $0x0  }
0xf1: {  	[sflag:s8] =	ssyncadd.s32 $0xFFFFFFC0  }
0xf2: {  	_ =	swait.ge [sflag:s23], $0x2000  }
0xf3: {  	[sflag:s23] =	ssyncset.done $0x0  }
0xf4: {  	[sflag:s23] =	ssyncadd.s32 $0xFFFFE000  }
0xf5: {  	[spmem:s1] =	stream.indirect.scatter.add.f32 [tilespmem:s17], [sflag:$0x8], $0x80, s18, s9, $0xb8;
	[tilespmem:$0x1C900] =	vst v63  }
0xf6: {  	_ =	swait.ge [sflag:s24], $0x2000  }
0xf7: {  	s30 =	rddreg [dreg:$0x1d];
	[sflag:s24] =	ssyncset.done $0x0  }
0xf8: {  	s28 =	rddreg [dreg:$0xb];
	[sflag:s24] =	ssyncadd.s32 $0xFFFFE000  }
0xf9: {  	[tilespmem:s11], [sflag:$0x3] =	stream.indirect.gather [hbm4b:s15+s9], $0x80, s30, s9, $0xb8;
	[tilespmem:$0x1C900] =	vst v63  }
0xfa: {  	s31 =	sadd.s32 $0x0, s28  }
0xfb: {  	[tilespmem:s12], [sflag:$0x9] =	stream.linear.gather [hbm4b:s31+s3], $0x40, $0x38;
	[tilespmem:$0x1C900] =	vst v63  }
0xfc: {  	_ =	swait.ge [sflag:s8], $0x40  }
0xfd: {  	[sflag:s8] =	ssyncset.done $0x0  }
0xfe: {  	[sflag:s8] =	ssyncadd.s32 $0xFFFFFFC0  }
0xff: {  	_ =	swait.ge [sflag:s13], $0x2000  }
0x100: {  	[sflag:s13] =	ssyncset.done $0x0  }
0x101: {  	[sflag:s13] =	ssyncadd.s32 $0xFFFFE000  }
0x102: {  	[spmem:s1] =	stream.indirect.scatter.add.f32 [tilespmem:s7], [sflag:$0x5], $0x80, s12, s9, $0xb8;
	[tilespmem:$0x1C900] =	vst v63  }
0x103: {  	_ =	swait.ge [sflag:s25], $0x2000  }
0x104: {  	s0 =	rddreg [dreg:$0x1e];
	[sflag:s25] =	ssyncset.done $0x0  }
0x105: {  	s28 =	rddreg [dreg:$0xa];
	[sflag:s25] =	ssyncadd.s32 $0xFFFFE000  }
0x106: {  	[tilespmem:s17], [sflag:$0x4] =	stream.indirect.gather [hbm4b:s15+s9], $0x80, s0, s9, $0xb8;
	[tilespmem:$0x1C900] =	vst v63  }
0x107: {  	s2 =	sadd.s32 $0x0, s28  }
0x108: {  	[tilespmem:s18], [sflag:$0x9] =	stream.linear.gather [hbm4b:s2+s3], $0x40, $0x38;
	[tilespmem:$0x1C900] =	vst v63  }
0x109: {  	_ =	swait.ge [sflag:s8], $0x40  }
0x10a: {  	[sflag:s8] =	ssyncset.done $0x0  }
0x10b: {  	[sflag:s8] =	ssyncadd.s32 $0xFFFFFFC0  }
0x10c: {  	_ =	swait.ge [sflag:s19], $0x2000  }
0x10d: {  	[sflag:s19] =	ssyncset.done $0x0  }
0x10e: {  	[sflag:s19] =	ssyncadd.s32 $0xFFFFE000  }
0x10f: {  	[spmem:s1] =	stream.indirect.scatter.add.f32 [tilespmem:s10], [sflag:$0x6], $0x80, s18, s9, $0xb8;
	[tilespmem:$0x1C900] =	vst v63  }
0x110: {  	_ =	swait.ge [sflag:s20], $0x2000  }
0x111: {  	s30 =	rddreg [dreg:$0x1f];
	[sflag:s20] =	ssyncset.done $0x0  }
0x112: {  	s28 =	rddreg [dreg:$0x9];
	[sflag:s20] =	ssyncadd.s32 $0xFFFFE000  }
0x113: {  	[tilespmem:s7], [sflag:$0x1] =	stream.indirect.gather [hbm4b:s15+s9], $0x80, s30, s9, $0xb8;
	[tilespmem:$0x1C900] =	vst v63  }
0x114: {  	s31 =	sadd.s32 $0x0, s28  }
0x115: {  	[tilespmem:s12], [sflag:$0x9] =	stream.linear.gather [hbm4b:s31+s3], $0x40, $0x38;
	[tilespmem:$0x1C900] =	vst v63  }
0x116: {  	_ =	swait.ge [sflag:s8], $0x40  }
0x117: {  	[sflag:s8] =	ssyncset.done $0x0  }
0x118: {  	[sflag:s8] =	ssyncadd.s32 $0xFFFFFFC0  }
0x119: {  	_ =	swait.ge [sflag:s21], $0x2000  }
0x11a: {  	[sflag:s21] =	ssyncset.done $0x0  }
0x11b: {  	[sflag:s21] =	ssyncadd.s32 $0xFFFFE000  }
0x11c: {  	[spmem:s1] =	stream.indirect.scatter.add.f32 [tilespmem:s11], [sflag:$0x7], $0x80, s12, s9, $0xb8;
	[tilespmem:$0x1C900] =	vst v63  }
0x11d: {  	_ =	swait.ge [sflag:s22], $0x2000  }
0x11e: {  	s0 =	sld [smem:$0x7EB]  }
0x11f: {  	[sflag:s22] =	ssyncset.done $0x0  }
0x120: {  	s28 =	rddreg [dreg:$0x8];
	[sflag:s22] =	ssyncadd.s32 $0xFFFFE000  }
0x121: {  	[tilespmem:s10], [sflag:$0x2] =	stream.indirect.gather [hbm4b:s15+s9], $0x80, s0, s9, $0xb8;
	[tilespmem:$0x1C900] =	vst v63  }
0x122: {  	s2 =	sadd.s32 $0x0, s28  }
0x123: {  	[tilespmem:s18], [sflag:$0x9] =	stream.linear.gather [hbm4b:s2+s3], $0x40, $0x38;
	[tilespmem:$0x1C900] =	vst v63  }
0x124: {  	_ =	swait.ge [sflag:s8], $0x40  }
0x125: {  	[sflag:s8] =	ssyncset.done $0x0  }
0x126: {  	[sflag:s8] =	ssyncadd.s32 $0xFFFFFFC0  }
0x127: {  	_ =	swait.ge [sflag:s23], $0x2000  }
0x128: {  	[sflag:s23] =	ssyncset.done $0x0  }
0x129: {  	[sflag:s23] =	ssyncadd.s32 $0xFFFFE000  }
0x12a: {  	[spmem:s1] =	stream.indirect.scatter.add.f32 [tilespmem:s17], [sflag:$0x8], $0x80, s18, s9, $0xb8;
	[tilespmem:$0x1C900] =	vst v63  }
0x12b: {  	_ =	swait.ge [sflag:s24], $0x2000  }
0x12c: {  	s30 =	sld [smem:$0x7EC]  }
0x12d: {  	[sflag:s24] =	ssyncset.done $0x0  }
0x12e: {  	s28 =	rddreg [dreg:$0x7];
	[sflag:s24] =	ssyncadd.s32 $0xFFFFE000  }
0x12f: {  	[tilespmem:s11], [sflag:$0x3] =	stream.indirect.gather [hbm4b:s15+s9], $0x80, s30, s9, $0xb8;
	[tilespmem:$0x1C900] =	vst v63  }
0x130: {  	s31 =	sadd.s32 $0x0, s28  }
0x131: {  	[tilespmem:s12], [sflag:$0x9] =	stream.linear.gather [hbm4b:s31+s3], $0x40, $0x38;
	[tilespmem:$0x1C900] =	vst v63  }
0x132: {  	_ =	swait.ge [sflag:s8], $0x40  }
0x133: {  	[sflag:s8] =	ssyncset.done $0x0  }
0x134: {  	[sflag:s8] =	ssyncadd.s32 $0xFFFFFFC0  }
0x135: {  	_ =	swait.ge [sflag:s13], $0x2000  }
0x136: {  	[sflag:s13] =	ssyncset.done $0x0  }
0x137: {  	[sflag:s13] =	ssyncadd.s32 $0xFFFFE000  }
0x138: {  	[spmem:s1] =	stream.indirect.scatter.add.f32 [tilespmem:s7], [sflag:$0x5], $0x80, s12, s9, $0xb8;
	[tilespmem:$0x1C900] =	vst v63  }
0x139: {  	_ =	swait.ge [sflag:s25], $0x2000  }
0x13a: {  	s0 =	sld [smem:$0x7ED]  }
0x13b: {  	[sflag:s25] =	ssyncset.done $0x0  }
0x13c: {  	s28 =	rddreg [dreg:$0x6];
	[sflag:s25] =	ssyncadd.s32 $0xFFFFE000  }
0x13d: {  	[tilespmem:s17], [sflag:$0x4] =	stream.indirect.gather [hbm4b:s15+s9], $0x80, s0, s9, $0xb8;
	[tilespmem:$0x1C900] =	vst v63  }
0x13e: {  	s2 =	sadd.s32 $0x0, s28  }
0x13f: {  	[tilespmem:s18], [sflag:$0x9] =	stream.linear.gather [hbm4b:s2+s3], $0x40, $0x38;
	[tilespmem:$0x1C900] =	vst v63  }
0x140: {  	_ =	swait.ge [sflag:s8], $0x40  }
0x141: {  	[sflag:s8] =	ssyncset.done $0x0  }
0x142: {  	[sflag:s8] =	ssyncadd.s32 $0xFFFFFFC0  }
0x143: {  	_ =	swait.ge [sflag:s19], $0x2000  }
0x144: {  	[sflag:s19] =	ssyncset.done $0x0  }
0x145: {  	[sflag:s19] =	ssyncadd.s32 $0xFFFFE000  }
0x146: {  	[spmem:s1] =	stream.indirect.scatter.add.f32 [tilespmem:s10], [sflag:$0x6], $0x80, s18, s9, $0xb8;
	[tilespmem:$0x1C900] =	vst v63  }
0x147: {  	_ =	swait.ge [sflag:s20], $0x2000  }
0x148: {  	s30 =	rddreg [dreg:$0x5];
	[sflag:s20] =	ssyncset.done $0x0  }
0x149: {  	[sflag:s20] =	ssyncadd.s32 $0xFFFFE000;
	s14 =	sadd.s32 $0x0, s30  }
0x14a: {  	[tilespmem:s12], [sflag:$0x9] =	stream.linear.gather [hbm4b:s14+s3], $0x40, $0x38;
	[tilespmem:$0x1C900] =	vst v63  }
0x14b: {  	_ =	swait.ge [sflag:s8], $0x40  }
0x14c: {  	[sflag:s8] =	ssyncset.done $0x0  }
0x14d: {  	[sflag:s8] =	ssyncadd.s32 $0xFFFFFFC0  }
0x14e: {  	_ =	swait.ge [sflag:s21], $0x2000  }
0x14f: {  	[sflag:s21] =	ssyncset.done $0x0  }
0x150: {  	[sflag:s21] =	ssyncadd.s32 $0xFFFFE000  }
0x151: {  	[spmem:s1] =	stream.indirect.scatter.add.f32 [tilespmem:s11], [sflag:$0x7], $0x80, s12, s9, $0xb8;
	[tilespmem:$0x1C900] =	vst v63  }
0x152: {  	_ =	swait.ge [sflag:s22], $0x2000  }
0x153: {  	s31 =	rddreg [dreg:$0x4];
	[sflag:s22] =	ssyncset.done $0x0  }
0x154: {  	[sflag:s22] =	ssyncadd.s32 $0xFFFFE000;
	s14 =	sadd.s32 $0x0, s31  }
0x155: {  	[tilespmem:s18], [sflag:$0x9] =	stream.linear.gather [hbm4b:s14+s3], $0x40, $0x38;
	[tilespmem:$0x1C900] =	vst v63  }
0x156: {  	_ =	swait.ge [sflag:s8], $0x40  }
0x157: {  	[sflag:s8] =	ssyncset.done $0x0  }
0x158: {  	[sflag:s8] =	ssyncadd.s32 $0xFFFFFFC0  }
0x159: {  	_ =	swait.ge [sflag:s23], $0x2000  }
0x15a: {  	[sflag:s23] =	ssyncset.done $0x0  }
0x15b: {  	[sflag:s23] =	ssyncadd.s32 $0xFFFFE000  }
0x15c: {  	[spmem:s1] =	stream.indirect.scatter.add.f32 [tilespmem:s17], [sflag:$0x8], $0x80, s18, s9, $0xb8;
	[tilespmem:$0x1C900] =	vst v63  }
0x15d: {  	_ =	swait.ge [sflag:s24], $0x2000  }
0x15e: {  	[sflag:s24] =	ssyncset.done $0x0  }
0x15f: {  	[sflag:s24] =	ssyncadd.s32 $0xFFFFE000  }
0x160: {  	_ =	swait.ge [sflag:s25], $0x2000  }
0x161: {  	s28 =	simm.s32 $0x80;
	s14 =	smov.u32 s29;
	[sflag:s25] =	ssyncset.done $0x0  }
.LBB2_4:
0x162: {  	[sflag:s25] =	ssyncadd.s32 $0xFFFFE000;
	s14 =	sadd.s32 $0x100, s14  }
0x163: {  	[tilespmem:s3], [sflag:$0x9] =	stream.linear.gather [hbm4b:s14+s3], $0x800, $0x38;
	[tilespmem:$0x1C900] =	vst v63  }
0x164: {  	_ =	swait.ge [sflag:s8], $0x800  }
0x165: {  	[sflag:s8] =	ssyncset.done $0x0  }
0x166: {  	s31 =	rddreg [dreg:$0x13];
	[sflag:s8] =	ssyncadd.s32 $0xFFFFF800  }
0x167: {  	[tilespmem:s7], [sflag:$0x1] =	stream.indirect.gather [hbm4b:s15+s9], $0x80, s3, s9, $0xb8;
	[tilespmem:$0x1C900] =	vst v63  }
0x168: {  	s0 =	rddreg [dreg:$0x14]  }
0x169: {  	[tilespmem:s10], [sflag:$0x2] =	stream.indirect.gather [hbm4b:s15+s9], $0x80, s0, s9, $0xb8;
	[tilespmem:$0x1C900] =	vst v63  }
0x16a: {  	s30 =	smov.u32 s28;
	s2 =	rddreg [dreg:$0x15]  }
0x16b: {  	[tilespmem:s11], [sflag:$0x3] =	stream.indirect.gather [hbm4b:s15+s9], $0x80, s2, s9, $0xb8;
	[tilespmem:$0x1C900] =	vst v63  }
0x16c: {  	s2 =	sadd.s32 s30, s31  }
0x16d: {  	[tilespmem:s12], [sflag:$0x9] =	stream.linear.gather [hbm4b:s2+s3], $0x40, $0x38;
	[tilespmem:$0x1C900] =	vst v63  }
0x16e: {  	_ =	swait.ge [sflag:s8], $0x40  }
0x16f: {  	[sflag:s8] =	ssyncset.done $0x0  }
0x170: {  	[sflag:s8] =	ssyncadd.s32 $0xFFFFFFC0  }
0x171: {  	_ =	swait.ge [sflag:s13], $0x2000  }
0x172: {  	[sflag:s13] =	ssyncset.done $0x0  }
0x173: {  	s0 =	rddreg [dreg:$0x12];
	[sflag:s13] =	ssyncadd.s32 $0xFFFFE000  }
0x174: {  	[spmem:s1] =	stream.indirect.scatter.add.f32 [tilespmem:s7], [sflag:$0x5], $0x80, s12, s9, $0xb8;
	[tilespmem:$0x1C900] =	vst v63  }
0x175: {  	s31 =	rddreg [dreg:$0x16]  }
0x176: {  	[tilespmem:s17], [sflag:$0x4] =	stream.indirect.gather [hbm4b:s15+s9], $0x80, s31, s9, $0xb8;
	[tilespmem:$0x1C900] =	vst v63  }
0x177: {  	s0 =	sadd.s32 s30, s0  }
0x178: {  	[tilespmem:s18], [sflag:$0x9] =	stream.linear.gather [hbm4b:s0+s3], $0x40, $0x38;
	[tilespmem:$0x1C900] =	vst v63  }
0x179: {  	_ =	swait.ge [sflag:s8], $0x40  }
0x17a: {  	[sflag:s8] =	ssyncset.done $0x0  }
0x17b: {  	[sflag:s8] =	ssyncadd.s32 $0xFFFFFFC0  }
0x17c: {  	_ =	swait.ge [sflag:s19], $0x2000  }
0x17d: {  	[sflag:s19] =	ssyncset.done $0x0  }
0x17e: {  	[sflag:s19] =	ssyncadd.s32 $0xFFFFE000  }
0x17f: {  	[spmem:s1] =	stream.indirect.scatter.add.f32 [tilespmem:s10], [sflag:$0x6], $0x80, s18, s9, $0xb8;
	[tilespmem:$0x1C900] =	vst v63  }
0x180: {  	_ =	swait.ge [sflag:s20], $0x2000  }
0x181: {  	s2 =	rddreg [dreg:$0x17];
	[sflag:s20] =	ssyncset.done $0x0  }
0x182: {  	s31 =	rddreg [dreg:$0x11];
	[sflag:s20] =	ssyncadd.s32 $0xFFFFE000  }
0x183: {  	[tilespmem:s7], [sflag:$0x1] =	stream.indirect.gather [hbm4b:s15+s9], $0x80, s2, s9, $0xb8;
	[tilespmem:$0x1C900] =	vst v63  }
0x184: {  	s31 =	sadd.s32 s30, s31  }
0x185: {  	[tilespmem:s12], [sflag:$0x9] =	stream.linear.gather [hbm4b:s31+s3], $0x40, $0x38;
	[tilespmem:$0x1C900] =	vst v63  }
0x186: {  	_ =	swait.ge [sflag:s8], $0x40  }
0x187: {  	[sflag:s8] =	ssyncset.done $0x0  }
0x188: {  	[sflag:s8] =	ssyncadd.s32 $0xFFFFFFC0  }
0x189: {  	_ =	swait.ge [sflag:s21], $0x2000  }
0x18a: {  	[sflag:s21] =	ssyncset.done $0x0  }
0x18b: {  	[sflag:s21] =	ssyncadd.s32 $0xFFFFE000  }
0x18c: {  	[spmem:s1] =	stream.indirect.scatter.add.f32 [tilespmem:s11], [sflag:$0x7], $0x80, s12, s9, $0xb8;
	[tilespmem:$0x1C900] =	vst v63  }
0x18d: {  	_ =	swait.ge [sflag:s22], $0x2000  }
0x18e: {  	s2 =	rddreg [dreg:$0x18];
	[sflag:s22] =	ssyncset.done $0x0  }
0x18f: {  	s31 =	rddreg [dreg:$0x10];
	[sflag:s22] =	ssyncadd.s32 $0xFFFFE000  }
0x190: {  	[tilespmem:s10], [sflag:$0x2] =	stream.indirect.gather [hbm4b:s15+s9], $0x80, s2, s9, $0xb8;
	[tilespmem:$0x1C900] =	vst v63  }
0x191: {  	s31 =	sadd.s32 s30, s31  }
0x192: {  	[tilespmem:s18], [sflag:$0x9] =	stream.linear.gather [hbm4b:s31+s3], $0x40, $0x38;
	[tilespmem:$0x1C900] =	vst v63  }
0x193: {  	_ =	swait.ge [sflag:s8], $0x40  }
0x194: {  	[sflag:s8] =	ssyncset.done $0x0  }
0x195: {  	[sflag:s8] =	ssyncadd.s32 $0xFFFFFFC0  }
0x196: {  	_ =	swait.ge [sflag:s23], $0x2000  }
0x197: {  	[sflag:s23] =	ssyncset.done $0x0  }
0x198: {  	[sflag:s23] =	ssyncadd.s32 $0xFFFFE000  }
0x199: {  	[spmem:s1] =	stream.indirect.scatter.add.f32 [tilespmem:s17], [sflag:$0x8], $0x80, s18, s9, $0xb8;
	[tilespmem:$0x1C900] =	vst v63  }
0x19a: {  	_ =	swait.ge [sflag:s24], $0x2000  }
0x19b: {  	s2 =	rddreg [dreg:$0x19];
	[sflag:s24] =	ssyncset.done $0x0  }
0x19c: {  	s31 =	rddreg [dreg:$0xf];
	[sflag:s24] =	ssyncadd.s32 $0xFFFFE000  }
0x19d: {  	[tilespmem:s11], [sflag:$0x3] =	stream.indirect.gather [hbm4b:s15+s9], $0x80, s2, s9, $0xb8;
	[tilespmem:$0x1C900] =	vst v63  }
0x19e: {  	s31 =	sadd.s32 s30, s31  }
0x19f: {  	[tilespmem:s12], [sflag:$0x9] =	stream.linear.gather [hbm4b:s31+s3], $0x40, $0x38;
	[tilespmem:$0x1C900] =	vst v63  }
0x1a0: {  	_ =	swait.ge [sflag:s8], $0x40  }
0x1a1: {  	[sflag:s8] =	ssyncset.done $0x0  }
0x1a2: {  	[sflag:s8] =	ssyncadd.s32 $0xFFFFFFC0  }
0x1a3: {  	_ =	swait.ge [sflag:s13], $0x2000  }
0x1a4: {  	[sflag:s13] =	ssyncset.done $0x0  }
0x1a5: {  	[sflag:s13] =	ssyncadd.s32 $0xFFFFE000  }
0x1a6: {  	[spmem:s1] =	stream.indirect.scatter.add.f32 [tilespmem:s7], [sflag:$0x5], $0x80, s12, s9, $0xb8;
	[tilespmem:$0x1C900] =	vst v63  }
0x1a7: {  	_ =	swait.ge [sflag:s25], $0x2000  }
0x1a8: {  	s2 =	rddreg [dreg:$0x1a];
	[sflag:s25] =	ssyncset.done $0x0  }
0x1a9: {  	s31 =	rddreg [dreg:$0xe];
	[sflag:s25] =	ssyncadd.s32 $0xFFFFE000  }
0x1aa: {  	[tilespmem:s17], [sflag:$0x4] =	stream.indirect.gather [hbm4b:s15+s9], $0x80, s2, s9, $0xb8;
	[tilespmem:$0x1C900] =	vst v63  }
0x1ab: {  	s31 =	sadd.s32 s30, s31  }
0x1ac: {  	[tilespmem:s18], [sflag:$0x9] =	stream.linear.gather [hbm4b:s31+s3], $0x40, $0x38;
	[tilespmem:$0x1C900] =	vst v63  }
0x1ad: {  	_ =	swait.ge [sflag:s8], $0x40  }
0x1ae: {  	[sflag:s8] =	ssyncset.done $0x0  }
0x1af: {  	[sflag:s8] =	ssyncadd.s32 $0xFFFFFFC0  }
0x1b0: {  	_ =	swait.ge [sflag:s19], $0x2000  }
0x1b1: {  	[sflag:s19] =	ssyncset.done $0x0  }
0x1b2: {  	[sflag:s19] =	ssyncadd.s32 $0xFFFFE000  }
0x1b3: {  	[spmem:s1] =	stream.indirect.scatter.add.f32 [tilespmem:s10], [sflag:$0x6], $0x80, s18, s9, $0xb8;
	[tilespmem:$0x1C900] =	vst v63  }
0x1b4: {  	_ =	swait.ge [sflag:s20], $0x2000  }
0x1b5: {  	s2 =	rddreg [dreg:$0x1b];
	[sflag:s20] =	ssyncset.done $0x0  }
0x1b6: {  	s31 =	rddreg [dreg:$0xd];
	[sflag:s20] =	ssyncadd.s32 $0xFFFFE000  }
0x1b7: {  	[tilespmem:s7], [sflag:$0x1] =	stream.indirect.gather [hbm4b:s15+s9], $0x80, s2, s9, $0xb8;
	[tilespmem:$0x1C900] =	vst v63  }
0x1b8: {  	s31 =	sadd.s32 s30, s31  }
0x1b9: {  	[tilespmem:s12], [sflag:$0x9] =	stream.linear.gather [hbm4b:s31+s3], $0x40, $0x38;
	[tilespmem:$0x1C900] =	vst v63  }
0x1ba: {  	_ =	swait.ge [sflag:s8], $0x40  }
0x1bb: {  	[sflag:s8] =	ssyncset.done $0x0  }
0x1bc: {  	[sflag:s8] =	ssyncadd.s32 $0xFFFFFFC0  }
0x1bd: {  	_ =	swait.ge [sflag:s21], $0x2000  }
0x1be: {  	[sflag:s21] =	ssyncset.done $0x0  }
0x1bf: {  	[sflag:s21] =	ssyncadd.s32 $0xFFFFE000  }
0x1c0: {  	[spmem:s1] =	stream.indirect.scatter.add.f32 [tilespmem:s11], [sflag:$0x7], $0x80, s12, s9, $0xb8;
	[tilespmem:$0x1C900] =	vst v63  }
0x1c1: {  	_ =	swait.ge [sflag:s22], $0x2000  }
0x1c2: {  	s2 =	rddreg [dreg:$0x1c];
	[sflag:s22] =	ssyncset.done $0x0  }
0x1c3: {  	s31 =	rddreg [dreg:$0xc];
	[sflag:s22] =	ssyncadd.s32 $0xFFFFE000  }
0x1c4: {  	[tilespmem:s10], [sflag:$0x2] =	stream.indirect.gather [hbm4b:s15+s9], $0x80, s2, s9, $0xb8;
	[tilespmem:$0x1C900] =	vst v63  }
0x1c5: {  	s31 =	sadd.s32 s30, s31  }
0x1c6: {  	[tilespmem:s18], [sflag:$0x9] =	stream.linear.gather [hbm4b:s31+s3], $0x40, $0x38;
	[tilespmem:$0x1C900] =	vst v63  }
0x1c7: {  	_ =	swait.ge [sflag:s8], $0x40  }
0x1c8: {  	[sflag:s8] =	ssyncset.done $0x0  }
0x1c9: {  	[sflag:s8] =	ssyncadd.s32 $0xFFFFFFC0  }
0x1ca: {  	_ =	swait.ge [sflag:s23], $0x2000  }
0x1cb: {  	[sflag:s23] =	ssyncset.done $0x0  }
0x1cc: {  	[sflag:s23] =	ssyncadd.s32 $0xFFFFE000  }
0x1cd: {  	[spmem:s1] =	stream.indirect.scatter.add.f32 [tilespmem:s17], [sflag:$0x8], $0x80, s18, s9, $0xb8;
	[tilespmem:$0x1C900] =	vst v63  }
0x1ce: {  	_ =	swait.ge [sflag:s24], $0x2000  }
0x1cf: {  	s2 =	rddreg [dreg:$0x1d];
	[sflag:s24] =	ssyncset.done $0x0  }
0x1d0: {  	s31 =	rddreg [dreg:$0xb];
	[sflag:s24] =	ssyncadd.s32 $0xFFFFE000  }
0x1d1: {  	[tilespmem:s11], [sflag:$0x3] =	stream.indirect.gather [hbm4b:s15+s9], $0x80, s2, s9, $0xb8;
	[tilespmem:$0x1C900] =	vst v63  }
0x1d2: {  	s31 =	sadd.s32 s30, s31  }
0x1d3: {  	[tilespmem:s12], [sflag:$0x9] =	stream.linear.gather [hbm4b:s31+s3], $0x40, $0x38;
	[tilespmem:$0x1C900] =	vst v63  }
0x1d4: {  	_ =	swait.ge [sflag:s8], $0x40  }
0x1d5: {  	[sflag:s8] =	ssyncset.done $0x0  }
0x1d6: {  	[sflag:s8] =	ssyncadd.s32 $0xFFFFFFC0  }
0x1d7: {  	_ =	swait.ge [sflag:s13], $0x2000  }
0x1d8: {  	[sflag:s13] =	ssyncset.done $0x0  }
0x1d9: {  	[sflag:s13] =	ssyncadd.s32 $0xFFFFE000  }
0x1da: {  	[spmem:s1] =	stream.indirect.scatter.add.f32 [tilespmem:s7], [sflag:$0x5], $0x80, s12, s9, $0xb8;
	[tilespmem:$0x1C900] =	vst v63  }
0x1db: {  	_ =	swait.ge [sflag:s25], $0x2000  }
0x1dc: {  	s2 =	rddreg [dreg:$0x1e];
	[sflag:s25] =	ssyncset.done $0x0  }
0x1dd: {  	s31 =	rddreg [dreg:$0xa];
	[sflag:s25] =	ssyncadd.s32 $0xFFFFE000  }
0x1de: {  	[tilespmem:s17], [sflag:$0x4] =	stream.indirect.gather [hbm4b:s15+s9], $0x80, s2, s9, $0xb8;
	[tilespmem:$0x1C900] =	vst v63  }
0x1df: {  	s31 =	sadd.s32 s30, s31  }
0x1e0: {  	[tilespmem:s18], [sflag:$0x9] =	stream.linear.gather [hbm4b:s31+s3], $0x40, $0x38;
	[tilespmem:$0x1C900] =	vst v63  }
0x1e1: {  	_ =	swait.ge [sflag:s8], $0x40  }
0x1e2: {  	[sflag:s8] =	ssyncset.done $0x0  }
0x1e3: {  	[sflag:s8] =	ssyncadd.s32 $0xFFFFFFC0  }
0x1e4: {  	_ =	swait.ge [sflag:s19], $0x2000  }
0x1e5: {  	[sflag:s19] =	ssyncset.done $0x0  }
0x1e6: {  	[sflag:s19] =	ssyncadd.s32 $0xFFFFE000  }
0x1e7: {  	[spmem:s1] =	stream.indirect.scatter.add.f32 [tilespmem:s10], [sflag:$0x6], $0x80, s18, s9, $0xb8;
	[tilespmem:$0x1C900] =	vst v63  }
0x1e8: {  	_ =	swait.ge [sflag:s20], $0x2000  }
0x1e9: {  	s2 =	rddreg [dreg:$0x1f];
	[sflag:s20] =	ssyncset.done $0x0  }
0x1ea: {  	s31 =	rddreg [dreg:$0x9];
	[sflag:s20] =	ssyncadd.s32 $0xFFFFE000  }
0x1eb: {  	[tilespmem:s7], [sflag:$0x1] =	stream.indirect.gather [hbm4b:s15+s9], $0x80, s2, s9, $0xb8;
	[tilespmem:$0x1C900] =	vst v63  }
0x1ec: {  	s31 =	sadd.s32 s30, s31  }
0x1ed: {  	[tilespmem:s12], [sflag:$0x9] =	stream.linear.gather [hbm4b:s31+s3], $0x40, $0x38;
	[tilespmem:$0x1C900] =	vst v63  }
0x1ee: {  	_ =	swait.ge [sflag:s8], $0x40  }
0x1ef: {  	[sflag:s8] =	ssyncset.done $0x0  }
0x1f0: {  	[sflag:s8] =	ssyncadd.s32 $0xFFFFFFC0  }
0x1f1: {  	_ =	swait.ge [sflag:s21], $0x2000  }
0x1f2: {  	[sflag:s21] =	ssyncset.done $0x0  }
0x1f3: {  	[sflag:s21] =	ssyncadd.s32 $0xFFFFE000  }
0x1f4: {  	[spmem:s1] =	stream.indirect.scatter.add.f32 [tilespmem:s11], [sflag:$0x7], $0x80, s12, s9, $0xb8;
	[tilespmem:$0x1C900] =	vst v63  }
0x1f5: {  	_ =	swait.ge [sflag:s22], $0x2000  }
0x1f6: {  	s2 =	sld [smem:$0x7EB]  }
0x1f7: {  	[sflag:s22] =	ssyncset.done $0x0  }
0x1f8: {  	s31 =	rddreg [dreg:$0x8];
	[sflag:s22] =	ssyncadd.s32 $0xFFFFE000  }
0x1f9: {  	[tilespmem:s10], [sflag:$0x2] =	stream.indirect.gather [hbm4b:s15+s9], $0x80, s2, s9, $0xb8;
	[tilespmem:$0x1C900] =	vst v63  }
0x1fa: {  	s31 =	sadd.s32 s30, s31  }
0x1fb: {  	[tilespmem:s18], [sflag:$0x9] =	stream.linear.gather [hbm4b:s31+s3], $0x40, $0x38;
	[tilespmem:$0x1C900] =	vst v63  }
0x1fc: {  	_ =	swait.ge [sflag:s8], $0x40  }
0x1fd: {  	[sflag:s8] =	ssyncset.done $0x0  }
0x1fe: {  	[sflag:s8] =	ssyncadd.s32 $0xFFFFFFC0  }
0x1ff: {  	_ =	swait.ge [sflag:s23], $0x2000  }
0x200: {  	[sflag:s23] =	ssyncset.done $0x0  }
0x201: {  	[sflag:s23] =	ssyncadd.s32 $0xFFFFE000  }
0x202: {  	[spmem:s1] =	stream.indirect.scatter.add.f32 [tilespmem:s17], [sflag:$0x8], $0x80, s18, s9, $0xb8;
	[tilespmem:$0x1C900] =	vst v63  }
0x203: {  	_ =	swait.ge [sflag:s24], $0x2000  }
0x204: {  	s2 =	sld [smem:$0x7EC]  }
0x205: {  	[sflag:s24] =	ssyncset.done $0x0  }
0x206: {  	s31 =	rddreg [dreg:$0x7];
	[sflag:s24] =	ssyncadd.s32 $0xFFFFE000  }
0x207: {  	[tilespmem:s11], [sflag:$0x3] =	stream.indirect.gather [hbm4b:s15+s9], $0x80, s2, s9, $0xb8;
	[tilespmem:$0x1C900] =	vst v63  }
0x208: {  	s31 =	sadd.s32 s30, s31  }
0x209: {  	[tilespmem:s12], [sflag:$0x9] =	stream.linear.gather [hbm4b:s31+s3], $0x40, $0x38;
	[tilespmem:$0x1C900] =	vst v63  }
0x20a: {  	_ =	swait.ge [sflag:s8], $0x40  }
0x20b: {  	[sflag:s8] =	ssyncset.done $0x0  }
0x20c: {  	[sflag:s8] =	ssyncadd.s32 $0xFFFFFFC0  }
0x20d: {  	_ =	swait.ge [sflag:s13], $0x2000  }
0x20e: {  	[sflag:s13] =	ssyncset.done $0x0  }
0x20f: {  	[sflag:s13] =	ssyncadd.s32 $0xFFFFE000  }
0x210: {  	[spmem:s1] =	stream.indirect.scatter.add.f32 [tilespmem:s7], [sflag:$0x5], $0x80, s12, s9, $0xb8;
	[tilespmem:$0x1C900] =	vst v63  }
0x211: {  	_ =	swait.ge [sflag:s25], $0x2000  }
0x212: {  	s2 =	sld [smem:$0x7ED]  }
0x213: {  	[sflag:s25] =	ssyncset.done $0x0  }
0x214: {  	s31 =	rddreg [dreg:$0x6];
	[sflag:s25] =	ssyncadd.s32 $0xFFFFE000  }
0x215: {  	[tilespmem:s17], [sflag:$0x4] =	stream.indirect.gather [hbm4b:s15+s9], $0x80, s2, s9, $0xb8;
	[tilespmem:$0x1C900] =	vst v63  }
0x216: {  	s31 =	sadd.s32 s30, s31  }
0x217: {  	[tilespmem:s18], [sflag:$0x9] =	stream.linear.gather [hbm4b:s31+s3], $0x40, $0x38;
	[tilespmem:$0x1C900] =	vst v63  }
0x218: {  	_ =	swait.ge [sflag:s8], $0x40  }
0x219: {  	[sflag:s8] =	ssyncset.done $0x0  }
0x21a: {  	[sflag:s8] =	ssyncadd.s32 $0xFFFFFFC0  }
0x21b: {  	_ =	swait.ge [sflag:s19], $0x2000  }
0x21c: {  	[sflag:s19] =	ssyncset.done $0x0  }
0x21d: {  	[sflag:s19] =	ssyncadd.s32 $0xFFFFE000  }
0x21e: {  	[spmem:s1] =	stream.indirect.scatter.add.f32 [tilespmem:s10], [sflag:$0x6], $0x80, s18, s9, $0xb8;
	[tilespmem:$0x1C900] =	vst v63  }
0x21f: {  	_ =	swait.ge [sflag:s20], $0x2000  }
0x220: {  	s2 =	rddreg [dreg:$0x5];
	[sflag:s20] =	ssyncset.done $0x0  }
0x221: {  	[sflag:s20] =	ssyncadd.s32 $0xFFFFE000;
	s0 =	sadd.s32 s30, s2  }
0x222: {  	[tilespmem:s12], [sflag:$0x9] =	stream.linear.gather [hbm4b:s0+s3], $0x40, $0x38;
	[tilespmem:$0x1C900] =	vst v63  }
0x223: {  	_ =	swait.ge [sflag:s8], $0x40  }
0x224: {  	[sflag:s8] =	ssyncset.done $0x0  }
0x225: {  	[sflag:s8] =	ssyncadd.s32 $0xFFFFFFC0  }
0x226: {  	_ =	swait.ge [sflag:s21], $0x2000  }
0x227: {  	[sflag:s21] =	ssyncset.done $0x0  }
0x228: {  	[sflag:s21] =	ssyncadd.s32 $0xFFFFE000  }
0x229: {  	[spmem:s1] =	stream.indirect.scatter.add.f32 [tilespmem:s11], [sflag:$0x7], $0x80, s12, s9, $0xb8;
	[tilespmem:$0x1C900] =	vst v63  }
0x22a: {  	_ =	swait.ge [sflag:s22], $0x2000  }
0x22b: {  	s31 =	rddreg [dreg:$0x4];
	[sflag:s22] =	ssyncset.done $0x0  }
0x22c: {  	[sflag:s22] =	ssyncadd.s32 $0xFFFFE000;
	s0 =	sadd.s32 s30, s31  }
0x22d: {  	[tilespmem:s18], [sflag:$0x9] =	stream.linear.gather [hbm4b:s0+s3], $0x40, $0x38;
	[tilespmem:$0x1C900] =	vst v63  }
0x22e: {  	_ =	swait.ge [sflag:s8], $0x40  }
0x22f: {  	[sflag:s8] =	ssyncset.done $0x0  }
0x230: {  	[sflag:s8] =	ssyncadd.s32 $0xFFFFFFC0  }
0x231: {  	_ =	swait.ge [sflag:s23], $0x2000  }
0x232: {  	[sflag:s23] =	ssyncset.done $0x0  }
0x233: {  	p0 =	sne.s32 s28, $0x480;
	[sflag:s23] =	ssyncadd.s32 $0xFFFFE000  }
0x234: {  	[spmem:s1] =	stream.indirect.scatter.add.f32 [tilespmem:s17], [sflag:$0x8], $0x80, s18, s9, $0xb8;
	[tilespmem:$0x1C900] =	vst v63  }
.Ltmp1:
0x235: {  	_ =	swait.ge [sflag:s24], $0x2000;
	(pc) =	sbr.rel @p0 .LBB2_4-.Ltmp1, $4  }
0x236: {  	[sflag:s24] =	ssyncset.done $0x0  }
0x237: {  	[sflag:s24] =	ssyncadd.s32 $0xFFFFE000  }
0x238: {  	_ =	swait.ge [sflag:s25], $0x2000  }
0x239: {  	s28 =	sadd.s32 $0x80, s28;
	[sflag:s25] =	ssyncset.done $0x0  }
0x23a: {  	[sflag:s25] =	ssyncadd.s32 $0xFFFFE000  }
0x23b: {  	[bflag:$0x0] =	sbarrier.arrive $0xFFFF  }
0x23c: {  	s0 =	stileid.u32;
	s14 =	sld [smem:$0x7E1]  }
0x23d: {  	s0 =	sshll.u32 s0, $0x6  }
0x23e: {  	s2 =	sshrl.u32 s16, $0x3;
	s0 =	sor.u32 $0x1C09, s0  }
0x23f: {  	[hbm:s14], [sflag:s0] =	dma.local [spmem:s2], $0x400  }
0x240: {  	_ =	swait.ge [sflag:s8], $0x400  }
0x241: {  	s14 =	sld [smem:$0x7E2]  }
0x242: {  	s28 =	sld [smem:$0x7EF]  }
0x243: {  	[sflag:s8] =	ssyncset.done $0x0  }
0x244: {  	[sflag:s8] =	ssyncadd.s32 $0xFFFFFC00  }
0x245: {  	[hbm:s14], [sflag:s0] =	dma.local [spmem:s28], $0x400  }
0x246: {  	_ =	swait.ge [sflag:s8], $0x400  }
0x247: {  	s30 =	sld [smem:$0x7E3]  }
0x248: {  	s31 =	sld [smem:$0x7F0]  }
0x249: {  	[sflag:s8] =	ssyncset.done $0x0  }
0x24a: {  	[sflag:s8] =	ssyncadd.s32 $0xFFFFFC00  }
0x24b: {  	[hbm:s30], [sflag:s0] =	dma.local [spmem:s31], $0x400  }
0x24c: {  	_ =	swait.ge [sflag:s8], $0x400  }
0x24d: {  	s14 =	sld [smem:$0x7E4]  }
0x24e: {  	s28 =	sld [smem:$0x7F1]  }
0x24f: {  	[sflag:s8] =	ssyncset.done $0x0  }
0x250: {  	[sflag:s8] =	ssyncadd.s32 $0xFFFFFC00  }
0x251: {  	[hbm:s14], [sflag:s0] =	dma.local [spmem:s28], $0x400  }
0x252: {  	_ =	swait.ge [sflag:s8], $0x400  }
0x253: {  	s30 =	sld [smem:$0x7E5]  }
0x254: {  	s31 =	sld [smem:$0x7F2]  }
0x255: {  	[sflag:s8] =	ssyncset.done $0x0  }
0x256: {  	[sflag:s8] =	ssyncadd.s32 $0xFFFFFC00  }
0x257: {  	[hbm:s30], [sflag:s0] =	dma.local [spmem:s31], $0x400  }
0x258: {  	_ =	swait.ge [sflag:s8], $0x400  }
0x259: {  	s14 =	sld [smem:$0x7E6]  }
0x25a: {  	s28 =	sld [smem:$0x7F3]  }
0x25b: {  	[sflag:s8] =	ssyncset.done $0x0  }
0x25c: {  	[sflag:s8] =	ssyncadd.s32 $0xFFFFFC00  }
0x25d: {  	[hbm:s14], [sflag:s0] =	dma.local [spmem:s28], $0x400  }
0x25e: {  	_ =	swait.ge [sflag:s8], $0x400  }
0x25f: {  	s30 =	sld [smem:$0x7E7]  }
0x260: {  	s31 =	sld [smem:$0x7F4]  }
0x261: {  	[sflag:s8] =	ssyncset.done $0x0  }
0x262: {  	[sflag:s8] =	ssyncadd.s32 $0xFFFFFC00  }
0x263: {  	[hbm:s30], [sflag:s0] =	dma.local [spmem:s31], $0x400  }
0x264: {  	_ =	swait.ge [sflag:s8], $0x400  }
0x265: {  	s14 =	sld [smem:$0x7E8]  }
0x266: {  	s28 =	sld [smem:$0x7F5]  }
0x267: {  	[sflag:s8] =	ssyncset.done $0x0  }
0x268: {  	[sflag:s8] =	ssyncadd.s32 $0xFFFFFC00  }
0x269: {  	[hbm:s14], [sflag:s0] =	dma.local [spmem:s28], $0x400  }
0x26a: {  	_ =	swait.ge [sflag:s8], $0x400  }
0x26b: {  	s30 =	sld [smem:$0x7E9]  }
0x26c: {  	s31 =	sld [smem:$0x7F6]  }
0x26d: {  	[sflag:s8] =	ssyncset.done $0x0  }
0x26e: {  	[sflag:s8] =	ssyncadd.s32 $0xFFFFFC00  }
0x26f: {  	[hbm:s30], [sflag:s0] =	dma.local [spmem:s31], $0x400  }
0x270: {  	_ =	swait.ge [sflag:s8], $0x400  }
0x271: {  	s28 =	sld [smem:$0x7EA]  }
0x272: {  	s30 =	sld [smem:$0x7F7]  }
0x273: {  	[sflag:s8] =	ssyncset.done $0x0  }
0x274: {  	[sflag:s8] =	ssyncadd.s32 $0xFFFFFC00  }
0x275: {  	[hbm:s28], [sflag:s0] =	dma.local [spmem:s30], $0x400  }
0x276: {  	_ =	swait.ge [sflag:s8], $0x400  }
0x277: {  	s31 =	sld [smem:$0x7EE];
	_ =	sdelay $0x1  }
0x278: {  	s26 =	sadd.s32 $0x1, s26  }
0x279: {  	p0 =	sne.s32 s26, s31  }
.Ltmp2:
0x27a: {  	_ = 	snop;
	(pc) =	sbr.rel @p0 .LBB2_1-.Ltmp2, $3  }
0x27b: {  	_ =	sdelay $0x1  }
0x27c: {  	[sflag:s8] =	ssyncset.done $0x0  }
0x27d: {  	[sflag:s8] =	ssyncadd.s32 $0xFFFFFC00  }
0x27e: {  	_ =	sfence.sel $0x180000  }
0x27f: {  	[bflag:$0x0] =	sbarrier.arrive $0xFFFF  }
0x280: {  	_ =	strace $0x9000004D  }
0x281: {  	s0 =	stileid.u32;
	[bflag:$0x2] =	sbarrier.arrive $0xFFFF  }
0x282: {  	p0 =	sne.s32 s0, $0x0;
	s0 =	rddreg [dreg:$0x3]  }
0x283: {  	s0 =	sadd.s32 @!p0 $0x100000, s0  }
0x284: {  	[sflag:s0] =	ssyncadd.tile.s32 @!p0 $0x1;
	_ =	shalt  }
.Lfunc_end2:
_tile_overlayer_lowered:
.L_overlay_start_2:
0x285: {  	(tag) =	ssettag $0x2  }
0x286: {  	s0 =	rddreg [dreg:$0x0];
	s2 =	stileid.u32  }
0x287: {  	s1 =	rddreg [dreg:$0x1];
	p0 =	sne.s32 s2, $0x0  }
0x288: {  	s3 =	rddreg [dreg:$0x2];
	[bflag:$0x3] =	sbarrier.arrive $0xFFFF;
	s2 =	simm.s32 @!p0 $0x1C09  }
0x289: {  	[timem:s3], [sflag:s2] =	dma.local @!p0 [hbm:s0], s1  }
0x28a: {  	s0 =	simm.s32 @!p0 $0x9  }
0x28b: {  	_ =	swait.ge @!p0 [sflag:s0], s1  }
0x28c: {  	s1 =	ssub.s32 @!p0 $0x0, s1;
	[sflag:s0] =	ssyncset.done @!p0 $0x0  }
0x28d: {  	[sflag:s0] =	ssyncadd.s32 @!p0 s1  }
0x28e: {  	[bflag:$0x3] =	sbarrier.arrive $0xFFFF  }
0x28f: {  	_ =	shalt  }

// kernel: kernel.8.cloned.1.call-start
scs
__scs_entry_jumppad:
0x0: {  	(pc) =	sbr.rel $0x88, $3  }
0x1: {  	(tag) =	ssettag $0x0;
	lr =	simm.s32 $0x1  }
0x2: {  	[smem:$0x3F9B] =	sst lr;
	_ =	strace $0xD0000000  }
0x3: {  	_ = 	snop  }
0x4: {  	_ = 	snop  }
0x5: {  	_ = 	snop  }
0x6: {  	_ = 	snop  }
0x7: {  	_ = 	snop  }
__scs_overlays_trampoline_lowered:
0x8: {  	[smem:$0x3FAA] =	sst s0  }
0x9: {  	[smem:$0x3FAB] =	sst s1  }
0xa: {  	[smem:$0x3FAC] =	sst s2  }
0xb: {  	[smem:$0x3FAD] =	sst s3  }
0xc: {  	[smem:$0x3FAE] =	sst s4  }
0xd: {  	[smem:$0x3FAF] =	sst s5  }
0xe: {  	[smem:$0x3FB0] =	sst s6  }
0xf: {  	[smem:$0x3FB1] =	sst s7  }
0x10: {  	[smem:$0x3FB2] =	sst s8  }
0x11: {  	[smem:$0x3FB3] =	sst s9;
	s0 =	simm.s32 @!p0 $0x0  }
0x12: {  	s1 =	sld [smem:$0x3F99];
	s0 =	simm.s32 @p0 $0x1  }
0x13: {  	[smem:$0x3FB4] =	sst s0;
	s0 =	simm.s32 @!p1 $0x0  }
0x14: {  	s2 =	sld [smem:$0x3F98];
	s0 =	simm.s32 @p1 $0x1  }
0x15: {  	[smem:$0x3FB5] =	sst s0;
	s0 =	simm.s32 @!p2 $0x0  }
0x16: {  	s3 =	sld [smem:$0x3FDB];
	s0 =	simm.s32 @p2 $0x1  }
0x17: {  	s4 =	simm.s32 $0x1BF5;
	[smem:$0x3FB7] =	sst s0  }
0x18: {  	s0 =	sld [smem:$0x3F9A];
	_ =	swait.ge [sflag:s4], $0x0  }
0x19: {  	s7 =	sld [smem:$0x3F9B]  }
0x1a: {  	s8 =	sadd.s32 $0xFFFFE003, lr  }
0x1b: {  	s9 =	sadd.s32 $0xFFFFFEF7, lr;
	s5 =	simm.s32 $0xFFFFFFFF;
	p2 =	slt.u32 s8, $0xFFFFF086  }
0x1c: {  	p1 =	slt.u32 s9, $0xF7A;
	s5 =	simm.s32 @!p2 $0x0  }
0x1d: {  	s5 =	simm.s32 @p1 $0x1;
	p0 =	seq.s32 s7, s2  }
0x1e: {  	s7 =	smul.u32 @!p0 $0xF7A, s2;
	p2 =	seq.s32 @!p0 s5, $0x0  }
0x1f: {  	s9 =	smul.u32 $0xF7A, s1;
	s8 =	simm.s32 @!p0 $0x1BF5;
	p2 =	por !p2, p0  }
0x20: {  	[sflag:s8] =	ssyncset.s32 @!p0 $0xFFFFF086;
	s6 =	sadd.s32 @!p0 s3, s7;
	s7 =	simm.s32 @!p0 $0x108  }
0x21: {  	s3 =	sadd.s32 s3, s9;
	s6 =	sadd.s32 @!p0 $0x88, s6;
	s7 =	simm.s32 @p2 $0x1082  }
0x22: {  	[simem:s7], [sflag:s8] =	dma.local @!p0 [hbm:s6], $0xF7A  }
0x23: {  	s9 =	sor.u32 $0xD0000000, s2;
	s6 =	simm.s32 $0x108;
	_ =	swait.ge @!p0 [sflag:s8], $0x0  }
0x24: {  	s3 =	sadd.s32 $0x88, s3;
	s6 =	simm.s32 @!p1 $0x1082;
	[sflag:s4] =	ssyncset.s32 $0xFFFFF086  }
0x25: {  	[simem:s6], [sflag:s4] =	dma.local [hbm:s3], $0xF7A  }
0x26: {  	[smem:$0x3F9B] =	sst s1;
	(tag) =	ssettag s2;
	_ =	strace s9  }
0x27: {  	s1 =	sld [smem:$0x3FAB]  }
0x28: {  	s2 =	sld [smem:$0x3FAC]  }
0x29: {  	s4 =	sld [smem:$0x3FAE]  }
0x2a: {  	p0 =	seq.s32 s5, $0x0;
	s5 =	sld [smem:$0x3FAF]  }
0x2b: {  	s6 =	sld [smem:$0x3FB0]  }
0x2c: {  	s7 =	sld [smem:$0x3FB1]  }
0x2d: {  	s3 =	simm.s32 $0x108;
	s8 =	sld [smem:$0x3FB2]  }
0x2e: {  	s3 =	simm.s32 @!p0 $0x1082;
	s9 =	sld [smem:$0x3FB3]  }
0x2f: {  	lr =	sadd.s32 s0, s3;
	s0 =	sld [smem:$0x3FAA]  }
0x30: {  	s3 =	sld [smem:$0x3FAD]  }
0x31: {  	[smem:$0x3FB6] =	sst s10  }
0x32: {  	s10 =	sld [smem:$0x3FB4];
	_ =	sdelay $0x3  }
0x33: {  	p0 =	seq.s32 s10, $0x1;
	s10 =	sld [smem:$0x3FB6];
	_ =	sdelay $0x3  }
0x34: {  	[smem:$0x3FB6] =	sst s10  }
0x35: {  	s10 =	sld [smem:$0x3FB5];
	_ =	sdelay $0x3  }
0x36: {  	p1 =	seq.s32 s10, $0x1;
	s10 =	sld [smem:$0x3FB6];
	_ =	sdelay $0x3  }
0x37: {  	[smem:$0x3FB6] =	sst s10  }
0x38: {  	s10 =	sld [smem:$0x3FB7]  }
0x39: {  	_ = 	snop;
	(pc) =	sbr.ind lr, $3  }
0x3a: {  	_ = 	snop  }
0x3b: {  	_ = 	snop  }
0x3c: {  	p2 =	seq.s32 s10, $0x1;
	s10 =	sld [smem:$0x3FB6]  }
0x3d: {  	_ =	shalt  }
0x3e: {  	_ =	shalt  }
0x3f: {  	_ =	shalt  }
0x40: {  	_ =	shalt  }
0x41: {  	_ =	shalt  }
0x42: {  	_ =	shalt  }
0x43: {  	_ =	shalt  }
0x44: {  	_ =	shalt  }
0x45: {  	_ =	shalt  }
0x46: {  	_ =	shalt  }
0x47: {  	_ =	shalt  }
0x48: {  	_ =	shalt  }
0x49: {  	_ =	shalt  }
0x4a: {  	_ =	shalt  }
0x4b: {  	_ =	shalt  }
0x4c: {  	_ =	shalt  }
0x4d: {  	_ =	shalt  }
0x4e: {  	_ =	shalt  }
0x4f: {  	_ =	shalt  }
0x50: {  	_ =	shalt  }
0x51: {  	_ =	shalt  }
0x52: {  	_ =	shalt  }
0x53: {  	_ =	shalt  }
0x54: {  	_ =	shalt  }
0x55: {  	_ =	shalt  }
0x56: {  	_ =	shalt  }
0x57: {  	_ =	shalt  }
0x58: {  	_ =	shalt  }
0x59: {  	_ =	shalt  }
0x5a: {  	_ =	shalt  }
0x5b: {  	_ =	shalt  }
0x5c: {  	_ =	shalt  }
0x5d: {  	_ =	shalt  }
0x5e: {  	_ =	shalt  }
0x5f: {  	_ =	shalt  }
0x60: {  	_ =	shalt  }
0x61: {  	_ =	shalt  }
0x62: {  	_ =	shalt  }
0x63: {  	_ =	shalt  }
0x64: {  	_ =	shalt  }
0x65: {  	_ =	shalt  }
0x66: {  	_ =	shalt  }
0x67: {  	_ =	shalt  }
0x68: {  	_ =	shalt  }
0x69: {  	_ =	shalt  }
0x6a: {  	_ =	shalt  }
0x6b: {  	_ =	shalt  }
0x6c: {  	_ =	shalt  }
0x6d: {  	_ =	shalt  }
0x6e: {  	_ =	shalt  }
0x6f: {  	_ =	shalt  }
0x70: {  	_ =	shalt  }
0x71: {  	_ =	shalt  }
0x72: {  	_ =	shalt  }
0x73: {  	_ =	shalt  }
0x74: {  	_ =	shalt  }
0x75: {  	_ =	shalt  }
0x76: {  	_ =	shalt  }
0x77: {  	_ =	shalt  }
0x78: {  	_ =	shalt  }
0x79: {  	_ =	shalt  }
0x7a: {  	_ =	shalt  }
0x7b: {  	_ =	shalt  }
0x7c: {  	_ =	shalt  }
0x7d: {  	_ =	shalt  }
0x7e: {  	_ =	shalt  }
0x7f: {  	_ =	shalt  }
0x80: {  	_ =	shalt  }
0x81: {  	_ =	shalt  }
0x82: {  	_ =	shalt  }
0x83: {  	_ =	shalt  }
0x84: {  	_ =	shalt  }
0x85: {  	_ =	shalt  }
0x86: {  	_ =	shalt  }
0x87: {  	_ =	shalt  }
.Lfunc_end0:
.L_simem_size_0:
called_computation_lowered:
.L_overlay_start_0:
0x88: {  	s2 =	sld [smem:$0x3FD9]  }
0x89: {  	s3 =	sld [smem:$0x3FFE];
	_ =	sdelay $0x1  }
0x8a: {  	s1 =	srdreg.scid  }
0x8b: {  	s0 =	sand.u32 $0x1, s1  }
0x8c: {  	s16 =	sshll.u32 s0, $0xA;
	s2 =	sadd.s32 s3, s2  }
0x8d: {  	s2 =	sadd.s32 s2, s16  }
0x8e: {  	[smem:$0x3FC2] =	sst s2  }
0x8f: {  	_ = 	snop  }
0x90: {  	(tm) =	ssettm $0x1  }
0x91: {  	s17 =	sld [smem:$0x3FFB];
	_ =	sdelay $0x3  }
0x92: {  	_ =	strace s17  }
0x93: {  	s2 =	sld [smem:$0x3FFC];
	_ =	sdelay $0x3  }
0x94: {  	_ =	strace s2  }
0x95: {  	s2 =	sld [smem:$0x3FFD];
	_ =	sdelay $0x3  }
0x96: {  	_ =	strace s2  }
0x97: {  	_ =	strace $0x8FFFFFFF  }
0x98: {  	s18 =	sld [smem:$0x3FDB];
	_ =	sdelay $0x1  }
0x99: {  	s19 =	simm.s32 $_scs_section_size  }
0x9a: {  	s4 =	simm.s32 $_size__tile_overlayer_lowered;
	s5 =	simm.s32 $_tile_overlayer_lowered  }
0x9b: {  	s22 =	simm.s32 $0x1BFF;
	s21 =	sshll.u32 s5, $0x1;
	s2 =	sadd.s32 s19, s18  }
0x9c: {  	s6 =	simm.s32 $0x0;
	s20 =	sshll.u32 s4, $0x1;
	s4 =	sadd.s32 s21, s2  }
0x9d: {  	[timem:s6], [sflag:s22] =	dma.local [hbm:s4], s20  }
0x9e: {  	_ =	swait.ge [sflag:s22], s20  }
0x9f: {  	s3 =	ssub.s32 $0x0, s20;
	[sflag:s22] =	ssyncset.done $0x0  }
0xa0: {  	[sflag:s22] =	ssyncadd.s32 s3;
	_ =	sdelay $0x1  }
0xa1: {  	s23 =	simm.s32 $0x1B8B  }
0xa2: {  	_ =	swait.ge [sflag:s23], $0x1  }
0xa3: {  	[sflag:s23] =	ssyncset.done $0x0  }
0xa4: {  	s25 =	simm.s32 $0x1B8E;
	s24 =	sld [smem:$0x3FFE];
	[sflag:s23] =	ssyncadd.s32 $0xFFFFFFFF  }
0xa5: {  	s26 =	simm.s32 $execute0_lowered;
	[smem:$0x3FD2] =	sst s25  }
0xa6: {  	s4 =	sshll.u32 s26, $0x1;
	_ =	strace $0x80000046;
	[dreg:$0x1] =	wrdreg $0xFFFFFFFF  }
0xa7: {  	s28 =	simm.s32 $_size_execute0_lowered;
	s2 =	sadd.s32 s2, s4;
	[dreg:$0x0] =	wrdreg $0x0  }
0xa8: {  	s4 =	sshll.u32 s28, $0x1;
	[dreg:$0x2] =	wrdreg s2  }
0xa9: {  	[dreg:$0x3] =	wrdreg s4  }
0xaa: {  	[dreg:$0x4] =	wrdreg $0xC0  }
0xab: {  	_ =	task [dreg:s6], $0x5FFFF  }
0xac: {  	[dreg:$0x1] =	wrdreg $0xFFFFFFFF  }
0xad: {  	[dreg:$0x0] =	wrdreg $0x60  }
0xae: {  	[dreg:$0x2] =	wrdreg s24  }
0xaf: {  	[dreg:$0x3] =	wrdreg $0x3800  }
0xb0: {  	[dreg:$0x4] =	wrdreg $0x9  }
0xb1: {  	_ =	task.clear_ibuf [dreg:s6], $0x5FFFF;
	_ =	strace $0x90000046  }
0xb2: {  	s29 =	simm.s32 $0x9;
	_ =	strace $0x80000048  }
0xb3: {  	_ =	swait.ge [sflag:s29], $0x1  }
0xb4: {  	[sflag:s29] =	ssyncadd.s32 $0xFFFFFFFF  }
0xb5: {  	_ =	strace $0x90000048  }
0xb6: {  	_ =	sfence  }
0xb7: {  	s30 =	sld [smem:$0x0];
	_ =	sdelay $0x2  }
0xb8: {  	s31 =	sshll.u32 s1, $0xD;
	s1 =	sshrl.u32 s1, $0x2  }
0xb9: {  	s3 =	sand.u32 $0x4000, s31;
	s1 =	sadd.s32 s1, s30  }
0xba: {  	s0 =	sor.u32 s3, s0;
	s1 =	sshll.u32 s1, $0x11  }
0xbb: {  	s0 =	sor.u32 s1, s0  }
0xbc: {  	s0 =	sadd.s32 $0x8F2B, s0  }
0xbd: {  	[sflag:s0] =	ssyncadd.remote.s32 $0x1  }
0xbe: {  	_ =	sfence.sel $0xFFFF  }
0xbf: {  	[dreg:$0x0] =	wrdreg $0xFFFFFFFF;
	(pc) =	sbr.abs _section_cstart, $3  }
0xc0: {  	[dreg:$0x1] =	wrdreg $0xFFFFFFFF  }
0xc1: {  	_ =	task.clear_ibuf [dreg:s6], $0x2FFFF;
	_ =	strace $0x9FFFFFFF  }
0xc2: {  	(tm) =	ssettm $0x7FFFFFFF  }
0xc3: {  	_ =	shalt  }
tec
execute0_lowered:
.L_overlay_start_1:
0x0: {  	(tag) =	ssettag $0x1  }
0x1: {  	s4 =	rddreg [dreg:$0x0]  }
0x2: {  	s2 =	rddreg [dreg:$0x1]  }
0x3: {  	s0 =	rddreg [dreg:$0x2]  }
0x4: {  	s1 =	stileid.u32;
	s6 =	srdreg.scid  }
0x5: {  	s3 =	simm.s32 $0x0;
	s10 =	simm.s32 $0x80;
	s13 =	simm.s32 $0x20  }
0x6: {  	s14 =	simm.s32 $0x10;
	s15 =	simm.s32 $0x0;
	s5 =	smul.u32 $0xA00, s1  }
0x7: {  	s6 =	sand.u32 $0x1, s6;
	s7 =	smul.u32 $0x500, s1;
	[smem:$0x7FF] =	sst s3  }
0x8: {  	s11 =	sshll.u32 s1, $0x6;
	s8 =	sshll.u32 s6, $0x7;
	_ =	strace $0x80000047  }
0x9: {  	s30 =	ssub.s32 $0x2, s6;
	s6 =	smul.u32 $0x500, s6;
	s11 =	sor.u32 $0x1C01, s11  }
0xa: {  	s9 =	sadd.s32 s5, s4;
	s7 =	sor.u32 s8, s7;
	s31 =	sshrl.u32 s30, $0x1  }
0xb: {  	s5 =	sshrl.u32 s5, $0x2;
	s7 =	sshrl.u32 s7, $0x3;
	s8 =	ssub.s32 s30, s31  }
0xc: {  	s9 =	sadd.s32 s6, s9;
	s7 =	sadd.s32 s7, s4;
	s4 =	sadd.s32 s5, s2  }
0xd: {  	s6 =	smax.u32 s8, $0x1;
	s8 =	simm.s32 $0x100;
	s5 =	sadd.s32 $0xCE00, s7  }
0xe: {  	v0 =	vimm.f32 $1.000000000e+00;
	v1 =	vimm.f32 $0.0e+00;
	s7 =	sadd.s32 $0x2E00, s9;
	s9 =	simm.s32 $0x1;
	s12 =	sshrl.u32 s4, $0x3  }
.LBB2_1:
0xf: {  	[tilespmem:$0x80] =	vst v0  }
0x10: {  	[tilespmem:$0x90] =	vst v0  }
0x11: {  	[tilespmem:$0xA0] =	vst v0  }
0x12: {  	[tilespmem:$0xB0] =	vst v0  }
0x13: {  	[tilespmem:$0xC0] =	vst v0  }
0x14: {  	[tilespmem:$0xD0] =	vst v0  }
0x15: {  	[tilespmem:$0xE0] =	vst v0  }
0x16: {  	[tilespmem:$0xF0] =	vst v0  }
0x17: {  	[tilespmem:$0x100] =	vst v1  }
0x18: {  	[tilespmem:$0x110] =	vst v1  }
0x19: {  	[tilespmem:$0x120] =	vst v1  }
0x1a: {  	[tilespmem:$0x130] =	vst v1  }
0x1b: {  	[tilespmem:$0x140] =	vst v1  }
0x1c: {  	[tilespmem:$0x150] =	vst v1  }
0x1d: {  	[tilespmem:$0x160] =	vst v1  }
0x1e: {  	[tilespmem:$0x170] =	vst v1  }
0x1f: {  	[tilespmem:$0x180] =	vst v1  }
0x20: {  	[tilespmem:$0x190] =	vst v1  }
0x21: {  	[tilespmem:$0x1A0] =	vst v1  }
0x22: {  	[tilespmem:$0x1B0] =	vst v1  }
0x23: {  	[tilespmem:$0x1C0] =	vst v1  }
0x24: {  	[tilespmem:$0x1D0] =	vst v1  }
0x25: {  	[tilespmem:$0x1E0] =	vst v1  }
0x26: {  	[tilespmem:$0x1F0] =	vst v1  }
0x27: {  	[tilespmem:$0x200] =	vst v1  }
0x28: {  	[tilespmem:$0x210] =	vst v1  }
0x29: {  	[tilespmem:$0x220] =	vst v1  }
0x2a: {  	[tilespmem:$0x230] =	vst v1  }
0x2b: {  	[tilespmem:$0x240] =	vst v1  }
0x2c: {  	[tilespmem:$0x250] =	vst v1  }
0x2d: {  	[tilespmem:$0x260] =	vst v1  }
0x2e: {  	[tilespmem:$0x270] =	vst v1  }
0x2f: {  	[tilespmem:$0x280] =	vst v1  }
0x30: {  	[tilespmem:$0x290] =	vst v1  }
0x31: {  	[tilespmem:$0x2A0] =	vst v1  }
0x32: {  	[tilespmem:$0x2B0] =	vst v1  }
0x33: {  	[tilespmem:$0x2C0] =	vst v1  }
0x34: {  	[tilespmem:$0x2D0] =	vst v1  }
0x35: {  	[tilespmem:$0x2E0] =	vst v1  }
0x36: {  	[tilespmem:$0x2F0] =	vst v1  }
0x37: {  	[tilespmem:$0x300] =	vst v1  }
0x38: {  	[tilespmem:$0x310] =	vst v1  }
0x39: {  	[tilespmem:$0x320] =	vst v1  }
0x3a: {  	[tilespmem:$0x330] =	vst v1  }
0x3b: {  	[tilespmem:$0x340] =	vst v1  }
0x3c: {  	[tilespmem:$0x350] =	vst v1  }
0x3d: {  	[tilespmem:$0x360] =	vst v1  }
0x3e: {  	[tilespmem:$0x370] =	vst v1  }
0x3f: {  	[spmem:s4] =	stream.linear.scatter [tilespmem:s8], [sflag:$0x1], $0x280, $0x38;
	[tilespmem:$0x600] =	vst v63  }
0x40: {  	_ =	swait.ge [sflag:s9], $0x280  }
0x41: {  	[sflag:s9] =	ssyncset.done $0x0  }
0x42: {  	[sflag:s9] =	ssyncadd.s32 $0xFFFFFD80  }
0x43: {  	s16 =	sadd.s32 $0x0, s7;
	[bflag:$0x0] =	sbarrier.arrive $0xFFFF  }
0x44: {  	[tilespmem:s3], [sflag:$0x1] =	stream.linear.gather [hbm4b:s16+s3], $0x80, $0x38;
	[tilespmem:$0x600] =	vst v63  }
0x45: {  	_ =	swait.ge [sflag:s9], $0x80  }
0x46: {  	[sflag:s9] =	ssyncset.done $0x0  }
0x47: {  	[sflag:s9] =	ssyncadd.s32 $0xFFFFFF80  }
0x48: {  	[spmem:s2] =	stream.indirect.scatter.add.f32 [tilespmem:s10], [sflag:$0x1], $0x1, s3, s10, $0xb8;
	[tilespmem:$0x600] =	vst v63  }
0x49: {  	_ =	swait.ge [sflag:s9], $0x80  }
0x4a: {  	s17 =	simm.s32 $0x20;
	s16 =	simm.s32 $0x10;
	[sflag:s9] =	ssyncset.done $0x0  }
.LBB2_2:
0x4b: {  	s18 =	sadd.s32 s16, s7  }
0x4c: {  	[sflag:s9] =	ssyncadd.s32 $0xFFFFFF80;
	s16 =	smov.u32 s17;
	s19 =	sadd.s32 $0x10, s17  }
0x4d: {  	[tilespmem:s3], [sflag:$0x1] =	stream.linear.gather [hbm4b:s18+s3], $0x80, $0x38;
	[tilespmem:$0x600] =	vst v63  }
0x4e: {  	p0 =	sne.s32 s17, $0x4F0;
	_ =	swait.ge [sflag:s9], $0x80  }
.Ltmp0:
0x4f: {  	[sflag:s9] =	ssyncset.done $0x0;
	(pc) =	sbr.rel @p0 .LBB2_2-.Ltmp0, $4  }
0x50: {  	[sflag:s9] =	ssyncadd.s32 $0xFFFFFF80  }
0x51: {  	[spmem:s2] =	stream.indirect.scatter.add.f32 [tilespmem:s10], [sflag:$0x1], $0x1, s3, s10, $0xb8;
	[tilespmem:$0x600] =	vst v63  }
0x52: {  	_ =	swait.ge [sflag:s9], $0x80  }
0x53: {  	s17 =	smov.u32 s19;
	[sflag:s9] =	ssyncset.done $0x0  }
0x54: {  	s16 =	sadd.s32 s16, s7;
	[sflag:s9] =	ssyncadd.s32 $0xFFFFFF80  }
0x55: {  	[tilespmem:s3], [sflag:$0x1] =	stream.linear.gather [hbm4b:s16+s3], $0x80, $0x38;
	[tilespmem:$0x600] =	vst v63  }
0x56: {  	_ =	swait.ge [sflag:s9], $0x80  }
0x57: {  	[sflag:s9] =	ssyncset.done $0x0  }
0x58: {  	[sflag:s9] =	ssyncadd.s32 $0xFFFFFF80  }
0x59: {  	[spmem:s2] =	stream.indirect.scatter.add.f32 [tilespmem:s10], [sflag:$0x1], $0x1, s3, s10, $0xb8;
	[tilespmem:$0x600] =	vst v63  }
0x5a: {  	_ =	swait.ge [sflag:s9], $0x80  }
0x5b: {  	s15 =	sadd.s32 $0x1, s15;
	[sflag:s9] =	ssyncset.done $0x0  }
0x5c: {  	p0 =	sne.s32 s15, s6;
	[sflag:s9] =	ssyncadd.s32 $0xFFFFFF80  }
.Ltmp1:
0x5d: {  	[bflag:$0x0] =	sbarrier.arrive $0xFFFF;
	(pc) =	sbr.rel @p0 .LBB2_1-.Ltmp1, $4  }
0x5e: {  	[hbm:s5@s13], [sflag:s11] =	dma.strided [spmem:s12@s14], $0x50, s9, $0x10   }
0x5f: {  	_ =	swait.ge [sflag:s9], $0x50  }
0x60: {  	[sflag:s9] =	ssyncset.done $0x0  }
0x61: {  	[sflag:s9] =	ssyncadd.s32 $0xFFFFFFB0  }
0x62: {  	_ =	sfence.sel $0x180000  }
0x63: {  	[bflag:$0x0] =	sbarrier.arrive $0xFFFF  }
0x64: {  	p0 =	sne.s32 s1, $0x0;
	_ =	strace $0x90000047  }
0x65: {  	s0 =	sadd.s32 @!p0 $0x100000, s0;
	[bflag:$0x2] =	sbarrier.arrive $0xFFFF  }
0x66: {  	[sflag:s0] =	ssyncadd.tile.s32 @!p0 $0x1;
	_ =	shalt  }
.Lfunc_end2:
_tile_overlayer_lowered:
.L_overlay_start_2:
0x67: {  	(tag) =	ssettag $0x2  }
0x68: {  	s0 =	rddreg [dreg:$0x0];
	s2 =	stileid.u32  }
0x69: {  	s1 =	rddreg [dreg:$0x1];
	p0 =	sne.s32 s2, $0x0  }
0x6a: {  	s3 =	rddreg [dreg:$0x2];
	[bflag:$0x3] =	sbarrier.arrive $0xFFFF;
	s2 =	simm.s32 @!p0 $0x1C01  }
0x6b: {  	[timem:s3], [sflag:s2] =	dma.local @!p0 [hbm:s0], s1  }
0x6c: {  	s0 =	simm.s32 @!p0 $0x1  }
0x6d: {  	_ =	swait.ge @!p0 [sflag:s0], s1  }
0x6e: {  	s1 =	ssub.s32 @!p0 $0x0, s1;
	[sflag:s0] =	ssyncset.done @!p0 $0x0  }
0x6f: {  	[sflag:s0] =	ssyncadd.s32 @!p0 s1  }
0x70: {  	[bflag:$0x3] =	sbarrier.arrive $0xFFFF  }
0x71: {  	_ =	shalt  }

</sc_bundles>
